<compile_context>
chip_gen: v7x
topology: tpu7x:2x2x1
jax: 0.10.2.dev20260603
libtpu: 0.0.44.dev20260713+nightly
codegen_flags: <defaults>
</compile_context>

<pallas_src>
import functools

import jax
import jax.numpy as jnp
from jax import lax
from jax.experimental import pallas as pl
from jax.experimental.pallas import tpu as pltpu
from jax.experimental.pallas import tpu_sc as plsc

NEG_SLOPE = 0.2
CB = 64
NCORES = 2
NSUB = 16
NTILES = NCORES * NSUB


def _proj_body(x_ref, wl_ref, wr_ref, xl_ref, xr_ref):
    xv = x_ref[...]
    xl_ref[...] = jnp.dot(xv, wl_ref[...], preferred_element_type=jnp.float32)
    xr_ref[...] = jnp.dot(xv, wr_ref[...], preferred_element_type=jnp.float32)


def _fin_body(n0_ref, n1_ref, d0_ref, d1_ref, b_ref, s_ref, o_ref):
    num = n0_ref[...] + n1_ref[...]
    den = d0_ref[...] + d1_ref[...]
    recip = 1.0 / (den + 1e-16)
    denx = jnp.dot(recip, s_ref[...], preferred_element_type=jnp.float32)
    o_ref[...] = jnp.maximum(num * denx + b_ref[...][0:1, :], 0.0)


def _make_sc_kernel(npad, epad, H, C):
    HC = H * C
    ept = epad // NTILES
    HB = CB // 2
    nh = ept // HB
    rps = npad // NSUB

    mesh = plsc.VectorSubcoreMesh(
        core_axis_name="c", subcore_axis_name="s",
        num_cores=NCORES, num_subcores=NSUB)

    @functools.partial(
        pl.kernel,
        out_type=[
            jax.ShapeDtypeStruct((npad, HC), jnp.float32),
            jax.ShapeDtypeStruct((npad, HC), jnp.float32),
            jax.ShapeDtypeStruct((npad // 8, 128), jnp.float32),
            jax.ShapeDtypeStruct((npad // 8, 128), jnp.float32),
        ],
        mesh=mesh,
        compiler_params=pltpu.CompilerParams(needs_layout_passes=False),
        scratch_types=[
            pltpu.VMEM((HC,), jnp.float32),
            pltpu.VMEM((HB,), jnp.int32),
            pltpu.VMEM((HB,), jnp.int32),
            pltpu.VMEM((HB,), jnp.int32),
            pltpu.VMEM((HB,), jnp.int32),
            pltpu.VMEM((HB,), jnp.int32),
            pltpu.VMEM((HB,), jnp.int32),
            pltpu.VMEM((HB, HC), jnp.float32),
            pltpu.VMEM((HB, HC), jnp.float32),
            pltpu.VMEM((HB, HC), jnp.float32),
            pltpu.VMEM((HB, HC), jnp.float32),
            pltpu.VMEM_SHARED((npad, HC), jnp.float32),
            pltpu.VMEM_SHARED((npad // 8, 128), jnp.float32),
            pltpu.SemaphoreType.DMA,
            pltpu.SemaphoreType.DMA,
            pltpu.SemaphoreType.DMA,
        ],
    )
    def sc_kernel(xl_h, xr_h, src_h, dst_h, att_h,
                  num0_o, num1_o, den0_o, den1_o,
                  att_v, src_a, dst_a, pk_a, src_b, dst_b, pk_b,
                  xla, xra, xlb, xrb, num_sh, den_sh, sema, semb, semc):
        cid = lax.axis_index("c")
        sid = lax.axis_index("s")
        r0 = sid * rps
        pr0 = sid * (rps // 8)
        iota = lax.iota(jnp.int32, 16)
        zero16 = jnp.zeros((16,), jnp.float32)
        nv = HC // 16

        pltpu.sync_copy(att_h, att_v)
        for r in range(8):
            for c8 in range(nv):
                xla[r, pl.ds(c8 * 16, 16)] = zero16

        def zinit(t, carry):
            pltpu.sync_copy(xla.at[pl.ds(0, 8)], num_sh.at[pl.ds(r0 + t * 8, 8)])
            return carry
        lax.fori_loop(0, rps // 8, zinit, 0)

        def zinit2(t, carry):
            pltpu.sync_copy(xla.at[pl.ds(0, 8)], den_sh.at[pl.ds(pr0 + t * 8, 8)])
            return carry
        lax.fori_loop(0, rps // 64, zinit2, 0)

        plsc.subcore_barrier()
        tid = cid * NSUB + sid
        ebase0 = tid * ept
        attv = [att_v[pl.ds(k * 16, 16)] for k in range(nv)]
        kph = C // 16

        def issue(idx, sv, dv, xlr, xrr, sem):
            eb = ebase0 + idx * HB
            pltpu.sync_copy(src_h.at[pl.ds(eb, HB)], sv)
            pltpu.sync_copy(dst_h.at[pl.ds(eb, HB)], dv)
            pltpu.async_copy(xl_h.at[sv], xlr, sem)
            pltpu.async_copy(xr_h.at[dv], xrr, sem)

        def drain(xlr, xrr, sem):
            pltpu.make_async_copy(xl_h.at[pl.ds(0, HB)], xlr, sem).wait()
            pltpu.make_async_copy(xl_h.at[pl.ds(0, HB)], xrr, sem).wait()

        def process(sv, dv, pkv, xlr, xrr):
            for g16 in range(HB // 16):
                dvv = dv[pl.ds(g16 * 16, 16)]
                pkv[pl.ds(g16 * 16, 16)] = lax.shift_right_logical(dvv, 3)

            def edge(r, carry):
                rv = jnp.full((16,), r, jnp.int32)
                roww = zero16
                for h in range(H):
                    acc = zero16
                    xsl = []
                    for k in range(kph):
                        sl = pl.ds((h * kph + k) * 16, 16)
                        xv = xlr[r, sl]
                        xsl.append(xv)
                        v = xv + xrr[r, sl]
                        v = jnp.maximum(v, NEG_SLOPE * v)
                        acc = acc + attv[h * kph + k] * v
                    w = jnp.exp(jnp.full((16,), jnp.sum(acc)))
                    for k in range(kph):
                        sl = pl.ds((h * kph + k) * 16, 16)
                        xlr[r, sl] = xsl[k] * w
                    roww = jnp.where(iota == h, w, roww)
                dsplat = plsc.load_gather(dv, [rv])
                for s8 in range(nv):
                    xrr[r, pl.ds(s8 * 16, 16)] = zero16
                colv = (dsplat & 7) * 16 + iota
                plsc.store_scatter(xrr, [rv, colv], roww)
                return carry
            plsc.parallel_loop(0, HB, 1, unroll=16, carry=jnp.int32(0))(edge)

            s1 = pltpu.async_copy(xlr, num_sh.at[dv], semc, add=True)
            s2 = pltpu.async_copy(xrr, den_sh.at[pkv], semc, add=True)
            s1.wait()
            s2.wait()

        issue(0, src_a, dst_a, xla, xra, sema)

        def chunk(gc, carry):
            i0 = gc * 2
            issue(i0 + 1, src_b, dst_b, xlb, xrb, semb)
            drain(xla, xra, sema)
            process(src_a, dst_a, pk_a, xla, xra)

            @pl.when(i0 + 2 < nh)
            def _():
                issue(i0 + 2, src_a, dst_a, xla, xra, sema)
            drain(xlb, xrb, semb)
            process(src_b, dst_b, pk_b, xlb, xrb)
            return carry

        lax.fori_loop(0, nh // 2, chunk, 0)
        plsc.subcore_barrier()

        def copy_out(num_o, den_o):
            def cp(t, carry):
                rr = r0 + t * HB
                pltpu.sync_copy(num_sh.at[pl.ds(rr, HB)], xla)
                pltpu.sync_copy(xla, num_o.at[pl.ds(rr, HB)])
                return carry
            lax.fori_loop(0, rps // HB, cp, 0)

            def cpd(t, carry):
                prr = pr0 + t * 8
                pltpu.sync_copy(den_sh.at[pl.ds(prr, 8)], xra.at[pl.ds(0, 8)])
                pltpu.sync_copy(xra.at[pl.ds(0, 8)], den_o.at[pl.ds(prr, 8)])
                return carry
            lax.fori_loop(0, rps // 64, cpd, 0)

        @pl.when(cid == 0)
        def _():
            copy_out(num0_o, den0_o)

        @pl.when(cid == 1)
        def _():
            copy_out(num1_o, den1_o)

    return sc_kernel


def kernel(x, edge_index, W_l, W_r, att, bias):
    n, in_dim = x.shape
    H, C = att.shape
    HC = H * C
    e = edge_index.shape[1]
    etot = e + n
    npad = ((n + 1 + 1023) // 1024) * 1024
    epad = ((etot + CB * NTILES - 1) // (CB * NTILES)) * (CB * NTILES)

    x_pad = jnp.zeros((npad, in_dim), jnp.float32).at[:n].set(x)
    loop = jnp.arange(n, dtype=jnp.int32)
    padi = jnp.full((epad - etot,), n, dtype=jnp.int32)
    src_all = jnp.concatenate([edge_index[0], loop, padi])
    dst_all = jnp.concatenate([edge_index[1], loop, padi])
    att_flat = att.reshape(HC)

    nblk = 8
    brows = npad // nblk
    xl, xr = pl.pallas_call(
        _proj_body,
        grid=(nblk,),
        in_specs=[
            pl.BlockSpec((brows, in_dim), lambda i: (i, 0)),
            pl.BlockSpec((in_dim, HC), lambda i: (0, 0)),
            pl.BlockSpec((in_dim, HC), lambda i: (0, 0)),
        ],
        out_specs=[
            pl.BlockSpec((brows, HC), lambda i: (i, 0)),
            pl.BlockSpec((brows, HC), lambda i: (i, 0)),
        ],
        out_shape=[
            jax.ShapeDtypeStruct((npad, HC), jnp.float32),
            jax.ShapeDtypeStruct((npad, HC), jnp.float32),
        ],
    )(x_pad, W_l, W_r)

    sc_kernel = _make_sc_kernel(npad, epad, H, C)
    num0, num1, den0, den1 = sc_kernel(
        xl, xr, src_all, dst_all, att_flat)
    den0 = den0.reshape(npad, 16)
    den1 = den1.reshape(npad, 16)

    sel = jnp.zeros((16, HC), jnp.float32).at[:H].set(
        jnp.repeat(jnp.eye(H, dtype=jnp.float32), C, axis=1))
    bias_b = jnp.broadcast_to(bias.reshape(1, HC), (8, HC))
    out = pl.pallas_call(
        _fin_body,
        grid=(nblk,),
        in_specs=[
            pl.BlockSpec((brows, HC), lambda i: (i, 0)),
            pl.BlockSpec((brows, HC), lambda i: (i, 0)),
            pl.BlockSpec((brows, 16), lambda i: (i, 0)),
            pl.BlockSpec((brows, 16), lambda i: (i, 0)),
            pl.BlockSpec((8, HC), lambda i: (0, 0)),
            pl.BlockSpec((16, HC), lambda i: (0, 0)),
        ],
        out_specs=pl.BlockSpec((brows, HC), lambda i: (i, 0)),
        out_shape=jax.ShapeDtypeStruct((npad, HC), jnp.float32),
    )(num0, num1, den0, den1, bias_b, sel)
    return out[:n]

# --- scband reference (transcript-rebuilt; emitter-appended) ---
"""Pipeline reference for scband-gatblock-10153302688088 (READ-ONLY COPY).

The authoritative reference and input builder live on the scoring server;
editing this copy changes nothing except your own understanding.
"""

import jax, jax.numpy as jnp
import numpy as np

N = 10000
E = 320000
IN_DIM = 128
HEADS = 4
OUT_DIM = 32
NEG_SLOPE = 0.2


def setup_inputs(seed: int = 0):
    key = jax.random.key(seed)
    ks = jax.random.split(key, 6)
    x = jax.random.normal(ks[0], (N, IN_DIM), dtype=jnp.float32)
    edge_index = jax.random.randint(ks[1], (2, E), 0, N, dtype=jnp.int32)
    s_w = (2.0 / (IN_DIM + HEADS * OUT_DIM)) ** 0.5
    W_l = jax.random.normal(ks[2], (IN_DIM, HEADS * OUT_DIM), dtype=jnp.float32) * s_w
    W_r = jax.random.normal(ks[3], (IN_DIM, HEADS * OUT_DIM), dtype=jnp.float32) * s_w
    att = jax.random.normal(ks[4], (HEADS, OUT_DIM), dtype=jnp.float32) * (2.0 / (1 + OUT_DIM)) ** 0.5
    bias = jnp.zeros((HEADS * OUT_DIM,), dtype=jnp.float32)
    return {"x": x, "edge_index": edge_index, "W_l": W_l, "W_r": W_r, "att": att, "bias": bias}


def reference(x, edge_index, W_l, W_r, att, bias):
    # GATv2Conv (PyG semantics: add_self_loops=True, concat=True, negative_slope=0.2) followed by ReLU
    n = x.shape[0]
    loop = jnp.arange(n, dtype=edge_index.dtype)
    src = jnp.concatenate([edge_index[0], loop])  # source nodes j
    dst = jnp.concatenate([edge_index[1], loop])  # destination nodes i
    xl = (x @ W_l).reshape(n, HEADS, OUT_DIM)
    xr = (x @ W_r).reshape(n, HEADS, OUT_DIM)
    # per-edge attention logits (GATv2: attention after nonlinearity on summed features)
    e = xl[src] + xr[dst]  # [Etot, H, C] gather
    e = jnp.where(e >= 0, e, NEG_SLOPE * e)  # leaky_relu
    logits = (e * att[None, :, :]).sum(-1)  # [Etot, H]
    # segment softmax over incoming edges of each destination node
    lmax = jax.ops.segment_max(logits, dst, num_segments=n)
    lmax = jax.lax.stop_gradient(lmax)
    alpha = jnp.exp(logits - lmax[dst])
    denom = jax.ops.segment_sum(alpha, dst, num_segments=n)
    alpha = alpha / (denom[dst] + 1e-16)
    # weighted scatter-add of source features
    out = jax.ops.segment_sum(xl[src] * alpha[:, :, None], dst, num_segments=n)
    out = out.reshape(n, HEADS * OUT_DIM) + bias
    return jax.nn.relu(out)

if __name__ == "__main__":
    import jax
    _d = setup_inputs()
    print(jax.jit(kernel)(*tuple(_d.values())))

</pallas_src>

<mosaic_0001>
#map = affine_map<(d0, d1) -> (0, 0)>
#map1 = affine_map<(d0, d1) -> (0)>
module attributes {stable_mosaic.version = 14 : i64} {
  func.func @sc_kernel(%arg0: i32, %arg1: i32, %arg2: memref<10240x128xf32, #tpu.memory_space<hbm>>, %arg3: memref<10240x128xf32, #tpu.memory_space<hbm>>, %arg4: memref<331776xi32, #tpu.memory_space<hbm>>, %arg5: memref<331776xi32, #tpu.memory_space<hbm>>, %arg6: memref<128xf32, #tpu.memory_space<hbm>>, %arg7: memref<10240x128xf32, #tpu.memory_space<hbm>>, %arg8: memref<10240x128xf32, #tpu.memory_space<hbm>>, %arg9: memref<1280x128xf32, #tpu.memory_space<hbm>>, %arg10: memref<1280x128xf32, #tpu.memory_space<hbm>>, %arg11: memref<128xf32, #tpu.memory_space<vmem>>, %arg12: memref<32xi32, #tpu.memory_space<vmem>>, %arg13: memref<32xi32, #tpu.memory_space<vmem>>, %arg14: memref<32xi32, #tpu.memory_space<vmem>>, %arg15: memref<32xi32, #tpu.memory_space<vmem>>, %arg16: memref<32xi32, #tpu.memory_space<vmem>>, %arg17: memref<32xi32, #tpu.memory_space<vmem>>, %arg18: memref<32x128xf32, #tpu.memory_space<vmem>>, %arg19: memref<32x128xf32, #tpu.memory_space<vmem>>, %arg20: memref<32x128xf32, #tpu.memory_space<vmem>>, %arg21: memref<32x128xf32, #tpu.memory_space<vmem>>, %arg22: memref<10240x128xf32, #tpu.memory_space<vmem_shared>>, %arg23: memref<1280x128xf32, #tpu.memory_space<vmem_shared>>, %arg24: memref<!tpu.dma_semaphore, #tpu.memory_space<semaphore_mem>>, %arg25: memref<!tpu.dma_semaphore, #tpu.memory_space<semaphore_mem>>, %arg26: memref<!tpu.dma_semaphore, #tpu.memory_space<semaphore_mem>>) attributes {dimension_semantics = [#tpu.dimension_semantics<core_parallel>, #tpu.dimension_semantics<subcore_parallel>], iteration_bounds = array<i64: 2, 16>, scalar_prefetch = 0 : i64, scratch_operands = 16 : i64, tpu.core_type = #tpu.core_type<sc_vector_subcore>, window_params = [{transform_indices = #map}, {transform_indices = #map}, {transform_indices = #map1}, {transform_indices = #map1}, {transform_indices = #map1}, {transform_indices = #map}, {transform_indices = #map}, {transform_indices = #map}, {transform_indices = #map}]} {
    %mul3A = arith.constant 640 : i32
    %mul3A_0 = arith.muli %arg1, %mul3A : i32
    %mul3A_1 = arith.constant 80 : i32
    %mul3A_2 = arith.muli %arg1, %mul3A_1 : i32
    %iota3A = tpu.iota {dimensions = array<i32: 0>} : vector<16xi32>
    %broadcast_in_dim3A = arith.constant 0.000000e+00 : f32
    %broadcast_in_dim3A_3 = vector.broadcast %broadcast_in_dim3A : f32 to vector<16xf32>
    "tpu.region"() ({
      %run_scoped3A = tpu.sem_alloc : memref<!tpu.dma_semaphore, #tpu.memory_space<semaphore_mem>>
      tpu.enqueue_dma source(%arg6 : memref<128xf32, #tpu.memory_space<hbm>>) target(%arg11 : memref<128xf32, #tpu.memory_space<vmem>>) target_semaphore(%run_scoped3A : memref<!tpu.dma_semaphore, #tpu.memory_space<semaphore_mem>>)
      tpu.wait_dma2 semaphore(%run_scoped3A : memref<!tpu.dma_semaphore, #tpu.memory_space<semaphore_mem>>) src(%arg6 : memref<128xf32, #tpu.memory_space<hbm>>) dst(%arg11 : memref<128xf32, #tpu.memory_space<vmem>>)
      tpu.yield
    }) : () -> ()
    %swap3A = arith.constant 0 : i32
    %swap3A_4 = arith.index_cast %swap3A : i32 to index
    %swap3A_5 = arith.constant 0 : index
    %swap3A_6 = tpu.vector_load %arg18[%swap3A_4, %swap3A_5] {strides = array<i32>} : memref<32x128xf32, #tpu.memory_space<vmem>>, vector<16xf32>,
    tpu.vector_store %arg18[%swap3A_4, %swap3A_5], %broadcast_in_dim3A_3 {strides = array<i32>} : memref<32x128xf32, #tpu.memory_space<vmem>>, vector<16xf32>,
    %swap3A_7 = arith.constant 0 : i32
    %swap3A_8 = arith.index_cast %swap3A_7 : i32 to index
    %swap3A_9 = arith.constant 16 : index
    %swap3A_10 = tpu.vector_load %arg18[%swap3A_8, %swap3A_9] {strides = array<i32>} : memref<32x128xf32, #tpu.memory_space<vmem>>, vector<16xf32>,
    tpu.vector_store %arg18[%swap3A_8, %swap3A_9], %broadcast_in_dim3A_3 {strides = array<i32>} : memref<32x128xf32, #tpu.memory_space<vmem>>, vector<16xf32>,
    %swap3A_11 = arith.constant 0 : i32
    %swap3A_12 = arith.index_cast %swap3A_11 : i32 to index
    %swap3A_13 = arith.constant 32 : index
    %swap3A_14 = tpu.vector_load %arg18[%swap3A_12, %swap3A_13] {strides = array<i32>} : memref<32x128xf32, #tpu.memory_space<vmem>>, vector<16xf32>,
    tpu.vector_store %arg18[%swap3A_12, %swap3A_13], %broadcast_in_dim3A_3 {strides = array<i32>} : memref<32x128xf32, #tpu.memory_space<vmem>>, vector<16xf32>,
    %swap3A_15 = arith.constant 0 : i32
    %swap3A_16 = arith.index_cast %swap3A_15 : i32 to index
    %swap3A_17 = arith.constant 48 : index
    %swap3A_18 = tpu.vector_load %arg18[%swap3A_16, %swap3A_17] {strides = array<i32>} : memref<32x128xf32, #tpu.memory_space<vmem>>, vector<16xf32>,
    tpu.vector_store %arg18[%swap3A_16, %swap3A_17], %broadcast_in_dim3A_3 {strides = array<i32>} : memref<32x128xf32, #tpu.memory_space<vmem>>, vector<16xf32>,
    %swap3A_19 = arith.constant 0 : i32
    %swap3A_20 = arith.index_cast %swap3A_19 : i32 to index
    %swap3A_21 = arith.constant 64 : index
    %swap3A_22 = tpu.vector_load %arg18[%swap3A_20, %swap3A_21] {strides = array<i32>} : memref<32x128xf32, #tpu.memory_space<vmem>>, vector<16xf32>,
    tpu.vector_store %arg18[%swap3A_20, %swap3A_21], %broadcast_in_dim3A_3 {strides = array<i32>} : memref<32x128xf32, #tpu.memory_space<vmem>>, vector<16xf32>,
    %swap3A_23 = arith.constant 0 : i32
    %swap3A_24 = arith.index_cast %swap3A_23 : i32 to index
    %swap3A_25 = arith.constant 80 : index
    %swap3A_26 = tpu.vector_load %arg18[%swap3A_24, %swap3A_25] {strides = array<i32>} : memref<32x128xf32, #tpu.memory_space<vmem>>, vector<16xf32>,
    tpu.vector_store %arg18[%swap3A_24, %swap3A_25], %broadcast_in_dim3A_3 {strides = array<i32>} : memref<32x128xf32, #tpu.memory_space<vmem>>, vector<16xf32>,
    %swap3A_27 = arith.constant 0 : i32
    %swap3A_28 = arith.index_cast %swap3A_27 : i32 to index
    %swap3A_29 = arith.constant 96 : index
    %swap3A_30 = tpu.vector_load %arg18[%swap3A_28, %swap3A_29] {strides = array<i32>} : memref<32x128xf32, #tpu.memory_space<vmem>>, vector<16xf32>,
    tpu.vector_store %arg18[%swap3A_28, %swap3A_29], %broadcast_in_dim3A_3 {strides = array<i32>} : memref<32x128xf32, #tpu.memory_space<vmem>>, vector<16xf32>,
    %swap3A_31 = arith.constant 0 : i32
    %swap3A_32 = arith.index_cast %swap3A_31 : i32 to index
    %swap3A_33 = arith.constant 112 : index
    %swap3A_34 = tpu.vector_load %arg18[%swap3A_32, %swap3A_33] {strides = array<i32>} : memref<32x128xf32, #tpu.memory_space<vmem>>, vector<16xf32>,
    tpu.vector_store %arg18[%swap3A_32, %swap3A_33], %broadcast_in_dim3A_3 {strides = array<i32>} : memref<32x128xf32, #tpu.memory_space<vmem>>, vector<16xf32>,
    %swap3A_35 = arith.constant 1 : i32
    %swap3A_36 = arith.index_cast %swap3A_35 : i32 to index
    %swap3A_37 = arith.constant 0 : index
    %swap3A_38 = tpu.vector_load %arg18[%swap3A_36, %swap3A_37] {strides = array<i32>} : memref<32x128xf32, #tpu.memory_space<vmem>>, vector<16xf32>,
    tpu.vector_store %arg18[%swap3A_36, %swap3A_37], %broadcast_in_dim3A_3 {strides = array<i32>} : memref<32x128xf32, #tpu.memory_space<vmem>>, vector<16xf32>,
    %swap3A_39 = arith.constant 1 : i32
    %swap3A_40 = arith.index_cast %swap3A_39 : i32 to index
    %swap3A_41 = arith.constant 16 : index
    %swap3A_42 = tpu.vector_load %arg18[%swap3A_40, %swap3A_41] {strides = array<i32>} : memref<32x128xf32, #tpu.memory_space<vmem>>, vector<16xf32>,
    tpu.vector_store %arg18[%swap3A_40, %swap3A_41], %broadcast_in_dim3A_3 {strides = array<i32>} : memref<32x128xf32, #tpu.memory_space<vmem>>, vector<16xf32>,
    %swap3A_43 = arith.constant 1 : i32
    %swap3A_44 = arith.index_cast %swap3A_43 : i32 to index
    %swap3A_45 = arith.constant 32 : index
    %swap3A_46 = tpu.vector_load %arg18[%swap3A_44, %swap3A_45] {strides = array<i32>} : memref<32x128xf32, #tpu.memory_space<vmem>>, vector<16xf32>,
    tpu.vector_store %arg18[%swap3A_44, %swap3A_45], %broadcast_in_dim3A_3 {strides = array<i32>} : memref<32x128xf32, #tpu.memory_space<vmem>>, vector<16xf32>,
    %swap3A_47 = arith.constant 1 : i32
    %swap3A_48 = arith.index_cast %swap3A_47 : i32 to index
    %swap3A_49 = arith.constant 48 : index
    %swap3A_50 = tpu.vector_load %arg18[%swap3A_48, %swap3A_49] {strides = array<i32>} : memref<32x128xf32, #tpu.memory_space<vmem>>, vector<16xf32>,
    tpu.vector_store %arg18[%swap3A_48, %swap3A_49], %broadcast_in_dim3A_3 {strides = array<i32>} : memref<32x128xf32, #tpu.memory_space<vmem>>, vector<16xf32>,
    %swap3A_51 = arith.constant 1 : i32
    %swap3A_52 = arith.index_cast %swap3A_51 : i32 to index
    %swap3A_53 = arith.constant 64 : index
    %swap3A_54 = tpu.vector_load %arg18[%swap3A_52, %swap3A_53] {strides = array<i32>} : memref<32x128xf32, #tpu.memory_space<vmem>>, vector<16xf32>,
    tpu.vector_store %arg18[%swap3A_52, %swap3A_53], %broadcast_in_dim3A_3 {strides = array<i32>} : memref<32x128xf32, #tpu.memory_space<vmem>>, vector<16xf32>,
    %swap3A_55 = arith.constant 1 : i32
    %swap3A_56 = arith.index_cast %swap3A_55 : i32 to index
    %swap3A_57 = arith.constant 80 : index
    %swap3A_58 = tpu.vector_load %arg18[%swap3A_56, %swap3A_57] {strides = array<i32>} : memref<32x128xf32, #tpu.memory_space<vmem>>, vector<16xf32>,
    tpu.vector_store %arg18[%swap3A_56, %swap3A_57], %broadcast_in_dim3A_3 {strides = array<i32>} : memref<32x128xf32, #tpu.memory_space<vmem>>, vector<16xf32>,
    %swap3A_59 = arith.constant 1 : i32
    %swap3A_60 = arith.index_cast %swap3A_59 : i32 to index
    %swap3A_61 = arith.constant 96 : index
    %swap3A_62 = tpu.vector_load %arg18[%swap3A_60, %swap3A_61] {strides = array<i32>} : memref<32x128xf32, #tpu.memory_space<vmem>>, vector<16xf32>,
    tpu.vector_store %arg18[%swap3A_60, %swap3A_61], %broadcast_in_dim3A_3 {strides = array<i32>} : memref<32x128xf32, #tpu.memory_space<vmem>>, vector<16xf32>,
    %swap3A_63 = arith.constant 1 : i32
    %swap3A_64 = arith.index_cast %swap3A_63 : i32 to index
    %swap3A_65 = arith.constant 112 : index
    %swap3A_66 = tpu.vector_load %arg18[%swap3A_64, %swap3A_65] {strides = array<i32>} : memref<32x128xf32, #tpu.memory_space<vmem>>, vector<16xf32>,
    tpu.vector_store %arg18[%swap3A_64, %swap3A_65], %broadcast_in_dim3A_3 {strides = array<i32>} : memref<32x128xf32, #tpu.memory_space<vmem>>, vector<16xf32>,
    %swap3A_67 = arith.constant 2 : i32
    %swap3A_68 = arith.index_cast %swap3A_67 : i32 to index
    %swap3A_69 = arith.constant 0 : index
    %swap3A_70 = tpu.vector_load %arg18[%swap3A_68, %swap3A_69] {strides = array<i32>} : memref<32x128xf32, #tpu.memory_space<vmem>>, vector<16xf32>,
    tpu.vector_store %arg18[%swap3A_68, %swap3A_69], %broadcast_in_dim3A_3 {strides = array<i32>} : memref<32x128xf32, #tpu.memory_space<vmem>>, vector<16xf32>,
    %swap3A_71 = arith.constant 2 : i32
    %swap3A_72 = arith.index_cast %swap3A_71 : i32 to index
    %swap3A_73 = arith.constant 16 : index
    %swap3A_74 = tpu.vector_load %arg18[%swap3A_72, %swap3A_73] {strides = array<i32>} : memref<32x128xf32, #tpu.memory_space<vmem>>, vector<16xf32>,
    tpu.vector_store %arg18[%swap3A_72, %swap3A_73], %broadcast_in_dim3A_3 {strides = array<i32>} : memref<32x128xf32, #tpu.memory_space<vmem>>, vector<16xf32>,
    %swap3A_75 = arith.constant 2 : i32
    %swap3A_76 = arith.index_cast %swap3A_75 : i32 to index
    %swap3A_77 = arith.constant 32 : index
    %swap3A_78 = tpu.vector_load %arg18[%swap3A_76, %swap3A_77] {strides = array<i32>} : memref<32x128xf32, #tpu.memory_space<vmem>>, vector<16xf32>,
    tpu.vector_store %arg18[%swap3A_76, %swap3A_77], %broadcast_in_dim3A_3 {strides = array<i32>} : memref<32x128xf32, #tpu.memory_space<vmem>>, vector<16xf32>,
    %swap3A_79 = arith.constant 2 : i32
    %swap3A_80 = arith.index_cast %swap3A_79 : i32 to index
    %swap3A_81 = arith.constant 48 : index
    %swap3A_82 = tpu.vector_load %arg18[%swap3A_80, %swap3A_81] {strides = array<i32>} : memref<32x128xf32, #tpu.memory_space<vmem>>, vector<16xf32>,
    tpu.vector_store %arg18[%swap3A_80, %swap3A_81], %broadcast_in_dim3A_3 {strides = array<i32>} : memref<32x128xf32, #tpu.memory_space<vmem>>, vector<16xf32>,
    %swap3A_83 = arith.constant 2 : i32
    %swap3A_84 = arith.index_cast %swap3A_83 : i32 to index
    %swap3A_85 = arith.constant 64 : index
    %swap3A_86 = tpu.vector_load %arg18[%swap3A_84, %swap3A_85] {strides = array<i32>} : memref<32x128xf32, #tpu.memory_space<vmem>>, vector<16xf32>,
    tpu.vector_store %arg18[%swap3A_84, %swap3A_85], %broadcast_in_dim3A_3 {strides = array<i32>} : memref<32x128xf32, #tpu.memory_space<vmem>>, vector<16xf32>,
    %swap3A_87 = arith.constant 2 : i32
    %swap3A_88 = arith.index_cast %swap3A_87 : i32 to index
    %swap3A_89 = arith.constant 80 : index
    %swap3A_90 = tpu.vector_load %arg18[%swap3A_88, %swap3A_89] {strides = array<i32>} : memref<32x128xf32, #tpu.memory_space<vmem>>, vector<16xf32>,
    tpu.vector_store %arg18[%swap3A_88, %swap3A_89], %broadcast_in_dim3A_3 {strides = array<i32>} : memref<32x128xf32, #tpu.memory_space<vmem>>, vector<16xf32>,
    %swap3A_91 = arith.constant 2 : i32
    %swap3A_92 = arith.index_cast %swap3A_91 : i32 to index
    %swap3A_93 = arith.constant 96 : index
    %swap3A_94 = tpu.vector_load %arg18[%swap3A_92, %swap3A_93] {strides = array<i32>} : memref<32x128xf32, #tpu.memory_space<vmem>>, vector<16xf32>,
    tpu.vector_store %arg18[%swap3A_92, %swap3A_93], %broadcast_in_dim3A_3 {strides = array<i32>} : memref<32x128xf32, #tpu.memory_space<vmem>>, vector<16xf32>,
    %swap3A_95 = arith.constant 2 : i32
    %swap3A_96 = arith.index_cast %swap3A_95 : i32 to index
    %swap3A_97 = arith.constant 112 : index
    %swap3A_98 = tpu.vector_load %arg18[%swap3A_96, %swap3A_97] {strides = array<i32>} : memref<32x128xf32, #tpu.memory_space<vmem>>, vector<16xf32>,
    tpu.vector_store %arg18[%swap3A_96, %swap3A_97], %broadcast_in_dim3A_3 {strides = array<i32>} : memref<32x128xf32, #tpu.memory_space<vmem>>, vector<16xf32>,
    %swap3A_99 = arith.constant 3 : i32
    %swap3A_100 = arith.index_cast %swap3A_99 : i32 to index
    %swap3A_101 = arith.constant 0 : index
    %swap3A_102 = tpu.vector_load %arg18[%swap3A_100, %swap3A_101] {strides = array<i32>} : memref<32x128xf32, #tpu.memory_space<vmem>>, vector<16xf32>,
    tpu.vector_store %arg18[%swap3A_100, %swap3A_101], %broadcast_in_dim3A_3 {strides = array<i32>} : memref<32x128xf32, #tpu.memory_space<vmem>>, vector<16xf32>,
    %swap3A_103 = arith.constant 3 : i32
    %swap3A_104 = arith.index_cast %swap3A_103 : i32 to index
    %swap3A_105 = arith.constant 16 : index
    %swap3A_106 = tpu.vector_load %arg18[%swap3A_104, %swap3A_105] {strides = array<i32>} : memref<32x128xf32, #tpu.memory_space<vmem>>, vector<16xf32>,
    tpu.vector_store %arg18[%swap3A_104, %swap3A_105], %broadcast_in_dim3A_3 {strides = array<i32>} : memref<32x128xf32, #tpu.memory_space<vmem>>, vector<16xf32>,
    %swap3A_107 = arith.constant 3 : i32
    %swap3A_108 = arith.index_cast %swap3A_107 : i32 to index
    %swap3A_109 = arith.constant 32 : index
    %swap3A_110 = tpu.vector_load %arg18[%swap3A_108, %swap3A_109] {strides = array<i32>} : memref<32x128xf32, #tpu.memory_space<vmem>>, vector<16xf32>,
    tpu.vector_store %arg18[%swap3A_108, %swap3A_109], %broadcast_in_dim3A_3 {strides = array<i32>} : memref<32x128xf32, #tpu.memory_space<vmem>>, vector<16xf32>,
    %swap3A_111 = arith.constant 3 : i32
    %swap3A_112 = arith.index_cast %swap3A_111 : i32 to index
    %swap3A_113 = arith.constant 48 : index
    %swap3A_114 = tpu.vector_load %arg18[%swap3A_112, %swap3A_113] {strides = array<i32>} : memref<32x128xf32, #tpu.memory_space<vmem>>, vector<16xf32>,
    tpu.vector_store %arg18[%swap3A_112, %swap3A_113], %broadcast_in_dim3A_3 {strides = array<i32>} : memref<32x128xf32, #tpu.memory_space<vmem>>, vector<16xf32>,
    %swap3A_115 = arith.constant 3 : i32
    %swap3A_116 = arith.index_cast %swap3A_115 : i32 to index
    %swap3A_117 = arith.constant 64 : index
    %swap3A_118 = tpu.vector_load %arg18[%swap3A_116, %swap3A_117] {strides = array<i32>} : memref<32x128xf32, #tpu.memory_space<vmem>>, vector<16xf32>,
    tpu.vector_store %arg18[%swap3A_116, %swap3A_117], %broadcast_in_dim3A_3 {strides = array<i32>} : memref<32x128xf32, #tpu.memory_space<vmem>>, vector<16xf32>,
    %swap3A_119 = arith.constant 3 : i32
    %swap3A_120 = arith.index_cast %swap3A_119 : i32 to index
    %swap3A_121 = arith.constant 80 : index
    %swap3A_122 = tpu.vector_load %arg18[%swap3A_120, %swap3A_121] {strides = array<i32>} : memref<32x128xf32, #tpu.memory_space<vmem>>, vector<16xf32>,
    tpu.vector_store %arg18[%swap3A_120, %swap3A_121], %broadcast_in_dim3A_3 {strides = array<i32>} : memref<32x128xf32, #tpu.memory_space<vmem>>, vector<16xf32>,
    %swap3A_123 = arith.constant 3 : i32
    %swap3A_124 = arith.index_cast %swap3A_123 : i32 to index
    %swap3A_125 = arith.constant 96 : index
    %swap3A_126 = tpu.vector_load %arg18[%swap3A_124, %swap3A_125] {strides = array<i32>} : memref<32x128xf32, #tpu.memory_space<vmem>>, vector<16xf32>,
    tpu.vector_store %arg18[%swap3A_124, %swap3A_125], %broadcast_in_dim3A_3 {strides = array<i32>} : memref<32x128xf32, #tpu.memory_space<vmem>>, vector<16xf32>,
    %swap3A_127 = arith.constant 3 : i32
    %swap3A_128 = arith.index_cast %swap3A_127 : i32 to index
    %swap3A_129 = arith.constant 112 : index
    %swap3A_130 = tpu.vector_load %arg18[%swap3A_128, %swap3A_129] {strides = array<i32>} : memref<32x128xf32, #tpu.memory_space<vmem>>, vector<16xf32>,
    tpu.vector_store %arg18[%swap3A_128, %swap3A_129], %broadcast_in_dim3A_3 {strides = array<i32>} : memref<32x128xf32, #tpu.memory_space<vmem>>, vector<16xf32>,
    %swap3A_131 = arith.constant 4 : i32
    %swap3A_132 = arith.index_cast %swap3A_131 : i32 to index
    %swap3A_133 = arith.constant 0 : index
    %swap3A_134 = tpu.vector_load %arg18[%swap3A_132, %swap3A_133] {strides = array<i32>} : memref<32x128xf32, #tpu.memory_space<vmem>>, vector<16xf32>,
    tpu.vector_store %arg18[%swap3A_132, %swap3A_133], %broadcast_in_dim3A_3 {strides = array<i32>} : memref<32x128xf32, #tpu.memory_space<vmem>>, vector<16xf32>,
    %swap3A_135 = arith.constant 4 : i32
    %swap3A_136 = arith.index_cast %swap3A_135 : i32 to index
    %swap3A_137 = arith.constant 16 : index
    %swap3A_138 = tpu.vector_load %arg18[%swap3A_136, %swap3A_137] {strides = array<i32>} : memref<32x128xf32, #tpu.memory_space<vmem>>, vector<16xf32>,
    tpu.vector_store %arg18[%swap3A_136, %swap3A_137], %broadcast_in_dim3A_3 {strides = array<i32>} : memref<32x128xf32, #tpu.memory_space<vmem>>, vector<16xf32>,
    %swap3A_139 = arith.constant 4 : i32
    %swap3A_140 = arith.index_cast %swap3A_139 : i32 to index
    %swap3A_141 = arith.constant 32 : index
    %swap3A_142 = tpu.vector_load %arg18[%swap3A_140, %swap3A_141] {strides = array<i32>} : memref<32x128xf32, #tpu.memory_space<vmem>>, vector<16xf32>,
    tpu.vector_store %arg18[%swap3A_140, %swap3A_141], %broadcast_in_dim3A_3 {strides = array<i32>} : memref<32x128xf32, #tpu.memory_space<vmem>>, vector<16xf32>,
    %swap3A_143 = arith.constant 4 : i32
    %swap3A_144 = arith.index_cast %swap3A_143 : i32 to index
    %swap3A_145 = arith.constant 48 : index
    %swap3A_146 = tpu.vector_load %arg18[%swap3A_144, %swap3A_145] {strides = array<i32>} : memref<32x128xf32, #tpu.memory_space<vmem>>, vector<16xf32>,
    tpu.vector_store %arg18[%swap3A_144, %swap3A_145], %broadcast_in_dim3A_3 {strides = array<i32>} : memref<32x128xf32, #tpu.memory_space<vmem>>, vector<16xf32>,
    %swap3A_147 = arith.constant 4 : i32
    %swap3A_148 = arith.index_cast %swap3A_147 : i32 to index
    %swap3A_149 = arith.constant 64 : index
    %swap3A_150 = tpu.vector_load %arg18[%swap3A_148, %swap3A_149] {strides = array<i32>} : memref<32x128xf32, #tpu.memory_space<vmem>>, vector<16xf32>,
    tpu.vector_store %arg18[%swap3A_148, %swap3A_149], %broadcast_in_dim3A_3 {strides = array<i32>} : memref<32x128xf32, #tpu.memory_space<vmem>>, vector<16xf32>,
    %swap3A_151 = arith.constant 4 : i32
    %swap3A_152 = arith.index_cast %swap3A_151 : i32 to index
    %swap3A_153 = arith.constant 80 : index
    %swap3A_154 = tpu.vector_load %arg18[%swap3A_152, %swap3A_153] {strides = array<i32>} : memref<32x128xf32, #tpu.memory_space<vmem>>, vector<16xf32>,
    tpu.vector_store %arg18[%swap3A_152, %swap3A_153], %broadcast_in_dim3A_3 {strides = array<i32>} : memref<32x128xf32, #tpu.memory_space<vmem>>, vector<16xf32>,
    %swap3A_155 = arith.constant 4 : i32
    %swap3A_156 = arith.index_cast %swap3A_155 : i32 to index
    %swap3A_157 = arith.constant 96 : index
    %swap3A_158 = tpu.vector_load %arg18[%swap3A_156, %swap3A_157] {strides = array<i32>} : memref<32x128xf32, #tpu.memory_space<vmem>>, vector<16xf32>,
    tpu.vector_store %arg18[%swap3A_156, %swap3A_157], %broadcast_in_dim3A_3 {strides = array<i32>} : memref<32x128xf32, #tpu.memory_space<vmem>>, vector<16xf32>,
    %swap3A_159 = arith.constant 4 : i32
    %swap3A_160 = arith.index_cast %swap3A_159 : i32 to index
    %swap3A_161 = arith.constant 112 : index
    %swap3A_162 = tpu.vector_load %arg18[%swap3A_160, %swap3A_161] {strides = array<i32>} : memref<32x128xf32, #tpu.memory_space<vmem>>, vector<16xf32>,
    tpu.vector_store %arg18[%swap3A_160, %swap3A_161], %broadcast_in_dim3A_3 {strides = array<i32>} : memref<32x128xf32, #tpu.memory_space<vmem>>, vector<16xf32>,
    %swap3A_163 = arith.constant 5 : i32
    %swap3A_164 = arith.index_cast %swap3A_163 : i32 to index
    %swap3A_165 = arith.constant 0 : index
    %swap3A_166 = tpu.vector_load %arg18[%swap3A_164, %swap3A_165] {strides = array<i32>} : memref<32x128xf32, #tpu.memory_space<vmem>>, vector<16xf32>,
    tpu.vector_store %arg18[%swap3A_164, %swap3A_165], %broadcast_in_dim3A_3 {strides = array<i32>} : memref<32x128xf32, #tpu.memory_space<vmem>>, vector<16xf32>,
    %swap3A_167 = arith.constant 5 : i32
    %swap3A_168 = arith.index_cast %swap3A_167 : i32 to index
    %swap3A_169 = arith.constant 16 : index
    %swap3A_170 = tpu.vector_load %arg18[%swap3A_168, %swap3A_169] {strides = array<i32>} : memref<32x128xf32, #tpu.memory_space<vmem>>, vector<16xf32>,
    tpu.vector_store %arg18[%swap3A_168, %swap3A_169], %broadcast_in_dim3A_3 {strides = array<i32>} : memref<32x128xf32, #tpu.memory_space<vmem>>, vector<16xf32>,
    %swap3A_171 = arith.constant 5 : i32
    %swap3A_172 = arith.index_cast %swap3A_171 : i32 to index
    %swap3A_173 = arith.constant 32 : index
    %swap3A_174 = tpu.vector_load %arg18[%swap3A_172, %swap3A_173] {strides = array<i32>} : memref<32x128xf32, #tpu.memory_space<vmem>>, vector<16xf32>,
    tpu.vector_store %arg18[%swap3A_172, %swap3A_173], %broadcast_in_dim3A_3 {strides = array<i32>} : memref<32x128xf32, #tpu.memory_space<vmem>>, vector<16xf32>,
    %swap3A_175 = arith.constant 5 : i32
    %swap3A_176 = arith.index_cast %swap3A_175 : i32 to index
    %swap3A_177 = arith.constant 48 : index
    %swap3A_178 = tpu.vector_load %arg18[%swap3A_176, %swap3A_177] {strides = array<i32>} : memref<32x128xf32, #tpu.memory_space<vmem>>, vector<16xf32>,
    tpu.vector_store %arg18[%swap3A_176, %swap3A_177], %broadcast_in_dim3A_3 {strides = array<i32>} : memref<32x128xf32, #tpu.memory_space<vmem>>, vector<16xf32>,
    %swap3A_179 = arith.constant 5 : i32
    %swap3A_180 = arith.index_cast %swap3A_179 : i32 to index
    %swap3A_181 = arith.constant 64 : index
    %swap3A_182 = tpu.vector_load %arg18[%swap3A_180, %swap3A_181] {strides = array<i32>} : memref<32x128xf32, #tpu.memory_space<vmem>>, vector<16xf32>,
    tpu.vector_store %arg18[%swap3A_180, %swap3A_181], %broadcast_in_dim3A_3 {strides = array<i32>} : memref<32x128xf32, #tpu.memory_space<vmem>>, vector<16xf32>,
    %swap3A_183 = arith.constant 5 : i32
    %swap3A_184 = arith.index_cast %swap3A_183 : i32 to index
    %swap3A_185 = arith.constant 80 : index
    %swap3A_186 = tpu.vector_load %arg18[%swap3A_184, %swap3A_185] {strides = array<i32>} : memref<32x128xf32, #tpu.memory_space<vmem>>, vector<16xf32>,
    tpu.vector_store %arg18[%swap3A_184, %swap3A_185], %broadcast_in_dim3A_3 {strides = array<i32>} : memref<32x128xf32, #tpu.memory_space<vmem>>, vector<16xf32>,
    %swap3A_187 = arith.constant 5 : i32
    %swap3A_188 = arith.index_cast %swap3A_187 : i32 to index
    %swap3A_189 = arith.constant 96 : index
    %swap3A_190 = tpu.vector_load %arg18[%swap3A_188, %swap3A_189] {strides = array<i32>} : memref<32x128xf32, #tpu.memory_space<vmem>>, vector<16xf32>,
    tpu.vector_store %arg18[%swap3A_188, %swap3A_189], %broadcast_in_dim3A_3 {strides = array<i32>} : memref<32x128xf32, #tpu.memory_space<vmem>>, vector<16xf32>,
    %swap3A_191 = arith.constant 5 : i32
    %swap3A_192 = arith.index_cast %swap3A_191 : i32 to index
    %swap3A_193 = arith.constant 112 : index
    %swap3A_194 = tpu.vector_load %arg18[%swap3A_192, %swap3A_193] {strides = array<i32>} : memref<32x128xf32, #tpu.memory_space<vmem>>, vector<16xf32>,
    tpu.vector_store %arg18[%swap3A_192, %swap3A_193], %broadcast_in_dim3A_3 {strides = array<i32>} : memref<32x128xf32, #tpu.memory_space<vmem>>, vector<16xf32>,
    %swap3A_195 = arith.constant 6 : i32
    %swap3A_196 = arith.index_cast %swap3A_195 : i32 to index
    %swap3A_197 = arith.constant 0 : index
    %swap3A_198 = tpu.vector_load %arg18[%swap3A_196, %swap3A_197] {strides = array<i32>} : memref<32x128xf32, #tpu.memory_space<vmem>>, vector<16xf32>,
    tpu.vector_store %arg18[%swap3A_196, %swap3A_197], %broadcast_in_dim3A_3 {strides = array<i32>} : memref<32x128xf32, #tpu.memory_space<vmem>>, vector<16xf32>,
    %swap3A_199 = arith.constant 6 : i32
    %swap3A_200 = arith.index_cast %swap3A_199 : i32 to index
    %swap3A_201 = arith.constant 16 : index
    %swap3A_202 = tpu.vector_load %arg18[%swap3A_200, %swap3A_201] {strides = array<i32>} : memref<32x128xf32, #tpu.memory_space<vmem>>, vector<16xf32>,
    tpu.vector_store %arg18[%swap3A_200, %swap3A_201], %broadcast_in_dim3A_3 {strides = array<i32>} : memref<32x128xf32, #tpu.memory_space<vmem>>, vector<16xf32>,
    %swap3A_203 = arith.constant 6 : i32
    %swap3A_204 = arith.index_cast %swap3A_203 : i32 to index
    %swap3A_205 = arith.constant 32 : index
    %swap3A_206 = tpu.vector_load %arg18[%swap3A_204, %swap3A_205] {strides = array<i32>} : memref<32x128xf32, #tpu.memory_space<vmem>>, vector<16xf32>,
    tpu.vector_store %arg18[%swap3A_204, %swap3A_205], %broadcast_in_dim3A_3 {strides = array<i32>} : memref<32x128xf32, #tpu.memory_space<vmem>>, vector<16xf32>,
    %swap3A_207 = arith.constant 6 : i32
    %swap3A_208 = arith.index_cast %swap3A_207 : i32 to index
    %swap3A_209 = arith.constant 48 : index
    %swap3A_210 = tpu.vector_load %arg18[%swap3A_208, %swap3A_209] {strides = array<i32>} : memref<32x128xf32, #tpu.memory_space<vmem>>, vector<16xf32>,
    tpu.vector_store %arg18[%swap3A_208, %swap3A_209], %broadcast_in_dim3A_3 {strides = array<i32>} : memref<32x128xf32, #tpu.memory_space<vmem>>, vector<16xf32>,
    %swap3A_211 = arith.constant 6 : i32
    %swap3A_212 = arith.index_cast %swap3A_211 : i32 to index
    %swap3A_213 = arith.constant 64 : index
    %swap3A_214 = tpu.vector_load %arg18[%swap3A_212, %swap3A_213] {strides = array<i32>} : memref<32x128xf32, #tpu.memory_space<vmem>>, vector<16xf32>,
    tpu.vector_store %arg18[%swap3A_212, %swap3A_213], %broadcast_in_dim3A_3 {strides = array<i32>} : memref<32x128xf32, #tpu.memory_space<vmem>>, vector<16xf32>,
    %swap3A_215 = arith.constant 6 : i32
    %swap3A_216 = arith.index_cast %swap3A_215 : i32 to index
    %swap3A_217 = arith.constant 80 : index
    %swap3A_218 = tpu.vector_load %arg18[%swap3A_216, %swap3A_217] {strides = array<i32>} : memref<32x128xf32, #tpu.memory_space<vmem>>, vector<16xf32>,
    tpu.vector_store %arg18[%swap3A_216, %swap3A_217], %broadcast_in_dim3A_3 {strides = array<i32>} : memref<32x128xf32, #tpu.memory_space<vmem>>, vector<16xf32>,
    %swap3A_219 = arith.constant 6 : i32
    %swap3A_220 = arith.index_cast %swap3A_219 : i32 to index
    %swap3A_221 = arith.constant 96 : index
    %swap3A_222 = tpu.vector_load %arg18[%swap3A_220, %swap3A_221] {strides = array<i32>} : memref<32x128xf32, #tpu.memory_space<vmem>>, vector<16xf32>,
    tpu.vector_store %arg18[%swap3A_220, %swap3A_221], %broadcast_in_dim3A_3 {strides = array<i32>} : memref<32x128xf32, #tpu.memory_space<vmem>>, vector<16xf32>,
    %swap3A_223 = arith.constant 6 : i32
    %swap3A_224 = arith.index_cast %swap3A_223 : i32 to index
    %swap3A_225 = arith.constant 112 : index
    %swap3A_226 = tpu.vector_load %arg18[%swap3A_224, %swap3A_225] {strides = array<i32>} : memref<32x128xf32, #tpu.memory_space<vmem>>, vector<16xf32>,
    tpu.vector_store %arg18[%swap3A_224, %swap3A_225], %broadcast_in_dim3A_3 {strides = array<i32>} : memref<32x128xf32, #tpu.memory_space<vmem>>, vector<16xf32>,
    %swap3A_227 = arith.constant 7 : i32
    %swap3A_228 = arith.index_cast %swap3A_227 : i32 to index
    %swap3A_229 = arith.constant 0 : index
    %swap3A_230 = tpu.vector_load %arg18[%swap3A_228, %swap3A_229] {strides = array<i32>} : memref<32x128xf32, #tpu.memory_space<vmem>>, vector<16xf32>,
    tpu.vector_store %arg18[%swap3A_228, %swap3A_229], %broadcast_in_dim3A_3 {strides = array<i32>} : memref<32x128xf32, #tpu.memory_space<vmem>>, vector<16xf32>,
    %swap3A_231 = arith.constant 7 : i32
    %swap3A_232 = arith.index_cast %swap3A_231 : i32 to index
    %swap3A_233 = arith.constant 16 : index
    %swap3A_234 = tpu.vector_load %arg18[%swap3A_232, %swap3A_233] {strides = array<i32>} : memref<32x128xf32, #tpu.memory_space<vmem>>, vector<16xf32>,
    tpu.vector_store %arg18[%swap3A_232, %swap3A_233], %broadcast_in_dim3A_3 {strides = array<i32>} : memref<32x128xf32, #tpu.memory_space<vmem>>, vector<16xf32>,
    %swap3A_235 = arith.constant 7 : i32
    %swap3A_236 = arith.index_cast %swap3A_235 : i32 to index
    %swap3A_237 = arith.constant 32 : index
    %swap3A_238 = tpu.vector_load %arg18[%swap3A_236, %swap3A_237] {strides = array<i32>} : memref<32x128xf32, #tpu.memory_space<vmem>>, vector<16xf32>,
    tpu.vector_store %arg18[%swap3A_236, %swap3A_237], %broadcast_in_dim3A_3 {strides = array<i32>} : memref<32x128xf32, #tpu.memory_space<vmem>>, vector<16xf32>,
    %swap3A_239 = arith.constant 7 : i32
    %swap3A_240 = arith.index_cast %swap3A_239 : i32 to index
    %swap3A_241 = arith.constant 48 : index
    %swap3A_242 = tpu.vector_load %arg18[%swap3A_240, %swap3A_241] {strides = array<i32>} : memref<32x128xf32, #tpu.memory_space<vmem>>, vector<16xf32>,
    tpu.vector_store %arg18[%swap3A_240, %swap3A_241], %broadcast_in_dim3A_3 {strides = array<i32>} : memref<32x128xf32, #tpu.memory_space<vmem>>, vector<16xf32>,
    %swap3A_243 = arith.constant 7 : i32
    %swap3A_244 = arith.index_cast %swap3A_243 : i32 to index
    %swap3A_245 = arith.constant 64 : index
    %swap3A_246 = tpu.vector_load %arg18[%swap3A_244, %swap3A_245] {strides = array<i32>} : memref<32x128xf32, #tpu.memory_space<vmem>>, vector<16xf32>,
    tpu.vector_store %arg18[%swap3A_244, %swap3A_245], %broadcast_in_dim3A_3 {strides = array<i32>} : memref<32x128xf32, #tpu.memory_space<vmem>>, vector<16xf32>,
    %swap3A_247 = arith.constant 7 : i32
    %swap3A_248 = arith.index_cast %swap3A_247 : i32 to index
    %swap3A_249 = arith.constant 80 : index
    %swap3A_250 = tpu.vector_load %arg18[%swap3A_248, %swap3A_249] {strides = array<i32>} : memref<32x128xf32, #tpu.memory_space<vmem>>, vector<16xf32>,
    tpu.vector_store %arg18[%swap3A_248, %swap3A_249], %broadcast_in_dim3A_3 {strides = array<i32>} : memref<32x128xf32, #tpu.memory_space<vmem>>, vector<16xf32>,
    %swap3A_251 = arith.constant 7 : i32
    %swap3A_252 = arith.index_cast %swap3A_251 : i32 to index
    %swap3A_253 = arith.constant 96 : index
    %swap3A_254 = tpu.vector_load %arg18[%swap3A_252, %swap3A_253] {strides = array<i32>} : memref<32x128xf32, #tpu.memory_space<vmem>>, vector<16xf32>,
    tpu.vector_store %arg18[%swap3A_252, %swap3A_253], %broadcast_in_dim3A_3 {strides = array<i32>} : memref<32x128xf32, #tpu.memory_space<vmem>>, vector<16xf32>,
    %swap3A_255 = arith.constant 7 : i32
    %swap3A_256 = arith.index_cast %swap3A_255 : i32 to index
    %swap3A_257 = arith.constant 112 : index
    %swap3A_258 = tpu.vector_load %arg18[%swap3A_256, %swap3A_257] {strides = array<i32>} : memref<32x128xf32, #tpu.memory_space<vmem>>, vector<16xf32>,
    tpu.vector_store %arg18[%swap3A_256, %swap3A_257], %broadcast_in_dim3A_3 {strides = array<i32>} : memref<32x128xf32, #tpu.memory_space<vmem>>, vector<16xf32>,
    %scan3A = arith.constant 0 : i32
    %scan3A_259 = arith.constant 0 : i32
    %scan3A_260 = arith.constant 80 : i32
    %scan3A_261 = arith.addi %scan3A_259, %scan3A_260 : i32
    %scan3A_262 = arith.constant 1 : i32
    scf.for %scan3A_310 = %scan3A_259 to %scan3A_261 step %scan3A_262  : i32 {
      %mul3A_311 = arith.constant 8 : i32
      %mul3A_312 = arith.muli %scan3A_310, %mul3A_311 : i32
      %add3A_313 = arith.addi %mul3A_0, %mul3A_312 : i32
      "tpu.region"() ({
        %run_scoped3A = tpu.sem_alloc : memref<!tpu.dma_semaphore, #tpu.memory_space<semaphore_mem>>
        %dma_start3A_314 = arith.constant 0 : i32
        %dma_start3A_315 = arith.constant 0 : i32
        %dma_start3A_316 = tpu.memref_slice %arg18[%dma_start3A_314, %dma_start3A_315] : memref<32x128xf32, #tpu.memory_space<vmem>> -> memref<8x128xf32, #tpu.memory_space<vmem>>
        %dma_start3A_317 = arith.constant 0 : i32
        %dma_start3A_318 = tpu.memref_slice %arg22[%add3A_313, %dma_start3A_317] : memref<10240x128xf32, #tpu.memory_space<vmem_shared>> -> memref<8x128xf32, #tpu.memory_space<vmem_shared>>
        %dma_start3A_319 = arith.constant 0 : i32
        %dma_start3A_320 = tpu.memref_slice %arg22[%add3A_313, %dma_start3A_319] : memref<10240x128xf32, #tpu.memory_space<vmem_shared>> -> memref<8x128xf32, #tpu.memory_space<vmem_shared>>
        %dma_start3A_321 = arith.constant 0 : i32
        %dma_start3A_322 = arith.constant 0 : i32
        %dma_start3A_323 = tpu.memref_slice %arg18[%dma_start3A_321, %dma_start3A_322] : memref<32x128xf32, #tpu.memory_space<vmem>> -> memref<8x128xf32, #tpu.memory_space<vmem>>
        tpu.enqueue_dma source(%dma_start3A_323 : memref<8x128xf32, #tpu.memory_space<vmem>>) target(%dma_start3A_320 : memref<8x128xf32, #tpu.memory_space<vmem_shared>>) target_semaphore(%run_scoped3A : memref<!tpu.dma_semaphore, #tpu.memory_space<semaphore_mem>>)
        %dma_wait3A = arith.constant 0 : i32
        %dma_wait3A_324 = arith.constant 0 : i32
        %dma_wait3A_325 = tpu.memref_slice %arg18[%dma_wait3A, %dma_wait3A_324] : memref<32x128xf32, #tpu.memory_space<vmem>> -> memref<8x128xf32, #tpu.memory_space<vmem>>
        %dma_wait3A_326 = arith.constant 0 : i32
        %dma_wait3A_327 = tpu.memref_slice %arg22[%add3A_313, %dma_wait3A_326] : memref<10240x128xf32, #tpu.memory_space<vmem_shared>> -> memref<8x128xf32, #tpu.memory_space<vmem_shared>>
        %dma_wait3A_328 = arith.constant 0 : i32
        %dma_wait3A_329 = tpu.memref_slice %arg22[%add3A_313, %dma_wait3A_328] : memref<10240x128xf32, #tpu.memory_space<vmem_shared>> -> memref<8x128xf32, #tpu.memory_space<vmem_shared>>
        %dma_wait3A_330 = arith.constant 0 : i32
        %dma_wait3A_331 = arith.constant 0 : i32
        %dma_wait3A_332 = tpu.memref_slice %arg18[%dma_wait3A_330, %dma_wait3A_331] : memref<32x128xf32, #tpu.memory_space<vmem>> -> memref<8x128xf32, #tpu.memory_space<vmem>>
        tpu.wait_dma2 semaphore(%run_scoped3A : memref<!tpu.dma_semaphore, #tpu.memory_space<semaphore_mem>>) src(%dma_wait3A_332 : memref<8x128xf32, #tpu.memory_space<vmem>>) dst(%dma_wait3A_329 : memref<8x128xf32, #tpu.memory_space<vmem_shared>>)
        tpu.yield
      }) : () -> ()
    }
    %scan3A_263 = arith.constant 80 : i32
    %scan3A_264 = arith.constant 0 : i32
    %scan3A_265 = arith.constant 0 : i32
    %scan3A_266 = arith.constant 10 : i32
    %scan3A_267 = arith.addi %scan3A_265, %scan3A_266 : i32
    %scan3A_268 = arith.constant 1 : i32
    scf.for %scan3A_310 = %scan3A_265 to %scan3A_267 step %scan3A_268  : i32 {
      %mul3A_311 = arith.constant 8 : i32
      %mul3A_312 = arith.muli %scan3A_310, %mul3A_311 : i32
      %add3A_313 = arith.addi %mul3A_2, %mul3A_312 : i32
      "tpu.region"() ({
        %run_scoped3A = tpu.sem_alloc : memref<!tpu.dma_semaphore, #tpu.memory_space<semaphore_mem>>
        %dma_start3A_314 = arith.constant 0 : i32
        %dma_start3A_315 = arith.constant 0 : i32
        %dma_start3A_316 = tpu.memref_slice %arg18[%dma_start3A_314, %dma_start3A_315] : memref<32x128xf32, #tpu.memory_space<vmem>> -> memref<8x128xf32, #tpu.memory_space<vmem>>
        %dma_start3A_317 = arith.constant 0 : i32
        %dma_start3A_318 = tpu.memref_slice %arg23[%add3A_313, %dma_start3A_317] : memref<1280x128xf32, #tpu.memory_space<vmem_shared>> -> memref<8x128xf32, #tpu.memory_space<vmem_shared>>
        %dma_start3A_319 = arith.constant 0 : i32
        %dma_start3A_320 = tpu.memref_slice %arg23[%add3A_313, %dma_start3A_319] : memref<1280x128xf32, #tpu.memory_space<vmem_shared>> -> memref<8x128xf32, #tpu.memory_space<vmem_shared>>
        %dma_start3A_321 = arith.constant 0 : i32
        %dma_start3A_322 = arith.constant 0 : i32
        %dma_start3A_323 = tpu.memref_slice %arg18[%dma_start3A_321, %dma_start3A_322] : memref<32x128xf32, #tpu.memory_space<vmem>> -> memref<8x128xf32, #tpu.memory_space<vmem>>
        tpu.enqueue_dma source(%dma_start3A_323 : memref<8x128xf32, #tpu.memory_space<vmem>>) target(%dma_start3A_320 : memref<8x128xf32, #tpu.memory_space<vmem_shared>>) target_semaphore(%run_scoped3A : memref<!tpu.dma_semaphore, #tpu.memory_space<semaphore_mem>>)
        %dma_wait3A = arith.constant 0 : i32
        %dma_wait3A_324 = arith.constant 0 : i32
        %dma_wait3A_325 = tpu.memref_slice %arg18[%dma_wait3A, %dma_wait3A_324] : memref<32x128xf32, #tpu.memory_space<vmem>> -> memref<8x128xf32, #tpu.memory_space<vmem>>
        %dma_wait3A_326 = arith.constant 0 : i32
        %dma_wait3A_327 = tpu.memref_slice %arg23[%add3A_313, %dma_wait3A_326] : memref<1280x128xf32, #tpu.memory_space<vmem_shared>> -> memref<8x128xf32, #tpu.memory_space<vmem_shared>>
        %dma_wait3A_328 = arith.constant 0 : i32
        %dma_wait3A_329 = tpu.memref_slice %arg23[%add3A_313, %dma_wait3A_328] : memref<1280x128xf32, #tpu.memory_space<vmem_shared>> -> memref<8x128xf32, #tpu.memory_space<vmem_shared>>
        %dma_wait3A_330 = arith.constant 0 : i32
        %dma_wait3A_331 = arith.constant 0 : i32
        %dma_wait3A_332 = tpu.memref_slice %arg18[%dma_wait3A_330, %dma_wait3A_331] : memref<32x128xf32, #tpu.memory_space<vmem>> -> memref<8x128xf32, #tpu.memory_space<vmem>>
        tpu.wait_dma2 semaphore(%run_scoped3A : memref<!tpu.dma_semaphore, #tpu.memory_space<semaphore_mem>>) src(%dma_wait3A_332 : memref<8x128xf32, #tpu.memory_space<vmem>>) dst(%dma_wait3A_329 : memref<8x128xf32, #tpu.memory_space<vmem_shared>>)
        tpu.yield
      }) : () -> ()
    }
    %scan3A_269 = arith.constant 10 : i32
    %barrier3A = arith.constant 0 : index
    tpu.barrier barrier_id(%barrier3A)
    %mul3A_270 = arith.constant 16 : i32
    %mul3A_271 = arith.muli %arg0, %mul3A_270 : i32
    %add3A = arith.addi %mul3A_271, %arg1 : i32
    %mul3A_272 = arith.constant 10368 : i32
    %mul3A_273 = arith.muli %add3A, %mul3A_272 : i32
    %get3A = arith.constant 0 : index
    %get3A_274 = tpu.vector_load %arg11[%get3A] {strides = array<i32>} : memref<128xf32, #tpu.memory_space<vmem>>, vector<16xf32>,
    %get3A_275 = arith.constant 16 : index
    %get3A_276 = tpu.vector_load %arg11[%get3A_275] {strides = array<i32>} : memref<128xf32, #tpu.memory_space<vmem>>, vector<16xf32>,
    %get3A_277 = arith.constant 32 : index
    %get3A_278 = tpu.vector_load %arg11[%get3A_277] {strides = array<i32>} : memref<128xf32, #tpu.memory_space<vmem>>, vector<16xf32>,
    %get3A_279 = arith.constant 48 : index
    %get3A_280 = tpu.vector_load %arg11[%get3A_279] {strides = array<i32>} : memref<128xf32, #tpu.memory_space<vmem>>, vector<16xf32>,
    %get3A_281 = arith.constant 64 : index
    %get3A_282 = tpu.vector_load %arg11[%get3A_281] {strides = array<i32>} : memref<128xf32, #tpu.memory_space<vmem>>, vector<16xf32>,
    %get3A_283 = arith.constant 80 : index
    %get3A_284 = tpu.vector_load %arg11[%get3A_283] {strides = array<i32>} : memref<128xf32, #tpu.memory_space<vmem>>, vector<16xf32>,
    %get3A_285 = arith.constant 96 : index
    %get3A_286 = tpu.vector_load %arg11[%get3A_285] {strides = array<i32>} : memref<128xf32, #tpu.memory_space<vmem>>, vector<16xf32>,
    %get3A_287 = arith.constant 112 : index
    %get3A_288 = tpu.vector_load %arg11[%get3A_287] {strides = array<i32>} : memref<128xf32, #tpu.memory_space<vmem>>, vector<16xf32>,
    %add3A_289 = arith.constant 0 : i32
    %add3A_290 = arith.addi %mul3A_273, %add3A_289 : i32
    "tpu.region"() ({
      %run_scoped3A = tpu.sem_alloc : memref<!tpu.dma_semaphore, #tpu.memory_space<semaphore_mem>>
      %dma_start3A_310 = tpu.memref_slice %arg4[%add3A_290] : memref<331776xi32, #tpu.memory_space<hbm>> -> memref<32xi32, #tpu.memory_space<hbm>>
      %dma_start3A_311 = tpu.memref_slice %arg4[%add3A_290] : memref<331776xi32, #tpu.memory_space<hbm>> -> memref<32xi32, #tpu.memory_space<hbm>>
      tpu.enqueue_dma source(%dma_start3A_311 : memref<32xi32, #tpu.memory_space<hbm>>) target(%arg12 : memref<32xi32, #tpu.memory_space<vmem>>) target_semaphore(%run_scoped3A : memref<!tpu.dma_semaphore, #tpu.memory_space<semaphore_mem>>)
      %dma_wait3A = tpu.memref_slice %arg4[%add3A_290] : memref<331776xi32, #tpu.memory_space<hbm>> -> memref<32xi32, #tpu.memory_space<hbm>>
      %dma_wait3A_312 = tpu.memref_slice %arg4[%add3A_290] : memref<331776xi32, #tpu.memory_space<hbm>> -> memref<32xi32, #tpu.memory_space<hbm>>
      tpu.wait_dma2 semaphore(%run_scoped3A : memref<!tpu.dma_semaphore, #tpu.memory_space<semaphore_mem>>) src(%dma_wait3A_312 : memref<32xi32, #tpu.memory_space<hbm>>) dst(%arg12 : memref<32xi32, #tpu.memory_space<vmem>>)
      tpu.yield
    }) : () -> ()
    "tpu.region"() ({
      %run_scoped3A = tpu.sem_alloc : memref<!tpu.dma_semaphore, #tpu.memory_space<semaphore_mem>>
      %dma_start3A_310 = tpu.memref_slice %arg5[%add3A_290] : memref<331776xi32, #tpu.memory_space<hbm>> -> memref<32xi32, #tpu.memory_space<hbm>>
      %dma_start3A_311 = tpu.memref_slice %arg5[%add3A_290] : memref<331776xi32, #tpu.memory_space<hbm>> -> memref<32xi32, #tpu.memory_space<hbm>>
      tpu.enqueue_dma source(%dma_start3A_311 : memref<32xi32, #tpu.memory_space<hbm>>) target(%arg13 : memref<32xi32, #tpu.memory_space<vmem>>) target_semaphore(%run_scoped3A : memref<!tpu.dma_semaphore, #tpu.memory_space<semaphore_mem>>)
      %dma_wait3A = tpu.memref_slice %arg5[%add3A_290] : memref<331776xi32, #tpu.memory_space<hbm>> -> memref<32xi32, #tpu.memory_space<hbm>>
      %dma_wait3A_312 = tpu.memref_slice %arg5[%add3A_290] : memref<331776xi32, #tpu.memory_space<hbm>> -> memref<32xi32, #tpu.memory_space<hbm>>
      tpu.wait_dma2 semaphore(%run_scoped3A : memref<!tpu.dma_semaphore, #tpu.memory_space<semaphore_mem>>) src(%dma_wait3A_312 : memref<32xi32, #tpu.memory_space<hbm>>) dst(%arg13 : memref<32xi32, #tpu.memory_space<vmem>>)
      tpu.yield
    }) : () -> ()
    %dma_start3A = arith.constant 0 : i32
    %dma_start3A_291 = arith.constant 0 : i32
    %dma_start3A_292 = tpu.memref_slice %arg2[%dma_start3A, %dma_start3A_291] : memref<10240x128xf32, #tpu.memory_space<hbm>> -> memref<10240x128xf32, #tpu.memory_space<hbm>>
    tpu.enqueue_indirect_dma source(%dma_start3A_292 : memref<10240x128xf32, #tpu.memory_space<hbm>>) target(%arg18 : memref<32x128xf32, #tpu.memory_space<vmem>>) offsets(%arg12 : memref<32xi32, #tpu.memory_space<vmem>>) semaphore(%arg24 : memref<!tpu.dma_semaphore, #tpu.memory_space<semaphore_mem>>)
    %dma_start3A_293 = arith.constant 0 : i32
    %dma_start3A_294 = arith.constant 0 : i32
    %dma_start3A_295 = tpu.memref_slice %arg3[%dma_start3A_293, %dma_start3A_294] : memref<10240x128xf32, #tpu.memory_space<hbm>> -> memref<10240x128xf32, #tpu.memory_space<hbm>>
    tpu.enqueue_indirect_dma source(%dma_start3A_295 : memref<10240x128xf32, #tpu.memory_space<hbm>>) target(%arg19 : memref<32x128xf32, #tpu.memory_space<vmem>>) offsets(%arg13 : memref<32xi32, #tpu.memory_space<vmem>>) semaphore(%arg24 : memref<!tpu.dma_semaphore, #tpu.memory_space<semaphore_mem>>)
    %scan3A_296 = arith.constant 0 : i32
    %scan3A_297 = arith.constant 0 : i32
    %scan3A_298 = arith.constant 162 : i32
    %scan3A_299 = arith.addi %scan3A_297, %scan3A_298 : i32
    %scan3A_300 = arith.constant 1 : i32
    scf.for %scan3A_310 = %scan3A_297 to %scan3A_299 step %scan3A_300  : i32 {
      %mul3A_311 = arith.constant 2 : i32
      %mul3A_312 = arith.muli %scan3A_310, %mul3A_311 : i32
      %add3A_313 = arith.constant 1 : i32
      %add3A_314 = arith.addi %mul3A_312, %add3A_313 : i32
      %mul3A_315 = arith.constant 32 : i32
      %mul3A_316 = arith.muli %add3A_314, %mul3A_315 : i32
      %add3A_317 = arith.addi %mul3A_273, %mul3A_316 : i32
      "tpu.region"() ({
        %run_scoped3A = tpu.sem_alloc : memref<!tpu.dma_semaphore, #tpu.memory_space<semaphore_mem>>
        %dma_start3A_413 = tpu.memref_slice %arg4[%add3A_317] : memref<331776xi32, #tpu.memory_space<hbm>> -> memref<32xi32, #tpu.memory_space<hbm>>
        %dma_start3A_414 = tpu.memref_slice %arg4[%add3A_317] : memref<331776xi32, #tpu.memory_space<hbm>> -> memref<32xi32, #tpu.memory_space<hbm>>
        tpu.enqueue_dma source(%dma_start3A_414 : memref<32xi32, #tpu.memory_space<hbm>>) target(%arg15 : memref<32xi32, #tpu.memory_space<vmem>>) target_semaphore(%run_scoped3A : memref<!tpu.dma_semaphore, #tpu.memory_space<semaphore_mem>>)
        %dma_wait3A_415 = tpu.memref_slice %arg4[%add3A_317] : memref<331776xi32, #tpu.memory_space<hbm>> -> memref<32xi32, #tpu.memory_space<hbm>>
        %dma_wait3A_416 = tpu.memref_slice %arg4[%add3A_317] : memref<331776xi32, #tpu.memory_space<hbm>> -> memref<32xi32, #tpu.memory_space<hbm>>
        tpu.wait_dma2 semaphore(%run_scoped3A : memref<!tpu.dma_semaphore, #tpu.memory_space<semaphore_mem>>) src(%dma_wait3A_416 : memref<32xi32, #tpu.memory_space<hbm>>) dst(%arg15 : memref<32xi32, #tpu.memory_space<vmem>>)
        tpu.yield
      }) : () -> ()
      "tpu.region"() ({
        %run_scoped3A = tpu.sem_alloc : memref<!tpu.dma_semaphore, #tpu.memory_space<semaphore_mem>>
        %dma_start3A_413 = tpu.memref_slice %arg5[%add3A_317] : memref<331776xi32, #tpu.memory_space<hbm>> -> memref<32xi32, #tpu.memory_space<hbm>>
        %dma_start3A_414 = tpu.memref_slice %arg5[%add3A_317] : memref<331776xi32, #tpu.memory_space<hbm>> -> memref<32xi32, #tpu.memory_space<hbm>>
        tpu.enqueue_dma source(%dma_start3A_414 : memref<32xi32, #tpu.memory_space<hbm>>) target(%arg16 : memref<32xi32, #tpu.memory_space<vmem>>) target_semaphore(%run_scoped3A : memref<!tpu.dma_semaphore, #tpu.memory_space<semaphore_mem>>)
        %dma_wait3A_415 = tpu.memref_slice %arg5[%add3A_317] : memref<331776xi32, #tpu.memory_space<hbm>> -> memref<32xi32, #tpu.memory_space<hbm>>
        %dma_wait3A_416 = tpu.memref_slice %arg5[%add3A_317] : memref<331776xi32, #tpu.memory_space<hbm>> -> memref<32xi32, #tpu.memory_space<hbm>>
        tpu.wait_dma2 semaphore(%run_scoped3A : memref<!tpu.dma_semaphore, #tpu.memory_space<semaphore_mem>>) src(%dma_wait3A_416 : memref<32xi32, #tpu.memory_space<hbm>>) dst(%arg16 : memref<32xi32, #tpu.memory_space<vmem>>)
        tpu.yield
      }) : () -> ()
      %dma_start3A_318 = arith.constant 0 : i32
      %dma_start3A_319 = arith.constant 0 : i32
      %dma_start3A_320 = tpu.memref_slice %arg2[%dma_start3A_318, %dma_start3A_319] : memref<10240x128xf32, #tpu.memory_space<hbm>> -> memref<10240x128xf32, #tpu.memory_space<hbm>>
      tpu.enqueue_indirect_dma source(%dma_start3A_320 : memref<10240x128xf32, #tpu.memory_space<hbm>>) target(%arg20 : memref<32x128xf32, #tpu.memory_space<vmem>>) offsets(%arg15 : memref<32xi32, #tpu.memory_space<vmem>>) semaphore(%arg25 : memref<!tpu.dma_semaphore, #tpu.memory_space<semaphore_mem>>)
      %dma_start3A_321 = arith.constant 0 : i32
      %dma_start3A_322 = arith.constant 0 : i32
      %dma_start3A_323 = tpu.memref_slice %arg3[%dma_start3A_321, %dma_start3A_322] : memref<10240x128xf32, #tpu.memory_space<hbm>> -> memref<10240x128xf32, #tpu.memory_space<hbm>>
      tpu.enqueue_indirect_dma source(%dma_start3A_323 : memref<10240x128xf32, #tpu.memory_space<hbm>>) target(%arg21 : memref<32x128xf32, #tpu.memory_space<vmem>>) offsets(%arg16 : memref<32xi32, #tpu.memory_space<vmem>>) semaphore(%arg25 : memref<!tpu.dma_semaphore, #tpu.memory_space<semaphore_mem>>)
      %dma_wait3A = arith.constant 0 : i32
      %dma_wait3A_324 = arith.constant 0 : i32
      %dma_wait3A_325 = tpu.memref_slice %arg2[%dma_wait3A, %dma_wait3A_324] : memref<10240x128xf32, #tpu.memory_space<hbm>> -> memref<32x128xf32, #tpu.memory_space<hbm>>
      %dma_wait3A_326 = arith.constant 0 : i32
      %dma_wait3A_327 = arith.constant 0 : i32
      %dma_wait3A_328 = tpu.memref_slice %arg2[%dma_wait3A_326, %dma_wait3A_327] : memref<10240x128xf32, #tpu.memory_space<hbm>> -> memref<32x128xf32, #tpu.memory_space<hbm>>
      tpu.wait_dma2 semaphore(%arg24 : memref<!tpu.dma_semaphore, #tpu.memory_space<semaphore_mem>>) src(%dma_wait3A_328 : memref<32x128xf32, #tpu.memory_space<hbm>>) dst(%arg18 : memref<32x128xf32, #tpu.memory_space<vmem>>)
      %dma_wait3A_329 = arith.constant 0 : i32
      %dma_wait3A_330 = arith.constant 0 : i32
      %dma_wait3A_331 = tpu.memref_slice %arg2[%dma_wait3A_329, %dma_wait3A_330] : memref<10240x128xf32, #tpu.memory_space<hbm>> -> memref<32x128xf32, #tpu.memory_space<hbm>>
      %dma_wait3A_332 = arith.constant 0 : i32
      %dma_wait3A_333 = arith.constant 0 : i32
      %dma_wait3A_334 = tpu.memref_slice %arg2[%dma_wait3A_332, %dma_wait3A_333] : memref<10240x128xf32, #tpu.memory_space<hbm>> -> memref<32x128xf32, #tpu.memory_space<hbm>>
      tpu.wait_dma2 semaphore(%arg24 : memref<!tpu.dma_semaphore, #tpu.memory_space<semaphore_mem>>) src(%dma_wait3A_334 : memref<32x128xf32, #tpu.memory_space<hbm>>) dst(%arg19 : memref<32x128xf32, #tpu.memory_space<vmem>>)
      %get3A_335 = arith.constant 0 : index
      %get3A_336 = tpu.vector_load %arg13[%get3A_335] {strides = array<i32>} : memref<32xi32, #tpu.memory_space<vmem>>, vector<16xi32>,
      %shift_right_logical3A = arith.constant 3 : i32
      %shift_right_logical3A_337 = vector.broadcast %shift_right_logical3A : i32 to vector<16xi32>
      %shift_right_logical3A_338 = arith.shrui %get3A_336, %shift_right_logical3A_337 : vector<16xi32>
      %swap3A_339 = arith.constant 0 : index
      %swap3A_340 = tpu.vector_load %arg14[%swap3A_339] {strides = array<i32>} : memref<32xi32, #tpu.memory_space<vmem>>, vector<16xi32>,
      tpu.vector_store %arg14[%swap3A_339], %shift_right_logical3A_338 {strides = array<i32>} : memref<32xi32, #tpu.memory_space<vmem>>, vector<16xi32>,
      %get3A_341 = arith.constant 16 : index
      %get3A_342 = tpu.vector_load %arg13[%get3A_341] {strides = array<i32>} : memref<32xi32, #tpu.memory_space<vmem>>, vector<16xi32>,
      %shift_right_logical3A_343 = arith.constant 3 : i32
      %shift_right_logical3A_344 = vector.broadcast %shift_right_logical3A_343 : i32 to vector<16xi32>
      %shift_right_logical3A_345 = arith.shrui %get3A_342, %shift_right_logical3A_344 : vector<16xi32>
      %swap3A_346 = arith.constant 16 : index
      %swap3A_347 = tpu.vector_load %arg14[%swap3A_346] {strides = array<i32>} : memref<32xi32, #tpu.memory_space<vmem>>, vector<16xi32>,
      tpu.vector_store %arg14[%swap3A_346], %shift_right_logical3A_345 {strides = array<i32>} : memref<32xi32, #tpu.memory_space<vmem>>, vector<16xi32>,
      %parallel_loop3A = arith.constant 0 : i32
      %parallel_loop3A_348 = arith.constant 32 : i32
      %parallel_loop3A_349 = arith.constant 1 : i32
      %parallel_loop3A_350 = arith.constant 0 : i32
      %parallel_loop3A_351 = scf.for %parallel_loop3A_413 = %parallel_loop3A to %parallel_loop3A_348 step %parallel_loop3A_349 iter_args(%parallel_loop3A_414 = %parallel_loop3A_350) -> (i32)  : i32 {
        %parallel_loop3A_415 = vector.broadcast %parallel_loop3A_413 : i32 to vector<16xi32>
        %parallel_loop3A_416 = arith.index_cast %parallel_loop3A_413 : i32 to index
        %parallel_loop3A_417 = arith.constant 0 : index
        %parallel_loop3A_418 = tpu.vector_load %arg18[%parallel_loop3A_416, %parallel_loop3A_417] {strides = array<i32>} : memref<32x128xf32, #tpu.memory_space<vmem>>, vector<16xf32>,
        %parallel_loop3A_419 = arith.index_cast %parallel_loop3A_413 : i32 to index
        %parallel_loop3A_420 = arith.constant 0 : index
        %parallel_loop3A_421 = tpu.vector_load %arg19[%parallel_loop3A_419, %parallel_loop3A_420] {strides = array<i32>} : memref<32x128xf32, #tpu.memory_space<vmem>>, vector<16xf32>,
        %parallel_loop3A_422 = arith.addf %parallel_loop3A_418, %parallel_loop3A_421 : vector<16xf32>
        %parallel_loop3A_423 = arith.constant 2.000000e-01 : f32
        %parallel_loop3A_424 = vector.broadcast %parallel_loop3A_423 : f32 to vector<16xf32>
        %parallel_loop3A_425 = arith.mulf %parallel_loop3A_424, %parallel_loop3A_422 : vector<16xf32>
        %parallel_loop3A_426 = arith.maximumf %parallel_loop3A_422, %parallel_loop3A_425 : vector<16xf32>
        %parallel_loop3A_427 = arith.mulf %get3A_274, %parallel_loop3A_426 : vector<16xf32>
        %parallel_loop3A_428 = arith.addf %broadcast_in_dim3A_3, %parallel_loop3A_427 : vector<16xf32>
        %parallel_loop3A_429 = arith.index_cast %parallel_loop3A_413 : i32 to index
        %parallel_loop3A_430 = arith.constant 16 : index
        %parallel_loop3A_431 = tpu.vector_load %arg18[%parallel_loop3A_429, %parallel_loop3A_430] {strides = array<i32>} : memref<32x128xf32, #tpu.memory_space<vmem>>, vector<16xf32>,
        %parallel_loop3A_432 = arith.index_cast %parallel_loop3A_413 : i32 to index
        %parallel_loop3A_433 = arith.constant 16 : index
        %parallel_loop3A_434 = tpu.vector_load %arg19[%parallel_loop3A_432, %parallel_loop3A_433] {strides = array<i32>} : memref<32x128xf32, #tpu.memory_space<vmem>>, vector<16xf32>,
        %parallel_loop3A_435 = arith.addf %parallel_loop3A_431, %parallel_loop3A_434 : vector<16xf32>
        %parallel_loop3A_436 = arith.constant 2.000000e-01 : f32
        %parallel_loop3A_437 = vector.broadcast %parallel_loop3A_436 : f32 to vector<16xf32>
        %parallel_loop3A_438 = arith.mulf %parallel_loop3A_437, %parallel_loop3A_435 : vector<16xf32>
        %parallel_loop3A_439 = arith.maximumf %parallel_loop3A_435, %parallel_loop3A_438 : vector<16xf32>
        %parallel_loop3A_440 = arith.mulf %get3A_276, %parallel_loop3A_439 : vector<16xf32>
        %parallel_loop3A_441 = arith.addf %parallel_loop3A_428, %parallel_loop3A_440 : vector<16xf32>
        %parallel_loop3A_442 = arith.constant true
        %parallel_loop3A_443 = vector.broadcast %parallel_loop3A_442 : i1 to vector<16xi1>
        %parallel_loop3A_444 = tpu.scan <sum>, %parallel_loop3A_441 masked %parallel_loop3A_443 : vector<16xf32>, vector<16xi1> -> vector<16xf32>
        %parallel_loop3A_445 = vector.extract %parallel_loop3A_444[15] : f32 from vector<16xf32>
        %parallel_loop3A_446 = vector.broadcast %parallel_loop3A_445 : f32 to vector<16xf32>
        %parallel_loop3A_447 = math.exp %parallel_loop3A_446 : vector<16xf32>
        %parallel_loop3A_448 = arith.mulf %parallel_loop3A_418, %parallel_loop3A_447 : vector<16xf32>
        %parallel_loop3A_449 = arith.index_cast %parallel_loop3A_413 : i32 to index
        %parallel_loop3A_450 = arith.constant 0 : index
        %parallel_loop3A_451 = tpu.vector_load %arg18[%parallel_loop3A_449, %parallel_loop3A_450] {strides = array<i32>} : memref<32x128xf32, #tpu.memory_space<vmem>>, vector<16xf32>,
        tpu.vector_store %arg18[%parallel_loop3A_449, %parallel_loop3A_450], %parallel_loop3A_448 {strides = array<i32>} : memref<32x128xf32, #tpu.memory_space<vmem>>, vector<16xf32>,
        %parallel_loop3A_452 = arith.mulf %parallel_loop3A_431, %parallel_loop3A_447 : vector<16xf32>
        %parallel_loop3A_453 = arith.index_cast %parallel_loop3A_413 : i32 to index
        %parallel_loop3A_454 = arith.constant 16 : index
        %parallel_loop3A_455 = tpu.vector_load %arg18[%parallel_loop3A_453, %parallel_loop3A_454] {strides = array<i32>} : memref<32x128xf32, #tpu.memory_space<vmem>>, vector<16xf32>,
        tpu.vector_store %arg18[%parallel_loop3A_453, %parallel_loop3A_454], %parallel_loop3A_452 {strides = array<i32>} : memref<32x128xf32, #tpu.memory_space<vmem>>, vector<16xf32>,
        %parallel_loop3A_456 = arith.constant 0 : i32
        %parallel_loop3A_457 = vector.broadcast %parallel_loop3A_456 : i32 to vector<16xi32>
        %parallel_loop3A_458 = arith.cmpi eq, %iota3A, %parallel_loop3A_457 : vector<16xi32>
        %parallel_loop3A_459 = arith.select %parallel_loop3A_458, %parallel_loop3A_447, %broadcast_in_dim3A_3 : vector<16xi1>, vector<16xf32>
        %parallel_loop3A_460 = arith.index_cast %parallel_loop3A_413 : i32 to index
        %parallel_loop3A_461 = arith.constant 32 : index
        %parallel_loop3A_462 = tpu.vector_load %arg18[%parallel_loop3A_460, %parallel_loop3A_461] {strides = array<i32>} : memref<32x128xf32, #tpu.memory_space<vmem>>, vector<16xf32>,
        %parallel_loop3A_463 = arith.index_cast %parallel_loop3A_413 : i32 to index
        %parallel_loop3A_464 = arith.constant 32 : index
        %parallel_loop3A_465 = tpu.vector_load %arg19[%parallel_loop3A_463, %parallel_loop3A_464] {strides = array<i32>} : memref<32x128xf32, #tpu.memory_space<vmem>>, vector<16xf32>,
        %parallel_loop3A_466 = arith.addf %parallel_loop3A_462, %parallel_loop3A_465 : vector<16xf32>
        %parallel_loop3A_467 = arith.constant 2.000000e-01 : f32
        %parallel_loop3A_468 = vector.broadcast %parallel_loop3A_467 : f32 to vector<16xf32>
        %parallel_loop3A_469 = arith.mulf %parallel_loop3A_468, %parallel_loop3A_466 : vector<16xf32>
        %parallel_loop3A_470 = arith.maximumf %parallel_loop3A_466, %parallel_loop3A_469 : vector<16xf32>
        %parallel_loop3A_471 = arith.mulf %get3A_278, %parallel_loop3A_470 : vector<16xf32>
        %parallel_loop3A_472 = arith.addf %broadcast_in_dim3A_3, %parallel_loop3A_471 : vector<16xf32>
        %parallel_loop3A_473 = arith.index_cast %parallel_loop3A_413 : i32 to index
        %parallel_loop3A_474 = arith.constant 48 : index
        %parallel_loop3A_475 = tpu.vector_load %arg18[%parallel_loop3A_473, %parallel_loop3A_474] {strides = array<i32>} : memref<32x128xf32, #tpu.memory_space<vmem>>, vector<16xf32>,
        %parallel_loop3A_476 = arith.index_cast %parallel_loop3A_413 : i32 to index
        %parallel_loop3A_477 = arith.constant 48 : index
        %parallel_loop3A_478 = tpu.vector_load %arg19[%parallel_loop3A_476, %parallel_loop3A_477] {strides = array<i32>} : memref<32x128xf32, #tpu.memory_space<vmem>>, vector<16xf32>,
        %parallel_loop3A_479 = arith.addf %parallel_loop3A_475, %parallel_loop3A_478 : vector<16xf32>
        %parallel_loop3A_480 = arith.constant 2.000000e-01 : f32
        %parallel_loop3A_481 = vector.broadcast %parallel_loop3A_480 : f32 to vector<16xf32>
        %parallel_loop3A_482 = arith.mulf %parallel_loop3A_481, %parallel_loop3A_479 : vector<16xf32>
        %parallel_loop3A_483 = arith.maximumf %parallel_loop3A_479, %parallel_loop3A_482 : vector<16xf32>
        %parallel_loop3A_484 = arith.mulf %get3A_280, %parallel_loop3A_483 : vector<16xf32>
        %parallel_loop3A_485 = arith.addf %parallel_loop3A_472, %parallel_loop3A_484 : vector<16xf32>
        %parallel_loop3A_486 = arith.constant true
        %parallel_loop3A_487 = vector.broadcast %parallel_loop3A_486 : i1 to vector<16xi1>
        %parallel_loop3A_488 = tpu.scan <sum>, %parallel_loop3A_485 masked %parallel_loop3A_487 : vector<16xf32>, vector<16xi1> -> vector<16xf32>
        %parallel_loop3A_489 = vector.extract %parallel_loop3A_488[15] : f32 from vector<16xf32>
        %parallel_loop3A_490 = vector.broadcast %parallel_loop3A_489 : f32 to vector<16xf32>
        %parallel_loop3A_491 = math.exp %parallel_loop3A_490 : vector<16xf32>
        %parallel_loop3A_492 = arith.mulf %parallel_loop3A_462, %parallel_loop3A_491 : vector<16xf32>
        %parallel_loop3A_493 = arith.index_cast %parallel_loop3A_413 : i32 to index
        %parallel_loop3A_494 = arith.constant 32 : index
        %parallel_loop3A_495 = tpu.vector_load %arg18[%parallel_loop3A_493, %parallel_loop3A_494] {strides = array<i32>} : memref<32x128xf32, #tpu.memory_space<vmem>>, vector<16xf32>,
        tpu.vector_store %arg18[%parallel_loop3A_493, %parallel_loop3A_494], %parallel_loop3A_492 {strides = array<i32>} : memref<32x128xf32, #tpu.memory_space<vmem>>, vector<16xf32>,
        %parallel_loop3A_496 = arith.mulf %parallel_loop3A_475, %parallel_loop3A_491 : vector<16xf32>
        %parallel_loop3A_497 = arith.index_cast %parallel_loop3A_413 : i32 to index
        %parallel_loop3A_498 = arith.constant 48 : index
        %parallel_loop3A_499 = tpu.vector_load %arg18[%parallel_loop3A_497, %parallel_loop3A_498] {strides = array<i32>} : memref<32x128xf32, #tpu.memory_space<vmem>>, vector<16xf32>,
        tpu.vector_store %arg18[%parallel_loop3A_497, %parallel_loop3A_498], %parallel_loop3A_496 {strides = array<i32>} : memref<32x128xf32, #tpu.memory_space<vmem>>, vector<16xf32>,
        %parallel_loop3A_500 = arith.constant 1 : i32
        %parallel_loop3A_501 = vector.broadcast %parallel_loop3A_500 : i32 to vector<16xi32>
        %parallel_loop3A_502 = arith.cmpi eq, %iota3A, %parallel_loop3A_501 : vector<16xi32>
        %parallel_loop3A_503 = arith.select %parallel_loop3A_502, %parallel_loop3A_491, %parallel_loop3A_459 : vector<16xi1>, vector<16xf32>
        %parallel_loop3A_504 = arith.index_cast %parallel_loop3A_413 : i32 to index
        %parallel_loop3A_505 = arith.constant 64 : index
        %parallel_loop3A_506 = tpu.vector_load %arg18[%parallel_loop3A_504, %parallel_loop3A_505] {strides = array<i32>} : memref<32x128xf32, #tpu.memory_space<vmem>>, vector<16xf32>,
        %parallel_loop3A_507 = arith.index_cast %parallel_loop3A_413 : i32 to index
        %parallel_loop3A_508 = arith.constant 64 : index
        %parallel_loop3A_509 = tpu.vector_load %arg19[%parallel_loop3A_507, %parallel_loop3A_508] {strides = array<i32>} : memref<32x128xf32, #tpu.memory_space<vmem>>, vector<16xf32>,
        %parallel_loop3A_510 = arith.addf %parallel_loop3A_506, %parallel_loop3A_509 : vector<16xf32>
        %parallel_loop3A_511 = arith.constant 2.000000e-01 : f32
        %parallel_loop3A_512 = vector.broadcast %parallel_loop3A_511 : f32 to vector<16xf32>
        %parallel_loop3A_513 = arith.mulf %parallel_loop3A_512, %parallel_loop3A_510 : vector<16xf32>
        %parallel_loop3A_514 = arith.maximumf %parallel_loop3A_510, %parallel_loop3A_513 : vector<16xf32>
        %parallel_loop3A_515 = arith.mulf %get3A_282, %parallel_loop3A_514 : vector<16xf32>
        %parallel_loop3A_516 = arith.addf %broadcast_in_dim3A_3, %parallel_loop3A_515 : vector<16xf32>
        %parallel_loop3A_517 = arith.index_cast %parallel_loop3A_413 : i32 to index
        %parallel_loop3A_518 = arith.constant 80 : index
        %parallel_loop3A_519 = tpu.vector_load %arg18[%parallel_loop3A_517, %parallel_loop3A_518] {strides = array<i32>} : memref<32x128xf32, #tpu.memory_space<vmem>>, vector<16xf32>,
        %parallel_loop3A_520 = arith.index_cast %parallel_loop3A_413 : i32 to index
        %parallel_loop3A_521 = arith.constant 80 : index
        %parallel_loop3A_522 = tpu.vector_load %arg19[%parallel_loop3A_520, %parallel_loop3A_521] {strides = array<i32>} : memref<32x128xf32, #tpu.memory_space<vmem>>, vector<16xf32>,
        %parallel_loop3A_523 = arith.addf %parallel_loop3A_519, %parallel_loop3A_522 : vector<16xf32>
        %parallel_loop3A_524 = arith.constant 2.000000e-01 : f32
        %parallel_loop3A_525 = vector.broadcast %parallel_loop3A_524 : f32 to vector<16xf32>
        %parallel_loop3A_526 = arith.mulf %parallel_loop3A_525, %parallel_loop3A_523 : vector<16xf32>
        %parallel_loop3A_527 = arith.maximumf %parallel_loop3A_523, %parallel_loop3A_526 : vector<16xf32>
        %parallel_loop3A_528 = arith.mulf %get3A_284, %parallel_loop3A_527 : vector<16xf32>
        %parallel_loop3A_529 = arith.addf %parallel_loop3A_516, %parallel_loop3A_528 : vector<16xf32>
        %parallel_loop3A_530 = arith.constant true
        %parallel_loop3A_531 = vector.broadcast %parallel_loop3A_530 : i1 to vector<16xi1>
        %parallel_loop3A_532 = tpu.scan <sum>, %parallel_loop3A_529 masked %parallel_loop3A_531 : vector<16xf32>, vector<16xi1> -> vector<16xf32>
        %parallel_loop3A_533 = vector.extract %parallel_loop3A_532[15] : f32 from vector<16xf32>
        %parallel_loop3A_534 = vector.broadcast %parallel_loop3A_533 : f32 to vector<16xf32>
        %parallel_loop3A_535 = math.exp %parallel_loop3A_534 : vector<16xf32>
        %parallel_loop3A_536 = arith.mulf %parallel_loop3A_506, %parallel_loop3A_535 : vector<16xf32>
        %parallel_loop3A_537 = arith.index_cast %parallel_loop3A_413 : i32 to index
        %parallel_loop3A_538 = arith.constant 64 : index
        %parallel_loop3A_539 = tpu.vector_load %arg18[%parallel_loop3A_537, %parallel_loop3A_538] {strides = array<i32>} : memref<32x128xf32, #tpu.memory_space<vmem>>, vector<16xf32>,
        tpu.vector_store %arg18[%parallel_loop3A_537, %parallel_loop3A_538], %parallel_loop3A_536 {strides = array<i32>} : memref<32x128xf32, #tpu.memory_space<vmem>>, vector<16xf32>,
        %parallel_loop3A_540 = arith.mulf %parallel_loop3A_519, %parallel_loop3A_535 : vector<16xf32>
        %parallel_loop3A_541 = arith.index_cast %parallel_loop3A_413 : i32 to index
        %parallel_loop3A_542 = arith.constant 80 : index
        %parallel_loop3A_543 = tpu.vector_load %arg18[%parallel_loop3A_541, %parallel_loop3A_542] {strides = array<i32>} : memref<32x128xf32, #tpu.memory_space<vmem>>, vector<16xf32>,
        tpu.vector_store %arg18[%parallel_loop3A_541, %parallel_loop3A_542], %parallel_loop3A_540 {strides = array<i32>} : memref<32x128xf32, #tpu.memory_space<vmem>>, vector<16xf32>,
        %parallel_loop3A_544 = arith.constant 2 : i32
        %parallel_loop3A_545 = vector.broadcast %parallel_loop3A_544 : i32 to vector<16xi32>
        %parallel_loop3A_546 = arith.cmpi eq, %iota3A, %parallel_loop3A_545 : vector<16xi32>
        %parallel_loop3A_547 = arith.select %parallel_loop3A_546, %parallel_loop3A_535, %parallel_loop3A_503 : vector<16xi1>, vector<16xf32>
        %parallel_loop3A_548 = arith.index_cast %parallel_loop3A_413 : i32 to index
        %parallel_loop3A_549 = arith.constant 96 : index
        %parallel_loop3A_550 = tpu.vector_load %arg18[%parallel_loop3A_548, %parallel_loop3A_549] {strides = array<i32>} : memref<32x128xf32, #tpu.memory_space<vmem>>, vector<16xf32>,
        %parallel_loop3A_551 = arith.index_cast %parallel_loop3A_413 : i32 to index
        %parallel_loop3A_552 = arith.constant 96 : index
        %parallel_loop3A_553 = tpu.vector_load %arg19[%parallel_loop3A_551, %parallel_loop3A_552] {strides = array<i32>} : memref<32x128xf32, #tpu.memory_space<vmem>>, vector<16xf32>,
        %parallel_loop3A_554 = arith.addf %parallel_loop3A_550, %parallel_loop3A_553 : vector<16xf32>
        %parallel_loop3A_555 = arith.constant 2.000000e-01 : f32
        %parallel_loop3A_556 = vector.broadcast %parallel_loop3A_555 : f32 to vector<16xf32>
        %parallel_loop3A_557 = arith.mulf %parallel_loop3A_556, %parallel_loop3A_554 : vector<16xf32>
        %parallel_loop3A_558 = arith.maximumf %parallel_loop3A_554, %parallel_loop3A_557 : vector<16xf32>
        %parallel_loop3A_559 = arith.mulf %get3A_286, %parallel_loop3A_558 : vector<16xf32>
        %parallel_loop3A_560 = arith.addf %broadcast_in_dim3A_3, %parallel_loop3A_559 : vector<16xf32>
        %parallel_loop3A_561 = arith.index_cast %parallel_loop3A_413 : i32 to index
        %parallel_loop3A_562 = arith.constant 112 : index
        %parallel_loop3A_563 = tpu.vector_load %arg18[%parallel_loop3A_561, %parallel_loop3A_562] {strides = array<i32>} : memref<32x128xf32, #tpu.memory_space<vmem>>, vector<16xf32>,
        %parallel_loop3A_564 = arith.index_cast %parallel_loop3A_413 : i32 to index
        %parallel_loop3A_565 = arith.constant 112 : index
        %parallel_loop3A_566 = tpu.vector_load %arg19[%parallel_loop3A_564, %parallel_loop3A_565] {strides = array<i32>} : memref<32x128xf32, #tpu.memory_space<vmem>>, vector<16xf32>,
        %parallel_loop3A_567 = arith.addf %parallel_loop3A_563, %parallel_loop3A_566 : vector<16xf32>
        %parallel_loop3A_568 = arith.constant 2.000000e-01 : f32
        %parallel_loop3A_569 = vector.broadcast %parallel_loop3A_568 : f32 to vector<16xf32>
        %parallel_loop3A_570 = arith.mulf %parallel_loop3A_569, %parallel_loop3A_567 : vector<16xf32>
        %parallel_loop3A_571 = arith.maximumf %parallel_loop3A_567, %parallel_loop3A_570 : vector<16xf32>
        %parallel_loop3A_572 = arith.mulf %get3A_288, %parallel_loop3A_571 : vector<16xf32>
        %parallel_loop3A_573 = arith.addf %parallel_loop3A_560, %parallel_loop3A_572 : vector<16xf32>
        %parallel_loop3A_574 = arith.constant true
        %parallel_loop3A_575 = vector.broadcast %parallel_loop3A_574 : i1 to vector<16xi1>
        %parallel_loop3A_576 = tpu.scan <sum>, %parallel_loop3A_573 masked %parallel_loop3A_575 : vector<16xf32>, vector<16xi1> -> vector<16xf32>
        %parallel_loop3A_577 = vector.extract %parallel_loop3A_576[15] : f32 from vector<16xf32>
        %parallel_loop3A_578 = vector.broadcast %parallel_loop3A_577 : f32 to vector<16xf32>
        %parallel_loop3A_579 = math.exp %parallel_loop3A_578 : vector<16xf32>
        %parallel_loop3A_580 = arith.mulf %parallel_loop3A_550, %parallel_loop3A_579 : vector<16xf32>
        %parallel_loop3A_581 = arith.index_cast %parallel_loop3A_413 : i32 to index
        %parallel_loop3A_582 = arith.constant 96 : index
        %parallel_loop3A_583 = tpu.vector_load %arg18[%parallel_loop3A_581, %parallel_loop3A_582] {strides = array<i32>} : memref<32x128xf32, #tpu.memory_space<vmem>>, vector<16xf32>,
        tpu.vector_store %arg18[%parallel_loop3A_581, %parallel_loop3A_582], %parallel_loop3A_580 {strides = array<i32>} : memref<32x128xf32, #tpu.memory_space<vmem>>, vector<16xf32>,
        %parallel_loop3A_584 = arith.mulf %parallel_loop3A_563, %parallel_loop3A_579 : vector<16xf32>
        %parallel_loop3A_585 = arith.index_cast %parallel_loop3A_413 : i32 to index
        %parallel_loop3A_586 = arith.constant 112 : index
        %parallel_loop3A_587 = tpu.vector_load %arg18[%parallel_loop3A_585, %parallel_loop3A_586] {strides = array<i32>} : memref<32x128xf32, #tpu.memory_space<vmem>>, vector<16xf32>,
        tpu.vector_store %arg18[%parallel_loop3A_585, %parallel_loop3A_586], %parallel_loop3A_584 {strides = array<i32>} : memref<32x128xf32, #tpu.memory_space<vmem>>, vector<16xf32>,
        %parallel_loop3A_588 = arith.constant 3 : i32
        %parallel_loop3A_589 = vector.broadcast %parallel_loop3A_588 : i32 to vector<16xi32>
        %parallel_loop3A_590 = arith.cmpi eq, %iota3A, %parallel_loop3A_589 : vector<16xi32>
        %parallel_loop3A_591 = arith.select %parallel_loop3A_590, %parallel_loop3A_579, %parallel_loop3A_547 : vector<16xi1>, vector<16xf32>
        %parallel_loop3A_592 = tpu.vector_load_idx %arg13[%parallel_loop3A_415] : memref<32xi32, #tpu.memory_space<vmem>>[vector<16xi32>], vector<16xi32>,
        %parallel_loop3A_593 = arith.index_cast %parallel_loop3A_413 : i32 to index
        %parallel_loop3A_594 = arith.constant 0 : index
        %parallel_loop3A_595 = tpu.vector_load %arg19[%parallel_loop3A_593, %parallel_loop3A_594] {strides = array<i32>} : memref<32x128xf32, #tpu.memory_space<vmem>>, vector<16xf32>,
        tpu.vector_store %arg19[%parallel_loop3A_593, %parallel_loop3A_594], %broadcast_in_dim3A_3 {strides = array<i32>} : memref<32x128xf32, #tpu.memory_space<vmem>>, vector<16xf32>,
        %parallel_loop3A_596 = arith.index_cast %parallel_loop3A_413 : i32 to index
        %parallel_loop3A_597 = arith.constant 16 : index
        %parallel_loop3A_598 = tpu.vector_load %arg19[%parallel_loop3A_596, %parallel_loop3A_597] {strides = array<i32>} : memref<32x128xf32, #tpu.memory_space<vmem>>, vector<16xf32>,
        tpu.vector_store %arg19[%parallel_loop3A_596, %parallel_loop3A_597], %broadcast_in_dim3A_3 {strides = array<i32>} : memref<32x128xf32, #tpu.memory_space<vmem>>, vector<16xf32>,
        %parallel_loop3A_599 = arith.index_cast %parallel_loop3A_413 : i32 to index
        %parallel_loop3A_600 = arith.constant 32 : index
        %parallel_loop3A_601 = tpu.vector_load %arg19[%parallel_loop3A_599, %parallel_loop3A_600] {strides = array<i32>} : memref<32x128xf32, #tpu.memory_space<vmem>>, vector<16xf32>,
        tpu.vector_store %arg19[%parallel_loop3A_599, %parallel_loop3A_600], %broadcast_in_dim3A_3 {strides = array<i32>} : memref<32x128xf32, #tpu.memory_space<vmem>>, vector<16xf32>,
        %parallel_loop3A_602 = arith.index_cast %parallel_loop3A_413 : i32 to index
        %parallel_loop3A_603 = arith.constant 48 : index
        %parallel_loop3A_604 = tpu.vector_load %arg19[%parallel_loop3A_602, %parallel_loop3A_603] {strides = array<i32>} : memref<32x128xf32, #tpu.memory_space<vmem>>, vector<16xf32>,
        tpu.vector_store %arg19[%parallel_loop3A_602, %parallel_loop3A_603], %broadcast_in_dim3A_3 {strides = array<i32>} : memref<32x128xf32, #tpu.memory_space<vmem>>, vector<16xf32>,
        %parallel_loop3A_605 = arith.index_cast %parallel_loop3A_413 : i32 to index
        %parallel_loop3A_606 = arith.constant 64 : index
        %parallel_loop3A_607 = tpu.vector_load %arg19[%parallel_loop3A_605, %parallel_loop3A_606] {strides = array<i32>} : memref<32x128xf32, #tpu.memory_space<vmem>>, vector<16xf32>,
        tpu.vector_store %arg19[%parallel_loop3A_605, %parallel_loop3A_606], %broadcast_in_dim3A_3 {strides = array<i32>} : memref<32x128xf32, #tpu.memory_space<vmem>>, vector<16xf32>,
        %parallel_loop3A_608 = arith.index_cast %parallel_loop3A_413 : i32 to index
        %parallel_loop3A_609 = arith.constant 80 : index
        %parallel_loop3A_610 = tpu.vector_load %arg19[%parallel_loop3A_608, %parallel_loop3A_609] {strides = array<i32>} : memref<32x128xf32, #tpu.memory_space<vmem>>, vector<16xf32>,
        tpu.vector_store %arg19[%parallel_loop3A_608, %parallel_loop3A_609], %broadcast_in_dim3A_3 {strides = array<i32>} : memref<32x128xf32, #tpu.memory_space<vmem>>, vector<16xf32>,
        %parallel_loop3A_611 = arith.index_cast %parallel_loop3A_413 : i32 to index
        %parallel_loop3A_612 = arith.constant 96 : index
        %parallel_loop3A_613 = tpu.vector_load %arg19[%parallel_loop3A_611, %parallel_loop3A_612] {strides = array<i32>} : memref<32x128xf32, #tpu.memory_space<vmem>>, vector<16xf32>,
        tpu.vector_store %arg19[%parallel_loop3A_611, %parallel_loop3A_612], %broadcast_in_dim3A_3 {strides = array<i32>} : memref<32x128xf32, #tpu.memory_space<vmem>>, vector<16xf32>,
        %parallel_loop3A_614 = arith.index_cast %parallel_loop3A_413 : i32 to index
        %parallel_loop3A_615 = arith.constant 112 : index
        %parallel_loop3A_616 = tpu.vector_load %arg19[%parallel_loop3A_614, %parallel_loop3A_615] {strides = array<i32>} : memref<32x128xf32, #tpu.memory_space<vmem>>, vector<16xf32>,
        tpu.vector_store %arg19[%parallel_loop3A_614, %parallel_loop3A_615], %broadcast_in_dim3A_3 {strides = array<i32>} : memref<32x128xf32, #tpu.memory_space<vmem>>, vector<16xf32>,
        %parallel_loop3A_617 = arith.constant 7 : i32
        %parallel_loop3A_618 = vector.broadcast %parallel_loop3A_617 : i32 to vector<16xi32>
        %parallel_loop3A_619 = arith.andi %parallel_loop3A_592, %parallel_loop3A_618 : vector<16xi32>
        %parallel_loop3A_620 = arith.constant 16 : i32
        %parallel_loop3A_621 = vector.broadcast %parallel_loop3A_620 : i32 to vector<16xi32>
        %parallel_loop3A_622 = arith.muli %parallel_loop3A_619, %parallel_loop3A_621 : vector<16xi32>
        %parallel_loop3A_623 = arith.addi %parallel_loop3A_622, %iota3A : vector<16xi32>
        tpu.vector_store_idx %arg19[%parallel_loop3A_415, %parallel_loop3A_623], %parallel_loop3A_591 : memref<32x128xf32, #tpu.memory_space<vmem>>[vector<16xi32>, vector<16xi32>], vector<16xf32>,
        scf.yield %parallel_loop3A_414 : i32
      } {sc.loop_unroll_factor = 16 : i64, sc.parallel_access}
      %dma_start3A_352 = arith.constant 0 : i32
      %dma_start3A_353 = arith.constant 0 : i32
      %dma_start3A_354 = tpu.memref_slice %arg22[%dma_start3A_352, %dma_start3A_353] : memref<10240x128xf32, #tpu.memory_space<vmem_shared>> -> memref<10240x128xf32, #tpu.memory_space<vmem_shared>>
      tpu.enqueue_indirect_dma source(%arg18 : memref<32x128xf32, #tpu.memory_space<vmem>>) target(%dma_start3A_354 : memref<10240x128xf32, #tpu.memory_space<vmem_shared>>) offsets(%arg13 : memref<32xi32, #tpu.memory_space<vmem>>) semaphore(%arg26 : memref<!tpu.dma_semaphore, #tpu.memory_space<semaphore_mem>>) {add = true}
      %dma_start3A_355 = arith.constant 0 : i32
      %dma_start3A_356 = arith.constant 0 : i32
      %dma_start3A_357 = tpu.memref_slice %arg23[%dma_start3A_355, %dma_start3A_356] : memref<1280x128xf32, #tpu.memory_space<vmem_shared>> -> memref<1280x128xf32, #tpu.memory_space<vmem_shared>>
      tpu.enqueue_indirect_dma source(%arg19 : memref<32x128xf32, #tpu.memory_space<vmem>>) target(%dma_start3A_357 : memref<1280x128xf32, #tpu.memory_space<vmem_shared>>) offsets(%arg14 : memref<32xi32, #tpu.memory_space<vmem>>) semaphore(%arg26 : memref<!tpu.dma_semaphore, #tpu.memory_space<semaphore_mem>>) {add = true}
      %dma_wait3A_358 = arith.constant 0 : i32
      %dma_wait3A_359 = arith.constant 0 : i32
      %dma_wait3A_360 = tpu.memref_slice %arg22[%dma_wait3A_358, %dma_wait3A_359] : memref<10240x128xf32, #tpu.memory_space<vmem_shared>> -> memref<10240x128xf32, #tpu.memory_space<vmem_shared>>
      tpu.wait_indirect_dma semaphore(%arg26 : memref<!tpu.dma_semaphore, #tpu.memory_space<semaphore_mem>>) src(%arg18 : memref<32x128xf32, #tpu.memory_space<vmem>>) dst(%dma_wait3A_360 : memref<10240x128xf32, #tpu.memory_space<vmem_shared>>)
      %dma_wait3A_361 = arith.constant 0 : i32
      %dma_wait3A_362 = arith.constant 0 : i32
      %dma_wait3A_363 = tpu.memref_slice %arg23[%dma_wait3A_361, %dma_wait3A_362] : memref<1280x128xf32, #tpu.memory_space<vmem_shared>> -> memref<1280x128xf32, #tpu.memory_space<vmem_shared>>
      tpu.wait_indirect_dma semaphore(%arg26 : memref<!tpu.dma_semaphore, #tpu.memory_space<semaphore_mem>>) src(%arg19 : memref<32x128xf32, #tpu.memory_space<vmem>>) dst(%dma_wait3A_363 : memref<1280x128xf32, #tpu.memory_space<vmem_shared>>)
      %add3A_364 = arith.constant 2 : i32
      %add3A_365 = arith.addi %mul3A_312, %add3A_364 : i32
      %lt3A = arith.constant 324 : i32
      %lt3A_366 = arith.cmpi slt, %add3A_365, %lt3A : i32
      %convert_element_type3A_367 = arith.extui %lt3A_366 : i1 to i32
      %cond3A_368 = arith.constant 0 : i32
      %cond3A_369 = arith.cmpi ne, %convert_element_type3A_367, %cond3A_368 : i32
      scf.if %cond3A_369 {
        %add3A_413 = arith.constant 2 : i32
        %add3A_414 = arith.addi %mul3A_312, %add3A_413 : i32
        %mul3A_415 = arith.constant 32 : i32
        %mul3A_416 = arith.muli %add3A_414, %mul3A_415 : i32
        %add3A_417 = arith.addi %mul3A_273, %mul3A_416 : i32
        "tpu.region"() ({
          %run_scoped3A = tpu.sem_alloc : memref<!tpu.dma_semaphore, #tpu.memory_space<semaphore_mem>>
          %dma_start3A_424 = tpu.memref_slice %arg4[%add3A_417] : memref<331776xi32, #tpu.memory_space<hbm>> -> memref<32xi32, #tpu.memory_space<hbm>>
          %dma_start3A_425 = tpu.memref_slice %arg4[%add3A_417] : memref<331776xi32, #tpu.memory_space<hbm>> -> memref<32xi32, #tpu.memory_space<hbm>>
          tpu.enqueue_dma source(%dma_start3A_425 : memref<32xi32, #tpu.memory_space<hbm>>) target(%arg12 : memref<32xi32, #tpu.memory_space<vmem>>) target_semaphore(%run_scoped3A : memref<!tpu.dma_semaphore, #tpu.memory_space<semaphore_mem>>)
          %dma_wait3A_426 = tpu.memref_slice %arg4[%add3A_417] : memref<331776xi32, #tpu.memory_space<hbm>> -> memref<32xi32, #tpu.memory_space<hbm>>
          %dma_wait3A_427 = tpu.memref_slice %arg4[%add3A_417] : memref<331776xi32, #tpu.memory_space<hbm>> -> memref<32xi32, #tpu.memory_space<hbm>>
          tpu.wait_dma2 semaphore(%run_scoped3A : memref<!tpu.dma_semaphore, #tpu.memory_space<semaphore_mem>>) src(%dma_wait3A_427 : memref<32xi32, #tpu.memory_space<hbm>>) dst(%arg12 : memref<32xi32, #tpu.memory_space<vmem>>)
          tpu.yield
        }) : () -> ()
        "tpu.region"() ({
          %run_scoped3A = tpu.sem_alloc : memref<!tpu.dma_semaphore, #tpu.memory_space<semaphore_mem>>
          %dma_start3A_424 = tpu.memref_slice %arg5[%add3A_417] : memref<331776xi32, #tpu.memory_space<hbm>> -> memref<32xi32, #tpu.memory_space<hbm>>
          %dma_start3A_425 = tpu.memref_slice %arg5[%add3A_417] : memref<331776xi32, #tpu.memory_space<hbm>> -> memref<32xi32, #tpu.memory_space<hbm>>
          tpu.enqueue_dma source(%dma_start3A_425 : memref<32xi32, #tpu.memory_space<hbm>>) target(%arg13 : memref<32xi32, #tpu.memory_space<vmem>>) target_semaphore(%run_scoped3A : memref<!tpu.dma_semaphore, #tpu.memory_space<semaphore_mem>>)
          %dma_wait3A_426 = tpu.memref_slice %arg5[%add3A_417] : memref<331776xi32, #tpu.memory_space<hbm>> -> memref<32xi32, #tpu.memory_space<hbm>>
          %dma_wait3A_427 = tpu.memref_slice %arg5[%add3A_417] : memref<331776xi32, #tpu.memory_space<hbm>> -> memref<32xi32, #tpu.memory_space<hbm>>
          tpu.wait_dma2 semaphore(%run_scoped3A : memref<!tpu.dma_semaphore, #tpu.memory_space<semaphore_mem>>) src(%dma_wait3A_427 : memref<32xi32, #tpu.memory_space<hbm>>) dst(%arg13 : memref<32xi32, #tpu.memory_space<vmem>>)
          tpu.yield
        }) : () -> ()
        %dma_start3A_418 = arith.constant 0 : i32
        %dma_start3A_419 = arith.constant 0 : i32
        %dma_start3A_420 = tpu.memref_slice %arg2[%dma_start3A_418, %dma_start3A_419] : memref<10240x128xf32, #tpu.memory_space<hbm>> -> memref<10240x128xf32, #tpu.memory_space<hbm>>
        tpu.enqueue_indirect_dma source(%dma_start3A_420 : memref<10240x128xf32, #tpu.memory_space<hbm>>) target(%arg18 : memref<32x128xf32, #tpu.memory_space<vmem>>) offsets(%arg12 : memref<32xi32, #tpu.memory_space<vmem>>) semaphore(%arg24 : memref<!tpu.dma_semaphore, #tpu.memory_space<semaphore_mem>>)
        %dma_start3A_421 = arith.constant 0 : i32
        %dma_start3A_422 = arith.constant 0 : i32
        %dma_start3A_423 = tpu.memref_slice %arg3[%dma_start3A_421, %dma_start3A_422] : memref<10240x128xf32, #tpu.memory_space<hbm>> -> memref<10240x128xf32, #tpu.memory_space<hbm>>
        tpu.enqueue_indirect_dma source(%dma_start3A_423 : memref<10240x128xf32, #tpu.memory_space<hbm>>) target(%arg19 : memref<32x128xf32, #tpu.memory_space<vmem>>) offsets(%arg13 : memref<32xi32, #tpu.memory_space<vmem>>) semaphore(%arg24 : memref<!tpu.dma_semaphore, #tpu.memory_space<semaphore_mem>>)
      } else {
      }
      %dma_wait3A_370 = arith.constant 0 : i32
      %dma_wait3A_371 = arith.constant 0 : i32
      %dma_wait3A_372 = tpu.memref_slice %arg2[%dma_wait3A_370, %dma_wait3A_371] : memref<10240x128xf32, #tpu.memory_space<hbm>> -> memref<32x128xf32, #tpu.memory_space<hbm>>
      %dma_wait3A_373 = arith.constant 0 : i32
      %dma_wait3A_374 = arith.constant 0 : i32
      %dma_wait3A_375 = tpu.memref_slice %arg2[%dma_wait3A_373, %dma_wait3A_374] : memref<10240x128xf32, #tpu.memory_space<hbm>> -> memref<32x128xf32, #tpu.memory_space<hbm>>
      tpu.wait_dma2 semaphore(%arg25 : memref<!tpu.dma_semaphore, #tpu.memory_space<semaphore_mem>>) src(%dma_wait3A_375 : memref<32x128xf32, #tpu.memory_space<hbm>>) dst(%arg20 : memref<32x128xf32, #tpu.memory_space<vmem>>)
      %dma_wait3A_376 = arith.constant 0 : i32
      %dma_wait3A_377 = arith.constant 0 : i32
      %dma_wait3A_378 = tpu.memref_slice %arg2[%dma_wait3A_376, %dma_wait3A_377] : memref<10240x128xf32, #tpu.memory_space<hbm>> -> memref<32x128xf32, #tpu.memory_space<hbm>>
      %dma_wait3A_379 = arith.constant 0 : i32
      %dma_wait3A_380 = arith.constant 0 : i32
      %dma_wait3A_381 = tpu.memref_slice %arg2[%dma_wait3A_379, %dma_wait3A_380] : memref<10240x128xf32, #tpu.memory_space<hbm>> -> memref<32x128xf32, #tpu.memory_space<hbm>>
      tpu.wait_dma2 semaphore(%arg25 : memref<!tpu.dma_semaphore, #tpu.memory_space<semaphore_mem>>) src(%dma_wait3A_381 : memref<32x128xf32, #tpu.memory_space<hbm>>) dst(%arg21 : memref<32x128xf32, #tpu.memory_space<vmem>>)
      %get3A_382 = arith.constant 0 : index
      %get3A_383 = tpu.vector_load %arg16[%get3A_382] {strides = array<i32>} : memref<32xi32, #tpu.memory_space<vmem>>, vector<16xi32>,
      %shift_right_logical3A_384 = arith.constant 3 : i32
      %shift_right_logical3A_385 = vector.broadcast %shift_right_logical3A_384 : i32 to vector<16xi32>
      %shift_right_logical3A_386 = arith.shrui %get3A_383, %shift_right_logical3A_385 : vector<16xi32>
      %swap3A_387 = arith.constant 0 : index
      %swap3A_388 = tpu.vector_load %arg17[%swap3A_387] {strides = array<i32>} : memref<32xi32, #tpu.memory_space<vmem>>, vector<16xi32>,
      tpu.vector_store %arg17[%swap3A_387], %shift_right_logical3A_386 {strides = array<i32>} : memref<32xi32, #tpu.memory_space<vmem>>, vector<16xi32>,
      %get3A_389 = arith.constant 16 : index
      %get3A_390 = tpu.vector_load %arg16[%get3A_389] {strides = array<i32>} : memref<32xi32, #tpu.memory_space<vmem>>, vector<16xi32>,
      %shift_right_logical3A_391 = arith.constant 3 : i32
      %shift_right_logical3A_392 = vector.broadcast %shift_right_logical3A_391 : i32 to vector<16xi32>
      %shift_right_logical3A_393 = arith.shrui %get3A_390, %shift_right_logical3A_392 : vector<16xi32>
      %swap3A_394 = arith.constant 16 : index
      %swap3A_395 = tpu.vector_load %arg17[%swap3A_394] {strides = array<i32>} : memref<32xi32, #tpu.memory_space<vmem>>, vector<16xi32>,
      tpu.vector_store %arg17[%swap3A_394], %shift_right_logical3A_393 {strides = array<i32>} : memref<32xi32, #tpu.memory_space<vmem>>, vector<16xi32>,
      %parallel_loop3A_396 = arith.constant 0 : i32
      %parallel_loop3A_397 = arith.constant 32 : i32
      %parallel_loop3A_398 = arith.constant 1 : i32
      %parallel_loop3A_399 = arith.constant 0 : i32
      %parallel_loop3A_400 = scf.for %parallel_loop3A_413 = %parallel_loop3A_396 to %parallel_loop3A_397 step %parallel_loop3A_398 iter_args(%parallel_loop3A_414 = %parallel_loop3A_399) -> (i32)  : i32 {
        %parallel_loop3A_415 = vector.broadcast %parallel_loop3A_413 : i32 to vector<16xi32>
        %parallel_loop3A_416 = arith.index_cast %parallel_loop3A_413 : i32 to index
        %parallel_loop3A_417 = arith.constant 0 : index
        %parallel_loop3A_418 = tpu.vector_load %arg20[%parallel_loop3A_416, %parallel_loop3A_417] {strides = array<i32>} : memref<32x128xf32, #tpu.memory_space<vmem>>, vector<16xf32>,
        %parallel_loop3A_419 = arith.index_cast %parallel_loop3A_413 : i32 to index
        %parallel_loop3A_420 = arith.constant 0 : index
        %parallel_loop3A_421 = tpu.vector_load %arg21[%parallel_loop3A_419, %parallel_loop3A_420] {strides = array<i32>} : memref<32x128xf32, #tpu.memory_space<vmem>>, vector<16xf32>,
        %parallel_loop3A_422 = arith.addf %parallel_loop3A_418, %parallel_loop3A_421 : vector<16xf32>
        %parallel_loop3A_423 = arith.constant 2.000000e-01 : f32
        %parallel_loop3A_424 = vector.broadcast %parallel_loop3A_423 : f32 to vector<16xf32>
        %parallel_loop3A_425 = arith.mulf %parallel_loop3A_424, %parallel_loop3A_422 : vector<16xf32>
        %parallel_loop3A_426 = arith.maximumf %parallel_loop3A_422, %parallel_loop3A_425 : vector<16xf32>
        %parallel_loop3A_427 = arith.mulf %get3A_274, %parallel_loop3A_426 : vector<16xf32>
        %parallel_loop3A_428 = arith.addf %broadcast_in_dim3A_3, %parallel_loop3A_427 : vector<16xf32>
        %parallel_loop3A_429 = arith.index_cast %parallel_loop3A_413 : i32 to index
        %parallel_loop3A_430 = arith.constant 16 : index
        %parallel_loop3A_431 = tpu.vector_load %arg20[%parallel_loop3A_429, %parallel_loop3A_430] {strides = array<i32>} : memref<32x128xf32, #tpu.memory_space<vmem>>, vector<16xf32>,
        %parallel_loop3A_432 = arith.index_cast %parallel_loop3A_413 : i32 to index
        %parallel_loop3A_433 = arith.constant 16 : index
        %parallel_loop3A_434 = tpu.vector_load %arg21[%parallel_loop3A_432, %parallel_loop3A_433] {strides = array<i32>} : memref<32x128xf32, #tpu.memory_space<vmem>>, vector<16xf32>,
        %parallel_loop3A_435 = arith.addf %parallel_loop3A_431, %parallel_loop3A_434 : vector<16xf32>
        %parallel_loop3A_436 = arith.constant 2.000000e-01 : f32
        %parallel_loop3A_437 = vector.broadcast %parallel_loop3A_436 : f32 to vector<16xf32>
        %parallel_loop3A_438 = arith.mulf %parallel_loop3A_437, %parallel_loop3A_435 : vector<16xf32>
        %parallel_loop3A_439 = arith.maximumf %parallel_loop3A_435, %parallel_loop3A_438 : vector<16xf32>
        %parallel_loop3A_440 = arith.mulf %get3A_276, %parallel_loop3A_439 : vector<16xf32>
        %parallel_loop3A_441 = arith.addf %parallel_loop3A_428, %parallel_loop3A_440 : vector<16xf32>
        %parallel_loop3A_442 = arith.constant true
        %parallel_loop3A_443 = vector.broadcast %parallel_loop3A_442 : i1 to vector<16xi1>
        %parallel_loop3A_444 = tpu.scan <sum>, %parallel_loop3A_441 masked %parallel_loop3A_443 : vector<16xf32>, vector<16xi1> -> vector<16xf32>
        %parallel_loop3A_445 = vector.extract %parallel_loop3A_444[15] : f32 from vector<16xf32>
        %parallel_loop3A_446 = vector.broadcast %parallel_loop3A_445 : f32 to vector<16xf32>
        %parallel_loop3A_447 = math.exp %parallel_loop3A_446 : vector<16xf32>
        %parallel_loop3A_448 = arith.mulf %parallel_loop3A_418, %parallel_loop3A_447 : vector<16xf32>
        %parallel_loop3A_449 = arith.index_cast %parallel_loop3A_413 : i32 to index
        %parallel_loop3A_450 = arith.constant 0 : index
        %parallel_loop3A_451 = tpu.vector_load %arg20[%parallel_loop3A_449, %parallel_loop3A_450] {strides = array<i32>} : memref<32x128xf32, #tpu.memory_space<vmem>>, vector<16xf32>,
        tpu.vector_store %arg20[%parallel_loop3A_449, %parallel_loop3A_450], %parallel_loop3A_448 {strides = array<i32>} : memref<32x128xf32, #tpu.memory_space<vmem>>, vector<16xf32>,
        %parallel_loop3A_452 = arith.mulf %parallel_loop3A_431, %parallel_loop3A_447 : vector<16xf32>
        %parallel_loop3A_453 = arith.index_cast %parallel_loop3A_413 : i32 to index
        %parallel_loop3A_454 = arith.constant 16 : index
        %parallel_loop3A_455 = tpu.vector_load %arg20[%parallel_loop3A_453, %parallel_loop3A_454] {strides = array<i32>} : memref<32x128xf32, #tpu.memory_space<vmem>>, vector<16xf32>,
        tpu.vector_store %arg20[%parallel_loop3A_453, %parallel_loop3A_454], %parallel_loop3A_452 {strides = array<i32>} : memref<32x128xf32, #tpu.memory_space<vmem>>, vector<16xf32>,
        %parallel_loop3A_456 = arith.constant 0 : i32
        %parallel_loop3A_457 = vector.broadcast %parallel_loop3A_456 : i32 to vector<16xi32>
        %parallel_loop3A_458 = arith.cmpi eq, %iota3A, %parallel_loop3A_457 : vector<16xi32>
        %parallel_loop3A_459 = arith.select %parallel_loop3A_458, %parallel_loop3A_447, %broadcast_in_dim3A_3 : vector<16xi1>, vector<16xf32>
        %parallel_loop3A_460 = arith.index_cast %parallel_loop3A_413 : i32 to index
        %parallel_loop3A_461 = arith.constant 32 : index
        %parallel_loop3A_462 = tpu.vector_load %arg20[%parallel_loop3A_460, %parallel_loop3A_461] {strides = array<i32>} : memref<32x128xf32, #tpu.memory_space<vmem>>, vector<16xf32>,
        %parallel_loop3A_463 = arith.index_cast %parallel_loop3A_413 : i32 to index
        %parallel_loop3A_464 = arith.constant 32 : index
        %parallel_loop3A_465 = tpu.vector_load %arg21[%parallel_loop3A_463, %parallel_loop3A_464] {strides = array<i32>} : memref<32x128xf32, #tpu.memory_space<vmem>>, vector<16xf32>,
        %parallel_loop3A_466 = arith.addf %parallel_loop3A_462, %parallel_loop3A_465 : vector<16xf32>
        %parallel_loop3A_467 = arith.constant 2.000000e-01 : f32
        %parallel_loop3A_468 = vector.broadcast %parallel_loop3A_467 : f32 to vector<16xf32>
        %parallel_loop3A_469 = arith.mulf %parallel_loop3A_468, %parallel_loop3A_466 : vector<16xf32>
        %parallel_loop3A_470 = arith.maximumf %parallel_loop3A_466, %parallel_loop3A_469 : vector<16xf32>
        %parallel_loop3A_471 = arith.mulf %get3A_278, %parallel_loop3A_470 : vector<16xf32>
        %parallel_loop3A_472 = arith.addf %broadcast_in_dim3A_3, %parallel_loop3A_471 : vector<16xf32>
        %parallel_loop3A_473 = arith.index_cast %parallel_loop3A_413 : i32 to index
        %parallel_loop3A_474 = arith.constant 48 : index
        %parallel_loop3A_475 = tpu.vector_load %arg20[%parallel_loop3A_473, %parallel_loop3A_474] {strides = array<i32>} : memref<32x128xf32, #tpu.memory_space<vmem>>, vector<16xf32>,
        %parallel_loop3A_476 = arith.index_cast %parallel_loop3A_413 : i32 to index
        %parallel_loop3A_477 = arith.constant 48 : index
        %parallel_loop3A_478 = tpu.vector_load %arg21[%parallel_loop3A_476, %parallel_loop3A_477] {strides = array<i32>} : memref<32x128xf32, #tpu.memory_space<vmem>>, vector<16xf32>,
        %parallel_loop3A_479 = arith.addf %parallel_loop3A_475, %parallel_loop3A_478 : vector<16xf32>
        %parallel_loop3A_480 = arith.constant 2.000000e-01 : f32
        %parallel_loop3A_481 = vector.broadcast %parallel_loop3A_480 : f32 to vector<16xf32>
        %parallel_loop3A_482 = arith.mulf %parallel_loop3A_481, %parallel_loop3A_479 : vector<16xf32>
        %parallel_loop3A_483 = arith.maximumf %parallel_loop3A_479, %parallel_loop3A_482 : vector<16xf32>
        %parallel_loop3A_484 = arith.mulf %get3A_280, %parallel_loop3A_483 : vector<16xf32>
        %parallel_loop3A_485 = arith.addf %parallel_loop3A_472, %parallel_loop3A_484 : vector<16xf32>
        %parallel_loop3A_486 = arith.constant true
        %parallel_loop3A_487 = vector.broadcast %parallel_loop3A_486 : i1 to vector<16xi1>
        %parallel_loop3A_488 = tpu.scan <sum>, %parallel_loop3A_485 masked %parallel_loop3A_487 : vector<16xf32>, vector<16xi1> -> vector<16xf32>
        %parallel_loop3A_489 = vector.extract %parallel_loop3A_488[15] : f32 from vector<16xf32>
        %parallel_loop3A_490 = vector.broadcast %parallel_loop3A_489 : f32 to vector<16xf32>
        %parallel_loop3A_491 = math.exp %parallel_loop3A_490 : vector<16xf32>
        %parallel_loop3A_492 = arith.mulf %parallel_loop3A_462, %parallel_loop3A_491 : vector<16xf32>
        %parallel_loop3A_493 = arith.index_cast %parallel_loop3A_413 : i32 to index
        %parallel_loop3A_494 = arith.constant 32 : index
        %parallel_loop3A_495 = tpu.vector_load %arg20[%parallel_loop3A_493, %parallel_loop3A_494] {strides = array<i32>} : memref<32x128xf32, #tpu.memory_space<vmem>>, vector<16xf32>,
        tpu.vector_store %arg20[%parallel_loop3A_493, %parallel_loop3A_494], %parallel_loop3A_492 {strides = array<i32>} : memref<32x128xf32, #tpu.memory_space<vmem>>, vector<16xf32>,
        %parallel_loop3A_496 = arith.mulf %parallel_loop3A_475, %parallel_loop3A_491 : vector<16xf32>
        %parallel_loop3A_497 = arith.index_cast %parallel_loop3A_413 : i32 to index
        %parallel_loop3A_498 = arith.constant 48 : index
        %parallel_loop3A_499 = tpu.vector_load %arg20[%parallel_loop3A_497, %parallel_loop3A_498] {strides = array<i32>} : memref<32x128xf32, #tpu.memory_space<vmem>>, vector<16xf32>,
        tpu.vector_store %arg20[%parallel_loop3A_497, %parallel_loop3A_498], %parallel_loop3A_496 {strides = array<i32>} : memref<32x128xf32, #tpu.memory_space<vmem>>, vector<16xf32>,
        %parallel_loop3A_500 = arith.constant 1 : i32
        %parallel_loop3A_501 = vector.broadcast %parallel_loop3A_500 : i32 to vector<16xi32>
        %parallel_loop3A_502 = arith.cmpi eq, %iota3A, %parallel_loop3A_501 : vector<16xi32>
        %parallel_loop3A_503 = arith.select %parallel_loop3A_502, %parallel_loop3A_491, %parallel_loop3A_459 : vector<16xi1>, vector<16xf32>
        %parallel_loop3A_504 = arith.index_cast %parallel_loop3A_413 : i32 to index
        %parallel_loop3A_505 = arith.constant 64 : index
        %parallel_loop3A_506 = tpu.vector_load %arg20[%parallel_loop3A_504, %parallel_loop3A_505] {strides = array<i32>} : memref<32x128xf32, #tpu.memory_space<vmem>>, vector<16xf32>,
        %parallel_loop3A_507 = arith.index_cast %parallel_loop3A_413 : i32 to index
        %parallel_loop3A_508 = arith.constant 64 : index
        %parallel_loop3A_509 = tpu.vector_load %arg21[%parallel_loop3A_507, %parallel_loop3A_508] {strides = array<i32>} : memref<32x128xf32, #tpu.memory_space<vmem>>, vector<16xf32>,
        %parallel_loop3A_510 = arith.addf %parallel_loop3A_506, %parallel_loop3A_509 : vector<16xf32>
        %parallel_loop3A_511 = arith.constant 2.000000e-01 : f32
        %parallel_loop3A_512 = vector.broadcast %parallel_loop3A_511 : f32 to vector<16xf32>
        %parallel_loop3A_513 = arith.mulf %parallel_loop3A_512, %parallel_loop3A_510 : vector<16xf32>
        %parallel_loop3A_514 = arith.maximumf %parallel_loop3A_510, %parallel_loop3A_513 : vector<16xf32>
        %parallel_loop3A_515 = arith.mulf %get3A_282, %parallel_loop3A_514 : vector<16xf32>
        %parallel_loop3A_516 = arith.addf %broadcast_in_dim3A_3, %parallel_loop3A_515 : vector<16xf32>
        %parallel_loop3A_517 = arith.index_cast %parallel_loop3A_413 : i32 to index
        %parallel_loop3A_518 = arith.constant 80 : index
        %parallel_loop3A_519 = tpu.vector_load %arg20[%parallel_loop3A_517, %parallel_loop3A_518] {strides = array<i32>} : memref<32x128xf32, #tpu.memory_space<vmem>>, vector<16xf32>,
        %parallel_loop3A_520 = arith.index_cast %parallel_loop3A_413 : i32 to index
        %parallel_loop3A_521 = arith.constant 80 : index
        %parallel_loop3A_522 = tpu.vector_load %arg21[%parallel_loop3A_520, %parallel_loop3A_521] {strides = array<i32>} : memref<32x128xf32, #tpu.memory_space<vmem>>, vector<16xf32>,
        %parallel_loop3A_523 = arith.addf %parallel_loop3A_519, %parallel_loop3A_522 : vector<16xf32>
        %parallel_loop3A_524 = arith.constant 2.000000e-01 : f32
        %parallel_loop3A_525 = vector.broadcast %parallel_loop3A_524 : f32 to vector<16xf32>
        %parallel_loop3A_526 = arith.mulf %parallel_loop3A_525, %parallel_loop3A_523 : vector<16xf32>
        %parallel_loop3A_527 = arith.maximumf %parallel_loop3A_523, %parallel_loop3A_526 : vector<16xf32>
        %parallel_loop3A_528 = arith.mulf %get3A_284, %parallel_loop3A_527 : vector<16xf32>
        %parallel_loop3A_529 = arith.addf %parallel_loop3A_516, %parallel_loop3A_528 : vector<16xf32>
        %parallel_loop3A_530 = arith.constant true
        %parallel_loop3A_531 = vector.broadcast %parallel_loop3A_530 : i1 to vector<16xi1>
        %parallel_loop3A_532 = tpu.scan <sum>, %parallel_loop3A_529 masked %parallel_loop3A_531 : vector<16xf32>, vector<16xi1> -> vector<16xf32>
        %parallel_loop3A_533 = vector.extract %parallel_loop3A_532[15] : f32 from vector<16xf32>
        %parallel_loop3A_534 = vector.broadcast %parallel_loop3A_533 : f32 to vector<16xf32>
        %parallel_loop3A_535 = math.exp %parallel_loop3A_534 : vector<16xf32>
        %parallel_loop3A_536 = arith.mulf %parallel_loop3A_506, %parallel_loop3A_535 : vector<16xf32>
        %parallel_loop3A_537 = arith.index_cast %parallel_loop3A_413 : i32 to index
        %parallel_loop3A_538 = arith.constant 64 : index
        %parallel_loop3A_539 = tpu.vector_load %arg20[%parallel_loop3A_537, %parallel_loop3A_538] {strides = array<i32>} : memref<32x128xf32, #tpu.memory_space<vmem>>, vector<16xf32>,
        tpu.vector_store %arg20[%parallel_loop3A_537, %parallel_loop3A_538], %parallel_loop3A_536 {strides = array<i32>} : memref<32x128xf32, #tpu.memory_space<vmem>>, vector<16xf32>,
        %parallel_loop3A_540 = arith.mulf %parallel_loop3A_519, %parallel_loop3A_535 : vector<16xf32>
        %parallel_loop3A_541 = arith.index_cast %parallel_loop3A_413 : i32 to index
        %parallel_loop3A_542 = arith.constant 80 : index
        %parallel_loop3A_543 = tpu.vector_load %arg20[%parallel_loop3A_541, %parallel_loop3A_542] {strides = array<i32>} : memref<32x128xf32, #tpu.memory_space<vmem>>, vector<16xf32>,
        tpu.vector_store %arg20[%parallel_loop3A_541, %parallel_loop3A_542], %parallel_loop3A_540 {strides = array<i32>} : memref<32x128xf32, #tpu.memory_space<vmem>>, vector<16xf32>,
        %parallel_loop3A_544 = arith.constant 2 : i32
        %parallel_loop3A_545 = vector.broadcast %parallel_loop3A_544 : i32 to vector<16xi32>
        %parallel_loop3A_546 = arith.cmpi eq, %iota3A, %parallel_loop3A_545 : vector<16xi32>
        %parallel_loop3A_547 = arith.select %parallel_loop3A_546, %parallel_loop3A_535, %parallel_loop3A_503 : vector<16xi1>, vector<16xf32>
        %parallel_loop3A_548 = arith.index_cast %parallel_loop3A_413 : i32 to index
        %parallel_loop3A_549 = arith.constant 96 : index
        %parallel_loop3A_550 = tpu.vector_load %arg20[%parallel_loop3A_548, %parallel_loop3A_549] {strides = array<i32>} : memref<32x128xf32, #tpu.memory_space<vmem>>, vector<16xf32>,
        %parallel_loop3A_551 = arith.index_cast %parallel_loop3A_413 : i32 to index
        %parallel_loop3A_552 = arith.constant 96 : index
        %parallel_loop3A_553 = tpu.vector_load %arg21[%parallel_loop3A_551, %parallel_loop3A_552] {strides = array<i32>} : memref<32x128xf32, #tpu.memory_space<vmem>>, vector<16xf32>,
        %parallel_loop3A_554 = arith.addf %parallel_loop3A_550, %parallel_loop3A_553 : vector<16xf32>
        %parallel_loop3A_555 = arith.constant 2.000000e-01 : f32
        %parallel_loop3A_556 = vector.broadcast %parallel_loop3A_555 : f32 to vector<16xf32>
        %parallel_loop3A_557 = arith.mulf %parallel_loop3A_556, %parallel_loop3A_554 : vector<16xf32>
        %parallel_loop3A_558 = arith.maximumf %parallel_loop3A_554, %parallel_loop3A_557 : vector<16xf32>
        %parallel_loop3A_559 = arith.mulf %get3A_286, %parallel_loop3A_558 : vector<16xf32>
        %parallel_loop3A_560 = arith.addf %broadcast_in_dim3A_3, %parallel_loop3A_559 : vector<16xf32>
        %parallel_loop3A_561 = arith.index_cast %parallel_loop3A_413 : i32 to index
        %parallel_loop3A_562 = arith.constant 112 : index
        %parallel_loop3A_563 = tpu.vector_load %arg20[%parallel_loop3A_561, %parallel_loop3A_562] {strides = array<i32>} : memref<32x128xf32, #tpu.memory_space<vmem>>, vector<16xf32>,
        %parallel_loop3A_564 = arith.index_cast %parallel_loop3A_413 : i32 to index
        %parallel_loop3A_565 = arith.constant 112 : index
        %parallel_loop3A_566 = tpu.vector_load %arg21[%parallel_loop3A_564, %parallel_loop3A_565] {strides = array<i32>} : memref<32x128xf32, #tpu.memory_space<vmem>>, vector<16xf32>,
        %parallel_loop3A_567 = arith.addf %parallel_loop3A_563, %parallel_loop3A_566 : vector<16xf32>
        %parallel_loop3A_568 = arith.constant 2.000000e-01 : f32
        %parallel_loop3A_569 = vector.broadcast %parallel_loop3A_568 : f32 to vector<16xf32>
        %parallel_loop3A_570 = arith.mulf %parallel_loop3A_569, %parallel_loop3A_567 : vector<16xf32>
        %parallel_loop3A_571 = arith.maximumf %parallel_loop3A_567, %parallel_loop3A_570 : vector<16xf32>
        %parallel_loop3A_572 = arith.mulf %get3A_288, %parallel_loop3A_571 : vector<16xf32>
        %parallel_loop3A_573 = arith.addf %parallel_loop3A_560, %parallel_loop3A_572 : vector<16xf32>
        %parallel_loop3A_574 = arith.constant true
        %parallel_loop3A_575 = vector.broadcast %parallel_loop3A_574 : i1 to vector<16xi1>
        %parallel_loop3A_576 = tpu.scan <sum>, %parallel_loop3A_573 masked %parallel_loop3A_575 : vector<16xf32>, vector<16xi1> -> vector<16xf32>
        %parallel_loop3A_577 = vector.extract %parallel_loop3A_576[15] : f32 from vector<16xf32>
        %parallel_loop3A_578 = vector.broadcast %parallel_loop3A_577 : f32 to vector<16xf32>
        %parallel_loop3A_579 = math.exp %parallel_loop3A_578 : vector<16xf32>
        %parallel_loop3A_580 = arith.mulf %parallel_loop3A_550, %parallel_loop3A_579 : vector<16xf32>
        %parallel_loop3A_581 = arith.index_cast %parallel_loop3A_413 : i32 to index
        %parallel_loop3A_582 = arith.constant 96 : index
        %parallel_loop3A_583 = tpu.vector_load %arg20[%parallel_loop3A_581, %parallel_loop3A_582] {strides = array<i32>} : memref<32x128xf32, #tpu.memory_space<vmem>>, vector<16xf32>,
        tpu.vector_store %arg20[%parallel_loop3A_581, %parallel_loop3A_582], %parallel_loop3A_580 {strides = array<i32>} : memref<32x128xf32, #tpu.memory_space<vmem>>, vector<16xf32>,
        %parallel_loop3A_584 = arith.mulf %parallel_loop3A_563, %parallel_loop3A_579 : vector<16xf32>
        %parallel_loop3A_585 = arith.index_cast %parallel_loop3A_413 : i32 to index
        %parallel_loop3A_586 = arith.constant 112 : index
        %parallel_loop3A_587 = tpu.vector_load %arg20[%parallel_loop3A_585, %parallel_loop3A_586] {strides = array<i32>} : memref<32x128xf32, #tpu.memory_space<vmem>>, vector<16xf32>,
        tpu.vector_store %arg20[%parallel_loop3A_585, %parallel_loop3A_586], %parallel_loop3A_584 {strides = array<i32>} : memref<32x128xf32, #tpu.memory_space<vmem>>, vector<16xf32>,
        %parallel_loop3A_588 = arith.constant 3 : i32
        %parallel_loop3A_589 = vector.broadcast %parallel_loop3A_588 : i32 to vector<16xi32>
        %parallel_loop3A_590 = arith.cmpi eq, %iota3A, %parallel_loop3A_589 : vector<16xi32>
        %parallel_loop3A_591 = arith.select %parallel_loop3A_590, %parallel_loop3A_579, %parallel_loop3A_547 : vector<16xi1>, vector<16xf32>
        %parallel_loop3A_592 = tpu.vector_load_idx %arg16[%parallel_loop3A_415] : memref<32xi32, #tpu.memory_space<vmem>>[vector<16xi32>], vector<16xi32>,
        %parallel_loop3A_593 = arith.index_cast %parallel_loop3A_413 : i32 to index
        %parallel_loop3A_594 = arith.constant 0 : index
        %parallel_loop3A_595 = tpu.vector_load %arg21[%parallel_loop3A_593, %parallel_loop3A_594] {strides = array<i32>} : memref<32x128xf32, #tpu.memory_space<vmem>>, vector<16xf32>,
        tpu.vector_store %arg21[%parallel_loop3A_593, %parallel_loop3A_594], %broadcast_in_dim3A_3 {strides = array<i32>} : memref<32x128xf32, #tpu.memory_space<vmem>>, vector<16xf32>,
        %parallel_loop3A_596 = arith.index_cast %parallel_loop3A_413 : i32 to index
        %parallel_loop3A_597 = arith.constant 16 : index
        %parallel_loop3A_598 = tpu.vector_load %arg21[%parallel_loop3A_596, %parallel_loop3A_597] {strides = array<i32>} : memref<32x128xf32, #tpu.memory_space<vmem>>, vector<16xf32>,
        tpu.vector_store %arg21[%parallel_loop3A_596, %parallel_loop3A_597], %broadcast_in_dim3A_3 {strides = array<i32>} : memref<32x128xf32, #tpu.memory_space<vmem>>, vector<16xf32>,
        %parallel_loop3A_599 = arith.index_cast %parallel_loop3A_413 : i32 to index
        %parallel_loop3A_600 = arith.constant 32 : index
        %parallel_loop3A_601 = tpu.vector_load %arg21[%parallel_loop3A_599, %parallel_loop3A_600] {strides = array<i32>} : memref<32x128xf32, #tpu.memory_space<vmem>>, vector<16xf32>,
        tpu.vector_store %arg21[%parallel_loop3A_599, %parallel_loop3A_600], %broadcast_in_dim3A_3 {strides = array<i32>} : memref<32x128xf32, #tpu.memory_space<vmem>>, vector<16xf32>,
        %parallel_loop3A_602 = arith.index_cast %parallel_loop3A_413 : i32 to index
        %parallel_loop3A_603 = arith.constant 48 : index
        %parallel_loop3A_604 = tpu.vector_load %arg21[%parallel_loop3A_602, %parallel_loop3A_603] {strides = array<i32>} : memref<32x128xf32, #tpu.memory_space<vmem>>, vector<16xf32>,
        tpu.vector_store %arg21[%parallel_loop3A_602, %parallel_loop3A_603], %broadcast_in_dim3A_3 {strides = array<i32>} : memref<32x128xf32, #tpu.memory_space<vmem>>, vector<16xf32>,
        %parallel_loop3A_605 = arith.index_cast %parallel_loop3A_413 : i32 to index
        %parallel_loop3A_606 = arith.constant 64 : index
        %parallel_loop3A_607 = tpu.vector_load %arg21[%parallel_loop3A_605, %parallel_loop3A_606] {strides = array<i32>} : memref<32x128xf32, #tpu.memory_space<vmem>>, vector<16xf32>,
        tpu.vector_store %arg21[%parallel_loop3A_605, %parallel_loop3A_606], %broadcast_in_dim3A_3 {strides = array<i32>} : memref<32x128xf32, #tpu.memory_space<vmem>>, vector<16xf32>,
        %parallel_loop3A_608 = arith.index_cast %parallel_loop3A_413 : i32 to index
        %parallel_loop3A_609 = arith.constant 80 : index
        %parallel_loop3A_610 = tpu.vector_load %arg21[%parallel_loop3A_608, %parallel_loop3A_609] {strides = array<i32>} : memref<32x128xf32, #tpu.memory_space<vmem>>, vector<16xf32>,
        tpu.vector_store %arg21[%parallel_loop3A_608, %parallel_loop3A_609], %broadcast_in_dim3A_3 {strides = array<i32>} : memref<32x128xf32, #tpu.memory_space<vmem>>, vector<16xf32>,
        %parallel_loop3A_611 = arith.index_cast %parallel_loop3A_413 : i32 to index
        %parallel_loop3A_612 = arith.constant 96 : index
        %parallel_loop3A_613 = tpu.vector_load %arg21[%parallel_loop3A_611, %parallel_loop3A_612] {strides = array<i32>} : memref<32x128xf32, #tpu.memory_space<vmem>>, vector<16xf32>,
        tpu.vector_store %arg21[%parallel_loop3A_611, %parallel_loop3A_612], %broadcast_in_dim3A_3 {strides = array<i32>} : memref<32x128xf32, #tpu.memory_space<vmem>>, vector<16xf32>,
        %parallel_loop3A_614 = arith.index_cast %parallel_loop3A_413 : i32 to index
        %parallel_loop3A_615 = arith.constant 112 : index
        %parallel_loop3A_616 = tpu.vector_load %arg21[%parallel_loop3A_614, %parallel_loop3A_615] {strides = array<i32>} : memref<32x128xf32, #tpu.memory_space<vmem>>, vector<16xf32>,
        tpu.vector_store %arg21[%parallel_loop3A_614, %parallel_loop3A_615], %broadcast_in_dim3A_3 {strides = array<i32>} : memref<32x128xf32, #tpu.memory_space<vmem>>, vector<16xf32>,
        %parallel_loop3A_617 = arith.constant 7 : i32
        %parallel_loop3A_618 = vector.broadcast %parallel_loop3A_617 : i32 to vector<16xi32>
        %parallel_loop3A_619 = arith.andi %parallel_loop3A_592, %parallel_loop3A_618 : vector<16xi32>
        %parallel_loop3A_620 = arith.constant 16 : i32
        %parallel_loop3A_621 = vector.broadcast %parallel_loop3A_620 : i32 to vector<16xi32>
        %parallel_loop3A_622 = arith.muli %parallel_loop3A_619, %parallel_loop3A_621 : vector<16xi32>
        %parallel_loop3A_623 = arith.addi %parallel_loop3A_622, %iota3A : vector<16xi32>
        tpu.vector_store_idx %arg21[%parallel_loop3A_415, %parallel_loop3A_623], %parallel_loop3A_591 : memref<32x128xf32, #tpu.memory_space<vmem>>[vector<16xi32>, vector<16xi32>], vector<16xf32>,
        scf.yield %parallel_loop3A_414 : i32
      } {sc.loop_unroll_factor = 16 : i64, sc.parallel_access}
      %dma_start3A_401 = arith.constant 0 : i32
      %dma_start3A_402 = arith.constant 0 : i32
      %dma_start3A_403 = tpu.memref_slice %arg22[%dma_start3A_401, %dma_start3A_402] : memref<10240x128xf32, #tpu.memory_space<vmem_shared>> -> memref<10240x128xf32, #tpu.memory_space<vmem_shared>>
      tpu.enqueue_indirect_dma source(%arg20 : memref<32x128xf32, #tpu.memory_space<vmem>>) target(%dma_start3A_403 : memref<10240x128xf32, #tpu.memory_space<vmem_shared>>) offsets(%arg16 : memref<32xi32, #tpu.memory_space<vmem>>) semaphore(%arg26 : memref<!tpu.dma_semaphore, #tpu.memory_space<semaphore_mem>>) {add = true}
      %dma_start3A_404 = arith.constant 0 : i32
      %dma_start3A_405 = arith.constant 0 : i32
      %dma_start3A_406 = tpu.memref_slice %arg23[%dma_start3A_404, %dma_start3A_405] : memref<1280x128xf32, #tpu.memory_space<vmem_shared>> -> memref<1280x128xf32, #tpu.memory_space<vmem_shared>>
      tpu.enqueue_indirect_dma source(%arg21 : memref<32x128xf32, #tpu.memory_space<vmem>>) target(%dma_start3A_406 : memref<1280x128xf32, #tpu.memory_space<vmem_shared>>) offsets(%arg17 : memref<32xi32, #tpu.memory_space<vmem>>) semaphore(%arg26 : memref<!tpu.dma_semaphore, #tpu.memory_space<semaphore_mem>>) {add = true}
      %dma_wait3A_407 = arith.constant 0 : i32
      %dma_wait3A_408 = arith.constant 0 : i32
      %dma_wait3A_409 = tpu.memref_slice %arg22[%dma_wait3A_407, %dma_wait3A_408] : memref<10240x128xf32, #tpu.memory_space<vmem_shared>> -> memref<10240x128xf32, #tpu.memory_space<vmem_shared>>
      tpu.wait_indirect_dma semaphore(%arg26 : memref<!tpu.dma_semaphore, #tpu.memory_space<semaphore_mem>>) src(%arg20 : memref<32x128xf32, #tpu.memory_space<vmem>>) dst(%dma_wait3A_409 : memref<10240x128xf32, #tpu.memory_space<vmem_shared>>)
      %dma_wait3A_410 = arith.constant 0 : i32
      %dma_wait3A_411 = arith.constant 0 : i32
      %dma_wait3A_412 = tpu.memref_slice %arg23[%dma_wait3A_410, %dma_wait3A_411] : memref<1280x128xf32, #tpu.memory_space<vmem_shared>> -> memref<1280x128xf32, #tpu.memory_space<vmem_shared>>
      tpu.wait_indirect_dma semaphore(%arg26 : memref<!tpu.dma_semaphore, #tpu.memory_space<semaphore_mem>>) src(%arg21 : memref<32x128xf32, #tpu.memory_space<vmem>>) dst(%dma_wait3A_412 : memref<1280x128xf32, #tpu.memory_space<vmem_shared>>)
    }
    %scan3A_301 = arith.constant 162 : i32
    %barrier3A_302 = arith.constant 0 : index
    tpu.barrier barrier_id(%barrier3A_302)
    %eq3A = arith.constant 0 : i32
    %eq3A_303 = arith.cmpi eq, %arg0, %eq3A : i32
    %convert_element_type3A = arith.extui %eq3A_303 : i1 to i32
    %cond3A = arith.constant 0 : i32
    %cond3A_304 = arith.cmpi ne, %convert_element_type3A, %cond3A : i32
    scf.if %cond3A_304 {
      %scan3A_310 = arith.constant 0 : i32
      %scan3A_311 = arith.constant 0 : i32
      %scan3A_312 = arith.constant 20 : i32
      %scan3A_313 = arith.addi %scan3A_311, %scan3A_312 : i32
      %scan3A_314 = arith.constant 1 : i32
      scf.for %scan3A_322 = %scan3A_311 to %scan3A_313 step %scan3A_314  : i32 {
        %mul3A_323 = arith.constant 32 : i32
        %mul3A_324 = arith.muli %scan3A_322, %mul3A_323 : i32
        %add3A_325 = arith.addi %mul3A_0, %mul3A_324 : i32
        "tpu.region"() ({
          %run_scoped3A = tpu.sem_alloc : memref<!tpu.dma_semaphore, #tpu.memory_space<semaphore_mem>>
          %dma_start3A_326 = arith.constant 0 : i32
          %dma_start3A_327 = tpu.memref_slice %arg22[%add3A_325, %dma_start3A_326] : memref<10240x128xf32, #tpu.memory_space<vmem_shared>> -> memref<32x128xf32, #tpu.memory_space<vmem_shared>>
          %dma_start3A_328 = arith.constant 0 : i32
          %dma_start3A_329 = tpu.memref_slice %arg22[%add3A_325, %dma_start3A_328] : memref<10240x128xf32, #tpu.memory_space<vmem_shared>> -> memref<32x128xf32, #tpu.memory_space<vmem_shared>>
          tpu.enqueue_dma source(%dma_start3A_329 : memref<32x128xf32, #tpu.memory_space<vmem_shared>>) target(%arg18 : memref<32x128xf32, #tpu.memory_space<vmem>>) target_semaphore(%run_scoped3A : memref<!tpu.dma_semaphore, #tpu.memory_space<semaphore_mem>>)
          %dma_wait3A = arith.constant 0 : i32
          %dma_wait3A_330 = tpu.memref_slice %arg22[%add3A_325, %dma_wait3A] : memref<10240x128xf32, #tpu.memory_space<vmem_shared>> -> memref<32x128xf32, #tpu.memory_space<vmem_shared>>
          %dma_wait3A_331 = arith.constant 0 : i32
          %dma_wait3A_332 = tpu.memref_slice %arg22[%add3A_325, %dma_wait3A_331] : memref<10240x128xf32, #tpu.memory_space<vmem_shared>> -> memref<32x128xf32, #tpu.memory_space<vmem_shared>>
          tpu.wait_dma2 semaphore(%run_scoped3A : memref<!tpu.dma_semaphore, #tpu.memory_space<semaphore_mem>>) src(%dma_wait3A_332 : memref<32x128xf32, #tpu.memory_space<vmem_shared>>) dst(%arg18 : memref<32x128xf32, #tpu.memory_space<vmem>>)
          tpu.yield
        }) : () -> ()
        "tpu.region"() ({
          %run_scoped3A = tpu.sem_alloc : memref<!tpu.dma_semaphore, #tpu.memory_space<semaphore_mem>>
          %dma_start3A_326 = arith.constant 0 : i32
          %dma_start3A_327 = tpu.memref_slice %arg7[%add3A_325, %dma_start3A_326] : memref<10240x128xf32, #tpu.memory_space<hbm>> -> memref<32x128xf32, #tpu.memory_space<hbm>>
          %dma_start3A_328 = arith.constant 0 : i32
          %dma_start3A_329 = tpu.memref_slice %arg7[%add3A_325, %dma_start3A_328] : memref<10240x128xf32, #tpu.memory_space<hbm>> -> memref<32x128xf32, #tpu.memory_space<hbm>>
          tpu.enqueue_dma source(%arg18 : memref<32x128xf32, #tpu.memory_space<vmem>>) target(%dma_start3A_329 : memref<32x128xf32, #tpu.memory_space<hbm>>) target_semaphore(%run_scoped3A : memref<!tpu.dma_semaphore, #tpu.memory_space<semaphore_mem>>)
          %dma_wait3A = arith.constant 0 : i32
          %dma_wait3A_330 = tpu.memref_slice %arg7[%add3A_325, %dma_wait3A] : memref<10240x128xf32, #tpu.memory_space<hbm>> -> memref<32x128xf32, #tpu.memory_space<hbm>>
          %dma_wait3A_331 = arith.constant 0 : i32
          %dma_wait3A_332 = tpu.memref_slice %arg7[%add3A_325, %dma_wait3A_331] : memref<10240x128xf32, #tpu.memory_space<hbm>> -> memref<32x128xf32, #tpu.memory_space<hbm>>
          tpu.wait_dma2 semaphore(%run_scoped3A : memref<!tpu.dma_semaphore, #tpu.memory_space<semaphore_mem>>) src(%arg18 : memref<32x128xf32, #tpu.memory_space<vmem>>) dst(%dma_wait3A_332 : memref<32x128xf32, #tpu.memory_space<hbm>>)
          tpu.yield
        }) : () -> ()
      }
      %scan3A_315 = arith.constant 20 : i32
      %scan3A_316 = arith.constant 0 : i32
      %scan3A_317 = arith.constant 0 : i32
      %scan3A_318 = arith.constant 10 : i32
      %scan3A_319 = arith.addi %scan3A_317, %scan3A_318 : i32
      %scan3A_320 = arith.constant 1 : i32
      scf.for %scan3A_322 = %scan3A_317 to %scan3A_319 step %scan3A_320  : i32 {
        %mul3A_323 = arith.constant 8 : i32
        %mul3A_324 = arith.muli %scan3A_322, %mul3A_323 : i32
        %add3A_325 = arith.addi %mul3A_2, %mul3A_324 : i32
        "tpu.region"() ({
          %run_scoped3A = tpu.sem_alloc : memref<!tpu.dma_semaphore, #tpu.memory_space<semaphore_mem>>
          %dma_start3A_326 = arith.constant 0 : i32
          %dma_start3A_327 = arith.constant 0 : i32
          %dma_start3A_328 = tpu.memref_slice %arg19[%dma_start3A_326, %dma_start3A_327] : memref<32x128xf32, #tpu.memory_space<vmem>> -> memref<8x128xf32, #tpu.memory_space<vmem>>
          %dma_start3A_329 = arith.constant 0 : i32
          %dma_start3A_330 = tpu.memref_slice %arg23[%add3A_325, %dma_start3A_329] : memref<1280x128xf32, #tpu.memory_space<vmem_shared>> -> memref<8x128xf32, #tpu.memory_space<vmem_shared>>
          %dma_start3A_331 = arith.constant 0 : i32
          %dma_start3A_332 = arith.constant 0 : i32
          %dma_start3A_333 = tpu.memref_slice %arg19[%dma_start3A_331, %dma_start3A_332] : memref<32x128xf32, #tpu.memory_space<vmem>> -> memref<8x128xf32, #tpu.memory_space<vmem>>
          %dma_start3A_334 = arith.constant 0 : i32
          %dma_start3A_335 = tpu.memref_slice %arg23[%add3A_325, %dma_start3A_334] : memref<1280x128xf32, #tpu.memory_space<vmem_shared>> -> memref<8x128xf32, #tpu.memory_space<vmem_shared>>
          tpu.enqueue_dma source(%dma_start3A_335 : memref<8x128xf32, #tpu.memory_space<vmem_shared>>) target(%dma_start3A_333 : memref<8x128xf32, #tpu.memory_space<vmem>>) target_semaphore(%run_scoped3A : memref<!tpu.dma_semaphore, #tpu.memory_space<semaphore_mem>>)
          %dma_wait3A = arith.constant 0 : i32
          %dma_wait3A_336 = arith.constant 0 : i32
          %dma_wait3A_337 = tpu.memref_slice %arg19[%dma_wait3A, %dma_wait3A_336] : memref<32x128xf32, #tpu.memory_space<vmem>> -> memref<8x128xf32, #tpu.memory_space<vmem>>
          %dma_wait3A_338 = arith.constant 0 : i32
          %dma_wait3A_339 = tpu.memref_slice %arg23[%add3A_325, %dma_wait3A_338] : memref<1280x128xf32, #tpu.memory_space<vmem_shared>> -> memref<8x128xf32, #tpu.memory_space<vmem_shared>>
          %dma_wait3A_340 = arith.constant 0 : i32
          %dma_wait3A_341 = arith.constant 0 : i32
          %dma_wait3A_342 = tpu.memref_slice %arg19[%dma_wait3A_340, %dma_wait3A_341] : memref<32x128xf32, #tpu.memory_space<vmem>> -> memref<8x128xf32, #tpu.memory_space<vmem>>
          %dma_wait3A_343 = arith.constant 0 : i32
          %dma_wait3A_344 = tpu.memref_slice %arg23[%add3A_325, %dma_wait3A_343] : memref<1280x128xf32, #tpu.memory_space<vmem_shared>> -> memref<8x128xf32, #tpu.memory_space<vmem_shared>>
          tpu.wait_dma2 semaphore(%run_scoped3A : memref<!tpu.dma_semaphore, #tpu.memory_space<semaphore_mem>>) src(%dma_wait3A_344 : memref<8x128xf32, #tpu.memory_space<vmem_shared>>) dst(%dma_wait3A_342 : memref<8x128xf32, #tpu.memory_space<vmem>>)
          tpu.yield
        }) : () -> ()
        "tpu.region"() ({
          %run_scoped3A = tpu.sem_alloc : memref<!tpu.dma_semaphore, #tpu.memory_space<semaphore_mem>>
          %dma_start3A_326 = arith.constant 0 : i32
          %dma_start3A_327 = arith.constant 0 : i32
          %dma_start3A_328 = tpu.memref_slice %arg19[%dma_start3A_326, %dma_start3A_327] : memref<32x128xf32, #tpu.memory_space<vmem>> -> memref<8x128xf32, #tpu.memory_space<vmem>>
          %dma_start3A_329 = arith.constant 0 : i32
          %dma_start3A_330 = tpu.memref_slice %arg9[%add3A_325, %dma_start3A_329] : memref<1280x128xf32, #tpu.memory_space<hbm>> -> memref<8x128xf32, #tpu.memory_space<hbm>>
          %dma_start3A_331 = arith.constant 0 : i32
          %dma_start3A_332 = tpu.memref_slice %arg9[%add3A_325, %dma_start3A_331] : memref<1280x128xf32, #tpu.memory_space<hbm>> -> memref<8x128xf32, #tpu.memory_space<hbm>>
          %dma_start3A_333 = arith.constant 0 : i32
          %dma_start3A_334 = arith.constant 0 : i32
          %dma_start3A_335 = tpu.memref_slice %arg19[%dma_start3A_333, %dma_start3A_334] : memref<32x128xf32, #tpu.memory_space<vmem>> -> memref<8x128xf32, #tpu.memory_space<vmem>>
          tpu.enqueue_dma source(%dma_start3A_335 : memref<8x128xf32, #tpu.memory_space<vmem>>) target(%dma_start3A_332 : memref<8x128xf32, #tpu.memory_space<hbm>>) target_semaphore(%run_scoped3A : memref<!tpu.dma_semaphore, #tpu.memory_space<semaphore_mem>>)
          %dma_wait3A = arith.constant 0 : i32
          %dma_wait3A_336 = arith.constant 0 : i32
          %dma_wait3A_337 = tpu.memref_slice %arg19[%dma_wait3A, %dma_wait3A_336] : memref<32x128xf32, #tpu.memory_space<vmem>> -> memref<8x128xf32, #tpu.memory_space<vmem>>
          %dma_wait3A_338 = arith.constant 0 : i32
          %dma_wait3A_339 = tpu.memref_slice %arg9[%add3A_325, %dma_wait3A_338] : memref<1280x128xf32, #tpu.memory_space<hbm>> -> memref<8x128xf32, #tpu.memory_space<hbm>>
          %dma_wait3A_340 = arith.constant 0 : i32
          %dma_wait3A_341 = tpu.memref_slice %arg9[%add3A_325, %dma_wait3A_340] : memref<1280x128xf32, #tpu.memory_space<hbm>> -> memref<8x128xf32, #tpu.memory_space<hbm>>
          %dma_wait3A_342 = arith.constant 0 : i32
          %dma_wait3A_343 = arith.constant 0 : i32
          %dma_wait3A_344 = tpu.memref_slice %arg19[%dma_wait3A_342, %dma_wait3A_343] : memref<32x128xf32, #tpu.memory_space<vmem>> -> memref<8x128xf32, #tpu.memory_space<vmem>>
          tpu.wait_dma2 semaphore(%run_scoped3A : memref<!tpu.dma_semaphore, #tpu.memory_space<semaphore_mem>>) src(%dma_wait3A_344 : memref<8x128xf32, #tpu.memory_space<vmem>>) dst(%dma_wait3A_341 : memref<8x128xf32, #tpu.memory_space<hbm>>)
          tpu.yield
        }) : () -> ()
      }
      %scan3A_321 = arith.constant 10 : i32
    } else {
    }
    %eq3A_305 = arith.constant 1 : i32
    %eq3A_306 = arith.cmpi eq, %arg0, %eq3A_305 : i32
    %convert_element_type3A_307 = arith.extui %eq3A_306 : i1 to i32
    %cond3A_308 = arith.constant 0 : i32
    %cond3A_309 = arith.cmpi ne, %convert_element_type3A_307, %cond3A_308 : i32
    scf.if %cond3A_309 {
      %scan3A_310 = arith.constant 0 : i32
      %scan3A_311 = arith.constant 0 : i32
      %scan3A_312 = arith.constant 20 : i32
      %scan3A_313 = arith.addi %scan3A_311, %scan3A_312 : i32
      %scan3A_314 = arith.constant 1 : i32
      scf.for %scan3A_322 = %scan3A_311 to %scan3A_313 step %scan3A_314  : i32 {
        %mul3A_323 = arith.constant 32 : i32
        %mul3A_324 = arith.muli %scan3A_322, %mul3A_323 : i32
        %add3A_325 = arith.addi %mul3A_0, %mul3A_324 : i32
        "tpu.region"() ({
          %run_scoped3A = tpu.sem_alloc : memref<!tpu.dma_semaphore, #tpu.memory_space<semaphore_mem>>
          %dma_start3A_326 = arith.constant 0 : i32
          %dma_start3A_327 = tpu.memref_slice %arg22[%add3A_325, %dma_start3A_326] : memref<10240x128xf32, #tpu.memory_space<vmem_shared>> -> memref<32x128xf32, #tpu.memory_space<vmem_shared>>
          %dma_start3A_328 = arith.constant 0 : i32
          %dma_start3A_329 = tpu.memref_slice %arg22[%add3A_325, %dma_start3A_328] : memref<10240x128xf32, #tpu.memory_space<vmem_shared>> -> memref<32x128xf32, #tpu.memory_space<vmem_shared>>
          tpu.enqueue_dma source(%dma_start3A_329 : memref<32x128xf32, #tpu.memory_space<vmem_shared>>) target(%arg18 : memref<32x128xf32, #tpu.memory_space<vmem>>) target_semaphore(%run_scoped3A : memref<!tpu.dma_semaphore, #tpu.memory_space<semaphore_mem>>)
          %dma_wait3A = arith.constant 0 : i32
          %dma_wait3A_330 = tpu.memref_slice %arg22[%add3A_325, %dma_wait3A] : memref<10240x128xf32, #tpu.memory_space<vmem_shared>> -> memref<32x128xf32, #tpu.memory_space<vmem_shared>>
          %dma_wait3A_331 = arith.constant 0 : i32
          %dma_wait3A_332 = tpu.memref_slice %arg22[%add3A_325, %dma_wait3A_331] : memref<10240x128xf32, #tpu.memory_space<vmem_shared>> -> memref<32x128xf32, #tpu.memory_space<vmem_shared>>
          tpu.wait_dma2 semaphore(%run_scoped3A : memref<!tpu.dma_semaphore, #tpu.memory_space<semaphore_mem>>) src(%dma_wait3A_332 : memref<32x128xf32, #tpu.memory_space<vmem_shared>>) dst(%arg18 : memref<32x128xf32, #tpu.memory_space<vmem>>)
          tpu.yield
        }) : () -> ()
        "tpu.region"() ({
          %run_scoped3A = tpu.sem_alloc : memref<!tpu.dma_semaphore, #tpu.memory_space<semaphore_mem>>
          %dma_start3A_326 = arith.constant 0 : i32
          %dma_start3A_327 = tpu.memref_slice %arg8[%add3A_325, %dma_start3A_326] : memref<10240x128xf32, #tpu.memory_space<hbm>> -> memref<32x128xf32, #tpu.memory_space<hbm>>
          %dma_start3A_328 = arith.constant 0 : i32
          %dma_start3A_329 = tpu.memref_slice %arg8[%add3A_325, %dma_start3A_328] : memref<10240x128xf32, #tpu.memory_space<hbm>> -> memref<32x128xf32, #tpu.memory_space<hbm>>
          tpu.enqueue_dma source(%arg18 : memref<32x128xf32, #tpu.memory_space<vmem>>) target(%dma_start3A_329 : memref<32x128xf32, #tpu.memory_space<hbm>>) target_semaphore(%run_scoped3A : memref<!tpu.dma_semaphore, #tpu.memory_space<semaphore_mem>>)
          %dma_wait3A = arith.constant 0 : i32
          %dma_wait3A_330 = tpu.memref_slice %arg8[%add3A_325, %dma_wait3A] : memref<10240x128xf32, #tpu.memory_space<hbm>> -> memref<32x128xf32, #tpu.memory_space<hbm>>
          %dma_wait3A_331 = arith.constant 0 : i32
          %dma_wait3A_332 = tpu.memref_slice %arg8[%add3A_325, %dma_wait3A_331] : memref<10240x128xf32, #tpu.memory_space<hbm>> -> memref<32x128xf32, #tpu.memory_space<hbm>>
          tpu.wait_dma2 semaphore(%run_scoped3A : memref<!tpu.dma_semaphore, #tpu.memory_space<semaphore_mem>>) src(%arg18 : memref<32x128xf32, #tpu.memory_space<vmem>>) dst(%dma_wait3A_332 : memref<32x128xf32, #tpu.memory_space<hbm>>)
          tpu.yield
        }) : () -> ()
      }
      %scan3A_315 = arith.constant 20 : i32
      %scan3A_316 = arith.constant 0 : i32
      %scan3A_317 = arith.constant 0 : i32
      %scan3A_318 = arith.constant 10 : i32
      %scan3A_319 = arith.addi %scan3A_317, %scan3A_318 : i32
      %scan3A_320 = arith.constant 1 : i32
      scf.for %scan3A_322 = %scan3A_317 to %scan3A_319 step %scan3A_320  : i32 {
        %mul3A_323 = arith.constant 8 : i32
        %mul3A_324 = arith.muli %scan3A_322, %mul3A_323 : i32
        %add3A_325 = arith.addi %mul3A_2, %mul3A_324 : i32
        "tpu.region"() ({
          %run_scoped3A = tpu.sem_alloc : memref<!tpu.dma_semaphore, #tpu.memory_space<semaphore_mem>>
          %dma_start3A_326 = arith.constant 0 : i32
          %dma_start3A_327 = arith.constant 0 : i32
          %dma_start3A_328 = tpu.memref_slice %arg19[%dma_start3A_326, %dma_start3A_327] : memref<32x128xf32, #tpu.memory_space<vmem>> -> memref<8x128xf32, #tpu.memory_space<vmem>>
          %dma_start3A_329 = arith.constant 0 : i32
          %dma_start3A_330 = tpu.memref_slice %arg23[%add3A_325, %dma_start3A_329] : memref<1280x128xf32, #tpu.memory_space<vmem_shared>> -> memref<8x128xf32, #tpu.memory_space<vmem_shared>>
          %dma_start3A_331 = arith.constant 0 : i32
          %dma_start3A_332 = arith.constant 0 : i32
          %dma_start3A_333 = tpu.memref_slice %arg19[%dma_start3A_331, %dma_start3A_332] : memref<32x128xf32, #tpu.memory_space<vmem>> -> memref<8x128xf32, #tpu.memory_space<vmem>>
          %dma_start3A_334 = arith.constant 0 : i32
          %dma_start3A_335 = tpu.memref_slice %arg23[%add3A_325, %dma_start3A_334] : memref<1280x128xf32, #tpu.memory_space<vmem_shared>> -> memref<8x128xf32, #tpu.memory_space<vmem_shared>>
          tpu.enqueue_dma source(%dma_start3A_335 : memref<8x128xf32, #tpu.memory_space<vmem_shared>>) target(%dma_start3A_333 : memref<8x128xf32, #tpu.memory_space<vmem>>) target_semaphore(%run_scoped3A : memref<!tpu.dma_semaphore, #tpu.memory_space<semaphore_mem>>)
          %dma_wait3A = arith.constant 0 : i32
          %dma_wait3A_336 = arith.constant 0 : i32
          %dma_wait3A_337 = tpu.memref_slice %arg19[%dma_wait3A, %dma_wait3A_336] : memref<32x128xf32, #tpu.memory_space<vmem>> -> memref<8x128xf32, #tpu.memory_space<vmem>>
          %dma_wait3A_338 = arith.constant 0 : i32
          %dma_wait3A_339 = tpu.memref_slice %arg23[%add3A_325, %dma_wait3A_338] : memref<1280x128xf32, #tpu.memory_space<vmem_shared>> -> memref<8x128xf32, #tpu.memory_space<vmem_shared>>
          %dma_wait3A_340 = arith.constant 0 : i32
          %dma_wait3A_341 = arith.constant 0 : i32
          %dma_wait3A_342 = tpu.memref_slice %arg19[%dma_wait3A_340, %dma_wait3A_341] : memref<32x128xf32, #tpu.memory_space<vmem>> -> memref<8x128xf32, #tpu.memory_space<vmem>>
          %dma_wait3A_343 = arith.constant 0 : i32
          %dma_wait3A_344 = tpu.memref_slice %arg23[%add3A_325, %dma_wait3A_343] : memref<1280x128xf32, #tpu.memory_space<vmem_shared>> -> memref<8x128xf32, #tpu.memory_space<vmem_shared>>
          tpu.wait_dma2 semaphore(%run_scoped3A : memref<!tpu.dma_semaphore, #tpu.memory_space<semaphore_mem>>) src(%dma_wait3A_344 : memref<8x128xf32, #tpu.memory_space<vmem_shared>>) dst(%dma_wait3A_342 : memref<8x128xf32, #tpu.memory_space<vmem>>)
          tpu.yield
        }) : () -> ()
        "tpu.region"() ({
          %run_scoped3A = tpu.sem_alloc : memref<!tpu.dma_semaphore, #tpu.memory_space<semaphore_mem>>
          %dma_start3A_326 = arith.constant 0 : i32
          %dma_start3A_327 = arith.constant 0 : i32
          %dma_start3A_328 = tpu.memref_slice %arg19[%dma_start3A_326, %dma_start3A_327] : memref<32x128xf32, #tpu.memory_space<vmem>> -> memref<8x128xf32, #tpu.memory_space<vmem>>
          %dma_start3A_329 = arith.constant 0 : i32
          %dma_start3A_330 = tpu.memref_slice %arg10[%add3A_325, %dma_start3A_329] : memref<1280x128xf32, #tpu.memory_space<hbm>> -> memref<8x128xf32, #tpu.memory_space<hbm>>
          %dma_start3A_331 = arith.constant 0 : i32
          %dma_start3A_332 = tpu.memref_slice %arg10[%add3A_325, %dma_start3A_331] : memref<1280x128xf32, #tpu.memory_space<hbm>> -> memref<8x128xf32, #tpu.memory_space<hbm>>
          %dma_start3A_333 = arith.constant 0 : i32
          %dma_start3A_334 = arith.constant 0 : i32
          %dma_start3A_335 = tpu.memref_slice %arg19[%dma_start3A_333, %dma_start3A_334] : memref<32x128xf32, #tpu.memory_space<vmem>> -> memref<8x128xf32, #tpu.memory_space<vmem>>
          tpu.enqueue_dma source(%dma_start3A_335 : memref<8x128xf32, #tpu.memory_space<vmem>>) target(%dma_start3A_332 : memref<8x128xf32, #tpu.memory_space<hbm>>) target_semaphore(%run_scoped3A : memref<!tpu.dma_semaphore, #tpu.memory_space<semaphore_mem>>)
          %dma_wait3A = arith.constant 0 : i32
          %dma_wait3A_336 = arith.constant 0 : i32
          %dma_wait3A_337 = tpu.memref_slice %arg19[%dma_wait3A, %dma_wait3A_336] : memref<32x128xf32, #tpu.memory_space<vmem>> -> memref<8x128xf32, #tpu.memory_space<vmem>>
          %dma_wait3A_338 = arith.constant 0 : i32
          %dma_wait3A_339 = tpu.memref_slice %arg10[%add3A_325, %dma_wait3A_338] : memref<1280x128xf32, #tpu.memory_space<hbm>> -> memref<8x128xf32, #tpu.memory_space<hbm>>
          %dma_wait3A_340 = arith.constant 0 : i32
          %dma_wait3A_341 = tpu.memref_slice %arg10[%add3A_325, %dma_wait3A_340] : memref<1280x128xf32, #tpu.memory_space<hbm>> -> memref<8x128xf32, #tpu.memory_space<hbm>>
          %dma_wait3A_342 = arith.constant 0 : i32
          %dma_wait3A_343 = arith.constant 0 : i32
          %dma_wait3A_344 = tpu.memref_slice %arg19[%dma_wait3A_342, %dma_wait3A_343] : memref<32x128xf32, #tpu.memory_space<vmem>> -> memref<8x128xf32, #tpu.memory_space<vmem>>
          tpu.wait_dma2 semaphore(%run_scoped3A : memref<!tpu.dma_semaphore, #tpu.memory_space<semaphore_mem>>) src(%dma_wait3A_344 : memref<8x128xf32, #tpu.memory_space<vmem>>) dst(%dma_wait3A_341 : memref<8x128xf32, #tpu.memory_space<hbm>>)
          tpu.yield
        }) : () -> ()
      }
      %scan3A_321 = arith.constant 10 : i32
    } else {
    }
    return
  }
}

module attributes {stable_mosaic.version = 14 : i64} {
  func.func @_proj_body(%arg0: i32, %arg1: memref<1280x128xf32, #tpu.memory_space<vmem>>, %arg2: memref<128x128xf32, #tpu.memory_space<vmem>>, %arg3: memref<128x128xf32, #tpu.memory_space<vmem>>, %arg4: memref<1280x128xf32, #tpu.memory_space<vmem>>, %arg5: memref<1280x128xf32, #tpu.memory_space<vmem>>) attributes {dimension_semantics = [#tpu.dimension_semantics<arbitrary>], iteration_bounds = array<i64: 8>, scalar_prefetch = 0 : i64, scratch_operands = 0 : i64, tpu.core_type = #tpu.core_type<tc>, window_params = [{transform_indices = @transform_0, window_bounds = array<i64: 1280, 128>}, {pipeline_mode = #tpu.pipeline_mode<synchronous>, transform_indices = @transform_1, window_bounds = array<i64: 128, 128>}, {pipeline_mode = #tpu.pipeline_mode<synchronous>, transform_indices = @transform_2, window_bounds = array<i64: 128, 128>}, {transform_indices = @transform_3, window_bounds = array<i64: 1280, 128>}, {transform_indices = @transform_4, window_bounds = array<i64: 1280, 128>}]} {
    %get3A = arith.constant 0 : index
    %get3A_0 = arith.constant 0 : index
    %get3A_1 = vector.load %arg1[%get3A, %get3A_0] : memref<1280x128xf32, #tpu.memory_space<vmem>>, vector<1280x128xf32>
    %get3A_2 = arith.constant 0 : index
    %get3A_3 = arith.constant 0 : index
    %get3A_4 = vector.load %arg2[%get3A_2, %get3A_3] : memref<128x128xf32, #tpu.memory_space<vmem>>, vector<128x128xf32>
    %dot_general3A = arith.constant dense<0.000000e+00> : vector<1280x128xf32>
    %dot_general3A_5 = tpu.matmul %get3A_1, %get3A_4, %dot_general3A {dimension_numbers = #tpu.dot_dimension_numbers<[1], [0], [0], [1], [0, 0, 1, 1], [], []>, transpose_lhs_hint = false} : vector<1280x128xf32>, vector<128x128xf32>, vector<1280x128xf32> -> vector<1280x128xf32>
    %swap3A = arith.constant 0 : index
    %swap3A_6 = arith.constant 0 : index
    %swap3A_7 = vector.load %arg4[%swap3A, %swap3A_6] : memref<1280x128xf32, #tpu.memory_space<vmem>>, vector<1280x128xf32>
    tpu.vector_store %arg4[%swap3A, %swap3A_6], %dot_general3A_5 {strides = array<i32>} : memref<1280x128xf32, #tpu.memory_space<vmem>>, vector<1280x128xf32>,
    %get3A_8 = arith.constant 0 : index
    %get3A_9 = arith.constant 0 : index
    %get3A_10 = vector.load %arg3[%get3A_8, %get3A_9] : memref<128x128xf32, #tpu.memory_space<vmem>>, vector<128x128xf32>
    %dot_general3A_11 = arith.constant dense<0.000000e+00> : vector<1280x128xf32>
    %dot_general3A_12 = tpu.matmul %get3A_1, %get3A_10, %dot_general3A_11 {dimension_numbers = #tpu.dot_dimension_numbers<[1], [0], [0], [1], [0, 0, 1, 1], [], []>, transpose_lhs_hint = false} : vector<1280x128xf32>, vector<128x128xf32>, vector<1280x128xf32> -> vector<1280x128xf32>
    %swap3A_13 = arith.constant 0 : index
    %swap3A_14 = arith.constant 0 : index
    %swap3A_15 = vector.load %arg5[%swap3A_13, %swap3A_14] : memref<1280x128xf32, #tpu.memory_space<vmem>>, vector<1280x128xf32>
    tpu.vector_store %arg5[%swap3A_13, %swap3A_14], %dot_general3A_12 {strides = array<i32>} : memref<1280x128xf32, #tpu.memory_space<vmem>>, vector<1280x128xf32>,
    return
  }
  func.func @transform_0(%arg0: i32) -> (i32, i32) {
    %c0_i32 = arith.constant 0 : i32
    %c0_i32_0 = arith.constant 0 : i32
    return %arg0, %c0_i32 : i32, i32
  }
  func.func @transform_1(%arg0: i32) -> (i32, i32) {
    %c0_i32 = arith.constant 0 : i32
    %c0_i32_0 = arith.constant 0 : i32
    %c0_i32_1 = arith.constant 0 : i32
    return %c0_i32, %c0_i32_0 : i32, i32
  }
  func.func @transform_2(%arg0: i32) -> (i32, i32) {
    %c0_i32 = arith.constant 0 : i32
    %c0_i32_0 = arith.constant 0 : i32
    %c0_i32_1 = arith.constant 0 : i32
    return %c0_i32, %c0_i32_0 : i32, i32
  }
  func.func @transform_3(%arg0: i32) -> (i32, i32) {
    %c0_i32 = arith.constant 0 : i32
    %c0_i32_0 = arith.constant 0 : i32
    return %arg0, %c0_i32 : i32, i32
  }
  func.func @transform_4(%arg0: i32) -> (i32, i32) {
    %c0_i32 = arith.constant 0 : i32
    %c0_i32_0 = arith.constant 0 : i32
    return %arg0, %c0_i32 : i32, i32
  }
}

module attributes {stable_mosaic.version = 14 : i64} {
  func.func @_fin_body(%arg0: i32, %arg1: memref<1280x128xf32, #tpu.memory_space<vmem>>, %arg2: memref<1280x128xf32, #tpu.memory_space<vmem>>, %arg3: memref<1280x16xf32, #tpu.memory_space<vmem>>, %arg4: memref<1280x16xf32, #tpu.memory_space<vmem>>, %arg5: memref<8x128xf32, #tpu.memory_space<vmem>>, %arg6: memref<16x128xf32, #tpu.memory_space<vmem>>, %arg7: memref<1280x128xf32, #tpu.memory_space<vmem>>) attributes {dimension_semantics = [#tpu.dimension_semantics<arbitrary>], iteration_bounds = array<i64: 8>, scalar_prefetch = 0 : i64, scratch_operands = 0 : i64, tpu.core_type = #tpu.core_type<tc>, window_params = [{transform_indices = @transform_0, window_bounds = array<i64: 1280, 128>}, {transform_indices = @transform_1, window_bounds = array<i64: 1280, 128>}, {transform_indices = @transform_2, window_bounds = array<i64: 1280, 16>}, {transform_indices = @transform_3, window_bounds = array<i64: 1280, 16>}, {pipeline_mode = #tpu.pipeline_mode<synchronous>, transform_indices = @transform_4, window_bounds = array<i64: 8, 128>}, {pipeline_mode = #tpu.pipeline_mode<synchronous>, transform_indices = @transform_5, window_bounds = array<i64: 16, 128>}, {transform_indices = @transform_6, window_bounds = array<i64: 1280, 128>}]} {
    %get3A = arith.constant 0 : index
    %get3A_0 = arith.constant 0 : index
    %get3A_1 = vector.load %arg1[%get3A, %get3A_0] : memref<1280x128xf32, #tpu.memory_space<vmem>>, vector<1280x128xf32>
    %get3A_2 = arith.constant 0 : index
    %get3A_3 = arith.constant 0 : index
    %get3A_4 = vector.load %arg2[%get3A_2, %get3A_3] : memref<1280x128xf32, #tpu.memory_space<vmem>>, vector<1280x128xf32>
    %add3A = arith.addf %get3A_1, %get3A_4 : vector<1280x128xf32>
    %get3A_5 = arith.constant 0 : index
    %get3A_6 = arith.constant 0 : index
    %get3A_7 = vector.load %arg3[%get3A_5, %get3A_6] : memref<1280x16xf32, #tpu.memory_space<vmem>>, vector<1280x16xf32>
    %get3A_8 = arith.constant 0 : index
    %get3A_9 = arith.constant 0 : index
    %get3A_10 = vector.load %arg4[%get3A_8, %get3A_9] : memref<1280x16xf32, #tpu.memory_space<vmem>>, vector<1280x16xf32>
    %add3A_11 = arith.addf %get3A_7, %get3A_10 : vector<1280x16xf32>
    %add3A_12 = arith.constant 1.000000e-16 : f32
    %add3A_13 = vector.broadcast %add3A_12 : f32 to vector<1280x16xf32>
    %add3A_14 = arith.addf %add3A_11, %add3A_13 : vector<1280x16xf32>
    %div3A = arith.constant 1.000000e+00 : f32
    %div3A_15 = vector.broadcast %div3A : f32 to vector<1280x16xf32>
    %div3A_16 = arith.divf %div3A_15, %add3A_14 : vector<1280x16xf32>
    %get3A_17 = arith.constant 0 : index
    %get3A_18 = arith.constant 0 : index
    %get3A_19 = vector.load %arg6[%get3A_17, %get3A_18] : memref<16x128xf32, #tpu.memory_space<vmem>>, vector<16x128xf32>
    %dot_general3A = arith.constant dense<0.000000e+00> : vector<1280x128xf32>
    %dot_general3A_20 = tpu.matmul %div3A_16, %get3A_19, %dot_general3A {dimension_numbers = #tpu.dot_dimension_numbers<[1], [0], [0], [1], [0, 0, 1, 1], [], []>, transpose_lhs_hint = false} : vector<1280x16xf32>, vector<16x128xf32>, vector<1280x128xf32> -> vector<1280x128xf32>
    %mul3A = arith.mulf %add3A, %dot_general3A_20 : vector<1280x128xf32>
    %get3A_21 = arith.constant 0 : index
    %get3A_22 = arith.constant 0 : index
    %get3A_23 = vector.load %arg5[%get3A_21, %get3A_22] : memref<8x128xf32, #tpu.memory_space<vmem>>, vector<8x128xf32>
    %slice3A = vector.extract_strided_slice %get3A_23 {offsets = [0, 0], sizes = [1, 128], strides = [1, 1]} : vector<8x128xf32> to vector<1x128xf32>
    %add3A_24 = vector.broadcast %slice3A : vector<1x128xf32> to vector<1280x128xf32>
    %add3A_25 = arith.addf %mul3A, %add3A_24 : vector<1280x128xf32>
    %max3A = arith.constant 0.000000e+00 : f32
    %max3A_26 = vector.broadcast %max3A : f32 to vector<1280x128xf32>
    %max3A_27 = arith.maximumf %add3A_25, %max3A_26 : vector<1280x128xf32>
    %swap3A = arith.constant 0 : index
    %swap3A_28 = arith.constant 0 : index
    %swap3A_29 = vector.load %arg7[%swap3A, %swap3A_28] : memref<1280x128xf32, #tpu.memory_space<vmem>>, vector<1280x128xf32>
    tpu.vector_store %arg7[%swap3A, %swap3A_28], %max3A_27 {strides = array<i32>} : memref<1280x128xf32, #tpu.memory_space<vmem>>, vector<1280x128xf32>,
    return
  }
  func.func @transform_0(%arg0: i32) -> (i32, i32) {
    %c0_i32 = arith.constant 0 : i32
    %c0_i32_0 = arith.constant 0 : i32
    return %arg0, %c0_i32 : i32, i32
  }
  func.func @transform_1(%arg0: i32) -> (i32, i32) {
    %c0_i32 = arith.constant 0 : i32
    %c0_i32_0 = arith.constant 0 : i32
    return %arg0, %c0_i32 : i32, i32
  }
  func.func @transform_2(%arg0: i32) -> (i32, i32) {
    %c0_i32 = arith.constant 0 : i32
    %c0_i32_0 = arith.constant 0 : i32
    return %arg0, %c0_i32 : i32, i32
  }
  func.func @transform_3(%arg0: i32) -> (i32, i32) {
    %c0_i32 = arith.constant 0 : i32
    %c0_i32_0 = arith.constant 0 : i32
    return %arg0, %c0_i32 : i32, i32
  }
  func.func @transform_4(%arg0: i32) -> (i32, i32) {
    %c0_i32 = arith.constant 0 : i32
    %c0_i32_0 = arith.constant 0 : i32
    %c0_i32_1 = arith.constant 0 : i32
    return %c0_i32, %c0_i32_0 : i32, i32
  }
  func.func @transform_5(%arg0: i32) -> (i32, i32) {
    %c0_i32 = arith.constant 0 : i32
    %c0_i32_0 = arith.constant 0 : i32
    %c0_i32_1 = arith.constant 0 : i32
    return %c0_i32, %c0_i32_0 : i32, i32
  }
  func.func @transform_6(%arg0: i32) -> (i32, i32) {
    %c0_i32 = arith.constant 0 : i32
    %c0_i32_0 = arith.constant 0 : i32
    return %arg0, %c0_i32 : i32, i32
  }
}

</mosaic_0001>

<sc_bundles>
// kernel: kernel.5.cloned.1.call-start
scs
__scs_entry_jumppad:
0x0: {  	(pc) =	sbr.rel $0x88, $3  }
0x1: {  	(tag) =	ssettag $0x0;
	lr =	simm.s32 $0x1  }
0x2: {  	[smem:$0x3F9B] =	sst lr;
	_ =	strace $0xD0000000  }
0x3: {  	_ = 	snop  }
0x4: {  	_ = 	snop  }
0x5: {  	_ = 	snop  }
0x6: {  	_ = 	snop  }
0x7: {  	_ = 	snop  }
__scs_overlays_trampoline_lowered:
0x8: {  	[smem:$0x3FAA] =	sst s0  }
0x9: {  	[smem:$0x3FAB] =	sst s1  }
0xa: {  	[smem:$0x3FAC] =	sst s2  }
0xb: {  	[smem:$0x3FAD] =	sst s3  }
0xc: {  	[smem:$0x3FAE] =	sst s4  }
0xd: {  	[smem:$0x3FAF] =	sst s5  }
0xe: {  	[smem:$0x3FB0] =	sst s6  }
0xf: {  	[smem:$0x3FB1] =	sst s7  }
0x10: {  	[smem:$0x3FB2] =	sst s8  }
0x11: {  	[smem:$0x3FB3] =	sst s9;
	s0 =	simm.s32 @!p0 $0x0  }
0x12: {  	s1 =	sld [smem:$0x3F99];
	s0 =	simm.s32 @p0 $0x1  }
0x13: {  	[smem:$0x3FB4] =	sst s0;
	s0 =	simm.s32 @!p1 $0x0  }
0x14: {  	s2 =	sld [smem:$0x3F98];
	s0 =	simm.s32 @p1 $0x1  }
0x15: {  	[smem:$0x3FB5] =	sst s0;
	s0 =	simm.s32 @!p2 $0x0  }
0x16: {  	s3 =	sld [smem:$0x3FDB];
	s0 =	simm.s32 @p2 $0x1  }
0x17: {  	s4 =	simm.s32 $0x1BF5;
	[smem:$0x3FB7] =	sst s0  }
0x18: {  	s0 =	sld [smem:$0x3F9A];
	_ =	swait.ge [sflag:s4], $0x0  }
0x19: {  	s7 =	sld [smem:$0x3F9B]  }
0x1a: {  	s8 =	sadd.s32 $0xFFFFE003, lr  }
0x1b: {  	s9 =	sadd.s32 $0xFFFFFEF7, lr;
	s5 =	simm.s32 $0xFFFFFFFF;
	p2 =	slt.u32 s8, $0xFFFFF086  }
0x1c: {  	p1 =	slt.u32 s9, $0xF7A;
	s5 =	simm.s32 @!p2 $0x0  }
0x1d: {  	s5 =	simm.s32 @p1 $0x1;
	p0 =	seq.s32 s7, s2  }
0x1e: {  	s7 =	smul.u32 @!p0 $0xF7A, s2;
	p2 =	seq.s32 @!p0 s5, $0x0  }
0x1f: {  	s9 =	smul.u32 $0xF7A, s1;
	s8 =	simm.s32 @!p0 $0x1BF5;
	p2 =	por !p2, p0  }
0x20: {  	[sflag:s8] =	ssyncset.s32 @!p0 $0xFFFFF086;
	s6 =	sadd.s32 @!p0 s3, s7;
	s7 =	simm.s32 @!p0 $0x108  }
0x21: {  	s3 =	sadd.s32 s3, s9;
	s6 =	sadd.s32 @!p0 $0x88, s6;
	s7 =	simm.s32 @p2 $0x1082  }
0x22: {  	[simem:s7], [sflag:s8] =	dma.local @!p0 [hbm:s6], $0xF7A  }
0x23: {  	s9 =	sor.u32 $0xD0000000, s2;
	s6 =	simm.s32 $0x108;
	_ =	swait.ge @!p0 [sflag:s8], $0x0  }
0x24: {  	s3 =	sadd.s32 $0x88, s3;
	s6 =	simm.s32 @!p1 $0x1082;
	[sflag:s4] =	ssyncset.s32 $0xFFFFF086  }
0x25: {  	[simem:s6], [sflag:s4] =	dma.local [hbm:s3], $0xF7A  }
0x26: {  	[smem:$0x3F9B] =	sst s1;
	(tag) =	ssettag s2;
	_ =	strace s9  }
0x27: {  	s1 =	sld [smem:$0x3FAB]  }
0x28: {  	s2 =	sld [smem:$0x3FAC]  }
0x29: {  	s4 =	sld [smem:$0x3FAE]  }
0x2a: {  	p0 =	seq.s32 s5, $0x0;
	s5 =	sld [smem:$0x3FAF]  }
0x2b: {  	s6 =	sld [smem:$0x3FB0]  }
0x2c: {  	s7 =	sld [smem:$0x3FB1]  }
0x2d: {  	s3 =	simm.s32 $0x108;
	s8 =	sld [smem:$0x3FB2]  }
0x2e: {  	s3 =	simm.s32 @!p0 $0x1082;
	s9 =	sld [smem:$0x3FB3]  }
0x2f: {  	lr =	sadd.s32 s0, s3;
	s0 =	sld [smem:$0x3FAA]  }
0x30: {  	s3 =	sld [smem:$0x3FAD]  }
0x31: {  	[smem:$0x3FB6] =	sst s10  }
0x32: {  	s10 =	sld [smem:$0x3FB4];
	_ =	sdelay $0x3  }
0x33: {  	p0 =	seq.s32 s10, $0x1;
	s10 =	sld [smem:$0x3FB6];
	_ =	sdelay $0x3  }
0x34: {  	[smem:$0x3FB6] =	sst s10  }
0x35: {  	s10 =	sld [smem:$0x3FB5];
	_ =	sdelay $0x3  }
0x36: {  	p1 =	seq.s32 s10, $0x1;
	s10 =	sld [smem:$0x3FB6];
	_ =	sdelay $0x3  }
0x37: {  	[smem:$0x3FB6] =	sst s10  }
0x38: {  	s10 =	sld [smem:$0x3FB7]  }
0x39: {  	_ = 	snop;
	(pc) =	sbr.ind lr, $3  }
0x3a: {  	_ = 	snop  }
0x3b: {  	_ = 	snop  }
0x3c: {  	p2 =	seq.s32 s10, $0x1;
	s10 =	sld [smem:$0x3FB6]  }
0x3d: {  	_ =	shalt  }
0x3e: {  	_ =	shalt  }
0x3f: {  	_ =	shalt  }
0x40: {  	_ =	shalt  }
0x41: {  	_ =	shalt  }
0x42: {  	_ =	shalt  }
0x43: {  	_ =	shalt  }
0x44: {  	_ =	shalt  }
0x45: {  	_ =	shalt  }
0x46: {  	_ =	shalt  }
0x47: {  	_ =	shalt  }
0x48: {  	_ =	shalt  }
0x49: {  	_ =	shalt  }
0x4a: {  	_ =	shalt  }
0x4b: {  	_ =	shalt  }
0x4c: {  	_ =	shalt  }
0x4d: {  	_ =	shalt  }
0x4e: {  	_ =	shalt  }
0x4f: {  	_ =	shalt  }
0x50: {  	_ =	shalt  }
0x51: {  	_ =	shalt  }
0x52: {  	_ =	shalt  }
0x53: {  	_ =	shalt  }
0x54: {  	_ =	shalt  }
0x55: {  	_ =	shalt  }
0x56: {  	_ =	shalt  }
0x57: {  	_ =	shalt  }
0x58: {  	_ =	shalt  }
0x59: {  	_ =	shalt  }
0x5a: {  	_ =	shalt  }
0x5b: {  	_ =	shalt  }
0x5c: {  	_ =	shalt  }
0x5d: {  	_ =	shalt  }
0x5e: {  	_ =	shalt  }
0x5f: {  	_ =	shalt  }
0x60: {  	_ =	shalt  }
0x61: {  	_ =	shalt  }
0x62: {  	_ =	shalt  }
0x63: {  	_ =	shalt  }
0x64: {  	_ =	shalt  }
0x65: {  	_ =	shalt  }
0x66: {  	_ =	shalt  }
0x67: {  	_ =	shalt  }
0x68: {  	_ =	shalt  }
0x69: {  	_ =	shalt  }
0x6a: {  	_ =	shalt  }
0x6b: {  	_ =	shalt  }
0x6c: {  	_ =	shalt  }
0x6d: {  	_ =	shalt  }
0x6e: {  	_ =	shalt  }
0x6f: {  	_ =	shalt  }
0x70: {  	_ =	shalt  }
0x71: {  	_ =	shalt  }
0x72: {  	_ =	shalt  }
0x73: {  	_ =	shalt  }
0x74: {  	_ =	shalt  }
0x75: {  	_ =	shalt  }
0x76: {  	_ =	shalt  }
0x77: {  	_ =	shalt  }
0x78: {  	_ =	shalt  }
0x79: {  	_ =	shalt  }
0x7a: {  	_ =	shalt  }
0x7b: {  	_ =	shalt  }
0x7c: {  	_ =	shalt  }
0x7d: {  	_ =	shalt  }
0x7e: {  	_ =	shalt  }
0x7f: {  	_ =	shalt  }
0x80: {  	_ =	shalt  }
0x81: {  	_ =	shalt  }
0x82: {  	_ =	shalt  }
0x83: {  	_ =	shalt  }
0x84: {  	_ =	shalt  }
0x85: {  	_ =	shalt  }
0x86: {  	_ =	shalt  }
0x87: {  	_ =	shalt  }
.Lfunc_end0:
.L_simem_size_0:
called_computation_lowered:
.L_overlay_start_0:
0x88: {  	s2 =	sld [smem:$0x3FD9]  }
0x89: {  	s3 =	sld [smem:$0x3FFE];
	_ =	sdelay $0x1  }
0x8a: {  	s1 =	srdreg.scid  }
0x8b: {  	s0 =	sand.u32 $0x1, s1  }
0x8c: {  	s17 =	sshll.u32 s0, $0xA;
	s2 =	sadd.s32 s3, s2  }
0x8d: {  	s2 =	sadd.s32 s2, s17  }
0x8e: {  	[smem:$0x3FC2] =	sst s2  }
0x8f: {  	_ = 	snop  }
0x90: {  	s2 =	sld [smem:$0x3FD0];
	(tm) =	ssettm $0x1  }
0x91: {  	s18 =	sld [smem:$0x3FFB];
	_ =	sdelay $0x3  }
0x92: {  	_ =	strace s18  }
0x93: {  	s3 =	sld [smem:$0x3FFC];
	_ =	sdelay $0x3  }
0x94: {  	_ =	strace s3  }
0x95: {  	s3 =	sld [smem:$0x3FFD];
	_ =	sdelay $0x3  }
0x96: {  	_ =	strace s3  }
0x97: {  	_ =	strace $0x8FFFFFFF  }
0x98: {  	s19 =	sld [smem:$0x3FDB];
	_ =	sdelay $0x1  }
0x99: {  	s4 =	simm.s32 $_scs_section_size  }
0x9a: {  	s5 =	simm.s32 $_size__tile_overlayer_lowered;
	s6 =	simm.s32 $_tile_overlayer_lowered  }
0x9b: {  	s22 =	simm.s32 $0x1BFF;
	s21 =	sshll.u32 s6, $0x1;
	s3 =	sadd.s32 s4, s19  }
0x9c: {  	s7 =	simm.s32 $0x0;
	s20 =	sshll.u32 s5, $0x1;
	s5 =	sadd.s32 s21, s3  }
0x9d: {  	[timem:s7], [sflag:s22] =	dma.local [hbm:s5], s20  }
0x9e: {  	_ =	swait.ge [sflag:s22], s20  }
0x9f: {  	s4 =	ssub.s32 $0x0, s20;
	[sflag:s22] =	ssyncset.done $0x0  }
0xa0: {  	[sflag:s22] =	ssyncadd.s32 s4;
	_ =	sdelay $0x1  }
0xa1: {  	s23 =	simm.s32 $0x1B8B  }
0xa2: {  	_ =	swait.ge [sflag:s23], $0x1  }
0xa3: {  	[sflag:s23] =	ssyncset.done $0x0  }
0xa4: {  	s25 =	simm.s32 $0x1B8E;
	s24 =	sld [smem:$0x3FFE];
	[sflag:s23] =	ssyncadd.s32 $0xFFFFFFFF  }
0xa5: {  	s26 =	simm.s32 $execute0_lowered;
	[smem:$0x3FD2] =	sst s25  }
0xa6: {  	s5 =	sshll.u32 s26, $0x1;
	_ =	strace $0x80000046;
	[dreg:$0x1] =	wrdreg $0xFFFFFFFF  }
0xa7: {  	s28 =	simm.s32 $_size_execute0_lowered;
	s3 =	sadd.s32 s3, s5;
	[dreg:$0x0] =	wrdreg $0x0  }
0xa8: {  	s5 =	sshll.u32 s28, $0x1;
	[dreg:$0x2] =	wrdreg s3  }
0xa9: {  	[dreg:$0x3] =	wrdreg s5  }
0xaa: {  	[dreg:$0x4] =	wrdreg $0xC0  }
0xab: {  	_ =	task [dreg:s7], $0x5FFFF  }
0xac: {  	[dreg:$0x1] =	wrdreg $0xFFFFFFFF  }
0xad: {  	[dreg:$0x0] =	wrdreg $0x60  }
0xae: {  	[dreg:$0x2] =	wrdreg s24  }
0xaf: {  	[dreg:$0x3] =	wrdreg s2  }
0xb0: {  	[dreg:$0x4] =	wrdreg $0x43800  }
0xb1: {  	[dreg:$0x5] =	wrdreg $0x183800  }
0xb2: {  	[dreg:$0x6] =	wrdreg $0x9  }
0xb3: {  	_ =	task.clear_ibuf [dreg:s7], $0x7FFFF;
	_ =	strace $0x90000046  }
0xb4: {  	s29 =	simm.s32 $0x9;
	_ =	strace $0x80000048  }
0xb5: {  	_ =	swait.ge [sflag:s29], $0x1  }
0xb6: {  	[sflag:s29] =	ssyncadd.s32 $0xFFFFFFFF  }
0xb7: {  	_ =	strace $0x90000048  }
0xb8: {  	_ =	sfence  }
0xb9: {  	s30 =	sld [smem:$0x0];
	_ =	sdelay $0x2  }
0xba: {  	s31 =	sshll.u32 s1, $0xD;
	s1 =	sshrl.u32 s1, $0x2  }
0xbb: {  	s3 =	sand.u32 $0x4000, s31;
	s1 =	sadd.s32 s1, s30  }
0xbc: {  	s0 =	sor.u32 s3, s0;
	s1 =	sshll.u32 s1, $0x11  }
0xbd: {  	s0 =	sor.u32 s1, s0  }
0xbe: {  	s0 =	sadd.s32 $0x8F2B, s0  }
0xbf: {  	[sflag:s0] =	ssyncadd.remote.s32 $0x1  }
0xc0: {  	_ =	sfence.sel $0xFFFF  }
0xc1: {  	[dreg:$0x0] =	wrdreg $0xFFFFFFFF;
	(pc) =	sbr.abs _section_cstart, $3  }
0xc2: {  	[dreg:$0x1] =	wrdreg $0xFFFFFFFF  }
0xc3: {  	_ =	task.clear_ibuf [dreg:s7], $0x2FFFF;
	_ =	strace $0x9FFFFFFF  }
0xc4: {  	(tm) =	ssettm $0x7FFFFFFF  }
0xc5: {  	_ =	shalt  }
tec
execute0_lowered:
.L_overlay_start_1:
0x0: {  	(tag) =	ssettag $0x1  }
0x1: {  	s0 =	rddreg [dreg:$0x0]  }
0x2: {  	s25 =	rddreg [dreg:$0x1]  }
0x3: {  	s8 =	rddreg [dreg:$0x2]  }
0x4: {  	s13 =	rddreg [dreg:$0x3];
	s5 =	simm.s32 $0x0;
	s14 =	stileid.u32  }
0x5: {  	s2 =	srdreg.scid;
	[smem:$0x7FF] =	sst s5;
	s1 =	sadd.s32 $0xB800, s0  }
0x6: {  	s7 =	sadd.s32 $0x33800, s0;
	s18 =	smul.u32 $0x2800, s14;
	s15 =	sadd.s32 $0x1600, s0  }
0x7: {  	s3 =	sadd.s32 $0x1400, s0;
	s2 =	sand.u32 $0x1, s2;
	s19 =	smul.u32 $0x50000, s14  }
0x8: {  	s10 =	smul.u32 $0xA000, s14;
	_ =	strace $0x80000047;
	[dreg:$0x5] =	wrdreg s1  }
0x9: {  	s6 =	sadd.s32 $0x5B800, s0;
	s21 =	smul.u32 $0x50, s14;
	[dreg:$0x6] =	wrdreg s3  }
0xa: {  	s4 =	sshll.u32 s2, $0x4;
	s9 =	ssub.s32 $0x2, s2;
	[dreg:$0x7] =	wrdreg s6  }
0xb: {  	p0 =	seq.s32 s2, $0x1;
	s1 =	sadd.s32 s18, s0;
	s0 =	sadd.s32 $0x60800, s0  }
0xc: {  	s3 =	sshrl.u32 s19, $0x2;
	s2 =	sor.u32 $0x8, s21;
	[dreg:$0x8] =	wrdreg s0  }
0xd: {  	s19 =	sadd.s32 $0x10, s21;
	s18 =	smul.u32 $0x500, s14;
	[dreg:$0xf] =	wrdreg s2  }
0xe: {  	s11 =	sshrl.u32 s9, $0x1;
	[dreg:$0x10] =	wrdreg s19  }
0xf: {  	s10 =	sshrl.u32 s10, $0x2;
	s19 =	sshll.u32 s19, $0x4;
	[smem:$0x7F4] =	sst s18  }
0x10: {  	s12 =	sadd.s32 s3, s8;
	s3 =	sadd.s32 $0x18, s21;
	[smem:$0x7F6] =	sst s19  }
0x11: {  	s8 =	sadd.s32 s10, s13;
	s10 =	sadd.s32 $0x28, s21;
	[dreg:$0x11] =	wrdreg s3  }
0x12: {  	s20 =	ssub.s32 s9, s11;
	s11 =	sadd.s32 $0x30, s21;
	[dreg:$0x13] =	wrdreg s10  }
0x13: {  	s13 =	sadd.s32 $0x38, s21;
	[dreg:$0x14] =	wrdreg s11  }
0x14: {  	s9 =	sadd.s32 $0x48, s21;
	[dreg:$0x15] =	wrdreg s13  }
0x15: {  	[dreg:$0x17] =	wrdreg s9  }
0x16: {  	s0 =	smax.u32 s20, $0x1;
	[dreg:$0x9] =	wrdreg s8  }
0x17: {  	s4 =	sor.u32 s14, s4;
	s20 =	sadd.s32 $0x400, s8;
	[dreg:$0xe] =	wrdreg s0  }
0x18: {  	s4 =	smul.u32 $0x2880, s4;
	s16 =	sadd.s32 $0x2000, s8;
	[dreg:$0x18] =	wrdreg s20  }
0x19: {  	s17 =	sadd.s32 $0x2400, s8;
	[dreg:$0x1f] =	wrdreg s16  }
0x1a: {  	s26 =	sor.u32 $0x20, s4;
	[smem:$0x7F3] =	sst s17  }
0x1b: {  	s28 =	sor.u32 $0x40, s4;
	[dreg:$0xc] =	wrdreg s26  }
0x1c: {  	s0 =	sshll.u32 s2, $0x4;
	[dreg:$0xd] =	wrdreg s28  }
0x1d: {  	s20 =	sshll.u32 s3, $0x4;
	[smem:$0x7F5] =	sst s0  }
0x1e: {  	s22 =	sshrl.u32 s4, $0x3;
	s4 =	sadd.s32 $0x20, s21;
	[smem:$0x7F7] =	sst s20  }
0x1f: {  	s23 =	sadd.s32 s25, s22;
	[dreg:$0x12] =	wrdreg s4  }
0x20: {  	s6 =	smov.u32 s15;
	s24 =	sadd.s32 s15, s22;
	[dreg:$0xa] =	wrdreg s23  }
0x21: {  	s15 =	sadd.s32 $0x40, s21;
	s21 =	sadd.s32 $0x800, s8;
	[dreg:$0xb] =	wrdreg s24  }
0x22: {  	s31 =	simm.s32 $0x3380;
	s22 =	sadd.s32 $0xC00, s8;
	[dreg:$0x19] =	wrdreg s21  }
0x23: {  	s14 =	simm.s32 $0x0;
	s26 =	sadd.s32 $0x1800, s8;
	[dreg:$0x1a] =	wrdreg s22  }
0x24: {  	s29 =	sadd.s32 $0x65800, s1;
	s28 =	sadd.s32 $0x1C00, s8;
	[dreg:$0x1d] =	wrdreg s26  }
0x25: {  	s30 =	sadd.s32 $0x8D800, s1;
	s19 =	simm.s32 $0x1;
	[dreg:$0x1e] =	wrdreg s28  }
0x26: {  	s0 =	simm.s32 $0x4;
	s23 =	sadd.s32 $0x1000, s8;
	[dreg:$0x16] =	wrdreg s15  }
0x27: {  	s24 =	sadd.s32 $0x1400, s8;
	s21 =	sshll.u32 s4, $0x4;
	[dreg:$0x1b] =	wrdreg s23  }
0x28: {  	s22 =	sshll.u32 s10, $0x4;
	s26 =	sshll.u32 s15, $0x4;
	[dreg:$0x1c] =	wrdreg s24  }
0x29: {  	s28 =	sshll.u32 s9, $0x4;
	s4 =	simm.s32 $0x380;
	[smem:$0x7F8] =	sst s21  }
.Ltmp0:
0x2a: {  	s10 =	simm.s32 $0x100;
	[smem:$0x7F9] =	sst s22;
	(pc) =	sbr.rel .LBB2_1-.Ltmp0, $4  }
0x2b: {  	s9 =	simm.s32 $0x1380;
	s15 =	simm.s32 $0x280;
	[smem:$0x7FC] =	sst s26  }
0x2c: {  	s23 =	sshll.u32 s11, $0x4;
	s24 =	sshll.u32 s13, $0x4;
	[smem:$0x7FD] =	sst s28  }
0x2d: {  	v0 =	vimm.f32 $0.0e+00;
	vm0 =	vmmov $0x1;
	vm1 =	vcmask $0x310;
	s11 =	simm.s32 $0x20;
	s13 =	simm.s32 $0x2380;
	[smem:$0x7FA] =	sst s23  }
0x2e: {  	vm2 =	vcmask $0x710;
	vm3 =	vcmask $0xB10;
	v50 =	vlaneseq.u32;
	s21 =	simm.s32 $0x3;
	s22 =	simm.s32 $0x2;
	[smem:$0x7FB] =	sst s24  }
.LBB2_15:
0x2f: {  	s1 =	rddreg [dreg:$0x8]  }
0x30: {  	[sflag:s0] =	ssyncadd.s32 $0xFFFFF000;
	s14 =	sld [smem:$0x7F2]  }
.LBB2_16:
0x31: {  	[tilespmem:s9], [sflag:$0x4] =	stream.linear.gather [spmem:s8], $0x400, $0x38;
	[tilespmem:$0x1AB80] =	vst v63  }
0x32: {  	_ =	swait.ge [sflag:s0], $0x400  }
0x33: {  	s2 =	sld [smem:$0x7F4];
	_ =	sdelay $0x1  }
0x34: {  	[sflag:s0] =	ssyncset.done $0x0  }
0x35: {  	[sflag:s0] =	ssyncadd.s32 $0xFFFFFC00;
	s2 =	sadd.s32 s1, s2  }
0x36: {  	[hbm4b:s2+s5] =	stream.linear.scatter [tilespmem:s9], [sflag:$0x4], $0x400, $0x38;
	[tilespmem:$0x1AB80] =	vst v63  }
0x37: {  	_ =	swait.ge [sflag:s0], $0x400  }
0x38: {  	s23 =	rddreg [dreg:$0xf];
	[sflag:s0] =	ssyncset.done $0x0  }
0x39: {  	s2 =	sshll.u32 s23, $0x7;
	s3 =	rddreg [dreg:$0x3]  }
0x3a: {  	[sflag:s0] =	ssyncadd.s32 $0xFFFFFC00;
	s2 =	sadd.s32 s2, s3  }
0x3b: {  	[tilespmem:s9], [sflag:$0x4] =	stream.linear.gather [spmem:s2], $0x400, $0x38;
	[tilespmem:$0x1AB80] =	vst v63  }
0x3c: {  	_ =	swait.ge [sflag:s0], $0x400  }
0x3d: {  	s24 =	sld [smem:$0x7F5];
	_ =	sdelay $0x1  }
0x3e: {  	[sflag:s0] =	ssyncset.done $0x0  }
0x3f: {  	[sflag:s0] =	ssyncadd.s32 $0xFFFFFC00;
	s2 =	sadd.s32 s1, s24  }
0x40: {  	[hbm4b:s2+s5] =	stream.linear.scatter [tilespmem:s9], [sflag:$0x4], $0x400, $0x38;
	[tilespmem:$0x1AB80] =	vst v63  }
0x41: {  	_ =	swait.ge [sflag:s0], $0x400  }
0x42: {  	s26 =	rddreg [dreg:$0x10]  }
0x43: {  	[sflag:s0] =	ssyncset.done $0x0;
	s2 =	sshll.u32 s26, $0x7  }
0x44: {  	[sflag:s0] =	ssyncadd.s32 $0xFFFFFC00;
	s2 =	sadd.s32 s2, s3  }
0x45: {  	[tilespmem:s9], [sflag:$0x4] =	stream.linear.gather [spmem:s2], $0x400, $0x38;
	[tilespmem:$0x1AB80] =	vst v63  }
0x46: {  	_ =	swait.ge [sflag:s0], $0x400  }
0x47: {  	s28 =	sld [smem:$0x7F6];
	_ =	sdelay $0x1  }
0x48: {  	[sflag:s0] =	ssyncset.done $0x0  }
0x49: {  	[sflag:s0] =	ssyncadd.s32 $0xFFFFFC00;
	s2 =	sadd.s32 s1, s28  }
0x4a: {  	[hbm4b:s2+s5] =	stream.linear.scatter [tilespmem:s9], [sflag:$0x4], $0x400, $0x38;
	[tilespmem:$0x1AB80] =	vst v63  }
0x4b: {  	_ =	swait.ge [sflag:s0], $0x400  }
0x4c: {  	s16 =	rddreg [dreg:$0x11]  }
0x4d: {  	[sflag:s0] =	ssyncset.done $0x0;
	s2 =	sshll.u32 s16, $0x7  }
0x4e: {  	[sflag:s0] =	ssyncadd.s32 $0xFFFFFC00;
	s2 =	sadd.s32 s2, s3  }
0x4f: {  	[tilespmem:s9], [sflag:$0x4] =	stream.linear.gather [spmem:s2], $0x400, $0x38;
	[tilespmem:$0x1AB80] =	vst v63  }
0x50: {  	_ =	swait.ge [sflag:s0], $0x400  }
0x51: {  	s17 =	sld [smem:$0x7F7];
	_ =	sdelay $0x1  }
0x52: {  	[sflag:s0] =	ssyncset.done $0x0  }
0x53: {  	[sflag:s0] =	ssyncadd.s32 $0xFFFFFC00;
	s2 =	sadd.s32 s1, s17  }
0x54: {  	[hbm4b:s2+s5] =	stream.linear.scatter [tilespmem:s9], [sflag:$0x4], $0x400, $0x38;
	[tilespmem:$0x1AB80] =	vst v63  }
0x55: {  	_ =	swait.ge [sflag:s0], $0x400  }
0x56: {  	s18 =	rddreg [dreg:$0x12]  }
0x57: {  	[sflag:s0] =	ssyncset.done $0x0;
	s2 =	sshll.u32 s18, $0x7  }
0x58: {  	[sflag:s0] =	ssyncadd.s32 $0xFFFFFC00;
	s2 =	sadd.s32 s2, s3  }
0x59: {  	[tilespmem:s9], [sflag:$0x4] =	stream.linear.gather [spmem:s2], $0x400, $0x38;
	[tilespmem:$0x1AB80] =	vst v63  }
0x5a: {  	_ =	swait.ge [sflag:s0], $0x400  }
0x5b: {  	s20 =	sld [smem:$0x7F8];
	_ =	sdelay $0x1  }
0x5c: {  	[sflag:s0] =	ssyncset.done $0x0  }
0x5d: {  	[sflag:s0] =	ssyncadd.s32 $0xFFFFFC00;
	s2 =	sadd.s32 s1, s20  }
0x5e: {  	[hbm4b:s2+s5] =	stream.linear.scatter [tilespmem:s9], [sflag:$0x4], $0x400, $0x38;
	[tilespmem:$0x1AB80] =	vst v63  }
0x5f: {  	_ =	swait.ge [sflag:s0], $0x400  }
0x60: {  	s23 =	rddreg [dreg:$0x13]  }
0x61: {  	[sflag:s0] =	ssyncset.done $0x0;
	s2 =	sshll.u32 s23, $0x7  }
0x62: {  	[sflag:s0] =	ssyncadd.s32 $0xFFFFFC00;
	s2 =	sadd.s32 s2, s3  }
0x63: {  	[tilespmem:s9], [sflag:$0x4] =	stream.linear.gather [spmem:s2], $0x400, $0x38;
	[tilespmem:$0x1AB80] =	vst v63  }
0x64: {  	_ =	swait.ge [sflag:s0], $0x400  }
0x65: {  	s24 =	sld [smem:$0x7F9];
	_ =	sdelay $0x1  }
0x66: {  	[sflag:s0] =	ssyncset.done $0x0  }
0x67: {  	[sflag:s0] =	ssyncadd.s32 $0xFFFFFC00;
	s2 =	sadd.s32 s1, s24  }
0x68: {  	[hbm4b:s2+s5] =	stream.linear.scatter [tilespmem:s9], [sflag:$0x4], $0x400, $0x38;
	[tilespmem:$0x1AB80] =	vst v63  }
0x69: {  	_ =	swait.ge [sflag:s0], $0x400  }
0x6a: {  	s26 =	rddreg [dreg:$0x14]  }
0x6b: {  	[sflag:s0] =	ssyncset.done $0x0;
	s2 =	sshll.u32 s26, $0x7  }
0x6c: {  	[sflag:s0] =	ssyncadd.s32 $0xFFFFFC00;
	s2 =	sadd.s32 s2, s3  }
0x6d: {  	[tilespmem:s9], [sflag:$0x4] =	stream.linear.gather [spmem:s2], $0x400, $0x38;
	[tilespmem:$0x1AB80] =	vst v63  }
0x6e: {  	_ =	swait.ge [sflag:s0], $0x400  }
0x6f: {  	s28 =	sld [smem:$0x7FA];
	_ =	sdelay $0x1  }
0x70: {  	[sflag:s0] =	ssyncset.done $0x0  }
0x71: {  	[sflag:s0] =	ssyncadd.s32 $0xFFFFFC00;
	s2 =	sadd.s32 s1, s28  }
0x72: {  	[hbm4b:s2+s5] =	stream.linear.scatter [tilespmem:s9], [sflag:$0x4], $0x400, $0x38;
	[tilespmem:$0x1AB80] =	vst v63  }
0x73: {  	_ =	swait.ge [sflag:s0], $0x400  }
0x74: {  	s16 =	rddreg [dreg:$0x15]  }
0x75: {  	[sflag:s0] =	ssyncset.done $0x0;
	s2 =	sshll.u32 s16, $0x7  }
0x76: {  	[sflag:s0] =	ssyncadd.s32 $0xFFFFFC00;
	s2 =	sadd.s32 s2, s3  }
0x77: {  	[tilespmem:s9], [sflag:$0x4] =	stream.linear.gather [spmem:s2], $0x400, $0x38;
	[tilespmem:$0x1AB80] =	vst v63  }
0x78: {  	_ =	swait.ge [sflag:s0], $0x400  }
0x79: {  	s17 =	sld [smem:$0x7FB];
	_ =	sdelay $0x1  }
0x7a: {  	[sflag:s0] =	ssyncset.done $0x0  }
0x7b: {  	[sflag:s0] =	ssyncadd.s32 $0xFFFFFC00;
	s2 =	sadd.s32 s1, s17  }
0x7c: {  	[hbm4b:s2+s5] =	stream.linear.scatter [tilespmem:s9], [sflag:$0x4], $0x400, $0x38;
	[tilespmem:$0x1AB80] =	vst v63  }
0x7d: {  	_ =	swait.ge [sflag:s0], $0x400  }
0x7e: {  	s18 =	rddreg [dreg:$0x16]  }
0x7f: {  	[sflag:s0] =	ssyncset.done $0x0;
	s2 =	sshll.u32 s18, $0x7  }
0x80: {  	[sflag:s0] =	ssyncadd.s32 $0xFFFFFC00;
	s2 =	sadd.s32 s2, s3  }
0x81: {  	[tilespmem:s9], [sflag:$0x4] =	stream.linear.gather [spmem:s2], $0x400, $0x38;
	[tilespmem:$0x1AB80] =	vst v63  }
0x82: {  	_ =	swait.ge [sflag:s0], $0x400  }
0x83: {  	s20 =	sld [smem:$0x7FC];
	_ =	sdelay $0x1  }
0x84: {  	[sflag:s0] =	ssyncset.done $0x0  }
0x85: {  	[sflag:s0] =	ssyncadd.s32 $0xFFFFFC00;
	s2 =	sadd.s32 s1, s20  }
0x86: {  	[hbm4b:s2+s5] =	stream.linear.scatter [tilespmem:s9], [sflag:$0x4], $0x400, $0x38;
	[tilespmem:$0x1AB80] =	vst v63  }
0x87: {  	_ =	swait.ge [sflag:s0], $0x400  }
0x88: {  	s23 =	rddreg [dreg:$0x17]  }
0x89: {  	[sflag:s0] =	ssyncset.done $0x0;
	s2 =	sshll.u32 s23, $0x7  }
0x8a: {  	[sflag:s0] =	ssyncadd.s32 $0xFFFFFC00;
	s2 =	sadd.s32 s2, s3  }
0x8b: {  	[tilespmem:s9], [sflag:$0x4] =	stream.linear.gather [spmem:s2], $0x400, $0x38;
	[tilespmem:$0x1AB80] =	vst v63  }
0x8c: {  	_ =	swait.ge [sflag:s0], $0x400  }
0x8d: {  	s24 =	sld [smem:$0x7FD];
	_ =	sdelay $0x1  }
0x8e: {  	[sflag:s0] =	ssyncset.done $0x0  }
0x8f: {  	[sflag:s0] =	ssyncadd.s32 $0xFFFFFC00;
	s26 =	sadd.s32 s1, s24  }
0x90: {  	[hbm4b:s26+s5] =	stream.linear.scatter [tilespmem:s9], [sflag:$0x4], $0x400, $0x38;
	[tilespmem:$0x1AB80] =	vst v63  }
0x91: {  	_ =	swait.ge [sflag:s0], $0x400  }
0x92: {  	s14 =	sadd.s32 $0x1, s14;
	s28 =	rddreg [dreg:$0xe]  }
0x93: {  	p1 =	sne.s32 s14, s28  }
.Ltmp1:
0x94: {  	_ = 	snop;
	(pc) =	sbr.rel @!p1 .LBB2_17-.Ltmp1, $3  }
0x95: {  	_ =	sdelay $0x1  }
0x96: {  	[sflag:s0] =	ssyncset.done $0x0  }
0x97: {  	[sflag:s0] =	ssyncadd.s32 $0xFFFFFC00  }
.LBB2_1:
0x98: {  	[smem:$0x7F2] =	sst s14  }
0x99: {  	s1 =	rddreg [dreg:$0x6]  }
0x9a: {  	[tilespmem:s5], [sflag:$0x4] =	stream.linear.gather [hbm4b:s1+s5], $0x80, $0x38;
	[tilespmem:$0x1AB80] =	vst v63  }
0x9b: {  	_ =	swait.ge [sflag:s0], $0x80  }
0x9c: {  	[sflag:s0] =	ssyncset.done $0x0  }
0x9d: {  	[sflag:s0] =	ssyncadd.s32 $0xFFFFFF80  }
0x9e: {  	[tilespmem:$0x380] =	vst v0  }
0x9f: {  	[tilespmem:$0x390] =	vst v0  }
0xa0: {  	[tilespmem:$0x3A0] =	vst v0  }
0xa1: {  	[tilespmem:$0x3B0] =	vst v0  }
0xa2: {  	[tilespmem:$0x3C0] =	vst v0  }
0xa3: {  	[tilespmem:$0x3D0] =	vst v0  }
0xa4: {  	[tilespmem:$0x3E0] =	vst v0  }
0xa5: {  	[tilespmem:$0x3F0] =	vst v0  }
0xa6: {  	[tilespmem:$0x400] =	vst v0  }
0xa7: {  	[tilespmem:$0x410] =	vst v0  }
0xa8: {  	[tilespmem:$0x420] =	vst v0  }
0xa9: {  	[tilespmem:$0x430] =	vst v0  }
0xaa: {  	[tilespmem:$0x440] =	vst v0  }
0xab: {  	[tilespmem:$0x450] =	vst v0  }
0xac: {  	[tilespmem:$0x460] =	vst v0  }
0xad: {  	[tilespmem:$0x470] =	vst v0  }
0xae: {  	[tilespmem:$0x480] =	vst v0  }
0xaf: {  	[tilespmem:$0x490] =	vst v0  }
0xb0: {  	[tilespmem:$0x4A0] =	vst v0  }
0xb1: {  	[tilespmem:$0x4B0] =	vst v0  }
0xb2: {  	[tilespmem:$0x4C0] =	vst v0  }
0xb3: {  	[tilespmem:$0x4D0] =	vst v0  }
0xb4: {  	[tilespmem:$0x4E0] =	vst v0  }
0xb5: {  	[tilespmem:$0x4F0] =	vst v0  }
0xb6: {  	[tilespmem:$0x500] =	vst v0  }
0xb7: {  	[tilespmem:$0x510] =	vst v0  }
0xb8: {  	[tilespmem:$0x520] =	vst v0  }
0xb9: {  	[tilespmem:$0x530] =	vst v0  }
0xba: {  	[tilespmem:$0x540] =	vst v0  }
0xbb: {  	[tilespmem:$0x550] =	vst v0  }
0xbc: {  	[tilespmem:$0x560] =	vst v0  }
0xbd: {  	[tilespmem:$0x570] =	vst v0  }
0xbe: {  	[tilespmem:$0x580] =	vst v0  }
0xbf: {  	[tilespmem:$0x590] =	vst v0  }
0xc0: {  	[tilespmem:$0x5A0] =	vst v0  }
0xc1: {  	[tilespmem:$0x5B0] =	vst v0  }
0xc2: {  	[tilespmem:$0x5C0] =	vst v0  }
0xc3: {  	[tilespmem:$0x5D0] =	vst v0  }
0xc4: {  	[tilespmem:$0x5E0] =	vst v0  }
0xc5: {  	[tilespmem:$0x5F0] =	vst v0  }
0xc6: {  	[tilespmem:$0x600] =	vst v0  }
0xc7: {  	[tilespmem:$0x610] =	vst v0  }
0xc8: {  	[tilespmem:$0x620] =	vst v0  }
0xc9: {  	[tilespmem:$0x630] =	vst v0  }
0xca: {  	[tilespmem:$0x640] =	vst v0  }
0xcb: {  	[tilespmem:$0x650] =	vst v0  }
0xcc: {  	[tilespmem:$0x660] =	vst v0  }
0xcd: {  	[tilespmem:$0x670] =	vst v0  }
0xce: {  	[tilespmem:$0x680] =	vst v0  }
0xcf: {  	[tilespmem:$0x690] =	vst v0  }
0xd0: {  	[tilespmem:$0x6A0] =	vst v0  }
0xd1: {  	[tilespmem:$0x6B0] =	vst v0  }
0xd2: {  	[tilespmem:$0x6C0] =	vst v0  }
0xd3: {  	[tilespmem:$0x6D0] =	vst v0  }
0xd4: {  	[tilespmem:$0x6E0] =	vst v0  }
0xd5: {  	[tilespmem:$0x6F0] =	vst v0  }
0xd6: {  	[tilespmem:$0x700] =	vst v0  }
0xd7: {  	[tilespmem:$0x710] =	vst v0  }
0xd8: {  	[tilespmem:$0x720] =	vst v0  }
0xd9: {  	[tilespmem:$0x730] =	vst v0  }
0xda: {  	[tilespmem:$0x740] =	vst v0  }
0xdb: {  	[tilespmem:$0x750] =	vst v0  }
0xdc: {  	[tilespmem:$0x760] =	vst v0  }
0xdd: {  	s28 =	sadd.s32 $0x0, s12;
	[tilespmem:$0x770] =	vst v0  }
0xde: {  	[spmem:s28] =	stream.linear.scatter [tilespmem:s4], [sflag:$0x4], $0x400, $0x38;
	[tilespmem:$0x1AB80] =	vst v63  }
0xdf: {  	s1 =	simm.s32 $0x1000;
	_ =	swait.ge [sflag:s0], $0x400  }
.LBB2_2:
0xe0: {  	s2 =	sshra.s32 s1, $0x2;
	[sflag:s0] =	ssyncset.done $0x0;
	p1 =	sne.s32 s1, $0x4F000  }
.Ltmp2:
0xe1: {  	s2 =	sadd.s32 s2, s12;
	[sflag:s0] =	ssyncadd.s32 $0xFFFFFC00;
	(pc) =	sbr.rel @p1 .LBB2_2-.Ltmp2, $3  }
0xe2: {  	[spmem:s2] =	stream.linear.scatter [tilespmem:s4], [sflag:$0x4], $0x400, $0x38;
	[tilespmem:$0x1AB80] =	vst v63  }
0xe3: {  	s1 =	sadd.s32 $0x1000, s1;
	_ =	sdelay $0x1  }
0xe4: {  	_ =	swait.ge [sflag:s0], $0x400  }
0xe5: {  	[sflag:s0] =	ssyncset.done $0x0  }
0xe6: {  	[sflag:s0] =	ssyncadd.s32 $0xFFFFFC00  }
0xe7: {  	[spmem:s8] =	stream.linear.scatter [tilespmem:s4], [sflag:$0x4], $0x400, $0x38;
	[tilespmem:$0x1AB80] =	vst v63  }
0xe8: {  	_ =	swait.ge [sflag:s0], $0x400  }
0xe9: {  	[sflag:s0] =	ssyncset.done $0x0  }
0xea: {  	s1 =	rddreg [dreg:$0x18];
	[sflag:s0] =	ssyncadd.s32 $0xFFFFFC00  }
0xeb: {  	[spmem:s1] =	stream.linear.scatter [tilespmem:s4], [sflag:$0x4], $0x400, $0x38;
	[tilespmem:$0x1AB80] =	vst v63  }
0xec: {  	_ =	swait.ge [sflag:s0], $0x400  }
0xed: {  	[sflag:s0] =	ssyncset.done $0x0  }
0xee: {  	s3 =	rddreg [dreg:$0x19];
	[sflag:s0] =	ssyncadd.s32 $0xFFFFFC00  }
0xef: {  	[spmem:s3] =	stream.linear.scatter [tilespmem:s4], [sflag:$0x4], $0x400, $0x38;
	[tilespmem:$0x1AB80] =	vst v63  }
0xf0: {  	_ =	swait.ge [sflag:s0], $0x400  }
0xf1: {  	[sflag:s0] =	ssyncset.done $0x0  }
0xf2: {  	s8 =	rddreg [dreg:$0x1a];
	[sflag:s0] =	ssyncadd.s32 $0xFFFFFC00  }
0xf3: {  	[spmem:s8] =	stream.linear.scatter [tilespmem:s4], [sflag:$0x4], $0x400, $0x38;
	[tilespmem:$0x1AB80] =	vst v63  }
0xf4: {  	_ =	swait.ge [sflag:s0], $0x400  }
0xf5: {  	[sflag:s0] =	ssyncset.done $0x0  }
0xf6: {  	s14 =	rddreg [dreg:$0x1b];
	[sflag:s0] =	ssyncadd.s32 $0xFFFFFC00  }
0xf7: {  	[spmem:s14] =	stream.linear.scatter [tilespmem:s4], [sflag:$0x4], $0x400, $0x38;
	[tilespmem:$0x1AB80] =	vst v63  }
0xf8: {  	_ =	swait.ge [sflag:s0], $0x400  }
0xf9: {  	[sflag:s0] =	ssyncset.done $0x0  }
0xfa: {  	s16 =	rddreg [dreg:$0x1c];
	[sflag:s0] =	ssyncadd.s32 $0xFFFFFC00  }
0xfb: {  	[spmem:s16] =	stream.linear.scatter [tilespmem:s4], [sflag:$0x4], $0x400, $0x38;
	[tilespmem:$0x1AB80] =	vst v63  }
0xfc: {  	_ =	swait.ge [sflag:s0], $0x400  }
0xfd: {  	[sflag:s0] =	ssyncset.done $0x0  }
0xfe: {  	s17 =	rddreg [dreg:$0x1d];
	[sflag:s0] =	ssyncadd.s32 $0xFFFFFC00  }
0xff: {  	[spmem:s17] =	stream.linear.scatter [tilespmem:s4], [sflag:$0x4], $0x400, $0x38;
	[tilespmem:$0x1AB80] =	vst v63  }
0x100: {  	_ =	swait.ge [sflag:s0], $0x400  }
0x101: {  	[sflag:s0] =	ssyncset.done $0x0  }
0x102: {  	s18 =	rddreg [dreg:$0x1e];
	[sflag:s0] =	ssyncadd.s32 $0xFFFFFC00  }
0x103: {  	[spmem:s18] =	stream.linear.scatter [tilespmem:s4], [sflag:$0x4], $0x400, $0x38;
	[tilespmem:$0x1AB80] =	vst v63  }
0x104: {  	_ =	swait.ge [sflag:s0], $0x400  }
0x105: {  	[sflag:s0] =	ssyncset.done $0x0  }
0x106: {  	s20 =	rddreg [dreg:$0x1f];
	[sflag:s0] =	ssyncadd.s32 $0xFFFFFC00  }
0x107: {  	[spmem:s20] =	stream.linear.scatter [tilespmem:s4], [sflag:$0x4], $0x400, $0x38;
	[tilespmem:$0x1AB80] =	vst v63  }
0x108: {  	_ =	swait.ge [sflag:s0], $0x400  }
0x109: {  	s23 =	sld [smem:$0x7F3]  }
0x10a: {  	[sflag:s0] =	ssyncset.done $0x0  }
0x10b: {  	[sflag:s0] =	ssyncadd.s32 $0xFFFFFC00  }
0x10c: {  	[spmem:s23] =	stream.linear.scatter [tilespmem:s4], [sflag:$0x4], $0x400, $0x38;
	[tilespmem:$0x1AB80] =	vst v63  }
0x10d: {  	_ =	swait.ge [sflag:s0], $0x400  }
0x10e: {  	[sflag:s0] =	ssyncset.done $0x0  }
0x10f: {  	[sflag:s0] =	ssyncadd.s32 $0xFFFFFC00  }
0x110: {  	[bflag:$0x0] =	sbarrier.arrive $0xFFFF  }
0x111: {  	v55 =	vld [tilespmem:$0x0]  }
0x112: {  	v52 =	vld [tilespmem:$0x10]  }
0x113: {  	v53 =	vld [tilespmem:$0x20]  }
0x114: {  	v51 =	vld [tilespmem:$0x30]  }
0x115: {  	v54 =	vld [tilespmem:$0x40]  }
0x116: {  	v7 =	vld [tilespmem:$0x50]  }
0x117: {  	s2 =	simm.s32 $0x80;
	s3 =	simm.s32 $0x0;
	v8 =	vld [tilespmem:$0x60];
	s24 =	rddreg [dreg:$0xa]  }
0x118: {  	v9 =	vld [tilespmem:$0x70];
	[tilespmem:s2], [sflag:$0x4] =	stream.linear.gather [hbm4b:s24+s3], $0x20, $0x38  }
0x119: {  	_ =	swait.ge [sflag:s0], $0x20  }
0x11a: {  	[sflag:s0] =	ssyncset.done $0x0  }
0x11b: {  	s26 =	rddreg [dreg:$0xb];
	[sflag:s0] =	ssyncadd.s32 $0xFFFFFFE0  }
0x11c: {  	[tilespmem:s10], [sflag:$0x4] =	stream.linear.gather [hbm4b:s26+s3], $0x20, $0x38;
	[tilespmem:$0x1AB80] =	vst v63  }
0x11d: {  	_ =	swait.ge [sflag:s0], $0x20  }
0x11e: {  	[tilespmem:$0x1FFB0] =	vst v55  }
0x11f: {  	[tilespmem:$0x1FFC0] =	vst v52  }
0x120: {  	[sflag:s0] =	ssyncset.done $0x0;
	[tilespmem:$0x1FFD0] =	vst v53  }
0x121: {  	s28 =	rddreg [dreg:$0x5];
	[tilespmem:$0x1FFE0] =	vst v51;
	[sflag:s0] =	ssyncadd.s32 $0xFFFFFFE0  }
0x122: {  	[tilespmem:s4], [sflag:$0x1] =	stream.indirect.gather [hbm4b:s28+s11], $0x80, s2, s11, $0xb8;
	[tilespmem:$0x1AB80] =	vst v63  }
0x123: {  	s26 =	simm.s32 $0x0;
	[tilespmem:$0x1FFF0] =	vst v54  }
0x124: {  	[tilespmem:s9], [sflag:$0x1] =	stream.indirect.gather [hbm4b:s7+s11], $0x80, s10, s11, $0xb8;
	[tilespmem:$0x1AB80] =	vst v63  }
.LBB2_4:
0x125: {  	s28 =	sshll.u32 s26, $0x6;
	s1 =	rddreg [dreg:$0xc]  }
0x126: {  	s1 =	sadd.s32 s28, s1  }
0x127: {  	s1 =	sshrl.u32 s1, $0x3  }
0x128: {  	s3 =	simm.s32 $0x200;
	s14 =	simm.s32 $0x0;
	s2 =	sadd.s32 s25, s1  }
0x129: {  	[tilespmem:s3], [sflag:$0x4] =	stream.linear.gather [hbm4b:s2+s14], $0x20, $0x38;
	[tilespmem:$0x1AB80] =	vst v63  }
0x12a: {  	_ =	swait.ge [sflag:s0], $0x20  }
0x12b: {  	[sflag:s0] =	ssyncset.done $0x0  }
0x12c: {  	s1 =	sadd.s32 s6, s1;
	[sflag:s0] =	ssyncadd.s32 $0xFFFFFFE0  }
0x12d: {  	[tilespmem:s15], [sflag:$0x4] =	stream.linear.gather [hbm4b:s1+s14], $0x20, $0x38;
	[tilespmem:$0x1AB80] =	vst v63  }
0x12e: {  	_ =	swait.ge [sflag:s0], $0x20  }
0x12f: {  	[sflag:s0] =	ssyncset.done $0x0  }
0x130: {  	s8 =	smov.u32 s25;
	s25 =	rddreg [dreg:$0x5];
	[sflag:s0] =	ssyncadd.s32 $0xFFFFFFE0  }
0x131: {  	[tilespmem:s13], [sflag:$0x2] =	stream.indirect.gather [hbm4b:s25+s11], $0x80, s3, s11, $0xb8;
	[tilespmem:$0x1AB80] =	vst v63  }
0x132: {  	_ = 	snop  }
0x133: {  	[tilespmem:s31], [sflag:$0x2] =	stream.indirect.gather [hbm4b:s7+s11], $0x80, s15, s11, $0xb8;
	[tilespmem:$0x1AB80] =	vst v63  }
0x134: {  	_ =	swait.ge [sflag:s19], $0x1000  }
0x135: {  	[sflag:s19] =	ssyncset.done $0x0  }
0x136: {  	[sflag:s19] =	ssyncadd.s32 $0xFFFFF000  }
0x137: {  	_ =	swait.ge [sflag:s19], $0x1000  }
0x138: {  	[sflag:s19] =	ssyncset.done $0x0  }
0x139: {  	[sflag:s19] =	ssyncadd.s32 $0xFFFFF000  }
0x13a: {  	v10 =	vld [tilespmem:$0x100]  }
0x13b: {  	v11 =	vld [tilespmem:$0x110];
	_ =	sdelay $0x3  }
0x13c: {  	v10 =	vshrl.u32 v10, $0x3  }
0x13d: {  	[tilespmem:$0x180] =	vst v10;
	v10 =	vshrl.u32 v11, $0x3  }
0x13e: {  	p1 =	por $0x1, $0x1;
	s13 =	simm.s32 $0x0;
	[tilespmem:$0x190] =	vst v10  }
.LBB2_5:
0x13f: {  	s1 =	sshll.u32 s13, $0x7  }
0x140: {  	v10 =	vld [tilespmem:s1+$0x380]  }
0x141: {  	v11 =	vld [tilespmem:s1+$0x1380]  }
0x142: {  	v15 =	vld [tilespmem:s1+$0x390]  }
0x143: {  	v12 =	vld [tilespmem:s1+$0x1390]  }
0x144: {  	v17 =	vld [tilespmem:s1+$0x3A0]  }
0x145: {  	v13 =	vld [tilespmem:s1+$0x13A0]  }
0x146: {  	v20 =	vld [tilespmem:s1+$0x3B0]  }
0x147: {  	v14 =	vld [tilespmem:s1+$0x13B0]  }
0x148: {  	v22 =	vld [tilespmem:s1+$0x3C0]  }
0x149: {  	v16 =	vld [tilespmem:s1+$0x13C0]  }
0x14a: {  	v24 =	vld [tilespmem:s1+$0x3D0]  }
0x14b: {  	v19 =	vld [tilespmem:s1+$0x13D0];
	_ =	sdelay $0x1  }
0x14c: {  	v11 =	vadd.f32 v11, v10  }
0x14d: {  	v12 =	vadd.f32 v12, v15;
	v13 =	vadd.f32 v13, v17  }
0x14e: {  	v16 =	vadd.f32 v16, v22;
	v14 =	vadd.f32 v14, v20;
	v18 =	vmul.f32 $2.000000030e-01, v11  }
0x14f: {  	v19 =	vadd.f32 v19, v24;
	v29 =	vmul.f32 $2.000000030e-01, v12;
	v21 =	vmul.f32 $2.000000030e-01, v13  }
0x150: {  	v30 =	vmul.f32 $2.000000030e-01, v16;
	v31 =	vmul.f32 $2.000000030e-01, v14;
	v11 =	vmax.f32 v11, v18  }
0x151: {  	v32 =	vmul.f32 $2.000000030e-01, v19;
	v11 =	vmul.f32 v11, v55  }
0x152: {  	v12 =	vmax.f32 v12, v29;
	v13 =	vmax.f32 v13, v21;
	v16 =	vmax.f32 v16, v30  }
0x153: {  	v12 =	vmul.f32 v12, v52;
	v13 =	vmul.f32 v13, v53;
	v11 =	vadd.f32 $0.0e+00, v11  }
0x154: {  	v33 =	vmax.f32 v14, v31;
	v35 =	vmax.f32 v19, v32;
	v34 =	vmul.f32 v16, v54  }
0x155: {  	v13 =	vadd.f32 $0.0e+00, v13;
	v11 =	vadd.f32 v12, v11;
	v12 =	vmul.f32 v33, v51  }
0x156: {  	v16 =	vmul.f32 v35, v7;
	v14 =	vadd.f32 $0.0e+00, v34  }
0x157: {  	(xrf2) =	vadd.scan.msk.f32 $0xffff, v11;
	v11 =	vadd.f32 v12, v13  }
0x158: {  	v21 =	vld [tilespmem:s1+$0x3E0];
	v36 =	vadd.f32 v16, v14  }
0x159: {  	(xrf2) =	vadd.scan.msk.f32 $0xffff, v11;
	v11 =	vld [tilespmem:s1+$0x13E0]  }
0x15a: {  	v37 =	vld [tilespmem:s1+$0x13F0];
	(xrf2) =	vadd.scan.msk.f32 $0xffff, v36  }
0x15b: {  	v18 =	vld [tilespmem:s1+$0x3F0];
	_ =	sdelay $0x2  }
0x15c: {  	v11 =	vadd.f32 v11, v21  }
0x15d: {  	s20 =	sor.u32 $0x1, s13  }
0x15e: {  	s16 =	sshll.u32 s20, $0x7;
	v12 =	vadd.f32 v37, v18;
	v38 =	vmul.f32 $2.000000030e-01, v11  }
0x15f: {  	v25 =	vld [tilespmem:s16+$0x1380];
	v39, _, _ =	vpop (xrf2)  }
0x160: {  	v27 =	vld [tilespmem:s16+$0x1390];
	v40 =	vmul.f32 $2.000000030e-01, v12;
	v14 =	vmul.f32 $1.442695020e+00, v39;
	v11 =	vmax.f32 v11, v38  }
0x161: {  	v28 =	vld [tilespmem:s16+$0x13A0];
	v41, _, _ =	vpop (xrf2);
	v11 =	vmul.f32 v11, v8  }
0x162: {  	v19 =	vld [tilespmem:s16+$0x380];
	v12 =	vmax.f32 v12, v40;
	v14 =	vbroadcast v14, $0xF;
	v16 =	vmul.f32 $1.442695020e+00, v41;
	v42, _, _ =	vpop (xrf2)  }
0x163: {  	v29 =	vld [tilespmem:s16+$0x13B0];
	v12 =	vmul.f32 v12, v9;
	v43 =	vmul.f32 $1.442695020e+00, v42;
	v11 =	vadd.f32 $0.0e+00, v11  }
0x164: {  	v30 =	vld [tilespmem:s16+$0x13C0];
	v16 =	vbroadcast v16, $0xF;
	(erf) = vpow2.f32 v14  }
0x165: {  	v12 =	vadd.f32 v12, v11;
	v11 =	vld [tilespmem:s16+$0x390]  }
0x166: {  	v13 =	vbroadcast v43, $0xF;
	(erf) = vpow2.f32 v16;
	v16 =	vld [tilespmem:s16+$0x3A0]  }
0x167: {  	(xrf2) =	vadd.scan.msk.f32 $0xffff, v12;
	v12 =	vld [tilespmem:s16+$0x3B0]  }
0x168: {  	(erf) = vpow2.f32 v13;
	v13 =	vld [tilespmem:s16+$0x3C0]  }
0x169: {  	v31 =	vld [tilespmem:s16+$0x13D0]  }
0x16a: {  	v25 =	vadd.f32 v25, v19;
	v14 =	vld [tilespmem:s16+$0x3D0];
	v46 =	vadd.f32 v27, v11  }
0x16b: {  	v28 =	vadd.f32 v28, v16  }
0x16c: {  	s3 =	sor.u32 $0x2, s13;
	v47 =	vld [tilespmem:s16+$0x13E0];
	v45 =	vmul.f32 $2.000000030e-01, v25;
	v49 =	vmul.f32 $2.000000030e-01, v46  }
0x16d: {  	s2 =	sshll.u32 s3, $0x7;
	v39 =	vld [tilespmem:s16+$0x13F0];
	v29 =	vadd.f32 v29, v12;
	v30 =	vadd.f32 v30, v13;
	v23 =	vpop (erf);
	v56 =	vmul.f32 $2.000000030e-01, v28  }
0x16e: {  	v41 =	vld [tilespmem:s2+$0x1380];
	v32 =	vmul.f32 v23, v10;
	v33 =	vmul.f32 v23, v15  }
0x16f: {  	v42 =	vld [tilespmem:s2+$0x1390];
	v31 =	vadd.f32 v31, v14;
	v59 =	vmul.f32 $2.000000030e-01, v29;
	v60 =	vmul.f32 $2.000000030e-01, v30;
	v26 =	vpop (erf)  }
0x170: {  	v15 =	vld [tilespmem:s16+$0x3E0];
	v35 =	vmul.f32 v26, v17;
	v36 =	vmul.f32 v26, v20  }
0x171: {  	v10 =	vpop (erf);
	v17 =	vld [tilespmem:s16+$0x3F0];
	v20 =	vmax.f32 v25, v45;
	v25 =	vmax.f32 v28, v56;
	v45 =	vmul.f32 $2.000000030e-01, v31  }
0x172: {  	v28 =	vmax.f32 v29, v59;
	[tilespmem:s1+$0x380] =	vst v32;
	v32 =	vld [tilespmem:s2+$0x3E0];
	v37 =	vmul.f32 v10, v22;
	v38 =	vmul.f32 v10, v24  }
0x173: {  	v29 =	vmax.f32 v30, v60;
	v59 =	vld [tilespmem:s2+$0x13E0];
	v40 =	vmul.f32 v20, v55;
	v25 =	vmul.f32 v25, v53  }
0x174: {  	v44, _, _ =	vpop (xrf2);
	v20 =	vld [tilespmem:s2+$0x380];
	v22 =	vmax.f32 v46, v49;
	v28 =	vmul.f32 v28, v51;
	v29 =	vmul.f32 v29, v54  }
0x175: {  	v46 =	vld [tilespmem:s2+$0x13B0];
	v48 =	vmul.f32 $1.442695020e+00, v44;
	v58 =	vmul.f32 v22, v52  }
0x176: {  	v22 =	vld [tilespmem:s2+$0x390];
	v31 =	vmax.f32 v31, v45;
	v57 =	vadd.f32 $0.0e+00, v40;
	v27 =	vadd.f32 v47, v15  }
0x177: {  	v44 =	vadd.f32 $0.0e+00, v25;
	v25 =	vld [tilespmem:s2+$0x3B0];
	v29 =	vadd.f32 $0.0e+00, v29;
	v24 =	vbroadcast v48, $0xF  }
0x178: {  	v43 =	vld [tilespmem:s2+$0x13A0];
	v47 =	vmul.f32 v31, v7;
	v40 =	vadd.f32 v58, v57;
	v61 =	vmul.f32 $2.000000030e-01, v27  }
0x179: {  	v39 =	vadd.f32 v39, v17;
	(erf) = vpow2.f32 v24;
	v24 =	vld [tilespmem:s2+$0x3A0];
	v41 =	vadd.f32 v41, v20  }
0x17a: {  	[tilespmem:s1+$0x390] =	vst v33;
	v33 =	vld [tilespmem:s2+$0x3F0];
	v44 =	vadd.f32 v28, v44;
	v29 =	vadd.f32 v47, v29;
	v27 =	vmax.f32 v27, v61  }
0x17b: {  	v45 =	vld [tilespmem:s2+$0x13C0];
	v62 =	vmul.f32 $2.000000030e-01, v39;
	v42 =	vadd.f32 v42, v22;
	v63 =	vmul.f32 $2.000000030e-01, v41  }
0x17c: {  	v28 =	vld [tilespmem:s2+$0x3C0];
	v59 =	vadd.f32 v59, v32;
	v27 =	vmul.f32 v27, v8;
	v58 =	vadd.f32 v46, v25  }
0x17d: {  	v31 =	vld [tilespmem:s2+$0x3D0];
	v30 =	vmax.f32 v39, v62;
	v61 =	vmul.f32 $2.000000030e-01, v42;
	v56 =	vmax.f32 v41, v63  }
0x17e: {  	[tilespmem:s1+$0x3A0] =	vst v35;
	v48 =	vld [tilespmem:s2+$0x13D0];
	v27 =	vadd.f32 $0.0e+00, v27;
	v43 =	vadd.f32 v43, v24;
	v60 =	vmul.f32 v56, v55  }
0x17f: {  	(xrf2) =	vadd.scan.msk.f32 $0xffff, v40;
	v40 =	vld [tilespmem:s2+$0x13F0];
	v30 =	vmul.f32 v30, v9;
	v63 =	vmul.f32 $2.000000030e-01, v58;
	v42 =	vmax.f32 v42, v61  }
0x180: {  	(xrf2) =	vadd.scan.msk.f32 $0xffff, v44;
	v49 =	vmul.f32 v42, v52;
	v57 =	vmul.f32 $2.000000030e-01, v43;
	v35 =	vadd.f32 $0.0e+00, v60  }
0x181: {  	v56 =	vadd.f32 v45, v28;
	v27 =	vadd.f32 v30, v27  }
0x182: {  	(xrf2) =	vadd.scan.msk.f32 $0xffff, v29;
	v39 =	vmax.f32 v58, v63;
	v62 =	vmax.f32 v43, v57;
	v60 =	vadd.f32 v49, v35  }
0x183: {  	v61 =	vmul.f32 $2.000000030e-01, v56;
	(xrf2) =	vadd.scan.msk.f32 $0xffff, v27;
	v30 =	vmul.f32 v62, v53;
	v62 =	vadd.f32 v48, v31  }
0x184: {  	v63 =	vmul.f32 $2.000000030e-01, v59;
	v40 =	vadd.f32 v40, v33;
	v58 =	vmul.f32 v39, v51;
	(xrf2) =	vadd.scan.msk.f32 $0xffff, v60  }
0x185: {  	v42 =	vmax.f32 v56, v61;
	v57 =	vadd.f32 $0.0e+00, v30;
	v43 =	vmul.f32 $2.000000030e-01, v62  }
0x186: {  	s23 =	sor.u32 $0x3, s13;
	v44 =	vmax.f32 v59, v63;
	v27 =	vmul.f32 v42, v54  }
0x187: {  	s17 =	sshll.u32 s23, $0x7;
	[tilespmem:s1+$0x3C0] =	vst v37;
	v45 =	vmul.f32 $2.000000030e-01, v40;
	v37 =	vpop (erf);
	v29 =	vadd.f32 v58, v57;
	v35 =	vmax.f32 v62, v43  }
0x188: {  	v63 =	vld [tilespmem:s17+$0x1390];
	v21 =	vmul.f32 v37, v21;
	v46 =	vadd.f32 $0.0e+00, v27;
	v47 =	vmul.f32 v35, v7  }
0x189: {  	v34 =	vmov s13;
	v18 =	vmul.f32 v37, v18;
	v42 =	vld [tilespmem:s17+$0x13C0];
	v48, _, _ =	vpop (xrf2);
	(xrf2) =	vadd.scan.msk.f32 $0xffff, v29;
	v29 =	vmul.f32 v44, v8  }
0x18a: {  	v60 =	vld [tilespmem:s17+$0x1380];
	[tilespmem:s1+$0x3E0] =	vst v21;
	v30 =	vmax.f32 v40, v45;
	v49 =	vmul.f32 $1.442695020e+00, v48;
	v56, _, _ =	vpop (xrf2);
	v21 =	vadd.f32 v47, v46  }
0x18b: {  	[tilespmem:s1+$0x3F0] =	vst v18;
	v18 =	vld [tilespmem:s17+$0x380];
	v30 =	vmul.f32 v30, v9;
	v57 =	vmul.f32 $1.442695020e+00, v56;
	v29 =	vadd.f32 $0.0e+00, v29  }
0x18c: {  	[tilespmem:s1+$0x3B0] =	vst v36;
	v59, _, _ =	vpop (xrf2);
	v58 =	vbroadcast v49, $0xF;
	v43 =	vnsel vm0, $0x0, v23;
	v23 =	vld [tilespmem:s17+$0x3A0];
	(xrf2) =	vadd.scan.msk.f32 $0xffff, v21  }
0x18d: {  	[tilespmem:s1+$0x3D0] =	vst v38;
	v35 =	vmul.f32 $1.442695020e+00, v59;
	v27 =	vbroadcast v57, $0xF;
	v47 =	vld [tilespmem:s17+$0x13A0];
	v61, _, _ =	vpop (xrf2);
	v29 =	vadd.f32 v30, v29  }
0x18e: {  	v36 =	vld.idx.msk [tilespmem:v34+s10+$0x0], $0xffff;
	(erf) = vpow2.f32 v58;
	v62 =	vmul.f32 $1.442695020e+00, v61;
	v45, _, _ =	vpop (xrf2)  }
0x18f: {  	v44 =	vbroadcast v35, $0xF;
	v21 =	vld [tilespmem:s17+$0x390];
	(xrf2) =	vadd.scan.msk.f32 $0xffff, v29;
	v35 =	vmul.f32 $1.442695020e+00, v45  }
0x190: {  	v1 =	vlaneseq.u32;
	(erf) = vpow2.f32 v27;
	v27 =	vld [tilespmem:s17+$0x3C0];
	v29 =	vbroadcast v62, $0xF  }
0x191: {  	v34 =	vshll.u32 v34, $0x7;
	(erf) = vpow2.f32 v44;
	v62 =	vld [tilespmem:s17+$0x13D0];
	v49 =	vbroadcast v35, $0xF  }
0x192: {  	v39 =	vsel vm1, v43, v26;
	v59 =	vadd.f32 v47, v23;
	(erf) = vpow2.f32 v29;
	v29 =	vld [tilespmem:s17+$0x3D0]  }
0x193: {  	v56 =	vld [tilespmem:s17+$0x13B0];
	v10 =	vsel vm2, v39, v10;
	v38 =	vadd.f32 v60, v18;
	v46, _, _ =	vpop (xrf2);
	(erf) = vpow2.f32 v49  }
0x194: {  	v26 =	vld [tilespmem:s17+$0x3B0];
	v58 =	vadd.f32 v63, v21;
	v49 =	vmul.f32 $2.000000030e-01, v59;
	v48 =	vmul.f32 $1.442695020e+00, v46  }
0x195: {  	v57 =	vmul.f32 $2.000000030e-01, v38;
	v42 =	vadd.f32 v42, v27;
	v35 =	vsel vm3, v10, v37  }
0x196: {  	v61 =	vmul.f32 $2.000000030e-01, v58;
	v37 =	vmax.f32 v59, v49;
	v10 =	vbroadcast v48, $0xF;
	v60, _, _ =	vpop (xrf2)  }
0x197: {  	v30 =	vld [tilespmem:s17+$0x3E0];
	v37 =	vmul.f32 v37, v53;
	v40 =	vadd.f32 v62, v29;
	v63 =	vmul.f32 $1.442695020e+00, v60  }
0x198: {  	v60 =	vmul.f32 $2.000000030e-01, v42;
	(erf) = vpow2.f32 v10;
	v10 =	vmax.f32 v38, v57;
	v57 =	vld [tilespmem:s17+$0x13E0]  }
0x199: {  	v39 =	vadd.f32 v56, v26;
	v62 =	vmul.f32 $2.000000030e-01, v40;
	v10 =	vmul.f32 v10, v55;
	v48, _, _ =	vpop (xrf2)  }
0x19a: {  	v36 =	vshll.u32 v36, $0x4;
	v43 =	vbroadcast v63, $0xF;
	v44 =	vmul.f32 $1.442695020e+00, v48  }
0x19b: {  	[tilespmem:s1+$0x1380] =	vst v0;
	v59 =	vld [tilespmem:s17+$0x13F0];
	v56 =	vadd.f32 $0.0e+00, v10;
	v10 =	vmax.f32 v58, v61;
	v58 =	vmul.f32 $2.000000030e-01, v39  }
0x19c: {  	[tilespmem:s1+$0x1390] =	vst v0;
	v36 =	vand.u32 $0x70, v36;
	(erf) = vpow2.f32 v43;
	v41 =	vmul.f32 v10, v52;
	v10 =	vld [tilespmem:s17+$0x3F0]  }
0x19d: {  	[tilespmem:s1+$0x13A0] =	vst v0;
	v61 =	vmax.f32 v42, v60;
	v42 =	vpop (erf);
	v44 =	vbroadcast v44, $0xF;
	v38 =	vadd.f32 v57, v30  }
0x19e: {  	[tilespmem:s1+$0x13B0] =	vst v0;
	v19 =	vmul.f32 v42, v19;
	v49 =	vmul.f32 v61, v54;
	v41 =	vadd.f32 v41, v56  }
0x19f: {  	s18 =	sor.u32 $0x4, s13;
	[tilespmem:s1+$0x13C0] =	vst v0;
	v39 =	vmax.f32 v39, v58;
	v57 =	vmul.f32 v42, v11;
	v63 =	vmul.f32 $2.000000030e-01, v38  }
0x1a0: {  	s14 =	sshll.u32 s18, $0x7;
	[tilespmem:s1+$0x13D0] =	vst v0;
	v37 =	vadd.f32 $0.0e+00, v37;
	v39 =	vmul.f32 v39, v51;
	(erf) = vpow2.f32 v44  }
0x1a1: {  	v11 =	vld [tilespmem:s14+$0x380];
	v51 =	vmax.f32 v40, v62;
	(xrf2) =	vadd.scan.msk.f32 $0xffff, v41;
	v48 =	vadd.f32 v59, v10;
	v38 =	vmax.f32 v38, v63  }
0x1a2: {  	[tilespmem:s1+$0x13E0] =	vst v0;
	v62 =	vld [tilespmem:s14+$0x1390];
	v37 =	vadd.f32 v39, v37;
	v39 =	vmul.f32 v51, v7;
	v41 =	vpop (erf);
	v38 =	vmul.f32 v38, v8  }
0x1a3: {  	v34 =	vor.u32 v34, v36;
	[tilespmem:s16+$0x380] =	vst v19;
	v56 =	vmul.f32 $2.000000030e-01, v48;
	v45 =	vpop (erf);
	v59 =	vmul.f32 v41, v12;
	v12 =	vld [tilespmem:s14+$0x390]  }
0x1a4: {  	(xrf2) =	vadd.scan.msk.f32 $0xffff, v37;
	v37 =	vadd.f32 $0.0e+00, v49;
	v16 =	vmul.f32 v41, v16;
	v60 =	vmul.f32 v45, v13;
	v13 =	vld [tilespmem:s14+$0x3A0]  }
0x1a5: {  	v34 =	vor.u32 v50, v34;
	[tilespmem:s16+$0x390] =	vst v57;
	v44 =	vpop (erf);
	v38 =	vadd.f32 $0.0e+00, v38;
	v40 =	vmax.f32 v48, v56;
	v56 =	vld [tilespmem:s14+$0x13A0]  }
0x1a6: {  	v37 =	vadd.f32 v39, v37;
	v48 =	vmul.f32 v45, v14;
	v15 =	vmul.f32 v44, v15;
	[tilespmem:s16+$0x3A0] =	vst v16;
	v14 =	vld [tilespmem:s14+$0x3B0]  }
0x1a7: {  	v50 =	vmov s3;
	v47 =	vpop (erf);
	v63 =	vmul.f32 v44, v17;
	[tilespmem:s16+$0x3B0] =	vst v59;
	v58 =	vmul.f32 v40, v9;
	v40 =	vld [tilespmem:s14+$0x1380]  }
0x1a8: {  	v49 =	vpop (erf);
	(xrf2) =	vadd.scan.msk.f32 $0xffff, v37;
	v20 =	vmul.f32 v47, v20;
	v22 =	vmul.f32 v47, v22;
	[tilespmem:s16+$0x3E0] =	vst v15;
	v15 =	vld [tilespmem:s14+$0x3C0]  }
0x1a9: {  	v24 =	vmul.f32 v49, v24;
	[tilespmem:s16+$0x3F0] =	vst v63;
	v63 =	vld [tilespmem:s14+$0x13C0];
	v61 =	vadd.f32 v58, v38;
	v38 =	vpop (erf);
	v37 =	vadd.f32 v62, v12  }
0x1aa: {  	v43 =	vmov s20;
	[tilespmem:s16+$0x3C0] =	vst v60;
	v60 =	vld [tilespmem:s14+$0x13B0];
	v25 =	vmul.f32 v49, v25;
	v17 =	vpop (erf);
	v28 =	vmul.f32 v38, v28  }
0x1ab: {  	[tilespmem:s16+$0x3D0] =	vst v48;
	v31 =	vmul.f32 v38, v31;
	v57, _, _ =	vpop (xrf2);
	v39 =	vadd.f32 v56, v13;
	v62 =	vmul.f32 $2.000000030e-01, v37  }
0x1ac: {  	(xrf2) =	vadd.scan.msk.f32 $0xffff, v61;
	v32 =	vmul.f32 v17, v32;
	v58 =	vmul.f32 $1.442695020e+00, v57;
	v40 =	vadd.f32 v40, v11  }
0x1ad: {  	[tilespmem:s2+$0x380] =	vst v20;
	v33 =	vmul.f32 v17, v33;
	v56 =	vmul.f32 $2.000000030e-01, v39;
	v19 =	vmax.f32 v37, v62  }
0x1ae: {  	v2 =	vld [tilespmem:$0x1FFE0];
	[tilespmem:s2+$0x390] =	vst v22;
	v59, _, _ =	vpop (xrf2);
	v63 =	vadd.f32 v63, v15;
	v16 =	vbroadcast v58, $0xF;
	v61 =	vmul.f32 $2.000000030e-01, v40  }
0x1af: {  	[tilespmem:s2+$0x3A0] =	vst v24;
	v36 =	vmul.f32 $1.442695020e+00, v59;
	v58 =	vadd.f32 v60, v14;
	v59 =	vld [tilespmem:s14+$0x13D0];
	v19 =	vmul.f32 v19, v52  }
0x1b0: {  	[tilespmem:s2+$0x3B0] =	vst v25;
	v52 =	vmul.f32 $2.000000030e-01, v63;
	(erf) = vpow2.f32 v16;
	v48 =	vmax.f32 v40, v61;
	v16 =	vld [tilespmem:s14+$0x3D0]  }
0x1b1: {  	[tilespmem:s2+$0x3C0] =	vst v28;
	v60 =	vmax.f32 v39, v56;
	v62 =	vmul.f32 $2.000000030e-01, v58;
	v20 =	vmul.f32 v48, v55  }
0x1b2: {  	v42 =	vnsel vm0, $0x0, v42;
	[tilespmem:s2+$0x3D0] =	vst v31;
	v36 =	vbroadcast v36, $0xF;
	v24 =	vmul.f32 v60, v53;
	v57, _, _ =	vpop (xrf2)  }
0x1b3: {  	[tilespmem:s2+$0x3E0] =	vst v32;
	v22 =	vmul.f32 $1.442695020e+00, v57;
	v48 =	vmax.f32 v58, v62;
	v20 =	vadd.f32 $0.0e+00, v20  }
0x1b4: {  	s24 =	sor.u32 $0x5, s13;
	v51 =	vld.idx.msk [tilespmem:v43+s10+$0x0], $0xffff;
	[tilespmem:s2+$0x3F0] =	vst v33;
	(erf) = vpow2.f32 v36;
	v46 =	vadd.f32 $0.0e+00, v24;
	v24 =	vmul.f32 v48, v2  }
0x1b5: {  	s25 =	sshll.u32 s24, $0x7;
	[tilespmem:s1+$0x13F0] =	vst v0;
	v58 =	vld.idx.msk [tilespmem:v50+s10+$0x0], $0xffff;
	v22 =	vbroadcast v22, $0xF;
	v19 =	vadd.f32 v19, v20;
	v56 =	vadd.f32 v59, v16  }
0x1b6: {  	[tilespmem:v34+s9+$0x0] =	vst.idx.msk $0xffff, v35;
	v36 =	vld [tilespmem:s25+$0x1380];
	v61, _, _ =	vpop (xrf2);
	v20 =	vadd.f32 v24, v46;
	v59 =	vmax.f32 v63, v52;
	v52 =	vnsel vm0, $0x0, v47  }
0x1b7: {  	[tilespmem:s16+$0x1380] =	vst v0;
	v48 =	vld [tilespmem:s14+$0x13F0];
	v25 =	vmul.f32 $1.442695020e+00, v61;
	(erf) = vpow2.f32 v22;
	v61 =	vsel vm1, v42, v41  }
0x1b8: {  	[tilespmem:s16+$0x1390] =	vst v0;
	v63 =	vld [tilespmem:s14+$0x13E0];
	v32 =	vmul.f32 v59, v54;
	v59 =	vshll.u32 v50, $0x7;
	v60 =	vmul.f32 $2.000000030e-01, v56  }
0x1b9: {  	[tilespmem:s16+$0x13A0] =	vst v0;
	v22 =	vld [tilespmem:s14+$0x3F0];
	v28 =	vsel vm2, v61, v45;
	v45 =	vshll.u32 v51, $0x4;
	v57 =	vbroadcast v25, $0xF  }
0x1ba: {  	(xrf2) =	vadd.scan.msk.f32 $0xffff, v19;
	v19 =	vld [tilespmem:s14+$0x3E0];
	v51 =	vshll.u32 v43, $0x7;
	v46 =	vadd.f32 $0.0e+00, v32;
	v24 =	vand.u32 $0x70, v45  }
0x1bb: {  	v41 =	vld [tilespmem:s25+$0x1390];
	(xrf2) =	vadd.scan.msk.f32 $0xffff, v20;
	v62 =	vmax.f32 v56, v60;
	v24 =	vor.u32 v51, v24;
	(erf) = vpow2.f32 v57  }
0x1bc: {  	[tilespmem:s16+$0x13B0] =	vst v0;
	v20 =	vmul.f32 v62, v7;
	v57 =	vshll.u32 v58, $0x4;
	v25 =	vpop (erf);
	v58 =	vor.u32 v1, v24;
	v24 =	vld [tilespmem:s25+$0x390]  }
0x1bd: {  	[tilespmem:s16+$0x13C0] =	vst v0;
	v32 =	vsel vm3, v28, v44;
	v56 =	vsel vm1, v52, v49;
	v39 =	vmul.f32 v25, v18;
	v18 =	vld [tilespmem:s25+$0x3A0]  }
0x1be: {  	[tilespmem:s16+$0x13D0] =	vst v0;
	v38 =	vsel vm2, v56, v38;
	v28 =	vpop (erf);
	v34 =	vadd.f32 v48, v22;
	v31 =	vadd.f32 v20, v46;
	v20 =	vld [tilespmem:s25+$0x380]  }
0x1bf: {  	[tilespmem:s16+$0x13E0] =	vst v0;
	v40 =	vmul.f32 v25, v21;
	v42 =	vmul.f32 v28, v23;
	v61 =	vadd.f32 v63, v19;
	v63 =	vld [tilespmem:s25+$0x13A0]  }
0x1c0: {  	[tilespmem:s16+$0x13F0] =	vst v0;
	v35 =	vand.u32 $0x70, v57;
	v43 =	vmul.f32 v28, v26;
	v23 =	vld [tilespmem:s25+$0x3B0];
	v57 =	vmul.f32 $2.000000030e-01, v34  }
0x1c1: {  	v26 =	vld [tilespmem:s25+$0x3C0];
	(xrf2) =	vadd.scan.msk.f32 $0xffff, v31;
	v31 =	vor.u32 v59, v35;
	v51 =	vmul.f32 $2.000000030e-01, v61;
	[tilespmem:v58+s9+$0x0] =	vst.idx.msk $0xffff, v32  }
0x1c2: {  	v35 =	vld [tilespmem:s25+$0x13B0];
	v21 =	vpop (erf);
	v32 =	vor.u32 v1, v31;
	v34 =	vmax.f32 v34, v57;
	v41 =	vadd.f32 v41, v24  }
0x1c3: {  	v59 =	vld [tilespmem:s25+$0x13C0];
	v33 =	vmul.f32 v21, v27;
	v45 =	vmul.f32 v21, v29;
	v29 =	vmax.f32 v61, v51  }
0x1c4: {  	v2 =	vld [tilespmem:$0x1FFC0];
	v34 =	vmul.f32 v34, v9;
	v60, _, _ =	vpop (xrf2);
	v58 =	vmul.f32 v29, v8;
	v44 =	vadd.f32 v63, v18  }
0x1c5: {  	v49 =	vld [tilespmem:s25+$0x13D0];
	v36 =	vadd.f32 v36, v20;
	v63 =	vmul.f32 $2.000000030e-01, v41;
	v62 =	vmul.f32 $1.442695020e+00, v60;
	v56, _, _ =	vpop (xrf2)  }
0x1c6: {  	[tilespmem:s2+$0x1380] =	vst v0;
	v29 =	vld [tilespmem:s25+$0x3D0];
	v31 =	vmul.f32 $1.442695020e+00, v56;
	v60 =	vadd.f32 $0.0e+00, v58;
	v56 =	vmul.f32 $2.000000030e-01, v44  }
0x1c7: {  	[tilespmem:s2+$0x1390] =	vst v0;
	v27 =	vpop (erf);
	v35 =	vadd.f32 v35, v23;
	v41 =	vmax.f32 v41, v63;
	v58 =	vld [tilespmem:s25+$0x13F0];
	v52 =	vbroadcast v62, $0xF  }
0x1c8: {  	[tilespmem:s2+$0x13A0] =	vst v0;
	v57 =	vadd.f32 v59, v26;
	v37 =	vmul.f32 v27, v30;
	v62 =	vmul.f32 $2.000000030e-01, v36;
	v30 =	vld [tilespmem:s25+$0x3E0]  }
0x1c9: {  	[tilespmem:s2+$0x13B0] =	vst v0;
	v31 =	vbroadcast v31, $0xF;
	v34 =	vadd.f32 v34, v60;
	(erf) = vpow2.f32 v52;
	v52 =	vld [tilespmem:s25+$0x13E0]  }
0x1ca: {  	[tilespmem:s2+$0x13C0] =	vst v0;
	v59 =	vmul.f32 v41, v2;
	v2 =	vld [tilespmem:$0x1FFE0];
	v10 =	vmul.f32 v27, v10;
	v60 =	vmax.f32 v44, v56  }
0x1cb: {  	v63 =	vmul.f32 $2.000000030e-01, v57;
	v36 =	vmax.f32 v36, v62;
	(erf) = vpow2.f32 v31;
	v31 =	vld [tilespmem:s25+$0x3F0];
	(xrf2) =	vadd.scan.msk.f32 $0xffff, v34  }
0x1cc: {  	[tilespmem:s2+$0x13D0] =	vst v0;
	v47 =	vmov s23;
	v62 =	vmul.f32 v60, v53;
	v36 =	vmul.f32 v36, v55;
	v61, _, _ =	vpop (xrf2)  }
0x1cd: {  	[tilespmem:s2+$0x13E0] =	vst v0;
	v49 =	vadd.f32 v49, v29;
	v51 =	vmul.f32 $1.442695020e+00, v61;
	v61 =	vmul.f32 $2.000000030e-01, v35  }
0x1ce: {  	[tilespmem:s17+$0x380] =	vst v39;
	v41 =	vmax.f32 v57, v63;
	v39 =	vadd.f32 $0.0e+00, v62;
	v50 =	vadd.f32 v52, v30  }
0x1cf: {  	[tilespmem:s2+$0x13F0] =	vst v0;
	v36 =	vadd.f32 $0.0e+00, v36;
	v35 =	vmax.f32 v35, v61;
	v52 =	vmul.f32 $2.000000030e-01, v49  }
0x1d0: {  	[tilespmem:s17+$0x3A0] =	vst v42;
	v35 =	vmul.f32 v35, v2;
	v57 =	vadd.f32 v58, v31;
	v56 =	vmul.f32 $2.000000030e-01, v50  }
0x1d1: {  	[tilespmem:s17+$0x3B0] =	vst v43;
	v60 =	vmul.f32 v41, v54;
	v58 =	vadd.f32 v59, v36;
	v61 =	vmax.f32 v49, v52  }
0x1d2: {  	[tilespmem:s17+$0x3C0] =	vst v33;
	v59 =	vadd.f32 v35, v39;
	v63 =	vmul.f32 $2.000000030e-01, v57;
	v62 =	vmax.f32 v50, v56  }
0x1d3: {  	v42 =	vadd.f32 $0.0e+00, v60;
	(xrf2) =	vadd.scan.msk.f32 $0xffff, v58;
	v43 =	vmul.f32 v61, v7;
	v44 =	vmul.f32 v62, v8  }
0x1d4: {  	[tilespmem:s17+$0x3D0] =	vst v45;
	v45 =	vbroadcast v51, $0xF;
	(xrf2) =	vadd.scan.msk.f32 $0xffff, v59;
	v46 =	vmax.f32 v57, v63  }
0x1d5: {  	[tilespmem:s17+$0x3F0] =	vst v10;
	v33 =	vadd.f32 v43, v42;
	v34 =	vmul.f32 v46, v9;
	v10, _, _ =	vpop (xrf2);
	v48 =	vadd.f32 $0.0e+00, v44  }
0x1d6: {  	v17 =	vsel vm3, v38, v17;
	[tilespmem:s17+$0x390] =	vst v40;
	v10 =	vmul.f32 $1.442695020e+00, v10  }
0x1d7: {  	[tilespmem:v32+s9+$0x0] =	vst.idx.msk $0xffff, v17;
	(erf) = vpow2.f32 v45;
	(xrf2) =	vadd.scan.msk.f32 $0xffff, v33;
	v49 =	vadd.f32 v34, v48  }
0x1d8: {  	[tilespmem:s17+$0x3E0] =	vst v37;
	v10 =	vbroadcast v10, $0xF  }
0x1d9: {  	v50 =	vld.idx.msk [tilespmem:v47+s10+$0x0], $0xffff;
	[tilespmem:s17+$0x1380] =	vst v0;
	(xrf2) =	vadd.scan.msk.f32 $0xffff, v49  }
0x1da: {  	[tilespmem:s17+$0x1390] =	vst v0  }
0x1db: {  	[tilespmem:s17+$0x13A0] =	vst v0;
	v32 =	vpop (erf);
	(erf) = vpow2.f32 v10  }
0x1dc: {  	[tilespmem:s17+$0x13B0] =	vst v0;
	v10 =	vpop (erf)  }
0x1dd: {  	[tilespmem:s17+$0x13C0] =	vst v0;
	v11 =	vmul.f32 v32, v11;
	v51, _, _ =	vpop (xrf2)  }
0x1de: {  	[tilespmem:s17+$0x13D0] =	vst v0;
	v12 =	vmul.f32 v32, v12;
	v33 =	vmul.f32 $1.442695020e+00, v51;
	v52, _, _ =	vpop (xrf2)  }
0x1df: {  	v25 =	vnsel vm0, $0x0, v25;
	[tilespmem:s17+$0x13E0] =	vst v0;
	v13 =	vmul.f32 v10, v13;
	v34 =	vmul.f32 $1.442695020e+00, v52  }
0x1e0: {  	[tilespmem:s17+$0x13F0] =	vst v0;
	v57 =	vshll.u32 v47, $0x7;
	v14 =	vmul.f32 v10, v14;
	v56 =	vpop (erf);
	v33 =	vbroadcast v33, $0xF  }
0x1e1: {  	[tilespmem:s14+$0x380] =	vst v11;
	v17 =	vshll.u32 v50, $0x4;
	v11 =	vmul.f32 v56, v15;
	v59, _, _ =	vpop (xrf2);
	v58 =	vbroadcast v34, $0xF  }
0x1e2: {  	[tilespmem:s14+$0x390] =	vst v12;
	v17 =	vand.u32 $0x70, v17;
	(erf) = vpow2.f32 v33;
	v60 =	vmul.f32 $1.442695020e+00, v59  }
0x1e3: {  	v17 =	vor.u32 v57, v17;
	v61 =	vmul.f32 v56, v16;
	[tilespmem:s14+$0x3A0] =	vst v13;
	(erf) = vpow2.f32 v58;
	v62, _, _ =	vpop (xrf2)  }
0x1e4: {  	v17 =	vor.u32 v1, v17;
	[tilespmem:s14+$0x3B0] =	vst v14;
	v33 =	vpop (erf);
	v12 =	vbroadcast v60, $0xF;
	v15 =	vmul.f32 $1.442695020e+00, v62  }
0x1e5: {  	v63 =	vmov s18;
	[tilespmem:s14+$0x3C0] =	vst v11;
	v11 =	vmul.f32 v33, v19;
	v34 =	vmul.f32 v33, v22  }
0x1e6: {  	v36 =	vsel vm1, v25, v28;
	[tilespmem:s14+$0x3D0] =	vst v61;
	(erf) = vpow2.f32 v12;
	v37 =	vbroadcast v15, $0xF  }
0x1e7: {  	v38 =	vsel vm2, v36, v21;
	[tilespmem:s14+$0x3E0] =	vst v11  }
0x1e8: {  	v11 =	vsel vm3, v38, v27;
	[tilespmem:s14+$0x3F0] =	vst v34;
	(erf) = vpow2.f32 v37  }
0x1e9: {  	[tilespmem:v17+s9+$0x0] =	vst.idx.msk $0xffff, v11  }
0x1ea: {  	v11 =	vld.idx.msk [tilespmem:v63+s10+$0x0], $0xffff;
	[tilespmem:s14+$0x1380] =	vst v0  }
0x1eb: {  	[tilespmem:s14+$0x1390] =	vst v0;
	v39 =	vpop (erf)  }
0x1ec: {  	[tilespmem:s14+$0x13A0] =	vst v0;
	v40 =	vmul.f32 v39, v20  }
0x1ed: {  	[tilespmem:s14+$0x13B0] =	vst v0;
	v41 =	vmul.f32 v39, v24;
	v42 =	vpop (erf)  }
0x1ee: {  	[tilespmem:s25+$0x380] =	vst v40;
	v43 =	vmul.f32 v42, v18  }
0x1ef: {  	[tilespmem:s25+$0x390] =	vst v41;
	v44 =	vmul.f32 v42, v23;
	v45 =	vpop (erf)  }
0x1f0: {  	[tilespmem:s25+$0x3A0] =	vst v43;
	v46 =	vmul.f32 v45, v26  }
0x1f1: {  	v47 =	vmov s24;
	[tilespmem:s25+$0x3B0] =	vst v44;
	v48 =	vmul.f32 v45, v29;
	v49 =	vpop (erf)  }
0x1f2: {  	v11 =	vshll.u32 v11, $0x4;
	[tilespmem:s25+$0x3C0] =	vst v46;
	v50 =	vmul.f32 v49, v30  }
0x1f3: {  	v16 =	vshll.u32 v63, $0x7;
	v11 =	vand.u32 $0x70, v11;
	[tilespmem:s25+$0x3D0] =	vst v48;
	v51 =	vmul.f32 v49, v31  }
0x1f4: {  	v11 =	vor.u32 v16, v11;
	[tilespmem:s25+$0x3E0] =	vst v50  }
0x1f5: {  	v11 =	vor.u32 v1, v11;
	[tilespmem:s25+$0x3F0] =	vst v51  }
0x1f6: {  	v52 =	vnsel vm0, $0x0, v32;
	[tilespmem:s14+$0x13C0] =	vst v0;
	v15 =	vld.idx.msk [tilespmem:v47+s10+$0x0], $0xffff  }
0x1f7: {  	v10 =	vsel vm1, v52, v10;
	[tilespmem:s14+$0x13D0] =	vst v0  }
0x1f8: {  	v10 =	vsel vm2, v10, v56;
	[tilespmem:s14+$0x13E0] =	vst v0  }
0x1f9: {  	v10 =	vsel vm3, v10, v33;
	[tilespmem:s14+$0x13F0] =	vst v0  }
0x1fa: {  	s16 =	sor.u32 $0x6, s13;
	[tilespmem:v11+s9+$0x0] =	vst.idx.msk $0xffff, v10  }
0x1fb: {  	s23 =	sshll.u32 s16, $0x7;
	[tilespmem:s25+$0x1380] =	vst v0;
	v10 =	vshll.u32 v15, $0x4  }
0x1fc: {  	v28 =	vld [tilespmem:s23+$0x3C0];
	v11 =	vshll.u32 v47, $0x7;
	[tilespmem:s25+$0x1390] =	vst v0;
	v10 =	vand.u32 $0x70, v10  }
0x1fd: {  	v21 =	vld [tilespmem:s23+$0x3A0];
	[tilespmem:s25+$0x13A0] =	vst v0;
	v10 =	vor.u32 v11, v10  }
0x1fe: {  	v57 =	vld [tilespmem:s23+$0x13A0];
	[tilespmem:s25+$0x13B0] =	vst v0;
	v10 =	vor.u32 v1, v10  }
0x1ff: {  	v61 =	vld [tilespmem:s23+$0x13D0];
	[tilespmem:s25+$0x13C0] =	vst v0;
	v11 =	vnsel vm0, $0x0, v39  }
0x200: {  	v56 =	vld [tilespmem:s23+$0x1390];
	[tilespmem:s25+$0x13D0] =	vst v0;
	v11 =	vsel vm1, v11, v42  }
0x201: {  	v59 =	vld [tilespmem:s23+$0x13C0];
	[tilespmem:s25+$0x13E0] =	vst v0;
	v11 =	vsel vm2, v11, v45  }
0x202: {  	v12 =	vld [tilespmem:s23+$0x390];
	[tilespmem:s25+$0x13F0] =	vst v0;
	v11 =	vsel vm3, v11, v49  }
0x203: {  	[tilespmem:v10+s9+$0x0] =	vst.idx.msk $0xffff, v11;
	v11 =	vld [tilespmem:s23+$0x380]  }
0x204: {  	v10 =	vld [tilespmem:s23+$0x1380]  }
0x205: {  	v58 =	vld [tilespmem:s23+$0x13B0]  }
0x206: {  	v33 =	vld [tilespmem:s23+$0x3F0]  }
0x207: {  	v63 =	vld [tilespmem:s23+$0x13E0]  }
0x208: {  	v14 =	vadd.f32 v57, v21;
	v24 =	vld [tilespmem:s23+$0x3B0]  }
0x209: {  	v13 =	vadd.f32 v56, v12;
	v1 =	vld [tilespmem:$0x1FFC0];
	v10 =	vadd.f32 v10, v11  }
0x20a: {  	v25 =	vmul.f32 $2.000000030e-01, v14;
	v29 =	vld [tilespmem:s23+$0x3D0]  }
0x20b: {  	v62 =	vmul.f32 $2.000000030e-01, v13;
	v26 =	vld [tilespmem:s23+$0x13F0];
	v60 =	vmul.f32 $2.000000030e-01, v10  }
0x20c: {  	v14 =	vmax.f32 v14, v25;
	v30 =	vld [tilespmem:s23+$0x3E0]  }
0x20d: {  	v13 =	vmax.f32 v13, v62;
	v16 =	vadd.f32 v59, v28;
	v10 =	vmax.f32 v10, v60  }
0x20e: {  	v15 =	vadd.f32 v58, v24;
	v13 =	vmul.f32 v13, v1;
	v1 =	vld [tilespmem:$0x1FFE0];
	v10 =	vmul.f32 v10, v55  }
0x20f: {  	v14 =	vmul.f32 v14, v53;
	v31 =	vmul.f32 $2.000000030e-01, v16;
	v18 =	vadd.f32 v61, v29  }
0x210: {  	s3 =	sor.u32 $0x7, s13;
	v17 =	vadd.f32 v26, v33;
	v27 =	vmul.f32 $2.000000030e-01, v15;
	v10 =	vadd.f32 $0.0e+00, v10  }
0x211: {  	s20 =	sshll.u32 s3, $0x7;
	v16 =	vmax.f32 v16, v31;
	v35 =	vmul.f32 $2.000000030e-01, v18;
	v19 =	vadd.f32 v63, v30  }
0x212: {  	v36 =	vld [tilespmem:s20+$0x380];
	v16 =	vmul.f32 v16, v54;
	v10 =	vadd.f32 v13, v10;
	v13 =	vmax.f32 v15, v27  }
0x213: {  	v14 =	vadd.f32 $0.0e+00, v14;
	v34 =	vld [tilespmem:s20+$0x1380];
	v32 =	vmul.f32 $2.000000030e-01, v19;
	v13 =	vmul.f32 v13, v1  }
0x214: {  	v38 =	vld [tilespmem:s20+$0x1390];
	v37 =	vmul.f32 $2.000000030e-01, v17;
	v41 =	vadd.f32 $0.0e+00, v16;
	v39 =	vmax.f32 v18, v35  }
0x215: {  	v23 =	vld [tilespmem:s20+$0x390];
	v15 =	vmax.f32 v19, v32;
	(xrf2) =	vadd.scan.msk.f32 $0xffff, v10;
	v10 =	vadd.f32 v13, v14;
	v13 =	vmul.f32 v39, v7  }
0x216: {  	v40 =	vmul.f32 v15, v8  }
0x217: {  	v42 =	vmax.f32 v17, v37;
	v13 =	vadd.f32 v13, v41  }
0x218: {  	v44 =	vadd.f32 v34, v36;
	v43 =	vmul.f32 v42, v9;
	(xrf2) =	vadd.scan.msk.f32 $0xffff, v10;
	v10 =	vadd.f32 $0.0e+00, v40  }
0x219: {  	(xrf2) =	vadd.scan.msk.f32 $0xffff, v13  }
0x21a: {  	v46 =	vadd.f32 v38, v23;
	v45 =	vmul.f32 $2.000000030e-01, v44;
	v1 =	vld [tilespmem:$0x1FFC0];
	v10 =	vadd.f32 v43, v10;
	_ =	sdelay $0x1  }
0x21b: {  	v48 =	vld [tilespmem:s20+$0x13A0];
	v47 =	vmul.f32 $2.000000030e-01, v46;
	(xrf2) =	vadd.scan.msk.f32 $0xffff, v10;
	v10 =	vmax.f32 v44, v45  }
0x21c: {  	v49 =	vld [tilespmem:s20+$0x13B0];
	v10 =	vmul.f32 v10, v55  }
0x21d: {  	v15 =	vld [tilespmem:s20+$0x3B0];
	v13 =	vmax.f32 v46, v47  }
0x21e: {  	v14 =	vld [tilespmem:s20+$0x3A0];
	v13 =	vmul.f32 v13, v1;
	v10 =	vadd.f32 $0.0e+00, v10;
	v50, _, _ =	vpop (xrf2)  }
0x21f: {  	v18 =	vmul.f32 $1.442695020e+00, v50  }
0x220: {  	v10 =	vadd.f32 v13, v10  }
0x221: {  	v51, _, _ =	vpop (xrf2);
	v18 =	vbroadcast v18, $0xF  }
0x222: {  	v17 =	vadd.f32 v49, v15;
	v13 =	vmul.f32 $1.442695020e+00, v51;
	(xrf2) =	vadd.scan.msk.f32 $0xffff, v10;
	v52, _, _ =	vpop (xrf2)  }
0x223: {  	v61 =	vld [tilespmem:s20+$0x13D0];
	v16 =	vadd.f32 v48, v14;
	(erf) = vpow2.f32 v18;
	v18 =	vmul.f32 $1.442695020e+00, v52  }
0x224: {  	v58 =	vld [tilespmem:s20+$0x13C0];
	v57 =	vmul.f32 $2.000000030e-01, v17;
	v13 =	vbroadcast v13, $0xF  }
0x225: {  	v1 =	vld [tilespmem:$0x1FFE0];
	v10 =	vmul.f32 $2.000000030e-01, v16;
	v59 =	vbroadcast v18, $0xF  }
0x226: {  	v60 =	vmax.f32 v17, v57;
	v17 =	vld [tilespmem:s20+$0x3D0];
	v56, _, _ =	vpop (xrf2);
	(erf) = vpow2.f32 v13  }
0x227: {  	s17 =	sor.u32 $0x8, s13;
	v10 =	vmax.f32 v16, v10;
	v16 =	vld [tilespmem:s20+$0x3C0];
	v19 =	vmul.f32 $1.442695020e+00, v56;
	(erf) = vpow2.f32 v59  }
0x228: {  	s2 =	sshll.u32 s17, $0x7;
	v18 =	vld [tilespmem:s20+$0x3E0]  }
0x229: {  	v10 =	vmul.f32 v10, v53;
	v19 =	vbroadcast v19, $0xF;
	v22 =	vld [tilespmem:s2+$0x390]  }
0x22a: {  	v42 =	vld [tilespmem:s2+$0x1390]  }
0x22b: {  	v20 =	vmul.f32 v60, v1;
	v10 =	vadd.f32 $0.0e+00, v10;
	v62 =	vld [tilespmem:s20+$0x13E0];
	(erf) = vpow2.f32 v19  }
0x22c: {  	v63 =	vld [tilespmem:s20+$0x13F0];
	v13, _, _ =	vpop (xrf2)  }
0x22d: {  	v56 =	vadd.f32 v61, v17;
	v10 =	vadd.f32 v20, v10;
	v19 =	vld [tilespmem:s20+$0x3F0];
	v13 =	vmul.f32 $1.442695020e+00, v13  }
0x22e: {  	v52 =	vadd.f32 v58, v16  }
0x22f: {  	v59 =	vmul.f32 $2.000000030e-01, v56;
	v1 =	vld [tilespmem:$0x1FFC0];
	v42 =	vadd.f32 v42, v22;
	v13 =	vbroadcast v13, $0xF  }
0x230: {  	v26 =	vld [tilespmem:s2+$0x3A0];
	v53 =	vmul.f32 $2.000000030e-01, v52  }
0x231: {  	v44 =	vld [tilespmem:s2+$0x13A0];
	(xrf2) =	vadd.scan.msk.f32 $0xffff, v10;
	v10 =	vpop (erf);
	v57 =	vadd.f32 v62, v18;
	v62 =	vmax.f32 v56, v59;
	v59 =	vmul.f32 $2.000000030e-01, v42  }
0x232: {  	v20 =	vld [tilespmem:s2+$0x380];
	v41 =	vmul.f32 v10, v11;
	v25 =	vmul.f32 v10, v12;
	v11 =	vpop (erf);
	v38 =	vadd.f32 v63, v19  }
0x233: {  	v40 =	vld [tilespmem:s2+$0x1380];
	v60 =	vmul.f32 $2.000000030e-01, v57;
	(erf) = vpow2.f32 v13;
	v42 =	vmax.f32 v42, v59;
	v13 =	vpop (erf)  }
0x234: {  	v47 =	vld [tilespmem:s2+$0x13B0];
	v42 =	vmul.f32 v42, v1;
	v12 =	vpop (erf);
	v32 =	vmul.f32 v13, v29  }
0x235: {  	v1 =	vld [tilespmem:$0x1FFD0];
	v29 =	vmul.f32 v12, v33;
	v33 =	vmax.f32 v57, v60;
	v57 =	vmul.f32 $2.000000030e-01, v38  }
0x236: {  	v44 =	vadd.f32 v44, v26;
	v34 =	vmul.f32 v13, v28;
	v28 =	vld [tilespmem:s2+$0x3B0];
	v33 =	vmul.f32 v33, v8  }
0x237: {  	v48 =	vld [tilespmem:s2+$0x13C0];
	v39 =	vmul.f32 v11, v21;
	v21 =	vmax.f32 v52, v53;
	v38 =	vmax.f32 v38, v57  }
0x238: {  	v35 =	vld [tilespmem:s2+$0x3D0];
	v60 =	vmul.f32 $2.000000030e-01, v44;
	v33 =	vadd.f32 $0.0e+00, v33;
	v38 =	vmul.f32 v38, v9  }
0x239: {  	v45 =	vld [tilespmem:s2+$0x13D0];
	v56 =	vadd.f32 v40, v20;
	v21 =	vmul.f32 v21, v54  }
0x23a: {  	v31 =	vmul.f32 v12, v30;
	v30 =	vld [tilespmem:s2+$0x3C0];
	v38 =	vadd.f32 v38, v33;
	v33 =	vmax.f32 v44, v60  }
0x23b: {  	s25 =	sor.u32 $0x9, s13;
	v63 =	vmul.f32 v62, v7;
	v58, _, _ =	vpop (xrf2);
	v53 =	vadd.f32 v47, v28;
	v33 =	vmul.f32 v33, v1;
	v1 =	vld [tilespmem:$0x1FFE0]  }
0x23c: {  	s24 =	sshll.u32 s25, $0x7;
	v37 =	vld [tilespmem:s2+$0x3E0];
	v27 =	vmul.f32 v11, v24;
	v24 =	vmul.f32 $1.442695020e+00, v58  }
0x23d: {  	v46 =	vld [tilespmem:s24+$0x380];
	v58 =	vmul.f32 $2.000000030e-01, v56;
	v62 =	vmul.f32 $2.000000030e-01, v53  }
0x23e: {  	v52 =	vld [tilespmem:s2+$0x13E0];
	v61 =	vadd.f32 $0.0e+00, v21;
	v21 =	vpop (erf)  }
0x23f: {  	v54 =	vld [tilespmem:s24+$0x1380];
	v50 =	vmax.f32 v56, v58;
	v40 =	vmul.f32 v21, v36;
	v51 =	vmax.f32 v53, v62  }
0x240: {  	v36 =	vadd.f32 v63, v61;
	v61 =	vadd.f32 v48, v30;
	v53 =	vmul.f32 v51, v1;
	v1 =	vld [tilespmem:$0x1FFF0]  }
0x241: {  	v43 =	vld [tilespmem:s2+$0x3F0];
	v50 =	vmul.f32 v50, v55  }
0x242: {  	v49 =	vld [tilespmem:s2+$0x13F0];
	v63 =	vmul.f32 $2.000000030e-01, v61  }
0x243: {  	v56 =	vld [tilespmem:s24+$0x1390];
	v55 =	vadd.f32 v52, v37;
	v50 =	vadd.f32 $0.0e+00, v50  }
0x244: {  	v54 =	vadd.f32 v54, v46;
	v47 =	vld [tilespmem:s24+$0x390];
	v44 =	vmax.f32 v61, v63  }
0x245: {  	v42 =	vadd.f32 v42, v50;
	v50 =	vmul.f32 $2.000000030e-01, v55;
	v44 =	vmul.f32 v44, v1;
	v1 =	vld [tilespmem:$0x1FFB0];
	_ =	sdelay $0x1  }
0x246: {  	v50 =	vmax.f32 v55, v50;
	v55 =	vmul.f32 $2.000000030e-01, v54  }
0x247: {  	v57 =	vld [tilespmem:s24+$0x13A0]  }
0x248: {  	v45 =	vadd.f32 v45, v35;
	v48 =	vld [tilespmem:s24+$0x3A0];
	v54 =	vmax.f32 v54, v55  }
0x249: {  	v49 =	vadd.f32 v49, v43;
	v56 =	vadd.f32 v56, v47;
	v54 =	vmul.f32 v54, v1;
	v1 =	vld [tilespmem:$0x1FFC0]  }
0x24a: {  	v59 =	vld [tilespmem:s24+$0x13B0];
	v58 =	vmul.f32 $2.000000030e-01, v45  }
0x24b: {  	v52 =	vld [tilespmem:s24+$0x3C0];
	v61 =	vmul.f32 $2.000000030e-01, v49;
	v62 =	vmul.f32 $2.000000030e-01, v56  }
0x24c: {  	v58 =	vmax.f32 v45, v58;
	v45 =	vld [tilespmem:s24+$0x13C0];
	v50 =	vmul.f32 v50, v8  }
0x24d: {  	v51 =	vld [tilespmem:s24+$0x3B0];
	v57 =	vadd.f32 v57, v48;
	v49 =	vmax.f32 v49, v61;
	v62 =	vmax.f32 v56, v62  }
0x24e: {  	v61 =	vmul.f32 v49, v9;
	v49 =	vadd.f32 $0.0e+00, v54;
	v54 =	vmul.f32 v62, v1;
	v1 =	vld [tilespmem:$0x1FFD0]  }
0x24f: {  	v33 =	vadd.f32 $0.0e+00, v33;
	v63 =	vld [tilespmem:s24+$0x13E0]  }
0x250: {  	(xrf2) =	vadd.scan.msk.f32 $0xffff, v36;
	v55 =	vld [tilespmem:s24+$0x3E0];
	v36 =	vadd.f32 $0.0e+00, v50;
	v50 =	vmul.f32 $2.000000030e-01, v57  }
0x251: {  	v60 =	vadd.f32 v53, v33;
	v53 =	vld [tilespmem:s24+$0x3D0]  }
0x252: {  	v56 =	vld [tilespmem:s24+$0x13F0];
	v50 =	vmax.f32 v57, v50;
	v36 =	vadd.f32 v61, v36;
	v57 =	vadd.f32 v59, v51  }
0x253: {  	v33 =	vadd.f32 $0.0e+00, v44;
	v44 =	vmul.f32 v58, v7;
	v61 =	vmul.f32 v50, v1;
	v1 =	vld [tilespmem:$0x1FFE0]  }
0x254: {  	v58 =	vld [tilespmem:s24+$0x13D0]  }
0x255: {  	v44 =	vadd.f32 v44, v33;
	v33 =	vld [tilespmem:s24+$0x3F0];
	v62 =	vmul.f32 $2.000000030e-01, v57  }
0x256: {  	(xrf2) =	vadd.scan.msk.f32 $0xffff, v38  }
0x257: {  	v45 =	vadd.f32 v45, v52;
	(xrf2) =	vadd.scan.msk.f32 $0xffff, v42;
	v62 =	vmax.f32 v57, v62;
	v50 =	vadd.f32 v63, v55  }
0x258: {  	(xrf2) =	vadd.scan.msk.f32 $0xffff, v60;
	v60 =	vmul.f32 v62, v1;
	v1 =	vld [tilespmem:$0x1FFF0]  }
0x259: {  	v38 =	vadd.f32 $0.0e+00, v61;
	v61 =	vmul.f32 $2.000000030e-01, v45;
	v63 =	vmul.f32 $2.000000030e-01, v50  }
0x25a: {  	v58 =	vadd.f32 v58, v53;
	v56 =	vadd.f32 v56, v33  }
0x25b: {  	(xrf2) =	vadd.scan.msk.f32 $0xffff, v44;
	v42 =	vadd.f32 v54, v49;
	v61 =	vmax.f32 v45, v61;
	v49 =	vmax.f32 v50, v63  }
0x25c: {  	(xrf2) =	vadd.scan.msk.f32 $0xffff, v36;
	v63 =	vmul.f32 $2.000000030e-01, v56;
	v62 =	vmul.f32 $2.000000030e-01, v58;
	v36 =	vadd.f32 v60, v38  }
0x25d: {  	v24 =	vbroadcast v24, $0xF;
	(xrf2) =	vadd.scan.msk.f32 $0xffff, v42;
	v44 =	vmul.f32 v61, v1  }
0x25e: {  	v57 =	vmul.f32 v49, v8;
	v50 =	vmax.f32 v56, v63;
	v54 =	vmax.f32 v58, v62;
	v58, _, _ =	vpop (xrf2);
	(xrf2) =	vadd.scan.msk.f32 $0xffff, v36  }
0x25f: {  	s18 =	sor.u32 $0xA, s13;
	(erf) = vpow2.f32 v24;
	v38 =	vmul.f32 v54, v7;
	v44 =	vadd.f32 $0.0e+00, v44  }
0x260: {  	s1 =	sshll.u32 s18, $0x7;
	v42 =	vadd.f32 $0.0e+00, v57;
	v60 =	vmul.f32 v50, v9;
	v49 =	vmul.f32 $1.442695020e+00, v58;
	v59, _, _ =	vpop (xrf2)  }
0x261: {  	v56 =	vmul.f32 v21, v23;
	v54 =	vld [tilespmem:s1+$0x1380];
	v50, _, _ =	vpop (xrf2);
	v61 =	vmul.f32 $1.442695020e+00, v59;
	v62 =	vadd.f32 v38, v44  }
0x262: {  	v42 =	vadd.f32 v60, v42;
	v63 =	vbroadcast v49, $0xF;
	v57 =	vmul.f32 $1.442695020e+00, v50;
	v58, _, _ =	vpop (xrf2);
	v38 =	vld [tilespmem:s1+$0x380]  }
0x263: {  	v59 =	vmul.f32 $1.442695020e+00, v58;
	v49 =	vbroadcast v61, $0xF;
	(xrf2) =	vadd.scan.msk.f32 $0xffff, v62  }
0x264: {  	(erf) = vpow2.f32 v63;
	v23 =	vbroadcast v57, $0xF;
	(xrf2) =	vadd.scan.msk.f32 $0xffff, v42  }
0x265: {  	v36 =	vld [tilespmem:s1+$0x390];
	v60, _, _ =	vpop (xrf2);
	v24 =	vbroadcast v59, $0xF;
	(erf) = vpow2.f32 v49  }
0x266: {  	v61 =	vld [tilespmem:s1+$0x1390];
	(erf) = vpow2.f32 v23;
	v62, _, _ =	vpop (xrf2)  }
0x267: {  	v1 =	vld [tilespmem:$0x1FFB0];
	(erf) = vpow2.f32 v24;
	v50 =	vadd.f32 v54, v38;
	v57, _, _ =	vpop (xrf2)  }
0x268: {  	v42 =	vmul.f32 $1.442695020e+00, v60;
	v49 =	vmul.f32 $1.442695020e+00, v62;
	v58, _, _ =	vpop (xrf2)  }
0x269: {  	v4 =	vld [tilespmem:$0x1FFD0];
	v45 =	vmul.f32 $2.000000030e-01, v50;
	v24 =	vmul.f32 $1.442695020e+00, v58  }
0x26a: {  	v63 =	vbroadcast v42, $0xF;
	v23 =	vmul.f32 $1.442695020e+00, v57;
	v57 =	vld [tilespmem:s1+$0x13A0]  }
0x26b: {  	v44 =	vadd.f32 v61, v36;
	v42 =	vmax.f32 v50, v45;
	v61 =	vbroadcast v24, $0xF;
	v24 =	vld [tilespmem:s1+$0x3A0]  }
0x26c: {  	[tilespmem:s23+$0x380] =	vst v41;
	v41 =	vpop (erf);
	v54 =	vbroadcast v49, $0xF;
	v42 =	vmul.f32 v42, v1;
	v1 =	vld [tilespmem:$0x1FFC0]  }
0x26d: {  	v6 =	vld [tilespmem:$0x1FFE0];
	[tilespmem:s23+$0x390] =	vst v25;
	(erf) = vpow2.f32 v63;
	v23 =	vbroadcast v23, $0xF;
	v60, _, _ =	vpop (xrf2)  }
0x26e: {  	v25 =	vld [tilespmem:s1+$0x3B0];
	[tilespmem:s23+$0x3A0] =	vst v39;
	v59 =	vmul.f32 $2.000000030e-01, v44;
	(erf) = vpow2.f32 v54;
	v63, _, _ =	vpop (xrf2)  }
0x26f: {  	v39 =	vld [tilespmem:s1+$0x13B0];
	[tilespmem:s23+$0x3B0] =	vst v27;
	v50 =	vpop (erf);
	(erf) = vpow2.f32 v23;
	v49 =	vmul.f32 $1.442695020e+00, v63  }
0x270: {  	v27 =	vld [tilespmem:s1+$0x3C0];
	[tilespmem:s23+$0x3E0] =	vst v31;
	v44 =	vmax.f32 v44, v59;
	v59 =	vmul.f32 v50, v17;
	v62 =	vmul.f32 $1.442695020e+00, v60  }
0x271: {  	s14 =	sor.u32 $0xB, s13;
	v31 =	vld [tilespmem:s1+$0x13D0];
	[tilespmem:s23+$0x3F0] =	vst v29;
	v42 =	vadd.f32 $0.0e+00, v42;
	v29 =	vadd.f32 v57, v24;
	v44 =	vmul.f32 v44, v1  }
0x272: {  	[tilespmem:s23+$0x3C0] =	vst v34;
	v34 =	vmov s16;
	s16 =	sshll.u32 s14, $0x7;
	v54 =	vbroadcast v62, $0xF;
	v62 =	vld [tilespmem:s1+$0x13C0];
	v45 =	vbroadcast v49, $0xF  }
0x273: {  	v3 =	vld [tilespmem:s16+$0x1380];
	[tilespmem:s20+$0x390] =	vst v56;
	(erf) = vpow2.f32 v61;
	v56 =	vmul.f32 $2.000000030e-01, v29;
	v42 =	vadd.f32 v44, v42;
	v49 =	vpop (erf)  }
0x274: {  	v39 =	vadd.f32 v39, v25;
	v23 =	vld [tilespmem:s1+$0x3E0];
	(erf) = vpow2.f32 v54;
	v60 =	vmul.f32 v49, v18  }
0x275: {  	v58 =	vmul.f32 v50, v16;
	[tilespmem:s20+$0x3D0] =	vst v59;
	(erf) = vpow2.f32 v45;
	v56 =	vmax.f32 v29, v56;
	v29 =	vld [tilespmem:s16+$0x390]  }
0x276: {  	v56 =	vmul.f32 v56, v4;
	v4 =	vld [tilespmem:s16+$0x1390];
	v45 =	vpop (erf);
	[tilespmem:s20+$0x3E0] =	vst v60;
	v60 =	vmul.f32 $2.000000030e-01, v39  }
0x277: {  	(xrf2) =	vadd.scan.msk.f32 $0xffff, v42;
	v61 =	vmul.f32 v49, v19;
	v59 =	vadd.f32 v62, v27;
	v63 =	vmul.f32 v45, v22;
	v42 =	vpop (erf);
	v22 =	vld [tilespmem:s1+$0x3D0]  }
0x278: {  	[tilespmem:s23+$0x3D0] =	vst v32;
	v32 =	vmul.f32 v45, v20;
	v20 =	vmul.f32 v42, v28;
	v28 =	vld [tilespmem:s16+$0x380];
	v60 =	vmax.f32 v39, v60  }
0x279: {  	v1 =	vmul.f32 v42, v26;
	v44 =	vpop (erf);
	v60 =	vmul.f32 v60, v6;
	v6 =	vld [tilespmem:$0x1FFF0]  }
0x27a: {  	[tilespmem:s20+$0x3F0] =	vst v61;
	v26 =	vld [tilespmem:s1+$0x3F0];
	v61 =	vmul.f32 $2.000000030e-01, v59;
	v2 =	vmul.f32 v44, v30;
	v19 =	vpop (erf)  }
0x27b: {  	[tilespmem:s20+$0x380] =	vst v40;
	v35 =	vmul.f32 v44, v35;
	v30 =	vld [tilespmem:s1+$0x13E0];
	v40 =	vmul.f32 v19, v43;
	v16 =	vpop (erf)  }
0x27c: {  	v56 =	vadd.f32 $0.0e+00, v56;
	v39 =	vld [tilespmem:s16+$0x13A0];
	v43 =	vmul.f32 v16, v46;
	v46 =	vmul.f32 v16, v47;
	v17 =	vpop (erf)  }
0x27d: {  	v59 =	vmax.f32 v59, v61;
	v47 =	vmul.f32 v17, v48;
	v48 =	vmul.f32 v17, v51;
	v51 =	vld [tilespmem:s1+$0x13F0]  }
0x27e: {  	[tilespmem:s2+$0x3B0] =	vst v20;
	v20 =	vadd.f32 v60, v56;
	v3 =	vadd.f32 v3, v28;
	v56 =	vmul.f32 v59, v6;
	v6 =	vld [tilespmem:$0x1FFB0]  }
0x27f: {  	v37 =	vmul.f32 v19, v37;
	[tilespmem:s2+$0x3D0] =	vst v35;
	v35 =	vld [tilespmem:s16+$0x3D0]  }
0x280: {  	v5 =	vadd.f32 v31, v22;
	v31 =	vld [tilespmem:s16+$0x3B0];
	v60 =	vmul.f32 $2.000000030e-01, v3  }
0x281: {  	[tilespmem:s2+$0x3E0] =	vst v37;
	v37 =	vld [tilespmem:s16+$0x3E0];
	v62 =	vadd.f32 v30, v23  }
0x282: {  	[tilespmem:s2+$0x380] =	vst v32;
	v4 =	vadd.f32 v4, v29;
	v30 =	vld [tilespmem:s16+$0x3A0];
	v61 =	vmul.f32 $2.000000030e-01, v5;
	v3 =	vmax.f32 v3, v60  }
0x283: {  	[tilespmem:s2+$0x3C0] =	vst v2;
	v32 =	vmul.f32 $2.000000030e-01, v62;
	v51 =	vadd.f32 v51, v26;
	v3 =	vmul.f32 v3, v6;
	v6 =	vld [tilespmem:$0x1FFC0]  }
0x284: {  	v14 =	vmul.f32 v41, v14;
	v15 =	vmul.f32 v41, v15;
	[tilespmem:s24+$0x390] =	vst v46;
	v46 =	vld [tilespmem:s16+$0x13E0];
	v2 =	vmax.f32 v5, v61  }
0x285: {  	[tilespmem:s2+$0x3A0] =	vst v1;
	v59 =	vld [tilespmem:s16+$0x13C0];
	v1 =	vmax.f32 v62, v32;
	v62 =	vmul.f32 $2.000000030e-01, v4;
	v5 =	vmul.f32 $2.000000030e-01, v51  }
0x286: {  	[tilespmem:s20+$0x3A0] =	vst v14;
	v14 =	vmov s25;
	v54 =	vmov s3;
	v61 =	vld [tilespmem:s16+$0x13B0];
	v1 =	vmul.f32 v1, v8  }
0x287: {  	[tilespmem:s20+$0x3B0] =	vst v15;
	v18 =	vpop (erf);
	v32 =	vld [tilespmem:s16+$0x3C0];
	v39 =	vadd.f32 v39, v30;
	v4 =	vmax.f32 v4, v62;
	v5 =	vmax.f32 v51, v5  }
0x288: {  	[tilespmem:s20+$0x3C0] =	vst v58;
	v15 =	vpop (erf);
	v1 =	vadd.f32 $0.0e+00, v1;
	v5 =	vmul.f32 v5, v9;
	v4 =	vmul.f32 v4, v6;
	v6 =	vld [tilespmem:$0x1FFD0]  }
0x289: {  	v45 =	vnsel vm0, $0x0, v45;
	[tilespmem:s2+$0x390] =	vst v63;
	v52 =	vmul.f32 v18, v52;
	v55 =	vmul.f32 v15, v55;
	v60 =	vld [tilespmem:s16+$0x13D0]  }
0x28a: {  	[tilespmem:s2+$0x3F0] =	vst v40;
	v58, _, _ =	vpop (xrf2);
	v3 =	vadd.f32 $0.0e+00, v3;
	v1 =	vadd.f32 v5, v1;
	v5 =	vmul.f32 $2.000000030e-01, v39  }
0x28b: {  	v40 =	vld [tilespmem:s16+$0x3F0];
	[tilespmem:s24+$0x380] =	vst v43;
	v58 =	vmul.f32 $1.442695020e+00, v58;
	v56 =	vadd.f32 $0.0e+00, v56;
	v2 =	vmul.f32 v2, v7  }
0x28c: {  	[tilespmem:s24+$0x3A0] =	vst v47;
	v43 =	vadd.f32 v59, v32;
	v5 =	vmax.f32 v39, v5;
	v3 =	vadd.f32 v4, v3;
	v4 =	vld [tilespmem:$0x1FFF0]  }
0x28d: {  	[tilespmem:s24+$0x3C0] =	vst v52;
	v52 =	vadd.f32 v46, v37;
	v47 =	vadd.f32 v61, v31;
	v5 =	vmul.f32 v5, v6;
	v6 =	vld [tilespmem:$0x1FFE0]  }
0x28e: {  	(xrf2) =	vadd.scan.msk.f32 $0xffff, v20;
	v2 =	vadd.f32 v2, v56;
	v61 =	vld [tilespmem:s16+$0x13F0];
	v60 =	vadd.f32 v60, v35;
	v63 =	vmul.f32 $2.000000030e-01, v43  }
0x28f: {  	v45 =	vsel vm1, v45, v42;
	[tilespmem:s24+$0x3E0] =	vst v55;
	v58 =	vbroadcast v58, $0xF;
	v62 =	vmul.f32 $2.000000030e-01, v47  }
0x290: {  	v55 =	vmul.f32 $2.000000030e-01, v52;
	(xrf2) =	vadd.scan.msk.f32 $0xffff, v2;
	v43 =	vmax.f32 v43, v63;
	v63 =	vmul.f32 $2.000000030e-01, v60  }
0x291: {  	v4 =	vmul.f32 v43, v4;
	v2 =	vadd.f32 $0.0e+00, v5;
	v5 =	vmax.f32 v47, v62  }
0x292: {  	(erf) = vpow2.f32 v58;
	v20 =	vmax.f32 v60, v63;
	v5 =	vmul.f32 v5, v6  }
0x293: {  	s25 =	sor.u32 $0xC, s13;
	v56 =	vadd.f32 v61, v40;
	v20 =	vmul.f32 v20, v7;
	v4 =	vadd.f32 $0.0e+00, v4  }
0x294: {  	v57 =	vmov s17;
	s17 =	sshll.u32 s25, $0x7;
	v33 =	vmul.f32 v15, v33;
	v59 =	vld.idx.msk [tilespmem:v34+s10+$0x0], $0xffff;
	(xrf2) =	vadd.scan.msk.f32 $0xffff, v1;
	v1 =	vadd.f32 v5, v2  }
0x295: {  	v42 =	vld [tilespmem:s17+$0x3D0];
	(xrf2) =	vadd.scan.msk.f32 $0xffff, v3;
	v3 =	vadd.f32 v20, v4;
	v4 =	vmax.f32 v52, v55;
	v5 =	vmul.f32 $2.000000030e-01, v56  }
0x296: {  	v10 =	vnsel vm0, $0x0, v10;
	[tilespmem:s24+$0x3F0] =	vst v33;
	v33 =	vld [tilespmem:s17+$0x380];
	(xrf2) =	vadd.scan.msk.f32 $0xffff, v1;
	v1 =	vmul.f32 v4, v8  }
0x297: {  	v53 =	vmul.f32 v18, v53;
	v58 =	vld [tilespmem:s17+$0x13B0];
	v4 =	vsel vm1, v10, v11;
	(xrf2) =	vadd.scan.msk.f32 $0xffff, v3;
	v3 =	vmax.f32 v56, v5  }
0x298: {  	v60, _, _ =	vpop (xrf2);
	v2 =	vld.idx.msk [tilespmem:v54+s10+$0x0], $0xffff;
	v4 =	vsel vm2, v4, v13;
	v1 =	vadd.f32 $0.0e+00, v1;
	v3 =	vmul.f32 v3, v9  }
0x299: {  	v61 =	vmul.f32 $1.442695020e+00, v60;
	v5 =	vld [tilespmem:s17+$0x1380];
	v10 =	vsel vm3, v4, v12;
	v4 =	vshll.u32 v59, $0x4  }
0x29a: {  	v51 =	vld [tilespmem:s17+$0x13C0];
	v62, _, _ =	vpop (xrf2);
	v4 =	vand.u32 $0x70, v4;
	v1 =	vadd.f32 v3, v1;
	v3 =	vshll.u32 v34, $0x7  }
0x29b: {  	v63 =	vld [tilespmem:s17+$0x1390];
	v43 =	vpop (erf);
	v11 =	vnsel vm0, $0x0, v21;
	v12 =	vor.u32 v3, v4;
	v4 =	vmul.f32 $1.442695020e+00, v62  }
0x29c: {  	v6 =	vld [tilespmem:$0x1FFB0];
	v20 =	vmul.f32 v43, v38;
	v11 =	vsel vm1, v11, v41  }
0x29d: {  	v38 =	vld [tilespmem:s17+$0x3B0];
	(xrf2) =	vadd.scan.msk.f32 $0xffff, v1;
	v1 =	vshll.u32 v2, $0x4;
	v2 =	vbroadcast v61, $0xF;
	v4 =	vbroadcast v4, $0xF  }
0x29e: {  	[tilespmem:s24+$0x3B0] =	vst v48;
	v55 =	vshll.u32 v54, $0x7;
	v52 =	vld [tilespmem:s17+$0x13E0];
	v3 =	vsel vm2, v11, v50;
	v5 =	vadd.f32 v5, v33  }
0x29f: {  	[tilespmem:s24+$0x3D0] =	vst v53;
	v53, _, _ =	vpop (xrf2);
	v54 =	vmul.f32 v43, v36;
	v21 =	vld [tilespmem:s17+$0x390];
	v11 =	vsel vm3, v3, v49;
	(erf) = vpow2.f32 v2  }
0x2a0: {  	v56, _, _ =	vpop (xrf2);
	v41 =	vld [tilespmem:s17+$0x3C0];
	v1 =	vand.u32 $0x70, v1;
	v2 =	vmul.f32 $1.442695020e+00, v53;
	v60 =	vmul.f32 $2.000000030e-01, v5  }
0x2a1: {  	[tilespmem:s23+$0x1380] =	vst v0;
	v34 =	vld [tilespmem:s17+$0x3A0];
	v13 =	vor.u32 v55, v1;
	v1 =	vmul.f32 $1.442695020e+00, v56;
	(erf) = vpow2.f32 v4;
	v4, _, _ =	vpop (xrf2)  }
0x2a2: {  	[tilespmem:s23+$0x1390] =	vst v0;
	v3 =	vld [tilespmem:s17+$0x13A0];
	v2 =	vbroadcast v2, $0xF;
	v5 =	vmax.f32 v5, v60;
	v4 =	vmul.f32 $1.442695020e+00, v4  }
0x2a3: {  	[tilespmem:s23+$0x13A0] =	vst v0;
	v36 =	vld [tilespmem:s17+$0x3F0];
	v1 =	vbroadcast v1, $0xF;
	v5 =	vmul.f32 v5, v6  }
0x2a4: {  	[tilespmem:s23+$0x13B0] =	vst v0;
	v55 =	vsel vm2, v45, v44;
	v44 =	vld [tilespmem:s17+$0x3E0];
	v59, _, _ =	vpop (xrf2);
	(erf) = vpow2.f32 v2;
	v2 =	vbroadcast v4, $0xF  }
0x2a5: {  	[tilespmem:s23+$0x13C0] =	vst v0;
	v51 =	vadd.f32 v51, v41;
	v6 =	vld [tilespmem:$0x1FFC0];
	v48 =	vmul.f32 $1.442695020e+00, v59;
	(erf) = vpow2.f32 v1  }
0x2a6: {  	[tilespmem:s23+$0x13D0] =	vst v0;
	v4 =	vld [tilespmem:s17+$0x13D0];
	(erf) = vpow2.f32 v2;
	v2 =	vadd.f32 v63, v21  }
0x2a7: {  	s3 =	sor.u32 $0xD, s13;
	[tilespmem:s23+$0x13E0] =	vst v0;
	v53 =	vld [tilespmem:s17+$0x13F0];
	v60 =	vmul.f32 $2.000000030e-01, v51;
	v3 =	vadd.f32 v3, v34;
	v1 =	vbroadcast v48, $0xF  }
0x2a8: {  	v46 =	vld.idx.msk [tilespmem:v57+s10+$0x0], $0xffff;
	[tilespmem:s23+$0x13F0] =	vst v0;
	s23 =	sshll.u32 s3, $0x7;
	v47 =	vmul.f32 $2.000000030e-01, v2  }
0x2a9: {  	v62 =	vld [tilespmem:s23+$0x1380];
	v49 =	vadd.f32 v58, v38;
	v51 =	vmax.f32 v51, v60;
	v61 =	vmul.f32 $2.000000030e-01, v3  }
0x2aa: {  	v45 =	vld [tilespmem:s23+$0x380];
	v5 =	vadd.f32 $0.0e+00, v5;
	v52 =	vadd.f32 v52, v44;
	v2 =	vmax.f32 v2, v47  }
0x2ab: {  	(erf) = vpow2.f32 v1;
	v1, _, _ =	vpop (xrf2);
	v4 =	vadd.f32 v4, v42;
	v2 =	vmul.f32 v2, v6;
	v6 =	vld [tilespmem:$0x1FFD0]  }
0x2ac: {  	v39 =	vld.idx.msk [tilespmem:v14+s10+$0x0], $0xffff;
	v53 =	vadd.f32 v53, v36;
	v3 =	vmax.f32 v3, v61;
	v1 =	vmul.f32 $1.442695020e+00, v1  }
0x2ad: {  	v61 =	vmul.f32 $2.000000030e-01, v52;
	v60 =	vmul.f32 $2.000000030e-01, v4;
	v2 =	vadd.f32 v2, v5;
	v5 =	vld [tilespmem:$0x1FFE0]  }
0x2ae: {  	v58 =	vld [tilespmem:s23+$0x1390];
	v63 =	vmul.f32 $2.000000030e-01, v49;
	v1 =	vbroadcast v1, $0xF  }
0x2af: {  	v59 =	vld [tilespmem:s23+$0x13B0];
	v4 =	vmax.f32 v4, v60;
	v60 =	vmax.f32 v52, v61;
	v61 =	vmul.f32 $2.000000030e-01, v53  }
0x2b0: {  	v56 =	vadd.f32 v62, v45;
	v48 =	vld [tilespmem:s23+$0x3A0];
	v3 =	vmul.f32 v3, v6  }
0x2b1: {  	[tilespmem:s1+$0x380] =	vst v20;
	(erf) = vpow2.f32 v1;
	v1 =	vmax.f32 v49, v63;
	v20 =	vmax.f32 v53, v61;
	v61 =	vld [tilespmem:$0x1FFB0]  }
0x2b2: {  	v47 =	vld [tilespmem:s23+$0x390];
	v3 =	vadd.f32 $0.0e+00, v3;
	v1 =	vmul.f32 v1, v5  }
0x2b3: {  	v62 =	vmul.f32 $2.000000030e-01, v56;
	v52 =	vld [tilespmem:s23+$0x3D0]  }
0x2b4: {  	[tilespmem:s2+$0x1380] =	vst v0;
	v1 =	vadd.f32 v1, v3;
	v3 =	vld [tilespmem:$0x1FFF0]  }
0x2b5: {  	[tilespmem:s2+$0x1390] =	vst v0;
	v56 =	vmax.f32 v56, v62;
	v49 =	vld [tilespmem:s23+$0x3B0]  }
0x2b6: {  	[tilespmem:s2+$0x13A0] =	vst v0;
	v63 =	vld [tilespmem:s23+$0x13C0];
	v61 =	vmul.f32 v56, v61  }
0x2b7: {  	[tilespmem:s2+$0x13B0] =	vst v0;
	v60 =	vmul.f32 v60, v8;
	v5 =	vld [tilespmem:s23+$0x13A0]  }
0x2b8: {  	[tilespmem:s2+$0x13C0] =	vst v0;
	v58 =	vadd.f32 v58, v47;
	(xrf2) =	vadd.scan.msk.f32 $0xffff, v2;
	v2 =	vadd.f32 $0.0e+00, v61;
	v61 =	vld [tilespmem:$0x1FFC0]  }
0x2b9: {  	[tilespmem:s2+$0x13D0] =	vst v0;
	v53 =	vld [tilespmem:s23+$0x3E0];
	v60 =	vadd.f32 $0.0e+00, v60;
	v20 =	vmul.f32 v20, v9;
	v3 =	vmul.f32 v51, v3  }
0x2ba: {  	[tilespmem:s2+$0x13E0] =	vst v0;
	v6 =	vld [tilespmem:s23+$0x13D0];
	v62 =	vmul.f32 $2.000000030e-01, v58  }
0x2bb: {  	[tilespmem:s2+$0x13F0] =	vst v0;
	v4 =	vmul.f32 v4, v7;
	v20 =	vadd.f32 v20, v60;
	v60 =	vld [tilespmem:s23+$0x13F0];
	v3 =	vadd.f32 $0.0e+00, v3  }
0x2bc: {  	[tilespmem:s1+$0x390] =	vst v54;
	v54 =	vmax.f32 v58, v62;
	v58 =	vld [tilespmem:s23+$0x13E0]  }
0x2bd: {  	[tilespmem:s24+$0x1380] =	vst v0;
	v5 =	vadd.f32 v5, v48;
	v51 =	vld [tilespmem:s23+$0x3C0];
	v61 =	vmul.f32 v54, v61;
	v3 =	vadd.f32 v4, v3  }
0x2be: {  	[tilespmem:s20+$0x1380] =	vst v0;
	(xrf2) =	vadd.scan.msk.f32 $0xffff, v1;
	v54 =	vld [tilespmem:s23+$0x3F0]  }
0x2bf: {  	v59 =	vadd.f32 v59, v49;
	v1 =	vadd.f32 v61, v2;
	v2 =	vmul.f32 $2.000000030e-01, v5;
	(xrf2) =	vadd.scan.msk.f32 $0xffff, v3;
	v3 =	vld [tilespmem:$0x1FFD0]  }
0x2c0: {  	[tilespmem:s20+$0x1390] =	vst v0  }
0x2c1: {  	[tilespmem:s20+$0x13A0] =	vst v0;
	v62 =	vld [tilespmem:$0x1FFF0];
	v58 =	vadd.f32 v58, v53;
	v2 =	vmax.f32 v5, v2;
	v5 =	vmul.f32 $2.000000030e-01, v59  }
0x2c2: {  	[tilespmem:s20+$0x13B0] =	vst v0;
	v56 =	vpop (erf);
	v6 =	vadd.f32 v6, v52;
	v61 =	vadd.f32 v63, v51;
	v63 =	vld [tilespmem:$0x1FFE0]  }
0x2c3: {  	[tilespmem:s20+$0x13C0] =	vst v0;
	v4 =	vmul.f32 v56, v24;
	v5 =	vmax.f32 v59, v5;
	v59 =	vmul.f32 $2.000000030e-01, v58  }
0x2c4: {  	[tilespmem:s20+$0x13D0] =	vst v0;
	v24 =	vpop (erf);
	v60 =	vadd.f32 v60, v54;
	v2 =	vmul.f32 v2, v3;
	v3 =	vmul.f32 $2.000000030e-01, v61  }
0x2c5: {  	[tilespmem:s20+$0x13E0] =	vst v0;
	v25 =	vmul.f32 v56, v25;
	v27 =	vmul.f32 v24, v27;
	v58 =	vmax.f32 v58, v59  }
0x2c6: {  	[tilespmem:s20+$0x13F0] =	vst v0;
	v59 =	vmul.f32 $2.000000030e-01, v60;
	v3 =	vmax.f32 v61, v3;
	v61 =	vmul.f32 $2.000000030e-01, v6  }
0x2c7: {  	[tilespmem:s1+$0x3B0] =	vst v25;
	v5 =	vmul.f32 v5, v63;
	v3 =	vmul.f32 v3, v62  }
0x2c8: {  	[tilespmem:s1+$0x3A0] =	vst v4;
	v2 =	vadd.f32 $0.0e+00, v2;
	v62 =	vmul.f32 v58, v8;
	v6 =	vmax.f32 v6, v61  }
0x2c9: {  	(xrf2) =	vadd.scan.msk.f32 $0xffff, v20;
	v63 =	vmul.f32 v24, v22;
	v3 =	vadd.f32 $0.0e+00, v3;
	v4 =	vmul.f32 v6, v7  }
0x2ca: {  	[tilespmem:s1+$0x3C0] =	vst v27;
	v58 =	vpop (erf);
	v2 =	vadd.f32 v5, v2;
	v6 =	vmax.f32 v60, v59;
	v5 =	vadd.f32 $0.0e+00, v62  }
0x2cb: {  	(xrf2) =	vadd.scan.msk.f32 $0xffff, v1;
	v27 =	vpop (erf);
	v6 =	vmul.f32 v6, v9;
	v1 =	vadd.f32 v4, v3;
	v3 =	vmul.f32 v58, v23  }
0x2cc: {  	v50 =	vmov s18;
	[tilespmem:s1+$0x3D0] =	vst v63;
	v59, _, _ =	vpop (xrf2);
	v4 =	vmul.f32 v58, v26  }
0x2cd: {  	(xrf2) =	vadd.scan.msk.f32 $0xffff, v2;
	v60, _, _ =	vpop (xrf2);
	v2 =	vadd.f32 v6, v5;
	v5 =	vmul.f32 v27, v28;
	[tilespmem:s1+$0x3E0] =	vst v3  }
0x2ce: {  	v20 =	vmul.f32 $1.442695020e+00, v59;
	v23 =	vpop (erf);
	v6 =	vmul.f32 v27, v29;
	(xrf2) =	vadd.scan.msk.f32 $0xffff, v1;
	[tilespmem:s1+$0x3F0] =	vst v4  }
0x2cf: {  	s18 =	sor.u32 $0xE, s13;
	v62 =	vmul.f32 $1.442695020e+00, v60;
	v26 =	vpop (erf);
	v1 =	vmul.f32 v23, v30;
	(xrf2) =	vadd.scan.msk.f32 $0xffff, v2;
	[tilespmem:s16+$0x380] =	vst v5  }
0x2d0: {  	s20 =	sshll.u32 s18, $0x7;
	v3 =	vmul.f32 v23, v31;
	v4 =	vmul.f32 v26, v35;
	v28 =	vpop (erf);
	[tilespmem:s16+$0x390] =	vst v6  }
0x2d1: {  	v19 =	vsel vm3, v55, v19;
	v63, _, _ =	vpop (xrf2);
	v60 =	vld [tilespmem:s20+$0x13A0];
	v2 =	vmul.f32 v26, v32;
	v5 =	vmul.f32 v28, v37;
	[tilespmem:s16+$0x3A0] =	vst v1  }
0x2d2: {  	v22 =	vmov s14;
	v37 =	vmul.f32 $1.442695020e+00, v63;
	v63 =	vld [tilespmem:$0x1FFE0];
	v1 =	vbroadcast v20, $0xF;
	[tilespmem:s16+$0x3B0] =	vst v3  }
0x2d3: {  	v55 =	vnsel vm0, $0x0, v43;
	v6 =	vmul.f32 v28, v40;
	v40, _, _ =	vpop (xrf2);
	v3 =	vbroadcast v62, $0xF;
	[tilespmem:s16+$0x3D0] =	vst v4;
	v62 =	vld [tilespmem:$0x1FFC0]  }
0x2d4: {  	v61 =	vshll.u32 v46, $0x4;
	v46 =	vmul.f32 $1.442695020e+00, v40;
	[tilespmem:s16+$0x3E0] =	vst v5;
	v5 =	vld.idx.msk [tilespmem:v50+s10+$0x0], $0xffff;
	(erf) = vpow2.f32 v1  }
0x2d5: {  	v25 =	vand.u32 $0x70, v61;
	[tilespmem:s16+$0x3C0] =	vst v2;
	v2 =	vnsel vm0, $0x0, v16;
	v16 =	vld [tilespmem:s20+$0x390];
	v1 =	vbroadcast v37, $0xF  }
0x2d6: {  	v59 =	vshll.u32 v50, $0x7;
	[tilespmem:s16+$0x3F0] =	vst v6;
	v50 =	vld [tilespmem:s20+$0x13C0];
	v4, _, _ =	vpop (xrf2);
	(erf) = vpow2.f32 v3;
	v3 =	vbroadcast v46, $0xF  }
0x2d7: {  	[tilespmem:s24+$0x1390] =	vst v0;
	v2 =	vsel vm1, v2, v17;
	v40 =	vld.idx.msk [tilespmem:v22+s10+$0x0], $0xffff;
	(erf) = vpow2.f32 v1;
	v1 =	vmul.f32 $1.442695020e+00, v4;
	v4, _, _ =	vpop (xrf2)  }
0x2d8: {  	[tilespmem:s24+$0x13A0] =	vst v0;
	v2 =	vsel vm2, v2, v18;
	v18 =	vld [tilespmem:s20+$0x3B0];
	(erf) = vpow2.f32 v3;
	v3 =	vmul.f32 $1.442695020e+00, v4;
	v4, _, _ =	vpop (xrf2)  }
0x2d9: {  	[tilespmem:s24+$0x13B0] =	vst v0;
	v17 =	vsel vm3, v2, v15;
	v15 =	vld [tilespmem:s20+$0x380];
	v1 =	vbroadcast v1, $0xF;
	v4 =	vmul.f32 $1.442695020e+00, v4;
	v6, _, _ =	vpop (xrf2)  }
0x2da: {  	[tilespmem:s24+$0x13C0] =	vst v0;
	v2 =	vbroadcast v3, $0xF;
	v3 =	vmul.f32 $1.442695020e+00, v6;
	v6 =	vshll.u32 v39, $0x4;
	v39 =	vld [tilespmem:s20+$0x13B0]  }
0x2db: {  	[tilespmem:s24+$0x13D0] =	vst v0;
	v35 =	vshll.u32 v57, $0x7;
	(erf) = vpow2.f32 v1;
	v1 =	vbroadcast v4, $0xF;
	v4 =	vld [tilespmem:s20+$0x1380]  }
0x2dc: {  	[tilespmem:s24+$0x13E0] =	vst v0;
	(erf) = vpow2.f32 v2;
	v2 =	vbroadcast v3, $0xF;
	v3 =	vshll.u32 v14, $0x7;
	v14 =	vld [tilespmem:s20+$0x3A0]  }
0x2dd: {  	[tilespmem:s24+$0x13F0] =	vst v0;
	v57 =	vsel vm1, v55, v56;
	v6 =	vand.u32 $0x70, v6;
	v61 =	vpop (erf);
	(erf) = vpow2.f32 v1;
	v1 =	vld [tilespmem:s20+$0x1390]  }
0x2de: {  	[tilespmem:s1+$0x1380] =	vst v0;
	v5 =	vshll.u32 v5, $0x4;
	v32 =	vor.u32 v3, v6;
	v6 =	vmul.f32 v61, v21;
	v21 =	vld [tilespmem:s20+$0x3C0]  }
0x2df: {  	v20 =	vor.u32 v35, v25;
	[tilespmem:s1+$0x1390] =	vst v0;
	v5 =	vand.u32 $0x70, v5;
	v3 =	vnsel vm0, $0x0, v27;
	v27 =	vld [tilespmem:s20+$0x3F0]  }
0x2e0: {  	[tilespmem:s1+$0x13A0] =	vst v0;
	v35 =	vor.u32 v59, v5;
	v5 =	vmul.f32 v61, v33;
	v3 =	vsel vm1, v3, v23;
	v23 =	vld [tilespmem:s20+$0x3D0]  }
0x2e1: {  	[tilespmem:s1+$0x13B0] =	vst v0;
	(erf) = vpow2.f32 v2;
	v2 =	vsel vm2, v57, v24;
	v57 =	vld [tilespmem:s20+$0x13D0]  }
0x2e2: {  	[tilespmem:s17+$0x380] =	vst v5;
	v5 =	vld [tilespmem:$0x1FFB0]  }
0x2e3: {  	[tilespmem:s1+$0x13C0] =	vst v0;
	v3 =	vsel vm2, v3, v26;
	v26 =	vld [tilespmem:s20+$0x3E0]  }
0x2e4: {  	[tilespmem:s1+$0x13D0] =	vst v0;
	v24 =	vsel vm3, v2, v58;
	v58 =	vld [tilespmem:s20+$0x13E0];
	v4 =	vadd.f32 v4, v15  }
0x2e5: {  	v25 =	vmov s25;
	v56 =	vnsel vm0, $0x0, v61;
	v39 =	vadd.f32 v39, v18;
	[tilespmem:s17+$0x390] =	vst v6;
	v6 =	vld [tilespmem:$0x1FFD0]  }
0x2e6: {  	s24 =	sor.u32 $0xF, s13;
	[tilespmem:s1+$0x13E0] =	vst v0;
	v28 =	vsel vm3, v3, v28;
	v2 =	vpop (erf);
	v37 =	vadd.f32 v60, v14;
	v60 =	vld [tilespmem:s20+$0x13F0];
	v30 =	vmul.f32 $2.000000030e-01, v4  }
0x2e7: {  	s25 =	sshll.u32 s24, $0x7;
	[tilespmem:s1+$0x13F0] =	vst v0;
	v46 =	vmul.f32 v2, v34;
	v38 =	vmul.f32 v2, v38;
	v2 =	vsel vm1, v56, v2;
	v56 =	vld [tilespmem:$0x1FFF0]  }
0x2e8: {  	[tilespmem:s16+$0x1380] =	vst v0;
	v43 =	vpop (erf);
	v1 =	vadd.f32 v1, v16;
	v59 =	vmul.f32 $2.000000030e-01, v37;
	v4 =	vmax.f32 v4, v30;
	v30 =	vld [tilespmem:s25+$0x380]  }
0x2e9: {  	v50 =	vadd.f32 v50, v21;
	v41 =	vmul.f32 v43, v41;
	v42 =	vmul.f32 v43, v42;
	v29 =	vpop (erf);
	[tilespmem:s17+$0x3B0] =	vst v38;
	v38 =	vld [tilespmem:s25+$0x3A0]  }
0x2ea: {  	[tilespmem:s16+$0x1390] =	vst v0;
	v31 =	vpop (erf);
	v61 =	vmul.f32 $2.000000030e-01, v1;
	v4 =	vmul.f32 v4, v5;
	v5 =	vmax.f32 v37, v59;
	v59 =	vld [tilespmem:s25+$0x1380]  }
0x2eb: {  	v57 =	vadd.f32 v57, v23;
	v55 =	vmul.f32 v29, v36;
	[tilespmem:s17+$0x3A0] =	vst v46;
	v46 =	vmul.f32 $2.000000030e-01, v50;
	v33 =	vpop (erf);
	v37 =	vld [tilespmem:s25+$0x390]  }
0x2ec: {  	[tilespmem:s16+$0x13A0] =	vst v0;
	v34 =	vpop (erf);
	v1 =	vmax.f32 v1, v61;
	v5 =	vmul.f32 v5, v6;
	v6 =	vmul.f32 $2.000000030e-01, v39;
	v61 =	vld [tilespmem:s25+$0x1390]  }
0x2ed: {  	[tilespmem:s16+$0x13B0] =	vst v0;
	v51 =	vmul.f32 v34, v51;
	v1 =	vmul.f32 v1, v62;
	v62 =	vmax.f32 v50, v46;
	v50 =	vld [tilespmem:s25+$0x13A0]  }
0x2ee: {  	[tilespmem:s17+$0x3C0] =	vst v41;
	v52 =	vmul.f32 v34, v52;
	v4 =	vadd.f32 $0.0e+00, v4;
	v6 =	vmax.f32 v39, v6;
	v39 =	vld [tilespmem:s25+$0x3B0]  }
0x2ef: {  	[tilespmem:s17+$0x3F0] =	vst v55;
	v36 =	vpop (erf);
	v41 =	vmul.f32 v62, v56;
	v56 =	vld [tilespmem:s25+$0x13C0];
	v6 =	vmul.f32 v6, v63;
	v63 =	vadd.f32 v58, v26  }
0x2f0: {  	v3 =	vmul.f32 v29, v44;
	v53 =	vmul.f32 v36, v53;
	v5 =	vadd.f32 $0.0e+00, v5;
	[tilespmem:s23+$0x3D0] =	vst v52;
	v52 =	vld [tilespmem:$0x1FFC0]  }
0x2f1: {  	v1 =	vadd.f32 v1, v4;
	[tilespmem:s23+$0x3C0] =	vst v51;
	v51 =	vld [tilespmem:$0x1FFE0];
	v55 =	vadd.f32 v59, v30;
	v4 =	vmul.f32 $2.000000030e-01, v63  }
0x2f2: {  	v47 =	vmul.f32 v31, v47;
	v62 =	vadd.f32 v60, v27;
	v58 =	vmul.f32 $2.000000030e-01, v57;
	[tilespmem:s23+$0x3E0] =	vst v53;
	v53 =	vld [tilespmem:$0x1FFD0]  }
0x2f3: {  	[tilespmem:s17+$0x3E0] =	vst v3;
	v3 =	vadd.f32 v6, v5;
	v5 =	vld [tilespmem:s25+$0x13B0];
	v4 =	vmax.f32 v63, v4;
	v63 =	vmul.f32 $2.000000030e-01, v55  }
0x2f4: {  	v45 =	vmul.f32 v31, v45;
	[tilespmem:s17+$0x3D0] =	vst v42;
	v48 =	vmul.f32 v33, v48;
	v6 =	vadd.f32 $0.0e+00, v41;
	v41 =	vld [tilespmem:s25+$0x3C0]  }
0x2f5: {  	[tilespmem:s23+$0x390] =	vst v47;
	v60 =	vmul.f32 $2.000000030e-01, v62;
	v42 =	vmax.f32 v57, v58;
	v47 =	vmax.f32 v55, v63;
	v55 =	vld [tilespmem:$0x1FFB0]  }
0x2f6: {  	v49 =	vmul.f32 v33, v49;
	[tilespmem:s23+$0x380] =	vst v45;
	v57 =	vadd.f32 v61, v37;
	v58 =	vld [tilespmem:s25+$0x13D0];
	v45 =	vmul.f32 v42, v7  }
0x2f7: {  	[tilespmem:s16+$0x13C0] =	vst v0;
	v54 =	vmul.f32 v36, v54;
	v42 =	vld [tilespmem:s25+$0x3D0];
	v50 =	vadd.f32 v50, v38;
	v46 =	vmax.f32 v62, v60  }
0x2f8: {  	(xrf2) =	vadd.scan.msk.f32 $0xffff, v1;
	v61 =	vmul.f32 $2.000000030e-01, v57;
	v1 =	vmul.f32 v46, v9;
	v6 =	vadd.f32 v45, v6;
	v45 =	vld [tilespmem:s25+$0x3E0]  }
0x2f9: {  	[tilespmem:s16+$0x13D0] =	vst v0;
	v4 =	vmul.f32 v4, v8;
	v62 =	vmul.f32 $2.000000030e-01, v50;
	v63 =	vld [tilespmem:s25+$0x13E0]  }
0x2fa: {  	[tilespmem:s23+$0x3B0] =	vst v49;
	v46 =	vld [tilespmem:s25+$0x3F0];
	v49 =	vmax.f32 v57, v61;
	v5 =	vadd.f32 v5, v39;
	v47 =	vmul.f32 v47, v55  }
0x2fb: {  	[tilespmem:s23+$0x3A0] =	vst v48;
	v57 =	vld [tilespmem:s25+$0x13F0];
	v4 =	vadd.f32 $0.0e+00, v4;
	v49 =	vmul.f32 v49, v52;
	v48 =	vmax.f32 v50, v62  }
0x2fc: {  	[tilespmem:s23+$0x3F0] =	vst v54;
	v60 =	vadd.f32 v56, v41;
	v59 =	vmul.f32 $2.000000030e-01, v5;
	v47 =	vadd.f32 $0.0e+00, v47  }
0x2fd: {  	v54 =	vld [tilespmem:$0x1FFF0];
	(xrf2) =	vadd.scan.msk.f32 $0xffff, v3;
	v62 =	vadd.f32 v58, v42;
	v1 =	vadd.f32 v1, v4;
	v4 =	vmul.f32 v48, v53  }
0x2fe: {  	(xrf2) =	vadd.scan.msk.f32 $0xffff, v6;
	v5 =	vmax.f32 v5, v59;
	v6 =	vadd.f32 v63, v45;
	v3 =	vadd.f32 v49, v47  }
0x2ff: {  	v4 =	vadd.f32 $0.0e+00, v4;
	(xrf2) =	vadd.scan.msk.f32 $0xffff, v1;
	v1 =	vmul.f32 v5, v51;
	v5 =	vmul.f32 $2.000000030e-01, v60  }
0x300: {  	[tilespmem:s16+$0x13E0] =	vst v0;
	v50 =	vadd.f32 v57, v46;
	(xrf2) =	vadd.scan.msk.f32 $0xffff, v3;
	v3 =	vmul.f32 $2.000000030e-01, v6  }
0x301: {  	[tilespmem:s16+$0x13F0] =	vst v0;
	v1 =	vadd.f32 v1, v4;
	v4 =	vmax.f32 v60, v5;
	v5 =	vmul.f32 $2.000000030e-01, v62  }
0x302: {  	v61 =	vld.idx.msk [tilespmem:v25+s10+$0x0], $0xffff;
	[tilespmem:s17+$0x1380] =	vst v0;
	v4 =	vmul.f32 v4, v54;
	v3 =	vmax.f32 v6, v3;
	v6 =	vmul.f32 $2.000000030e-01, v50  }
0x303: {  	v44 =	vmov s3;
	[tilespmem:s17+$0x1390] =	vst v0;
	v3 =	vmul.f32 v3, v8  }
0x304: {  	[tilespmem:s17+$0x13A0] =	vst v0;
	v5 =	vmax.f32 v62, v5;
	v4 =	vadd.f32 $0.0e+00, v4;
	v6 =	vmax.f32 v50, v6  }
0x305: {  	[tilespmem:s17+$0x13B0] =	vst v0;
	v5 =	vmul.f32 v5, v7;
	v3 =	vadd.f32 $0.0e+00, v3;
	v6 =	vmul.f32 v6, v9  }
0x306: {  	[tilespmem:s17+$0x13C0] =	vst v0  }
0x307: {  	(xrf2) =	vadd.scan.msk.f32 $0xffff, v1;
	v1 =	vadd.f32 v5, v4;
	v5 =	vshll.u32 v22, $0x7;
	v3 =	vadd.f32 v6, v3  }
0x308: {  	v40 =	vshll.u32 v40, $0x4;
	[tilespmem:s17+$0x13D0] =	vst v0;
	v63, _, _ =	vpop (xrf2)  }
0x309: {  	[tilespmem:s17+$0x13E0] =	vst v0;
	v47 =	vmul.f32 $1.442695020e+00, v63;
	v4 =	vand.u32 $0x70, v40;
	(xrf2) =	vadd.scan.msk.f32 $0xffff, v1  }
0x30a: {  	v2 =	vsel vm2, v2, v43;
	[tilespmem:s17+$0x13F0] =	vst v0;
	v4 =	vor.u32 v5, v4;
	v5, _, _ =	vpop (xrf2);
	v6 =	vld.idx.msk [tilespmem:v44+s10+$0x0], $0xffff  }
0x30b: {  	v40 =	vbroadcast v47, $0xF;
	v50 =	vlaneseq.u32;
	v5 =	vmul.f32 $1.442695020e+00, v5;
	(xrf2) =	vadd.scan.msk.f32 $0xffff, v3;
	v3, _, _ =	vpop (xrf2)  }
0x30c: {  	v48 =	vshll.u32 v25, $0x7;
	v1 =	vor.u32 v50, v12;
	[tilespmem:s23+$0x1380] =	vst v0;
	v3 =	vmul.f32 $1.442695020e+00, v3  }
0x30d: {  	v47 =	vshll.u32 v61, $0x4;
	(erf) = vpow2.f32 v40;
	[tilespmem:s23+$0x1390] =	vst v0;
	v5 =	vbroadcast v5, $0xF  }
0x30e: {  	v43 =	vor.u32 v50, v13;
	v13 =	vand.u32 $0x70, v47;
	[tilespmem:s23+$0x13A0] =	vst v0;
	v49, _, _ =	vpop (xrf2);
	v3 =	vbroadcast v3, $0xF  }
0x30f: {  	[tilespmem:s23+$0x13B0] =	vst v0;
	(erf) = vpow2.f32 v5;
	v6 =	vshll.u32 v6, $0x4;
	v5 =	vmul.f32 $1.442695020e+00, v49  }
0x310: {  	v20 =	vor.u32 v50, v20;
	v56 =	vor.u32 v50, v32;
	[tilespmem:s23+$0x13C0] =	vst v0;
	v58, _, _ =	vpop (xrf2);
	v6 =	vand.u32 $0x70, v6  }
0x311: {  	v4 =	vor.u32 v50, v4;
	[tilespmem:v1+s9+$0x0] =	vst.idx.msk $0xffff, v10;
	v10 =	vmul.f32 $1.442695020e+00, v58;
	v5 =	vbroadcast v5, $0xF  }
0x312: {  	v13 =	vor.u32 v48, v13;
	[tilespmem:s23+$0x13D0] =	vst v0;
	v1 =	vshll.u32 v44, $0x7;
	(erf) = vpow2.f32 v3;
	v3, _, _ =	vpop (xrf2)  }
0x313: {  	[tilespmem:s23+$0x13E0] =	vst v0;
	v1 =	vor.u32 v1, v6;
	(erf) = vpow2.f32 v5;
	v5 =	vbroadcast v10, $0xF;
	v6, _, _ =	vpop (xrf2)  }
0x314: {  	[tilespmem:v43+s9+$0x0] =	vst.idx.msk $0xffff, v11;
	v11 =	vor.u32 v50, v13;
	v3 =	vmul.f32 $1.442695020e+00, v3;
	v6 =	vmul.f32 $1.442695020e+00, v6  }
0x315: {  	[tilespmem:s23+$0x13F0] =	vst v0;
	v1 =	vor.u32 v50, v1  }
0x316: {  	v2 =	vsel vm3, v2, v29;
	[tilespmem:v20+s9+$0x0] =	vst.idx.msk $0xffff, v19;
	v10 =	vnsel vm0, $0x0, v31;
	v3 =	vbroadcast v3, $0xF  }
0x317: {  	v57 =	vor.u32 v50, v35;
	[tilespmem:v56+s9+$0x0] =	vst.idx.msk $0xffff, v17;
	v10 =	vsel vm1, v10, v33;
	(erf) = vpow2.f32 v5;
	v5 =	vpop (erf)  }
0x318: {  	[tilespmem:v4+s9+$0x0] =	vst.idx.msk $0xffff, v28;
	v4 =	vsel vm2, v10, v34;
	(erf) = vpow2.f32 v3;
	v3 =	vbroadcast v6, $0xF;
	v6, _, _ =	vpop (xrf2)  }
0x319: {  	[tilespmem:v11+s9+$0x0] =	vst.idx.msk $0xffff, v2;
	v2 =	vsel vm3, v4, v36;
	v4 =	vmul.f32 v5, v15;
	v6 =	vmul.f32 $1.442695020e+00, v6  }
0x31a: {  	[tilespmem:v1+s9+$0x0] =	vst.idx.msk $0xffff, v2  }
0x31b: {  	v1 =	vpop (erf);
	v2 =	vmul.f32 v5, v16;
	[tilespmem:s20+$0x380] =	vst v4;
	v4 =	vbroadcast v6, $0xF  }
0x31c: {  	[tilespmem:v57+s9+$0x0] =	vst.idx.msk $0xffff, v24;
	(erf) = vpow2.f32 v3;
	v3 =	vmul.f32 v1, v14  }
0x31d: {  	[tilespmem:s20+$0x390] =	vst v2;
	v2 =	vmul.f32 v1, v18;
	v6 =	vpop (erf)  }
0x31e: {  	[tilespmem:s20+$0x3A0] =	vst v3;
	v3 =	vmul.f32 v6, v21  }
0x31f: {  	v11 =	vmov s18;
	[tilespmem:s20+$0x3B0] =	vst v2;
	(erf) = vpow2.f32 v4;
	v2 =	vmul.f32 v6, v23;
	v4 =	vpop (erf)  }
0x320: {  	[tilespmem:s20+$0x3C0] =	vst v3;
	v3 =	vmul.f32 v4, v26  }
0x321: {  	[tilespmem:s20+$0x3D0] =	vst v2;
	v2 =	vmul.f32 v4, v27  }
0x322: {  	[tilespmem:s20+$0x3E0] =	vst v3  }
0x323: {  	v10 =	vpop (erf);
	[tilespmem:s20+$0x3F0] =	vst v2  }
0x324: {  	v3 =	vmul.f32 v10, v30;
	v61 =	vld.idx.msk [tilespmem:v11+s10+$0x0], $0xffff;
	[tilespmem:s20+$0x1380] =	vst v0  }
0x325: {  	v59 =	vpop (erf);
	v2 =	vmul.f32 v10, v37;
	[tilespmem:s20+$0x1390] =	vst v0  }
0x326: {  	[tilespmem:s25+$0x380] =	vst v3;
	v3 =	vmul.f32 v59, v38  }
0x327: {  	v60 =	vpop (erf);
	[tilespmem:s25+$0x390] =	vst v2;
	v2 =	vmul.f32 v59, v39  }
0x328: {  	[tilespmem:s25+$0x3A0] =	vst v3;
	v3 =	vmul.f32 v60, v41  }
0x329: {  	[tilespmem:s25+$0x3B0] =	vst v2;
	v2 =	vmul.f32 v60, v42  }
0x32a: {  	v62 =	vpop (erf);
	[tilespmem:s25+$0x3C0] =	vst v3  }
0x32b: {  	v3 =	vmul.f32 v62, v45;
	[tilespmem:s25+$0x3D0] =	vst v2;
	v2 =	vmov s24  }
0x32c: {  	[tilespmem:s20+$0x13A0] =	vst v0  }
0x32d: {  	v63 =	vmul.f32 v62, v46;
	[tilespmem:s25+$0x3E0] =	vst v3;
	v3 =	vshll.u32 v61, $0x4  }
0x32e: {  	v11 =	vshll.u32 v11, $0x7;
	[tilespmem:s20+$0x13B0] =	vst v0;
	v3 =	vand.u32 $0x70, v3  }
0x32f: {  	[tilespmem:s25+$0x3F0] =	vst v63;
	v3 =	vor.u32 v11, v3  }
0x330: {  	[tilespmem:s20+$0x13C0] =	vst v0;
	v3 =	vor.u32 v50, v3;
	v11 =	vld.idx.msk [tilespmem:v2+s10+$0x0], $0xffff  }
0x331: {  	v5 =	vnsel vm0, $0x0, v5;
	[tilespmem:s20+$0x13D0] =	vst v0  }
0x332: {  	v1 =	vsel vm1, v5, v1;
	[tilespmem:s20+$0x13E0] =	vst v0  }
0x333: {  	v1 =	vsel vm2, v1, v6;
	[tilespmem:s20+$0x13F0] =	vst v0  }
0x334: {  	v1 =	vsel vm3, v1, v4;
	[tilespmem:s25+$0x1380] =	vst v0  }
0x335: {  	[tilespmem:v3+s9+$0x0] =	vst.idx.msk $0xffff, v1;
	v1 =	vshll.u32 v11, $0x4  }
0x336: {  	[tilespmem:s25+$0x1390] =	vst v0;
	v2 =	vshll.u32 v2, $0x7;
	v1 =	vand.u32 $0x70, v1  }
0x337: {  	[tilespmem:s25+$0x13A0] =	vst v0;
	v1 =	vor.u32 v2, v1  }
0x338: {  	p2 =	por p1, p1;
	[tilespmem:s25+$0x13B0] =	vst v0;
	v1 =	vor.u32 v50, v1  }
.Ltmp3:
0x339: {  	[tilespmem:s25+$0x13C0] =	vst v0;
	v2 =	vnsel vm0, $0x0, v10;
	(pc) =	sbr.rel @p2 .LBB2_5-.Ltmp3, $4  }
0x33a: {  	[tilespmem:s25+$0x13D0] =	vst v0;
	v2 =	vsel vm1, v2, v59  }
0x33b: {  	[tilespmem:s25+$0x13E0] =	vst v0;
	v2 =	vsel vm2, v2, v60  }
0x33c: {  	[tilespmem:s25+$0x13F0] =	vst v0;
	v2 =	vsel vm3, v2, v62  }
0x33d: {  	p1 =	por $0x0, $0x0;
	s13 =	simm.s32 $0x10;
	[tilespmem:v1+s9+$0x0] =	vst.idx.msk $0xffff, v2  }
0x33e: {  	s1 =	rddreg [dreg:$0x2]  }
0x33f: {  	[spmem:s1] =	stream.indirect.scatter.add.f32 [tilespmem:s4], [sflag:$0x3], $0x80, s10, s11, $0xb8;
	[tilespmem:$0x1AB80] =	vst v63  }
0x340: {  	s25 =	rddreg [dreg:$0x3];
	s2 =	simm.s32 $0x180  }
0x341: {  	[spmem:s25] =	stream.indirect.scatter.add.f32 [tilespmem:s9], [sflag:$0x3], $0x80, s2, s11, $0xb8;
	[tilespmem:$0x1AB80] =	vst v63  }
0x342: {  	_ =	swait.ge [sflag:s21], $0x1000  }
0x343: {  	[sflag:s21] =	ssyncset.done $0x0  }
0x344: {  	[sflag:s21] =	ssyncadd.s32 $0xFFFFF000  }
0x345: {  	_ =	swait.ge [sflag:s21], $0x1000  }
0x346: {  	p1 =	seq.s32 s26, $0xA1;
	s1 =	rddreg [dreg:$0xd]  }
0x347: {  	s1 =	sadd.s32 @!p1 s28, s1  }
0x348: {  	s3 =	simm.s32 @!p1 $0x0;
	[sflag:s21] =	ssyncset.done $0x0;
	s1 =	sshrl.u32 @!p1 s1, $0x3  }
0x349: {  	s13 =	simm.s32 @!p1 $0x80;
	[sflag:s21] =	ssyncadd.s32 $0xFFFFF000;
	s2 =	sadd.s32 @!p1 s8, s1  }
0x34a: {  	[tilespmem:s13], [sflag:$0x4] =	stream.linear.gather @!p1 [hbm4b:s2+s3], $0x20, $0x38;
	[tilespmem:$0x1AB80] =	vst v63  }
0x34b: {  	s2 =	simm.s32 @!p1 $0x4  }
0x34c: {  	_ =	swait.ge @!p1 [sflag:s2], $0x20  }
0x34d: {  	[sflag:s2] =	ssyncset.done @!p1 $0x0  }
0x34e: {  	s14 =	simm.s32 @!p1 $0x100;
	s1 =	sadd.s32 @!p1 s6, s1;
	[sflag:s2] =	ssyncadd.s32 @!p1 $0xFFFFFFE0  }
0x34f: {  	[tilespmem:s14], [sflag:$0x4] =	stream.linear.gather @!p1 [hbm4b:s1+s3], $0x20, $0x38;
	[tilespmem:$0x1AB80] =	vst v63  }
0x350: {  	_ =	swait.ge @!p1 [sflag:s2], $0x20  }
0x351: {  	s1 =	simm.s32 @!p1 $0x20;
	[sflag:s2] =	ssyncset.done @!p1 $0x0  }
0x352: {  	s3 =	rddreg [dreg:$0x5];
	[sflag:s2] =	ssyncadd.s32 @!p1 $0xFFFFFFE0;
	s2 =	simm.s32 @!p1 $0x380  }
0x353: {  	[tilespmem:s2], [sflag:$0x1] =	stream.indirect.gather @!p1 [hbm4b:s3+s1], $0x80, s13, s1, $0xb8;
	[tilespmem:$0x1AB80] =	vst v63  }
0x354: {  	s2 =	simm.s32 @!p1 $0x1380  }
0x355: {  	[tilespmem:s2], [sflag:$0x1] =	stream.indirect.gather @!p1 [hbm4b:s7+s1], $0x80, s14, s1, $0xb8;
	[tilespmem:$0x1AB80] =	vst v63  }
0x356: {  	_ =	swait.ge [sflag:s22], $0x1000  }
0x357: {  	[sflag:s22] =	ssyncset.done $0x0  }
0x358: {  	[sflag:s22] =	ssyncadd.s32 $0xFFFFF000  }
0x359: {  	_ =	swait.ge [sflag:s22], $0x1000  }
0x35a: {  	[sflag:s22] =	ssyncset.done $0x0  }
0x35b: {  	[sflag:s22] =	ssyncadd.s32 $0xFFFFF000  }
0x35c: {  	v1 =	vld [tilespmem:$0x280]  }
0x35d: {  	v2 =	vld [tilespmem:$0x290];
	_ =	sdelay $0x3  }
0x35e: {  	v1 =	vshrl.u32 v1, $0x3  }
0x35f: {  	[tilespmem:$0x300] =	vst v1;
	v1 =	vshrl.u32 v2, $0x3  }
0x360: {  	s25 =	smov.u32 s8;
	s28 =	simm.s32 $0x0;
	p1 =	por $0x1, $0x1;
	[tilespmem:$0x310] =	vst v1  }
.LBB2_7:
0x361: {  	s1 =	sshll.u32 s28, $0x7  }
0x362: {  	v1 =	vld [tilespmem:s1+$0x2380]  }
0x363: {  	v2 =	vld [tilespmem:s1+$0x3380]  }
0x364: {  	v3 =	vld [tilespmem:s1+$0x2390]  }
0x365: {  	v4 =	vld [tilespmem:s1+$0x3390]  }
0x366: {  	v5 =	vld [tilespmem:s1+$0x23A0]  }
0x367: {  	v6 =	vld [tilespmem:s1+$0x33A0]  }
0x368: {  	v10 =	vld [tilespmem:s1+$0x23B0]  }
0x369: {  	v11 =	vld [tilespmem:s1+$0x33B0]  }
0x36a: {  	v17 =	vld [tilespmem:s1+$0x23C0]  }
0x36b: {  	v12 =	vld [tilespmem:s1+$0x33C0]  }
0x36c: {  	v20 =	vld [tilespmem:s1+$0x23D0]  }
0x36d: {  	v14 =	vld [tilespmem:s1+$0x33D0];
	v2 =	vadd.f32 v2, v1;
	_ =	sdelay $0x1  }
0x36e: {  	v4 =	vadd.f32 v4, v3;
	v13 =	vmul.f32 $2.000000030e-01, v2  }
0x36f: {  	v6 =	vadd.f32 v6, v5;
	v12 =	vadd.f32 v12, v17  }
0x370: {  	v11 =	vadd.f32 v11, v10;
	v34 =	vmul.f32 $2.000000030e-01, v4;
	v2 =	vmax.f32 v2, v13  }
0x371: {  	v14 =	vadd.f32 v14, v20;
	v15 =	vmul.f32 $2.000000030e-01, v6;
	v2 =	vmul.f32 v2, v55  }
0x372: {  	v35 =	vmul.f32 $2.000000030e-01, v12;
	v36 =	vmul.f32 $2.000000030e-01, v11;
	v4 =	vmax.f32 v4, v34  }
0x373: {  	v6 =	vmax.f32 v6, v15;
	v4 =	vmul.f32 v4, v52;
	v2 =	vadd.f32 $0.0e+00, v2  }
0x374: {  	v37 =	vmul.f32 $2.000000030e-01, v14;
	v12 =	vmax.f32 v12, v35;
	v6 =	vmul.f32 v6, v53  }
0x375: {  	v2 =	vadd.f32 v4, v2;
	v4 =	vmax.f32 v11, v36;
	v11 =	vmul.f32 v12, v54  }
0x376: {  	v38 =	vmax.f32 v14, v37;
	v6 =	vadd.f32 $0.0e+00, v6;
	v4 =	vmul.f32 v4, v51  }
0x377: {  	v12 =	vmul.f32 v38, v7;
	v11 =	vadd.f32 $0.0e+00, v11  }
0x378: {  	(xrf2) =	vadd.scan.msk.f32 $0xffff, v2;
	v2 =	vadd.f32 v4, v6  }
0x379: {  	v4 =	vadd.f32 v12, v11  }
0x37a: {  	v21 =	vld [tilespmem:s1+$0x23E0];
	(xrf2) =	vadd.scan.msk.f32 $0xffff, v2  }
0x37b: {  	v2 =	vld [tilespmem:s1+$0x33E0];
	(xrf2) =	vadd.scan.msk.f32 $0xffff, v4  }
0x37c: {  	v18 =	vld [tilespmem:s1+$0x23F0]  }
0x37d: {  	v4 =	vld [tilespmem:s1+$0x33F0];
	_ =	sdelay $0x1  }
0x37e: {  	s18 =	sor.u32 $0x1, s28  }
0x37f: {  	s13 =	sshll.u32 s18, $0x7;
	v2 =	vadd.f32 v2, v21  }
0x380: {  	v19 =	vld [tilespmem:s13+$0x2380]  }
0x381: {  	v16 =	vld [tilespmem:s13+$0x23A0];
	v4 =	vadd.f32 v4, v18;
	v6 =	vmul.f32 $2.000000030e-01, v2;
	v11, _, _ =	vpop (xrf2)  }
0x382: {  	v22 =	vld [tilespmem:s13+$0x33B0];
	v11 =	vmul.f32 $1.442695020e+00, v11  }
0x383: {  	v24 =	vld [tilespmem:s13+$0x33C0];
	v2 =	vmax.f32 v2, v6;
	v6 =	vmul.f32 $2.000000030e-01, v4;
	v39, _, _ =	vpop (xrf2)  }
0x384: {  	v30 =	vld [tilespmem:s13+$0x33E0];
	v2 =	vmul.f32 v2, v8;
	v11 =	vbroadcast v11, $0xF;
	v40, _, _ =	vpop (xrf2)  }
0x385: {  	v15 =	vld [tilespmem:s13+$0x23E0];
	v12 =	vmul.f32 $1.442695020e+00, v39;
	v4 =	vmax.f32 v4, v6;
	v6 =	vmul.f32 $1.442695020e+00, v40  }
0x386: {  	v13 =	vld [tilespmem:s13+$0x23C0];
	v2 =	vadd.f32 $0.0e+00, v2;
	v4 =	vmul.f32 v4, v9;
	(erf) = vpow2.f32 v11  }
0x387: {  	v11 =	vld [tilespmem:s13+$0x2390];
	v12 =	vbroadcast v12, $0xF  }
0x388: {  	v6 =	vbroadcast v6, $0xF;
	v2 =	vadd.f32 v4, v2;
	v4 =	vld [tilespmem:s13+$0x3380]  }
0x389: {  	(erf) = vpow2.f32 v12;
	v12 =	vld [tilespmem:s13+$0x23B0]  }
0x38a: {  	v30 =	vadd.f32 v30, v15;
	(erf) = vpow2.f32 v6;
	(xrf2) =	vadd.scan.msk.f32 $0xffff, v2;
	v2 =	vld [tilespmem:s13+$0x3390]  }
0x38b: {  	v6 =	vld [tilespmem:s13+$0x33A0]  }
0x38c: {  	s20 =	sor.u32 $0x2, s28;
	v25 =	vld [tilespmem:s13+$0x33D0];
	v46 =	vadd.f32 v24, v13;
	v56 =	vmul.f32 $2.000000030e-01, v30  }
0x38d: {  	s2 =	sshll.u32 s20, $0x7;
	v31 =	vld [tilespmem:s13+$0x33F0];
	v4 =	vadd.f32 v4, v19  }
0x38e: {  	v49 =	vld [tilespmem:s2+$0x33A0];
	v48 =	vmul.f32 $2.000000030e-01, v46;
	v30 =	vmax.f32 v30, v56  }
0x38f: {  	v14 =	vld [tilespmem:s13+$0x23D0];
	v30 =	vmul.f32 v30, v8;
	v33 =	vadd.f32 v22, v12;
	v23 =	vpop (erf);
	v28 =	vmul.f32 $2.000000030e-01, v4  }
0x390: {  	v37 =	vld [tilespmem:s2+$0x3390];
	v2 =	vadd.f32 v2, v11;
	v6 =	vadd.f32 v6, v16;
	v1 =	vmul.f32 v23, v1  }
0x391: {  	v36 =	vld [tilespmem:s2+$0x3380];
	v3 =	vmul.f32 v23, v3;
	v45 =	vmul.f32 $2.000000030e-01, v33;
	v4 =	vmax.f32 v4, v28  }
0x392: {  	v22 =	vld [tilespmem:s2+$0x2390];
	v43 =	vmul.f32 $2.000000030e-01, v2;
	v44 =	vmul.f32 $2.000000030e-01, v6;
	v28 =	vmax.f32 v46, v48;
	v26 =	vpop (erf)  }
0x393: {  	v24 =	vld [tilespmem:s2+$0x23A0];
	v4 =	vmul.f32 v4, v55;
	v47 =	vmax.f32 v33, v45;
	v27 =	vmul.f32 v26, v10;
	v10 =	vpop (erf)  }
0x394: {  	v57 =	vmul.f32 v28, v54;
	[tilespmem:s1+$0x2380] =	vst v1;
	v1 =	vadd.f32 $0.0e+00, v30;
	v29 =	vmul.f32 v10, v17;
	v17 =	vld [tilespmem:s13+$0x23F0]  }
0x395: {  	v5 =	vmul.f32 v26, v5;
	v2 =	vmax.f32 v2, v43;
	v35 =	vmul.f32 v10, v20;
	v20 =	vld [tilespmem:s2+$0x2380]  }
0x396: {  	v6 =	vmax.f32 v6, v44;
	v41, _, _ =	vpop (xrf2);
	v4 =	vadd.f32 $0.0e+00, v4;
	v2 =	vmul.f32 v2, v52  }
0x397: {  	v38 =	vmul.f32 v47, v51;
	v37 =	vadd.f32 v37, v22;
	v42 =	vmul.f32 $1.442695020e+00, v41;
	v41 =	vld [tilespmem:s2+$0x33B0]  }
0x398: {  	v2 =	vadd.f32 v2, v4;
	v4 =	vmul.f32 v6, v53;
	v6 =	vadd.f32 v25, v14;
	v25 =	vld [tilespmem:s2+$0x23B0]  }
0x399: {  	v59 =	vld [tilespmem:s2+$0x33C0];
	v60 =	vadd.f32 $0.0e+00, v57;
	v32 =	vbroadcast v42, $0xF;
	v40 =	vadd.f32 v31, v17  }
0x39a: {  	v28 =	vld [tilespmem:s2+$0x23C0];
	v42 =	vadd.f32 v49, v24;
	v39 =	vmul.f32 $2.000000030e-01, v6;
	v36 =	vadd.f32 v36, v20  }
0x39b: {  	v45 =	vld [tilespmem:s2+$0x33E0];
	v4 =	vadd.f32 $0.0e+00, v4;
	(erf) = vpow2.f32 v32;
	v58 =	vmul.f32 $2.000000030e-01, v40  }
0x39c: {  	v33 =	vld [tilespmem:s2+$0x23F0];
	v63 =	vmul.f32 $2.000000030e-01, v42;
	v6 =	vmax.f32 v6, v39;
	v61 =	vmul.f32 $2.000000030e-01, v36  }
0x39d: {  	v43 =	vld [tilespmem:s2+$0x33D0];
	v6 =	vmul.f32 v6, v7;
	v44 =	vadd.f32 v41, v25;
	v32 =	vmax.f32 v40, v58  }
0x39e: {  	[tilespmem:s1+$0x2390] =	vst v3;
	v4 =	vadd.f32 v38, v4;
	v3 =	vmax.f32 v36, v61;
	v62 =	vmul.f32 v32, v9;
	v32 =	vld [tilespmem:s2+$0x23E0]  }
0x39f: {  	v47 =	vld [tilespmem:s2+$0x33F0];
	[tilespmem:s1+$0x23A0] =	vst v5;
	v5 =	vadd.f32 v6, v60;
	v6 =	vmul.f32 $2.000000030e-01, v37;
	v46 =	vmul.f32 $2.000000030e-01, v44  }
0x3a0: {  	v48 =	vadd.f32 v59, v28;
	(xrf2) =	vadd.scan.msk.f32 $0xffff, v2;
	v31 =	vld [tilespmem:s2+$0x23D0];
	v2 =	vmax.f32 v42, v63;
	v3 =	vmul.f32 v3, v55  }
0x3a1: {  	(xrf2) =	vadd.scan.msk.f32 $0xffff, v4;
	v2 =	vmul.f32 v2, v53;
	v4 =	vmax.f32 v37, v6;
	v6 =	vmax.f32 v44, v46  }
0x3a2: {  	v1 =	vadd.f32 v62, v1;
	v3 =	vadd.f32 $0.0e+00, v3;
	v4 =	vmul.f32 v4, v52  }
0x3a3: {  	v2 =	vadd.f32 $0.0e+00, v2;
	(xrf2) =	vadd.scan.msk.f32 $0xffff, v5;
	v5 =	vmul.f32 v6, v51;
	v6 =	vadd.f32 v45, v32  }
0x3a4: {  	v56 =	vadd.f32 v47, v33;
	(xrf2) =	vadd.scan.msk.f32 $0xffff, v1;
	v1 =	vadd.f32 v4, v3;
	v3 =	vmul.f32 $2.000000030e-01, v48  }
0x3a5: {  	v4 =	vadd.f32 v43, v31;
	v2 =	vadd.f32 v5, v2;
	v5 =	vmul.f32 $2.000000030e-01, v6  }
0x3a6: {  	(xrf2) =	vadd.scan.msk.f32 $0xffff, v1;
	v1 =	vmax.f32 v48, v3  }
0x3a7: {  	v3 =	vmul.f32 $2.000000030e-01, v4;
	(xrf2) =	vadd.scan.msk.f32 $0xffff, v2;
	v2 =	vmax.f32 v6, v5;
	v5 =	vmul.f32 $2.000000030e-01, v56  }
0x3a8: {  	v1 =	vmul.f32 v1, v54  }
0x3a9: {  	v3 =	vmax.f32 v4, v3  }
0x3aa: {  	s3 =	sor.u32 $0x3, s28;
	v1 =	vadd.f32 $0.0e+00, v1;
	v3 =	vmul.f32 v3, v7  }
0x3ab: {  	s16 =	sshll.u32 s3, $0x7;
	v4 =	vmax.f32 v56, v5;
	v5, _, _ =	vpop (xrf2)  }
0x3ac: {  	v30 =	vld [tilespmem:s16+$0x23E0];
	v49 =	vpop (erf);
	v2 =	vmul.f32 v2, v8;
	v1 =	vadd.f32 v3, v1;
	v5 =	vmul.f32 $1.442695020e+00, v5  }
0x3ad: {  	v6 =	vmul.f32 v49, v18;
	v18 =	vld [tilespmem:s16+$0x2380]  }
0x3ae: {  	v2 =	vadd.f32 $0.0e+00, v2;
	v4 =	vmul.f32 v4, v9;
	(xrf2) =	vadd.scan.msk.f32 $0xffff, v1;
	v1 =	vld [tilespmem:s16+$0x3380]  }
0x3af: {  	[tilespmem:s1+$0x23C0] =	vst v29;
	v29 =	vld [tilespmem:s16+$0x23D0];
	v59 =	vnsel vm0, $0x0, v23;
	v57, _, _ =	vpop (xrf2)  }
0x3b0: {  	v23 =	vld [tilespmem:s16+$0x23A0];
	v2 =	vadd.f32 v4, v2;
	v3 =	vmul.f32 $1.442695020e+00, v57;
	v4 =	vbroadcast v5, $0xF;
	v5, _, _ =	vpop (xrf2)  }
0x3b1: {  	[tilespmem:s1+$0x23B0] =	vst v27;
	v27 =	vsel vm1, v59, v26;
	v26 =	vld [tilespmem:s16+$0x23B0];
	v5 =	vmul.f32 $1.442695020e+00, v5  }
0x3b2: {  	v34 =	vmov s28;
	v47 =	vld [tilespmem:s16+$0x33E0];
	v21 =	vmul.f32 v49, v21;
	v3 =	vbroadcast v3, $0xF  }
0x3b3: {  	v63 =	vld [tilespmem:s16+$0x33D0];
	(xrf2) =	vadd.scan.msk.f32 $0xffff, v2;
	(erf) = vpow2.f32 v4;
	v1 =	vadd.f32 v1, v18;
	v58, _, _ =	vpop (xrf2)  }
0x3b4: {  	v10 =	vsel vm2, v27, v10;
	[tilespmem:s1+$0x23E0] =	vst v21;
	v21 =	vld [tilespmem:s16+$0x2390];
	(erf) = vpow2.f32 v3;
	v2 =	vmul.f32 $1.442695020e+00, v58  }
0x3b5: {  	[tilespmem:s1+$0x23D0] =	vst v35;
	v35 =	vsel vm3, v10, v49;
	v4 =	vld [tilespmem:s16+$0x3390];
	v10 =	vmul.f32 $2.000000030e-01, v1;
	v3 =	vbroadcast v5, $0xF;
	v5, _, _ =	vpop (xrf2)  }
0x3b6: {  	v61 =	vld [tilespmem:s16+$0x33A0];
	[tilespmem:s1+$0x23F0] =	vst v6;
	v2 =	vbroadcast v2, $0xF;
	v5 =	vmul.f32 $1.442695020e+00, v5;
	v60, _, _ =	vpop (xrf2)  }
0x3b7: {  	v6 =	vld.idx.msk [tilespmem:v34+s15+$0x0], $0xffff;
	(erf) = vpow2.f32 v3;
	v3 =	vmul.f32 $1.442695020e+00, v60  }
0x3b8: {  	(erf) = vpow2.f32 v2;
	v2 =	vbroadcast v5, $0xF;
	v5 =	vld [tilespmem:s16+$0x33B0]  }
0x3b9: {  	v36 =	vadd.f32 v47, v30;
	v37 =	vadd.f32 v63, v29;
	v3 =	vbroadcast v3, $0xF  }
0x3ba: {  	v27 =	vld [tilespmem:s16+$0x23C0];
	v1 =	vmax.f32 v1, v10;
	(erf) = vpow2.f32 v2;
	v2 =	vadd.f32 v4, v21  }
0x3bb: {  	v1 =	vmul.f32 v1, v55;
	v10, _, _ =	vpop (xrf2);
	v4 =	vld [tilespmem:s16+$0x33C0];
	(erf) = vpow2.f32 v3;
	v3 =	vadd.f32 v61, v23  }
0x3bc: {  	v6 =	vshll.u32 v6, $0x4;
	v44 =	vmul.f32 $1.442695020e+00, v10;
	v62 =	vmul.f32 $2.000000030e-01, v2  }
0x3bd: {  	v1 =	vadd.f32 $0.0e+00, v1;
	v10, _, _ =	vpop (xrf2);
	v45 =	vmul.f32 $2.000000030e-01, v3;
	v5 =	vadd.f32 v5, v26  }
0x3be: {  	v46 =	vmul.f32 $1.442695020e+00, v10;
	v38 =	vbroadcast v44, $0xF;
	v2 =	vmax.f32 v2, v62  }
0x3bf: {  	v49 =	vld [tilespmem:s16+$0x33F0];
	v2 =	vmul.f32 v2, v52;
	v3 =	vmax.f32 v3, v45;
	v48 =	vmul.f32 $2.000000030e-01, v5  }
0x3c0: {  	[tilespmem:s1+$0x3380] =	vst v0;
	v10 =	vld [tilespmem:s16+$0x23F0];
	v40 =	vbroadcast v46, $0xF;
	v4 =	vadd.f32 v4, v27;
	v3 =	vmul.f32 v3, v53  }
0x3c1: {  	[tilespmem:s1+$0x3390] =	vst v0;
	(erf) = vpow2.f32 v38;
	v1 =	vadd.f32 v2, v1;
	v2 =	vmax.f32 v5, v48  }
0x3c2: {  	[tilespmem:s1+$0x33A0] =	vst v0;
	v5 =	vmul.f32 $2.000000030e-01, v4;
	v3 =	vadd.f32 $0.0e+00, v3;
	v2 =	vmul.f32 v2, v51  }
0x3c3: {  	v34 =	vshll.u32 v34, $0x7;
	[tilespmem:s1+$0x33B0] =	vst v0;
	v6 =	vand.u32 $0x70, v6;
	(erf) = vpow2.f32 v40  }
0x3c4: {  	(xrf2) =	vadd.scan.msk.f32 $0xffff, v1;
	v1 =	vmul.f32 $2.000000030e-01, v37;
	v2 =	vadd.f32 v2, v3;
	v3 =	vmax.f32 v4, v5;
	v4 =	vpop (erf)  }
0x3c5: {  	s17 =	sor.u32 $0x4, s28;
	[tilespmem:s1+$0x33C0] =	vst v0;
	v56 =	vadd.f32 v49, v10;
	v5 =	vmul.f32 $2.000000030e-01, v36;
	v19 =	vmul.f32 v4, v19  }
0x3c6: {  	s14 =	sshll.u32 s17, $0x7;
	v1 =	vmax.f32 v37, v1;
	v57 =	vmul.f32 v4, v11;
	(xrf2) =	vadd.scan.msk.f32 $0xffff, v2;
	v2 =	vmul.f32 v3, v54  }
0x3c7: {  	[tilespmem:s1+$0x33D0] =	vst v0;
	v48 =	vld [tilespmem:s14+$0x33B0];
	v3 =	vmax.f32 v36, v5;
	v5 =	vmul.f32 $2.000000030e-01, v56;
	v36 =	vpop (erf);
	v1 =	vmul.f32 v1, v7  }
0x3c8: {  	[tilespmem:s1+$0x33E0] =	vst v0;
	v11 =	vld [tilespmem:s14+$0x2380];
	v3 =	vmul.f32 v3, v8;
	v16 =	vmul.f32 v36, v16;
	v39 =	vpop (erf);
	v2 =	vadd.f32 $0.0e+00, v2  }
0x3c9: {  	v58 =	vmul.f32 v36, v12;
	v12 =	vld [tilespmem:s14+$0x2390];
	[tilespmem:s13+$0x2380] =	vst v19;
	v5 =	vmax.f32 v56, v5;
	v60 =	vmul.f32 v39, v14  }
0x3ca: {  	[tilespmem:s13+$0x2390] =	vst v57;
	v38 =	vpop (erf);
	v14 =	vld [tilespmem:s14+$0x23B0];
	v1 =	vadd.f32 v1, v2;
	v2 =	vadd.f32 $0.0e+00, v3;
	v3 =	vmul.f32 v5, v9  }
0x3cb: {  	v6 =	vor.u32 v34, v6;
	v59 =	vmul.f32 v39, v13;
	v41 =	vpop (erf);
	v15 =	vmul.f32 v38, v15;
	[tilespmem:s13+$0x23A0] =	vst v16;
	v5 =	vld [tilespmem:s14+$0x3380]  }
0x3cc: {  	v13 =	vld [tilespmem:s14+$0x23A0];
	[tilespmem:s13+$0x23B0] =	vst v58;
	v43 =	vpop (erf);
	v61 =	vmul.f32 v41, v20;
	(xrf2) =	vadd.scan.msk.f32 $0xffff, v1;
	v1 =	vadd.f32 v3, v2  }
0x3cd: {  	v62 =	vmul.f32 v41, v22;
	[tilespmem:s13+$0x23C0] =	vst v59;
	v63 =	vmul.f32 v43, v24;
	v24 =	vmov s18;
	v2 =	vld [tilespmem:s14+$0x3390]  }
0x3ce: {  	v44 =	vpop (erf);
	v25 =	vmul.f32 v43, v25;
	v3 =	vor.u32 v50, v6;
	v6 =	vmul.f32 v38, v17;
	(xrf2) =	vadd.scan.msk.f32 $0xffff, v1;
	v1 =	vld [tilespmem:s14+$0x33A0]  }
0x3cf: {  	v4 =	vnsel vm0, $0x0, v4;
	[tilespmem:s13+$0x23D0] =	vst v60;
	v17 =	vpop (erf);
	v28 =	vmul.f32 v44, v28;
	v31 =	vmul.f32 v44, v31  }
0x3d0: {  	[tilespmem:s13+$0x23E0] =	vst v15;
	v45, _, _ =	vpop (xrf2);
	v32 =	vmul.f32 v17, v32;
	v59 =	vadd.f32 v48, v14;
	v5 =	vadd.f32 v5, v11  }
0x3d1: {  	v15 =	vld [tilespmem:s14+$0x23C0];
	v33 =	vmul.f32 v17, v33;
	v46 =	vmul.f32 $1.442695020e+00, v45;
	[tilespmem:s13+$0x23F0] =	vst v6;
	v6 =	vmov s20  }
0x3d2: {  	[tilespmem:s2+$0x2390] =	vst v62;
	v45 =	vld [tilespmem:s14+$0x33C0];
	v62 =	vmul.f32 $2.000000030e-01, v59;
	v2 =	vadd.f32 v2, v12;
	v49 =	vmul.f32 $2.000000030e-01, v5  }
0x3d3: {  	[tilespmem:s1+$0x33F0] =	vst v0;
	v47, _, _ =	vpop (xrf2);
	v16 =	vbroadcast v46, $0xF;
	v40 =	vld.idx.msk [tilespmem:v24+s15+$0x0], $0xffff;
	v24 =	vshll.u32 v24, $0x7;
	v1 =	vadd.f32 v1, v13  }
0x3d4: {  	[tilespmem:s2+$0x2380] =	vst v61;
	v34 =	vmul.f32 $1.442695020e+00, v47;
	v56 =	vmul.f32 $2.000000030e-01, v2;
	v5 =	vmax.f32 v5, v49  }
0x3d5: {  	v60 =	vld [tilespmem:s14+$0x33D0];
	[tilespmem:v3+s31+$0x0] =	vst.idx.msk $0xffff, v35;
	v3 =	vsel vm1, v4, v36;
	v5 =	vmul.f32 v5, v55;
	v57 =	vmul.f32 $2.000000030e-01, v1  }
0x3d6: {  	[tilespmem:s2+$0x23A0] =	vst v63;
	(erf) = vpow2.f32 v16;
	v16 =	vld [tilespmem:s14+$0x23D0];
	v34 =	vbroadcast v34, $0xF;
	v2 =	vmax.f32 v2, v56  }
0x3d7: {  	[tilespmem:s2+$0x23B0] =	vst v25;
	v2 =	vmul.f32 v2, v52;
	v5 =	vadd.f32 $0.0e+00, v5;
	v1 =	vmax.f32 v1, v57  }
0x3d8: {  	[tilespmem:s2+$0x23C0] =	vst v28;
	v63 =	vadd.f32 v45, v15;
	(erf) = vpow2.f32 v34;
	v58, _, _ =	vpop (xrf2);
	v1 =	vmul.f32 v1, v53  }
0x3d9: {  	v22 =	vld [tilespmem:s14+$0x23F0];
	[tilespmem:s2+$0x23D0] =	vst v31;
	v20 =	vmul.f32 $1.442695020e+00, v58;
	v2 =	vadd.f32 v2, v5;
	v5 =	vmax.f32 v59, v62  }
0x3da: {  	s23 =	sor.u32 $0x5, s28;
	[tilespmem:s2+$0x23E0] =	vst v32;
	v3 =	vsel vm2, v3, v39;
	v56 =	vld [tilespmem:s14+$0x33F0];
	v5 =	vmul.f32 v5, v51;
	v1 =	vadd.f32 $0.0e+00, v1  }
0x3db: {  	s24 =	sshll.u32 s23, $0x7;
	v42 =	vmul.f32 $2.000000030e-01, v63;
	v45 =	vadd.f32 v60, v16;
	v61, _, _ =	vpop (xrf2);
	v20 =	vbroadcast v20, $0xF;
	(xrf2) =	vadd.scan.msk.f32 $0xffff, v2  }
0x3dc: {  	[tilespmem:s2+$0x23F0] =	vst v33;
	v3 =	vsel vm3, v3, v38;
	v59 =	vld [tilespmem:s24+$0x3380];
	v19 =	vmul.f32 $1.442695020e+00, v61;
	v1 =	vadd.f32 v5, v1  }
0x3dd: {  	v47 =	vmul.f32 $2.000000030e-01, v45;
	v2 =	vld.idx.msk [tilespmem:v6+s15+$0x0], $0xffff;
	(erf) = vpow2.f32 v20;
	v5 =	vmax.f32 v63, v42  }
0x3de: {  	v48 =	vshll.u32 v40, $0x4;
	v46 =	vbroadcast v19, $0xF;
	v19 =	vld [tilespmem:s14+$0x23E0];
	v4 =	vmul.f32 v5, v54;
	(xrf2) =	vadd.scan.msk.f32 $0xffff, v1  }
0x3df: {  	[tilespmem:s13+$0x3380] =	vst v0;
	v57 =	vnsel vm0, $0x0, v41;
	v31 =	vadd.f32 v56, v22;
	v20 =	vld [tilespmem:s24+$0x2380];
	v1 =	vmax.f32 v45, v47  }
0x3e0: {  	[tilespmem:s13+$0x3390] =	vst v0;
	(erf) = vpow2.f32 v46;
	v5 =	vld [tilespmem:s14+$0x33E0];
	v4 =	vadd.f32 $0.0e+00, v4;
	v1 =	vmul.f32 v1, v7  }
0x3e1: {  	[tilespmem:s13+$0x33A0] =	vst v0;
	v49 =	vand.u32 $0x70, v48;
	v58 =	vsel vm1, v57, v43;
	v25 =	vpop (erf);
	v57 =	vmul.f32 $2.000000030e-01, v31  }
0x3e2: {  	[tilespmem:s13+$0x33B0] =	vst v0;
	v60 =	vld [tilespmem:s24+$0x3390];
	v34 =	vmul.f32 v25, v21;
	v28 =	vpop (erf);
	v1 =	vadd.f32 v1, v4;
	v4 =	vor.u32 v24, v49  }
0x3e3: {  	[tilespmem:s13+$0x33C0] =	vst v0;
	v63 =	vld [tilespmem:s24+$0x33A0];
	v31 =	vmax.f32 v31, v57;
	v36 =	vmul.f32 v28, v23;
	v4 =	vor.u32 v50, v4  }
0x3e4: {  	[tilespmem:s13+$0x33D0] =	vst v0;
	v2 =	vshll.u32 v2, $0x4;
	v37 =	vmul.f32 v28, v26;
	v31 =	vmul.f32 v31, v9;
	v24 =	vld [tilespmem:s24+$0x2390]  }
0x3e5: {  	[tilespmem:s13+$0x33E0] =	vst v0;
	v23 =	vld [tilespmem:s24+$0x23B0];
	v2 =	vand.u32 $0x70, v2;
	v32 =	vadd.f32 v59, v20;
	v5 =	vadd.f32 v5, v19;
	v61, _, _ =	vpop (xrf2)  }
0x3e6: {  	v49 =	vld [tilespmem:s24+$0x33B0];
	(xrf2) =	vadd.scan.msk.f32 $0xffff, v1;
	v1 =	vshll.u32 v6, $0x7;
	v6 =	vmul.f32 v25, v18;
	v21 =	vpop (erf);
	v62 =	vmul.f32 $1.442695020e+00, v61  }
0x3e7: {  	[tilespmem:s13+$0x33F0] =	vst v0;
	v18 =	vld [tilespmem:s24+$0x23A0];
	v1 =	vor.u32 v1, v2;
	v47 =	vmul.f32 $2.000000030e-01, v5;
	v2 =	vmul.f32 v21, v27  }
0x3e8: {  	v33 =	vsel vm2, v58, v44;
	v58 =	vld [tilespmem:s24+$0x33D0];
	v39 =	vmul.f32 v21, v29;
	[tilespmem:v4+s31+$0x0] =	vst.idx.msk $0xffff, v3;
	v4 =	vbroadcast v62, $0xF;
	v48, _, _ =	vpop (xrf2)  }
0x3e9: {  	v26 =	vld [tilespmem:s24+$0x23C0];
	v27 =	vpop (erf);
	v35 =	vadd.f32 v60, v24;
	v60 =	vmul.f32 $2.000000030e-01, v32;
	v56 =	vmul.f32 $1.442695020e+00, v48  }
0x3ea: {  	[tilespmem:s2+$0x3380] =	vst v0;
	v29 =	vld [tilespmem:s24+$0x23D0];
	v5 =	vmax.f32 v5, v47;
	v3 =	vmul.f32 v27, v30;
	(erf) = vpow2.f32 v4  }
0x3eb: {  	[tilespmem:s2+$0x3390] =	vst v0;
	v40 =	vadd.f32 v49, v23;
	v4 =	vmul.f32 v5, v8;
	v5 =	vld [tilespmem:s24+$0x33C0];
	v30 =	vbroadcast v56, $0xF  }
0x3ec: {  	[tilespmem:s2+$0x33A0] =	vst v0;
	v46 =	vld [tilespmem:s24+$0x33E0];
	v38 =	vadd.f32 v63, v18;
	v61 =	vmul.f32 $2.000000030e-01, v35;
	v32 =	vmax.f32 v32, v60  }
0x3ed: {  	[tilespmem:s2+$0x33B0] =	vst v0;
	v47 =	vmul.f32 $2.000000030e-01, v40;
	v4 =	vadd.f32 $0.0e+00, v4;
	(erf) = vpow2.f32 v30;
	v30 =	vld [tilespmem:s24+$0x23E0]  }
0x3ee: {  	[tilespmem:s2+$0x33C0] =	vst v0;
	v63 =	vld [tilespmem:s24+$0x33F0];
	v32 =	vmul.f32 v32, v55;
	v62 =	vmul.f32 $2.000000030e-01, v38;
	v35 =	vmax.f32 v35, v61  }
0x3ef: {  	[tilespmem:s16+$0x2390] =	vst v34;
	v57 =	vadd.f32 v58, v29;
	v56 =	vmax.f32 v40, v47;
	v4 =	vadd.f32 v31, v4;
	v31 =	vld [tilespmem:s24+$0x23F0]  }
0x3f0: {  	[tilespmem:s16+$0x2380] =	vst v6;
	v44 =	vmax.f32 v38, v62;
	v34 =	vmul.f32 v56, v51;
	v5 =	vadd.f32 v5, v26  }
0x3f1: {  	v6 =	vadd.f32 $0.0e+00, v32;
	v59, _, _ =	vpop (xrf2);
	v48 =	vmul.f32 v44, v53;
	(xrf2) =	vadd.scan.msk.f32 $0xffff, v4;
	v4 =	vmul.f32 v35, v52  }
0x3f2: {  	[tilespmem:s2+$0x33D0] =	vst v0;
	v43 =	vmul.f32 $1.442695020e+00, v59;
	v49 =	vmul.f32 $2.000000030e-01, v5;
	v58 =	vadd.f32 v46, v30  }
0x3f3: {  	[tilespmem:s16+$0x23C0] =	vst v2;
	v59 =	vmul.f32 $2.000000030e-01, v57;
	v32 =	vadd.f32 $0.0e+00, v48;
	v2 =	vadd.f32 v4, v6  }
0x3f4: {  	[tilespmem:s2+$0x33E0] =	vst v0;
	v5 =	vmax.f32 v5, v49;
	v61 =	vadd.f32 v63, v31;
	v60 =	vmul.f32 $2.000000030e-01, v58  }
0x3f5: {  	[tilespmem:s2+$0x33F0] =	vst v0;
	v4 =	vadd.f32 v34, v32;
	v5 =	vmul.f32 v5, v54  }
0x3f6: {  	v6 =	vmax.f32 v57, v59;
	(xrf2) =	vadd.scan.msk.f32 $0xffff, v2;
	v63 =	vmul.f32 $2.000000030e-01, v61;
	v62 =	vmax.f32 v58, v60  }
0x3f7: {  	(xrf2) =	vadd.scan.msk.f32 $0xffff, v4;
	v2 =	vadd.f32 $0.0e+00, v5;
	v5 =	vmul.f32 v6, v7;
	v6 =	vmul.f32 v62, v8  }
0x3f8: {  	[tilespmem:s16+$0x23A0] =	vst v36;
	v1 =	vor.u32 v50, v1  }
0x3f9: {  	v41 =	vmov s3;
	[tilespmem:s16+$0x23B0] =	vst v37;
	v4 =	vmax.f32 v61, v63;
	v2 =	vadd.f32 v5, v2  }
0x3fa: {  	v10 =	vmul.f32 v27, v10;
	[tilespmem:s16+$0x23E0] =	vst v3;
	v4 =	vmul.f32 v4, v9;
	v3 =	vadd.f32 $0.0e+00, v6  }
0x3fb: {  	[tilespmem:s16+$0x23D0] =	vst v39;
	v36 =	vbroadcast v43, $0xF;
	(xrf2) =	vadd.scan.msk.f32 $0xffff, v2;
	v6, _, _ =	vpop (xrf2)  }
0x3fc: {  	[tilespmem:s16+$0x23F0] =	vst v10;
	v5 =	vsel vm3, v33, v17;
	v2 =	vadd.f32 v4, v3;
	v6 =	vmul.f32 $1.442695020e+00, v6  }
0x3fd: {  	[tilespmem:v1+s31+$0x0] =	vst.idx.msk $0xffff, v5  }
0x3fe: {  	(erf) = vpow2.f32 v36;
	v1 =	vld.idx.msk [tilespmem:v41+s15+$0x0], $0xffff;
	[tilespmem:s16+$0x3380] =	vst v0;
	(xrf2) =	vadd.scan.msk.f32 $0xffff, v2;
	v3 =	vbroadcast v6, $0xF  }
0x3ff: {  	[tilespmem:s16+$0x3390] =	vst v0  }
0x400: {  	[tilespmem:s16+$0x33A0] =	vst v0;
	v5, _, _ =	vpop (xrf2);
	(erf) = vpow2.f32 v3  }
0x401: {  	[tilespmem:s16+$0x33B0] =	vst v0;
	v5 =	vmul.f32 $1.442695020e+00, v5;
	v10, _, _ =	vpop (xrf2)  }
0x402: {  	[tilespmem:s16+$0x33C0] =	vst v0;
	v10 =	vmul.f32 $1.442695020e+00, v10  }
0x403: {  	[tilespmem:s16+$0x33D0] =	vst v0;
	v2 =	vpop (erf);
	v5 =	vbroadcast v5, $0xF  }
0x404: {  	v40 =	vshll.u32 v41, $0x7;
	[tilespmem:s16+$0x33E0] =	vst v0;
	v4 =	vmul.f32 v2, v11;
	v10 =	vbroadcast v10, $0xF;
	v3 =	vpop (erf)  }
0x405: {  	v43 =	vnsel vm0, $0x0, v25;
	[tilespmem:s16+$0x33F0] =	vst v0;
	v6 =	vmul.f32 v2, v12;
	(erf) = vpow2.f32 v5;
	v41, _, _ =	vpop (xrf2)  }
0x406: {  	v1 =	vshll.u32 v1, $0x4;
	[tilespmem:s14+$0x2380] =	vst v4;
	v11 =	vmul.f32 v3, v13;
	v5 =	vmul.f32 $1.442695020e+00, v41  }
0x407: {  	v1 =	vand.u32 $0x70, v1;
	[tilespmem:s14+$0x2390] =	vst v6;
	v38 =	vmul.f32 v3, v14;
	v39 =	vpop (erf);
	(erf) = vpow2.f32 v10  }
0x408: {  	v1 =	vor.u32 v40, v1;
	v4 =	vmul.f32 v39, v15;
	[tilespmem:s14+$0x23A0] =	vst v11;
	v5 =	vbroadcast v5, $0xF;
	v10, _, _ =	vpop (xrf2)  }
0x409: {  	v1 =	vor.u32 v50, v1;
	v6 =	vmul.f32 v39, v16;
	[tilespmem:s14+$0x23B0] =	vst v38;
	v10 =	vmul.f32 $1.442695020e+00, v10;
	v42 =	vpop (erf)  }
0x40a: {  	v11 =	vmov s17;
	[tilespmem:s14+$0x23C0] =	vst v4;
	(erf) = vpow2.f32 v5;
	v4 =	vmul.f32 v42, v19  }
0x40b: {  	v14 =	vsel vm1, v43, v28;
	[tilespmem:s14+$0x23D0] =	vst v6;
	v44 =	vmul.f32 v42, v22;
	v5 =	vbroadcast v10, $0xF  }
0x40c: {  	v6 =	vsel vm2, v14, v21;
	[tilespmem:s14+$0x23E0] =	vst v4  }
0x40d: {  	v4 =	vsel vm3, v6, v27;
	[tilespmem:s14+$0x23F0] =	vst v44;
	(erf) = vpow2.f32 v5  }
0x40e: {  	[tilespmem:v1+s31+$0x0] =	vst.idx.msk $0xffff, v4  }
0x40f: {  	v1 =	vld.idx.msk [tilespmem:v11+s15+$0x0], $0xffff;
	[tilespmem:s14+$0x3380] =	vst v0  }
0x410: {  	[tilespmem:s14+$0x3390] =	vst v0;
	v4 =	vpop (erf)  }
0x411: {  	[tilespmem:s14+$0x33A0] =	vst v0;
	v5 =	vmul.f32 v4, v20  }
0x412: {  	[tilespmem:s14+$0x33B0] =	vst v0;
	v6 =	vmul.f32 v4, v24;
	v10 =	vpop (erf)  }
0x413: {  	[tilespmem:s24+$0x2380] =	vst v5;
	v5 =	vmul.f32 v10, v18  }
0x414: {  	v45 =	vpop (erf);
	[tilespmem:s24+$0x2390] =	vst v6;
	v6 =	vmul.f32 v10, v23  }
0x415: {  	[tilespmem:s24+$0x23A0] =	vst v5;
	v5 =	vmul.f32 v45, v26  }
0x416: {  	v46 =	vmov s23;
	[tilespmem:s24+$0x23B0] =	vst v6;
	v6 =	vmul.f32 v45, v29;
	v47 =	vpop (erf)  }
0x417: {  	[tilespmem:s24+$0x23C0] =	vst v5;
	v5 =	vmul.f32 v47, v30  }
0x418: {  	v1 =	vshll.u32 v1, $0x4;
	[tilespmem:s24+$0x23D0] =	vst v6;
	v6 =	vmul.f32 v47, v31  }
0x419: {  	v11 =	vshll.u32 v11, $0x7;
	v1 =	vand.u32 $0x70, v1;
	[tilespmem:s24+$0x23E0] =	vst v5  }
0x41a: {  	v1 =	vor.u32 v11, v1;
	[tilespmem:s24+$0x23F0] =	vst v6  }
0x41b: {  	[tilespmem:s14+$0x33C0] =	vst v0;
	v1 =	vor.u32 v50, v1;
	v5 =	vld.idx.msk [tilespmem:v46+s15+$0x0], $0xffff  }
0x41c: {  	v2 =	vnsel vm0, $0x0, v2;
	[tilespmem:s14+$0x33D0] =	vst v0  }
0x41d: {  	v2 =	vsel vm1, v2, v3;
	[tilespmem:s14+$0x33E0] =	vst v0  }
0x41e: {  	v2 =	vsel vm2, v2, v39;
	[tilespmem:s14+$0x33F0] =	vst v0  }
0x41f: {  	v2 =	vsel vm3, v2, v42;
	[tilespmem:s24+$0x3380] =	vst v0  }
0x420: {  	[tilespmem:v1+s31+$0x0] =	vst.idx.msk $0xffff, v2;
	v1 =	vshll.u32 v5, $0x4  }
0x421: {  	[tilespmem:s24+$0x3390] =	vst v0;
	v2 =	vshll.u32 v46, $0x7;
	v1 =	vand.u32 $0x70, v1  }
0x422: {  	s3 =	sor.u32 $0x6, s28;
	[tilespmem:s24+$0x33A0] =	vst v0;
	v1 =	vor.u32 v2, v1  }
0x423: {  	s23 =	sshll.u32 s3, $0x7;
	[tilespmem:s24+$0x33B0] =	vst v0;
	v1 =	vor.u32 v50, v1  }
0x424: {  	v49 =	vld [tilespmem:s23+$0x23D0];
	[tilespmem:s24+$0x33C0] =	vst v0;
	v2 =	vnsel vm0, $0x0, v4  }
0x425: {  	v56 =	vld [tilespmem:s23+$0x23E0];
	[tilespmem:s24+$0x33D0] =	vst v0;
	v2 =	vsel vm1, v2, v10  }
0x426: {  	v58 =	vld [tilespmem:s23+$0x33E0];
	[tilespmem:s24+$0x33E0] =	vst v0;
	v2 =	vsel vm2, v2, v45  }
0x427: {  	v12 =	vld [tilespmem:s23+$0x23B0];
	[tilespmem:s24+$0x33F0] =	vst v0;
	v2 =	vsel vm3, v2, v47  }
0x428: {  	[tilespmem:v1+s31+$0x0] =	vst.idx.msk $0xffff, v2;
	v1 =	vld [tilespmem:s23+$0x2380]  }
0x429: {  	v2 =	vld [tilespmem:s23+$0x3380]  }
0x42a: {  	v3 =	vld [tilespmem:s23+$0x2390]  }
0x42b: {  	v4 =	vld [tilespmem:s23+$0x3390]  }
0x42c: {  	v6 =	vld [tilespmem:s23+$0x33A0]  }
0x42d: {  	v5 =	vld [tilespmem:s23+$0x23A0]  }
0x42e: {  	v21 =	vld [tilespmem:s23+$0x23C0];
	v2 =	vadd.f32 v2, v1  }
0x42f: {  	v11 =	vld [tilespmem:s23+$0x33C0]  }
0x430: {  	v10 =	vld [tilespmem:s23+$0x33B0];
	v4 =	vadd.f32 v4, v3;
	v48 =	vmul.f32 $2.000000030e-01, v2  }
0x431: {  	v60 =	vld [tilespmem:s23+$0x23F0]  }
0x432: {  	v61 =	vld [tilespmem:s23+$0x33F0];
	v6 =	vadd.f32 v6, v5;
	v57 =	vmul.f32 $2.000000030e-01, v4;
	v2 =	vmax.f32 v2, v48  }
0x433: {  	v50 =	vld [tilespmem:s23+$0x33D0];
	v2 =	vmul.f32 v2, v55  }
0x434: {  	v11 =	vadd.f32 v11, v21;
	v59 =	vmul.f32 $2.000000030e-01, v6;
	v4 =	vmax.f32 v4, v57  }
0x435: {  	v10 =	vadd.f32 v10, v12;
	v4 =	vmul.f32 v4, v52;
	v2 =	vadd.f32 $0.0e+00, v2  }
0x436: {  	v15 =	vadd.f32 v58, v56;
	v62 =	vmul.f32 $2.000000030e-01, v11  }
0x437: {  	s8 =	sor.u32 $0x7, s28;
	v6 =	vmax.f32 v6, v59;
	v2 =	vadd.f32 v4, v2;
	v4 =	vmul.f32 $2.000000030e-01, v10  }
0x438: {  	s20 =	sshll.u32 s8, $0x7;
	v13 =	vadd.f32 v61, v60;
	v14 =	vadd.f32 v50, v49;
	v6 =	vmul.f32 v6, v53  }
0x439: {  	v63 =	vld [tilespmem:s20+$0x2380];
	v11 =	vmax.f32 v11, v62;
	v4 =	vmax.f32 v10, v4;
	v10 =	vmul.f32 $2.000000030e-01, v15  }
0x43a: {  	v41 =	vld [tilespmem:s20+$0x3380];
	v42 =	vmul.f32 $2.000000030e-01, v14;
	v6 =	vadd.f32 $0.0e+00, v6;
	(xrf2) =	vadd.scan.msk.f32 $0xffff, v2;
	v4 =	vmul.f32 v4, v51  }
0x43b: {  	v43 =	vmul.f32 $2.000000030e-01, v13;
	v44 =	vld [tilespmem:s20+$0x3390];
	v11 =	vmul.f32 v11, v54;
	v10 =	vmax.f32 v15, v10  }
0x43c: {  	v23 =	vld [tilespmem:s20+$0x2390];
	v2 =	vadd.f32 v4, v6;
	v4 =	vmax.f32 v14, v42;
	v6 =	vmul.f32 v10, v8  }
0x43d: {  	v10 =	vadd.f32 $0.0e+00, v11;
	v11 =	vmax.f32 v13, v43;
	v4 =	vmul.f32 v4, v7  }
0x43e: {  	(xrf2) =	vadd.scan.msk.f32 $0xffff, v2;
	v2 =	vadd.f32 $0.0e+00, v6;
	v6 =	vmul.f32 v11, v9  }
0x43f: {  	v4 =	vadd.f32 v4, v10  }
0x440: {  	v11 =	vadd.f32 v41, v63;
	v2 =	vadd.f32 v6, v2  }
0x441: {  	v10 =	vadd.f32 v44, v23;
	(xrf2) =	vadd.scan.msk.f32 $0xffff, v4  }
0x442: {  	v6 =	vmul.f32 $2.000000030e-01, v11;
	(xrf2) =	vadd.scan.msk.f32 $0xffff, v2  }
0x443: {  	v4 =	vmul.f32 $2.000000030e-01, v10  }
0x444: {  	v2 =	vmax.f32 v11, v6;
	v11, _, _ =	vpop (xrf2)  }
0x445: {  	v4 =	vmax.f32 v10, v4;
	v11 =	vmul.f32 $1.442695020e+00, v11  }
0x446: {  	v14 =	vld [tilespmem:s20+$0x23A0];
	v2 =	vmul.f32 v2, v55;
	v4 =	vmul.f32 v4, v52  }
0x447: {  	v6 =	vld [tilespmem:s20+$0x33A0];
	v11 =	vbroadcast v11, $0xF  }
0x448: {  	v15 =	vld [tilespmem:s20+$0x23B0];
	v2 =	vadd.f32 $0.0e+00, v2  }
0x449: {  	v10 =	vld [tilespmem:s20+$0x33B0]  }
0x44a: {  	v2 =	vadd.f32 v4, v2;
	v4, _, _ =	vpop (xrf2)  }
0x44b: {  	(erf) = vpow2.f32 v11;
	v11, _, _ =	vpop (xrf2)  }
0x44c: {  	v16 =	vld [tilespmem:s20+$0x23C0];
	v6 =	vadd.f32 v6, v14;
	(xrf2) =	vadd.scan.msk.f32 $0xffff, v2;
	v45, _, _ =	vpop (xrf2)  }
0x44d: {  	v4 =	vmul.f32 $1.442695020e+00, v4;
	v46 =	vld [tilespmem:s20+$0x33C0]  }
0x44e: {  	v10 =	vadd.f32 v10, v15;
	v2 =	vmul.f32 $2.000000030e-01, v6;
	v17 =	vld [tilespmem:s20+$0x23D0]  }
0x44f: {  	v4 =	vbroadcast v4, $0xF;
	v47 =	vld [tilespmem:s20+$0x33D0]  }
0x450: {  	s17 =	sor.u32 $0x8, s28;
	v2 =	vmax.f32 v6, v2;
	v6 =	vmul.f32 $2.000000030e-01, v10;
	v11 =	vmul.f32 $1.442695020e+00, v11;
	v18 =	vld [tilespmem:s20+$0x23E0]  }
0x451: {  	s2 =	sshll.u32 s17, $0x7;
	v2 =	vmul.f32 v2, v53;
	v13 =	vmul.f32 $1.442695020e+00, v45;
	v19 =	vld [tilespmem:s20+$0x23F0]  }
0x452: {  	(erf) = vpow2.f32 v4;
	v6 =	vmax.f32 v10, v6;
	v28 =	vld [tilespmem:s2+$0x23B0];
	v4 =	vbroadcast v11, $0xF  }
0x453: {  	v50 =	vld [tilespmem:s2+$0x33B0];
	v2 =	vadd.f32 $0.0e+00, v2;
	v6 =	vmul.f32 v6, v51;
	v10 =	vbroadcast v13, $0xF  }
0x454: {  	v30 =	vld [tilespmem:s2+$0x23C0];
	(erf) = vpow2.f32 v4  }
0x455: {  	v58 =	vld [tilespmem:s2+$0x33C0];
	v2 =	vadd.f32 v6, v2;
	(erf) = vpow2.f32 v10  }
0x456: {  	v22 =	vld [tilespmem:s2+$0x2390]  }
0x457: {  	(xrf2) =	vadd.scan.msk.f32 $0xffff, v2;
	v2 =	vld [tilespmem:s20+$0x33F0];
	v10 =	vpop (erf)  }
0x458: {  	v6, _, _ =	vpop (xrf2);
	v41 =	vmul.f32 v10, v1;
	v1 =	vld [tilespmem:s2+$0x3390]  }
0x459: {  	v20 =	vld [tilespmem:s2+$0x2380];
	v6 =	vmul.f32 $1.442695020e+00, v6  }
0x45a: {  	v26 =	vld [tilespmem:s2+$0x23A0];
	v38 =	vadd.f32 v50, v28;
	v42 =	vadd.f32 v58, v30  }
0x45b: {  	v4 =	vld [tilespmem:s20+$0x33E0];
	v25 =	vmul.f32 v10, v3;
	v3 =	vadd.f32 v46, v16;
	v6 =	vbroadcast v6, $0xF;
	v11 =	vpop (erf)  }
0x45c: {  	v39 =	vmul.f32 v11, v5;
	v27 =	vmul.f32 v11, v12;
	v5 =	vld [tilespmem:s2+$0x33A0];
	v2 =	vadd.f32 v2, v19  }
0x45d: {  	v48 =	vld [tilespmem:s2+$0x3380];
	(erf) = vpow2.f32 v6;
	v6 =	vmul.f32 $2.000000030e-01, v3;
	v13 =	vpop (erf);
	v1 =	vadd.f32 v1, v22  }
0x45e: {  	v35 =	vld [tilespmem:s2+$0x23D0];
	v34 =	vmul.f32 v13, v21;
	v12 =	vpop (erf);
	v32 =	vmul.f32 v13, v49;
	v49 =	vadd.f32 v47, v17  }
0x45f: {  	v37 =	vld [tilespmem:s2+$0x23E0];
	v3 =	vmax.f32 v3, v6;
	v31 =	vmul.f32 v12, v56;
	v29 =	vmul.f32 v12, v60  }
0x460: {  	v61 =	vld [tilespmem:s2+$0x33E0];
	v4 =	vadd.f32 v4, v18;
	v3 =	vmul.f32 v3, v54;
	v60 =	vmul.f32 $2.000000030e-01, v2  }
0x461: {  	s24 =	sor.u32 $0x9, s28;
	v44 =	vld [tilespmem:s2+$0x33D0];
	v56 =	vmul.f32 $2.000000030e-01, v1;
	v6, _, _ =	vpop (xrf2);
	v57 =	vmul.f32 $2.000000030e-01, v49;
	v5 =	vadd.f32 v5, v26  }
0x462: {  	s13 =	sshll.u32 s24, $0x7;
	v43 =	vld [tilespmem:s2+$0x23F0];
	v24 =	vmul.f32 $1.442695020e+00, v6;
	v6 =	vmul.f32 $2.000000030e-01, v4;
	v3 =	vadd.f32 $0.0e+00, v3  }
0x463: {  	v58 =	vld [tilespmem:s13+$0x3390];
	v2 =	vmax.f32 v2, v60;
	v1 =	vmax.f32 v1, v56;
	v21 =	vmax.f32 v49, v57  }
0x464: {  	v46 =	vld [tilespmem:s13+$0x2380];
	v59 =	vmul.f32 v21, v7;
	v4 =	vmax.f32 v4, v6;
	v6 =	vadd.f32 v48, v20  }
0x465: {  	v60 =	vadd.f32 v61, v37;
	v2 =	vmul.f32 v2, v9;
	v49 =	vld [tilespmem:s13+$0x3380];
	v4 =	vmul.f32 v4, v8  }
0x466: {  	v50 =	vld [tilespmem:s13+$0x33D0];
	v21 =	vpop (erf);
	v3 =	vadd.f32 v59, v3;
	v62 =	vmul.f32 $2.000000030e-01, v6;
	v59 =	vadd.f32 v44, v35  }
0x467: {  	v57 =	vmul.f32 $2.000000030e-01, v38;
	v40 =	vmul.f32 v21, v63;
	v4 =	vadd.f32 $0.0e+00, v4;
	v63 =	vld [tilespmem:s2+$0x33F0]  }
0x468: {  	v47 =	vld [tilespmem:s13+$0x2390];
	v1 =	vmul.f32 v1, v52;
	v6 =	vmax.f32 v6, v62;
	v61 =	vmul.f32 $2.000000030e-01, v59  }
0x469: {  	v52 =	vld [tilespmem:s13+$0x23C0];
	v6 =	vmul.f32 v6, v55;
	v2 =	vadd.f32 v2, v4;
	v4 =	vmul.f32 $2.000000030e-01, v5  }
0x46a: {  	v48 =	vld [tilespmem:s13+$0x23A0];
	v33 =	vmax.f32 v38, v57;
	v49 =	vadd.f32 v49, v46;
	v62 =	vmax.f32 v59, v61  }
0x46b: {  	v61 =	vld [tilespmem:$0x1FFB0];
	v6 =	vadd.f32 $0.0e+00, v6;
	v4 =	vmax.f32 v5, v4;
	v5 =	vmul.f32 $2.000000030e-01, v42  }
0x46c: {  	v38 =	vld [tilespmem:s13+$0x33C0];
	v4 =	vmul.f32 v4, v53;
	v36 =	vadd.f32 v63, v43;
	v63 =	vmul.f32 $2.000000030e-01, v49  }
0x46d: {  	v44 =	vld [tilespmem:s13+$0x33A0];
	v5 =	vmax.f32 v42, v5;
	v1 =	vadd.f32 v1, v6;
	v6 =	vmul.f32 $2.000000030e-01, v60  }
0x46e: {  	v33 =	vmul.f32 v33, v51;
	v51 =	vld [tilespmem:s13+$0x23B0];
	v4 =	vadd.f32 $0.0e+00, v4;
	v5 =	vmul.f32 v5, v54  }
0x46f: {  	v59 =	vld [tilespmem:$0x1FFC0];
	v56 =	vmul.f32 $2.000000030e-01, v36;
	v42 =	vmax.f32 v49, v63;
	v6 =	vmax.f32 v60, v6  }
0x470: {  	v54 =	vld [tilespmem:s13+$0x33B0];
	v60 =	vadd.f32 v58, v47;
	v42 =	vmul.f32 v42, v61;
	v6 =	vmul.f32 v6, v8  }
0x471: {  	v57 =	vld [tilespmem:s13+$0x33E0];
	v4 =	vadd.f32 v33, v4;
	v5 =	vadd.f32 $0.0e+00, v5;
	v33 =	vmul.f32 v62, v7  }
0x472: {  	(xrf2) =	vadd.scan.msk.f32 $0xffff, v3;
	v55 =	vld [tilespmem:s13+$0x23E0];
	v62 =	vmul.f32 $2.000000030e-01, v60;
	v3 =	vadd.f32 $0.0e+00, v6;
	v6 =	vmax.f32 v36, v56  }
0x473: {  	v44 =	vadd.f32 v44, v48;
	(xrf2) =	vadd.scan.msk.f32 $0xffff, v2;
	v53 =	vld [tilespmem:s13+$0x23D0];
	v2 =	vmul.f32 v6, v9  }
0x474: {  	v58 =	vld [tilespmem:s13+$0x33F0];
	(xrf2) =	vadd.scan.msk.f32 $0xffff, v1;
	v5 =	vadd.f32 v33, v5;
	v6 =	vadd.f32 $0.0e+00, v42;
	v56 =	vmax.f32 v60, v62  }
0x475: {  	(xrf2) =	vadd.scan.msk.f32 $0xffff, v4;
	v60 =	vadd.f32 v54, v51;
	v42 =	vmul.f32 v56, v59;
	v2 =	vadd.f32 v2, v3;
	v3 =	vld [tilespmem:$0x1FFD0]  }
0x476: {  	v63 =	vmul.f32 $2.000000030e-01, v44;
	v33 =	vld [tilespmem:s13+$0x23F0];
	(xrf2) =	vadd.scan.msk.f32 $0xffff, v5  }
0x477: {  	v62 =	vadd.f32 v57, v55;
	v1 =	vadd.f32 v42, v6;
	v6 =	vmul.f32 $2.000000030e-01, v60;
	(xrf2) =	vadd.scan.msk.f32 $0xffff, v2;
	v2 =	vld [tilespmem:$0x1FFE0]  }
0x478: {  	v61 =	vadd.f32 v38, v52  }
0x479: {  	v36 =	vmax.f32 v44, v63;
	v5 =	vmax.f32 v60, v6;
	v6 =	vmul.f32 $2.000000030e-01, v62  }
0x47a: {  	v63 =	vadd.f32 v50, v53;
	v50 =	vld [tilespmem:$0x1FFF0];
	v3 =	vmul.f32 v36, v3  }
0x47b: {  	v4 =	vmul.f32 $2.000000030e-01, v61;
	v49 =	vadd.f32 v58, v33;
	v6 =	vmax.f32 v62, v6  }
0x47c: {  	v3 =	vadd.f32 $0.0e+00, v3;
	v2 =	vmul.f32 v5, v2;
	v5 =	vmul.f32 $2.000000030e-01, v63  }
0x47d: {  	v4 =	vmax.f32 v61, v4;
	v54 =	vmul.f32 $2.000000030e-01, v49  }
0x47e: {  	v2 =	vadd.f32 v2, v3;
	v3 =	vmax.f32 v63, v5;
	v5 =	vmul.f32 v6, v8;
	v6, _, _ =	vpop (xrf2)  }
0x47f: {  	v4 =	vmul.f32 v4, v50;
	v36 =	vmax.f32 v49, v54;
	v6 =	vmul.f32 $1.442695020e+00, v6;
	v56, _, _ =	vpop (xrf2)  }
0x480: {  	(xrf2) =	vadd.scan.msk.f32 $0xffff, v1;
	v1 =	vadd.f32 $0.0e+00, v5;
	v5 =	vmul.f32 v36, v9;
	v57 =	vmul.f32 $1.442695020e+00, v56  }
0x481: {  	v4 =	vadd.f32 $0.0e+00, v4;
	v3 =	vmul.f32 v3, v7  }
0x482: {  	s18 =	sor.u32 $0xA, s28;
	v24 =	vbroadcast v24, $0xF;
	v1 =	vadd.f32 v5, v1;
	v5 =	vbroadcast v57, $0xF  }
0x483: {  	s1 =	sshll.u32 s18, $0x7;
	(xrf2) =	vadd.scan.msk.f32 $0xffff, v2;
	v2 =	vadd.f32 v3, v4;
	v4 =	vbroadcast v6, $0xF  }
0x484: {  	(erf) = vpow2.f32 v24;
	v38 =	vld [tilespmem:s1+$0x2380];
	v3 =	vmul.f32 v21, v23;
	v6, _, _ =	vpop (xrf2)  }
0x485: {  	(xrf2) =	vadd.scan.msk.f32 $0xffff, v2;
	v2 =	vld [tilespmem:s1+$0x3380];
	(erf) = vpow2.f32 v4;
	v4 =	vmul.f32 $1.442695020e+00, v6;
	v6, _, _ =	vpop (xrf2)  }
0x486: {  	v36 =	vld [tilespmem:s1+$0x2390];
	(xrf2) =	vadd.scan.msk.f32 $0xffff, v1;
	(erf) = vpow2.f32 v5;
	v1 =	vmul.f32 $1.442695020e+00, v6;
	v5, _, _ =	vpop (xrf2)  }
0x487: {  	v6 =	vld [tilespmem:s1+$0x3390];
	v4 =	vbroadcast v4, $0xF;
	v5 =	vmul.f32 $1.442695020e+00, v5;
	v58, _, _ =	vpop (xrf2)  }
0x488: {  	v1 =	vbroadcast v1, $0xF;
	v23 =	vmul.f32 $1.442695020e+00, v58  }
0x489: {  	(erf) = vpow2.f32 v4;
	v4 =	vbroadcast v5, $0xF  }
0x48a: {  	v2 =	vadd.f32 v2, v38  }
0x48b: {  	v60 =	vld [tilespmem:$0x1FFB0];
	(erf) = vpow2.f32 v1;
	v1 =	vbroadcast v23, $0xF  }
0x48c: {  	v62 =	vld [tilespmem:$0x1FFC0];
	v5 =	vmul.f32 $2.000000030e-01, v2;
	v6 =	vadd.f32 v6, v36;
	(erf) = vpow2.f32 v4  }
0x48d: {  	(erf) = vpow2.f32 v1;
	v4, _, _ =	vpop (xrf2)  }
0x48e: {  	v2 =	vmax.f32 v2, v5;
	v5 =	vmul.f32 $2.000000030e-01, v6;
	v1 =	vmul.f32 $1.442695020e+00, v4;
	v4, _, _ =	vpop (xrf2)  }
0x48f: {  	v4 =	vmul.f32 $1.442695020e+00, v4  }
0x490: {  	v2 =	vmul.f32 v2, v60;
	v5 =	vmax.f32 v6, v5;
	v1 =	vbroadcast v1, $0xF  }
0x491: {  	v59, _, _ =	vpop (xrf2);
	v5 =	vmul.f32 v5, v62;
	v4 =	vbroadcast v4, $0xF  }
0x492: {  	v2 =	vadd.f32 $0.0e+00, v2;
	v23 =	vmul.f32 $1.442695020e+00, v59;
	(erf) = vpow2.f32 v1  }
0x493: {  	[tilespmem:s23+$0x2380] =	vst v41;
	v41 =	vpop (erf);
	(erf) = vpow2.f32 v4  }
0x494: {  	[tilespmem:s23+$0x2390] =	vst v25;
	v25 =	vld [tilespmem:s1+$0x23B0];
	v50 =	vpop (erf);
	v2 =	vadd.f32 v5, v2;
	v1 =	vbroadcast v23, $0xF  }
0x495: {  	[tilespmem:s23+$0x23B0] =	vst v27;
	v27 =	vld [tilespmem:s1+$0x23C0];
	v49 =	vpop (erf)  }
0x496: {  	v24 =	vld [tilespmem:s1+$0x23A0];
	v61, _, _ =	vpop (xrf2);
	(xrf2) =	vadd.scan.msk.f32 $0xffff, v2;
	(erf) = vpow2.f32 v1  }
0x497: {  	v6 =	vmul.f32 $1.442695020e+00, v61;
	v5 =	vld [tilespmem:s1+$0x33A0];
	v45 =	vpop (erf)  }
0x498: {  	[tilespmem:s23+$0x23A0] =	vst v39;
	v58 =	vld [tilespmem:s1+$0x33C0];
	v39 =	vmul.f32 v50, v17;
	v42 =	vpop (erf)  }
0x499: {  	[tilespmem:s23+$0x23E0] =	vst v31;
	v31 =	vld [tilespmem:s1+$0x33D0];
	v54 =	vmov s8;
	s8 =	sor.u32 $0xB, s28;
	v56 =	vmul.f32 v49, v18;
	v4 =	vbroadcast v6, $0xF;
	v44 =	vpop (erf)  }
0x49a: {  	s16 =	sshll.u32 s8, $0x7;
	v57 =	vmul.f32 v49, v19;
	v59 =	vmul.f32 v45, v22;
	v2 =	vld [tilespmem:s1+$0x33B0];
	v19 =	vpop (erf)  }
0x49b: {  	[tilespmem:s20+$0x23E0] =	vst v56;
	v56 =	vld [tilespmem:s16+$0x3390];
	(erf) = vpow2.f32 v4;
	v4 =	vmul.f32 v50, v16;
	v16 =	vpop (erf)  }
0x49c: {  	[tilespmem:s23+$0x23F0] =	vst v29;
	v22 =	vld [tilespmem:s1+$0x23D0];
	v60 =	vmul.f32 v42, v26;
	v61 =	vmul.f32 v42, v28;
	v5 =	vadd.f32 v5, v24;
	v17 =	vpop (erf)  }
0x49d: {  	[tilespmem:s20+$0x2390] =	vst v3;
	v3 =	vmul.f32 v16, v46;
	v46 =	vmul.f32 v17, v51;
	v51 =	vadd.f32 v58, v27;
	v58 =	vld [tilespmem:$0x1FFD0]  }
0x49e: {  	[tilespmem:s20+$0x2380] =	vst v40;
	v26 =	vld [tilespmem:s1+$0x23F0];
	v1 =	vmul.f32 v41, v15;
	v62 =	vmul.f32 v44, v30  }
0x49f: {  	[tilespmem:s2+$0x2390] =	vst v59;
	v59 =	vld [tilespmem:$0x1FFE0];
	v40 =	vmul.f32 v19, v43;
	v29 =	vmul.f32 $2.000000030e-01, v5;
	v2 =	vadd.f32 v2, v25;
	v18 =	vpop (erf)  }
0x4a0: {  	[tilespmem:s20+$0x23C0] =	vst v4;
	v43 =	vmul.f32 v16, v47;
	v47 =	vld [tilespmem:s1+$0x33F0];
	v63, _, _ =	vpop (xrf2);
	v4 =	vmul.f32 v18, v53  }
0x4a1: {  	v23 =	vld [tilespmem:s1+$0x23E0];
	v5 =	vmax.f32 v5, v29;
	v63 =	vmul.f32 $1.442695020e+00, v63;
	v53 =	vmul.f32 $2.000000030e-01, v2  }
0x4a2: {  	v28 =	vld [tilespmem:s16+$0x2380];
	[tilespmem:s20+$0x23B0] =	vst v1;
	v1 =	vmul.f32 v18, v52;
	v5 =	vmul.f32 v5, v58  }
0x4a3: {  	[tilespmem:s20+$0x23D0] =	vst v39;
	v52 =	vld [tilespmem:s16+$0x3380];
	v39 =	vbroadcast v63, $0xF;
	v63 =	vmul.f32 $2.000000030e-01, v51;
	v2 =	vmax.f32 v2, v53  }
0x4a4: {  	v30 =	vld [tilespmem:s1+$0x33E0];
	v2 =	vmul.f32 v2, v59;
	v58 =	vadd.f32 v31, v22;
	v5 =	vadd.f32 $0.0e+00, v5  }
0x4a5: {  	v6 =	vmul.f32 v41, v14;
	[tilespmem:s2+$0x23A0] =	vst v60;
	v60 =	vld [tilespmem:s16+$0x33B0];
	v47 =	vadd.f32 v47, v26  }
0x4a6: {  	[tilespmem:s23+$0x23D0] =	vst v32;
	v51 =	vmax.f32 v51, v63;
	v63 =	vmul.f32 $2.000000030e-01, v58;
	v2 =	vadd.f32 v2, v5;
	v5 =	vld [tilespmem:$0x1FFF0]  }
0x4a7: {  	[tilespmem:s20+$0x23F0] =	vst v57;
	v32 =	vmul.f32 v45, v20;
	v35 =	vmul.f32 v44, v35;
	v29 =	vld [tilespmem:s16+$0x2390]  }
0x4a8: {  	[tilespmem:s20+$0x23A0] =	vst v6;
	v15 =	vpop (erf);
	v31 =	vld [tilespmem:s16+$0x23B0];
	v52 =	vadd.f32 v52, v28;
	v57 =	vmax.f32 v58, v63;
	v58 =	vmul.f32 $2.000000030e-01, v47  }
0x4a9: {  	[tilespmem:s2+$0x23D0] =	vst v35;
	v35 =	vld [tilespmem:s16+$0x23D0];
	v6 =	vmul.f32 v17, v48;
	v48 =	vmul.f32 v15, v55  }
0x4aa: {  	[tilespmem:s2+$0x23C0] =	vst v62;
	v55 =	vadd.f32 v30, v23;
	v30 =	vld [tilespmem:s16+$0x23A0];
	v59 =	vmul.f32 $2.000000030e-01, v52;
	v62 =	vmax.f32 v47, v58  }
0x4ab: {  	[tilespmem:s2+$0x23B0] =	vst v61;
	v61 =	vmul.f32 v62, v9;
	v62 =	vld [tilespmem:$0x1FFB0];
	v5 =	vmul.f32 v51, v5  }
0x4ac: {  	[tilespmem:s2+$0x2380] =	vst v32;
	v53 =	vld [tilespmem:s16+$0x33A0];
	v32 =	vmul.f32 $2.000000030e-01, v55;
	v63 =	vmax.f32 v52, v59;
	v52 =	vadd.f32 v56, v29  }
0x4ad: {  	[tilespmem:s13+$0x23A0] =	vst v6;
	v57 =	vmul.f32 v57, v7;
	v6 =	vadd.f32 v60, v31;
	v60 =	vld [tilespmem:$0x1FFC0];
	v5 =	vadd.f32 $0.0e+00, v5  }
0x4ae: {  	v37 =	vmul.f32 v19, v37;
	v55 =	vmax.f32 v55, v32;
	v32 =	vld [tilespmem:s16+$0x23C0]  }
0x4af: {  	[tilespmem:s13+$0x2380] =	vst v3;
	v51 =	vmul.f32 v55, v8;
	v55 =	vld [tilespmem:s16+$0x33C0];
	v3 =	vadd.f32 v57, v5;
	v5 =	vmul.f32 $2.000000030e-01, v52  }
0x4b0: {  	[tilespmem:s2+$0x23E0] =	vst v37;
	v37 =	vld [tilespmem:s16+$0x23E0];
	v47 =	vmul.f32 v63, v62  }
0x4b1: {  	[tilespmem:s23+$0x23C0] =	vst v34;
	v56 =	vld [tilespmem:s16+$0x33D0];
	v5 =	vmax.f32 v52, v5  }
0x4b2: {  	[tilespmem:s13+$0x23C0] =	vst v1;
	v1 =	vld [tilespmem:$0x1FFD0];
	v47 =	vadd.f32 $0.0e+00, v47;
	v5 =	vmul.f32 v5, v60  }
0x4b3: {  	v34 =	vmov s3;
	[tilespmem:s13+$0x23D0] =	vst v4;
	v4 =	vld [tilespmem:$0x1FFE0];
	v53 =	vadd.f32 v53, v30  }
0x4b4: {  	v20 =	vmov s17;
	(xrf2) =	vadd.scan.msk.f32 $0xffff, v2;
	v55 =	vadd.f32 v55, v32;
	v2 =	vadd.f32 v5, v47;
	v5 =	vld [tilespmem:$0x1FFF0]  }
0x4b5: {  	v45 =	vnsel vm0, $0x0, v45;
	v51 =	vadd.f32 $0.0e+00, v51;
	v63 =	vmul.f32 $2.000000030e-01, v53;
	v57 =	vld [tilespmem:s16+$0x33E0]  }
0x4b6: {  	[tilespmem:s2+$0x23F0] =	vst v40;
	v40 =	vld [tilespmem:s16+$0x23F0];
	v33 =	vmul.f32 v15, v33;
	v62 =	vadd.f32 v56, v35;
	v59 =	vmul.f32 $2.000000030e-01, v55  }
0x4b7: {  	[tilespmem:s13+$0x2390] =	vst v43;
	v56 =	vmul.f32 $2.000000030e-01, v6;
	v43 =	vadd.f32 v61, v51;
	v61 =	vmax.f32 v53, v63;
	v63 =	vld [tilespmem:s16+$0x33F0]  }
0x4b8: {  	v14 =	vmov s24;
	[tilespmem:s13+$0x23F0] =	vst v33;
	v58 =	vmul.f32 $2.000000030e-01, v62;
	v52 =	vmax.f32 v55, v59  }
0x4b9: {  	v1 =	vmul.f32 v61, v1;
	(xrf2) =	vadd.scan.msk.f32 $0xffff, v3;
	v3 =	vmax.f32 v6, v56;
	v5 =	vmul.f32 v52, v5  }
0x4ba: {  	(erf) = vpow2.f32 v39;
	v61 =	vld.idx.msk [tilespmem:v34+s15+$0x0], $0xffff;
	[tilespmem:s23+$0x3380] =	vst v0;
	v3 =	vmul.f32 v3, v4;
	v6 =	vadd.f32 v57, v37  }
0x4bb: {  	[tilespmem:s23+$0x3390] =	vst v0;
	v1 =	vadd.f32 $0.0e+00, v1;
	v4 =	vadd.f32 $0.0e+00, v5;
	v5 =	vmax.f32 v62, v58  }
0x4bc: {  	s24 =	sor.u32 $0xC, s28;
	[tilespmem:s23+$0x33A0] =	vst v0;
	v60 =	vadd.f32 v63, v40;
	v59 =	vmul.f32 $2.000000030e-01, v6;
	v5 =	vmul.f32 v5, v7  }
0x4bd: {  	v45 =	vsel vm1, v45, v42;
	s17 =	sshll.u32 s24, $0x7;
	[tilespmem:s23+$0x33B0] =	vst v0;
	(xrf2) =	vadd.scan.msk.f32 $0xffff, v43;
	v1 =	vadd.f32 v3, v1  }
0x4be: {  	v42 =	vld [tilespmem:s17+$0x23D0];
	(xrf2) =	vadd.scan.msk.f32 $0xffff, v2;
	v2 =	vadd.f32 v5, v4;
	v4 =	vmax.f32 v6, v59;
	v5 =	vmul.f32 $2.000000030e-01, v60  }
0x4bf: {  	v33 =	vld [tilespmem:s17+$0x2380];
	[tilespmem:s23+$0x33C0] =	vst v0;
	(xrf2) =	vadd.scan.msk.f32 $0xffff, v1;
	v6 =	vnsel vm0, $0x0, v10;
	v1 =	vmul.f32 v4, v8  }
0x4c0: {  	v51 =	vld [tilespmem:s17+$0x33C0];
	v55 =	vsel vm2, v45, v44;
	v4 =	vsel vm1, v6, v11;
	(xrf2) =	vadd.scan.msk.f32 $0xffff, v2;
	v2 =	vmax.f32 v60, v5  }
0x4c1: {  	v53 =	vld [tilespmem:s17+$0x33F0];
	[tilespmem:s23+$0x33D0] =	vst v0;
	v11, _, _ =	vpop (xrf2);
	v4 =	vsel vm2, v4, v13;
	v1 =	vadd.f32 $0.0e+00, v1;
	v2 =	vmul.f32 v2, v9  }
0x4c2: {  	s3 =	sor.u32 $0xD, s28;
	[tilespmem:s23+$0x33E0] =	vst v0;
	v44 =	vld [tilespmem:s17+$0x23E0];
	v62 =	vmul.f32 $1.442695020e+00, v11;
	v10 =	vsel vm3, v4, v12;
	v4 =	vshll.u32 v61, $0x4  }
0x4c3: {  	[tilespmem:s23+$0x33F0] =	vst v0;
	s23 =	sshll.u32 s3, $0x7;
	v3 =	vld.idx.msk [tilespmem:v54+s15+$0x0], $0xffff;
	v11, _, _ =	vpop (xrf2);
	v4 =	vand.u32 $0x70, v4;
	v1 =	vadd.f32 v2, v1;
	v2 =	vshll.u32 v34, $0x7  }
0x4c4: {  	v45 =	vld [tilespmem:s23+$0x2380];
	v6 =	vnsel vm0, $0x0, v21;
	v12 =	vor.u32 v2, v4;
	v4 =	vmul.f32 $1.442695020e+00, v11  }
0x4c5: {  	v43 =	vpop (erf);
	v57 =	vshll.u32 v54, $0x7;
	v63 =	vld [tilespmem:s17+$0x3390];
	v6 =	vsel vm1, v6, v41  }
0x4c6: {  	v54 =	vmul.f32 v43, v36;
	v36 =	vld [tilespmem:s17+$0x23F0];
	v2 =	vsel vm2, v6, v50;
	v4 =	vbroadcast v4, $0xF  }
0x4c7: {  	v34 =	vld [tilespmem:s17+$0x23A0];
	v11 =	vsel vm3, v2, v49;
	v2 =	vbroadcast v62, $0xF  }
0x4c8: {  	v56, _, _ =	vpop (xrf2);
	(xrf2) =	vadd.scan.msk.f32 $0xffff, v1;
	v1 =	vshll.u32 v3, $0x4;
	v3 =	vld [tilespmem:s17+$0x33A0]  }
0x4c9: {  	v5 =	vld [tilespmem:s17+$0x3380];
	v58, _, _ =	vpop (xrf2);
	v1 =	vand.u32 $0x70, v1;
	(erf) = vpow2.f32 v2;
	v2 =	vmul.f32 $1.442695020e+00, v56  }
0x4ca: {  	v21 =	vld [tilespmem:s17+$0x2390];
	v13 =	vor.u32 v57, v1;
	v1 =	vmul.f32 $1.442695020e+00, v58;
	(erf) = vpow2.f32 v4;
	v4, _, _ =	vpop (xrf2)  }
0x4cb: {  	v52 =	vld [tilespmem:s17+$0x33E0];
	v2 =	vbroadcast v2, $0xF;
	v4 =	vmul.f32 $1.442695020e+00, v4  }
0x4cc: {  	v59 =	vld [tilespmem:s17+$0x33B0];
	v1 =	vbroadcast v1, $0xF  }
0x4cd: {  	v41 =	vld [tilespmem:s17+$0x23C0];
	v3 =	vadd.f32 v3, v34;
	(erf) = vpow2.f32 v2;
	v2 =	vbroadcast v4, $0xF  }
0x4ce: {  	v6 =	vmul.f32 v43, v38;
	v38 =	vld [tilespmem:s17+$0x23B0];
	v5 =	vadd.f32 v5, v33;
	(erf) = vpow2.f32 v1  }
0x4cf: {  	v60, _, _ =	vpop (xrf2);
	v62 =	vmul.f32 $2.000000030e-01, v3;
	(erf) = vpow2.f32 v2;
	v2 =	vadd.f32 v63, v21;
	v63 =	vld [tilespmem:$0x1FFB0]  }
0x4d0: {  	[tilespmem:s13+$0x23E0] =	vst v48;
	v48 =	vmul.f32 $1.442695020e+00, v60;
	v4 =	vld [tilespmem:s17+$0x33D0]  }
0x4d1: {  	v61 =	vmul.f32 $2.000000030e-01, v5;
	v3 =	vmax.f32 v3, v62;
	v62 =	vld [tilespmem:$0x1FFC0]  }
0x4d2: {  	v53 =	vadd.f32 v53, v36;
	v60 =	vld [tilespmem:s23+$0x3380];
	v1 =	vbroadcast v48, $0xF  }
0x4d3: {  	v51 =	vadd.f32 v51, v41;
	v5 =	vmax.f32 v5, v61;
	v47 =	vmul.f32 $2.000000030e-01, v2  }
0x4d4: {  	v52 =	vadd.f32 v52, v44;
	v49 =	vadd.f32 v59, v38;
	v5 =	vmul.f32 v5, v63  }
0x4d5: {  	[tilespmem:s13+$0x23B0] =	vst v46;
	v46 =	vld.idx.msk [tilespmem:v20+s15+$0x0], $0xffff;
	v59 =	vmul.f32 $2.000000030e-01, v51;
	(erf) = vpow2.f32 v1;
	v2 =	vmax.f32 v2, v47  }
0x4d6: {  	v1, _, _ =	vpop (xrf2);
	v4 =	vadd.f32 v4, v42;
	v2 =	vmul.f32 v2, v62;
	v63 =	vld [tilespmem:$0x1FFD0];
	v5 =	vadd.f32 $0.0e+00, v5  }
0x4d7: {  	v39 =	vld.idx.msk [tilespmem:v14+s15+$0x0], $0xffff;
	v51 =	vmax.f32 v51, v59;
	v56 =	vadd.f32 v60, v45;
	v1 =	vmul.f32 $1.442695020e+00, v1  }
0x4d8: {  	v60 =	vmul.f32 $2.000000030e-01, v52;
	v59 =	vmul.f32 $2.000000030e-01, v4;
	v2 =	vadd.f32 v2, v5;
	v5 =	vld [tilespmem:$0x1FFE0]  }
0x4d9: {  	v57 =	vld [tilespmem:s23+$0x3390];
	v61 =	vmul.f32 $2.000000030e-01, v49;
	v1 =	vbroadcast v1, $0xF  }
0x4da: {  	v58 =	vld [tilespmem:s23+$0x33B0];
	v4 =	vmax.f32 v4, v59;
	v59 =	vmax.f32 v52, v60;
	v60 =	vmul.f32 $2.000000030e-01, v53  }
0x4db: {  	v48 =	vld [tilespmem:s23+$0x23A0];
	v3 =	vmul.f32 v3, v63  }
0x4dc: {  	[tilespmem:s1+$0x2380] =	vst v6;
	(erf) = vpow2.f32 v1;
	v1 =	vmax.f32 v49, v61;
	v6 =	vmax.f32 v53, v60;
	v60 =	vld [tilespmem:$0x1FFB0]  }
0x4dd: {  	v47 =	vld [tilespmem:s23+$0x2390];
	v3 =	vadd.f32 $0.0e+00, v3;
	v1 =	vmul.f32 v1, v5  }
0x4de: {  	v62 =	vld [tilespmem:s23+$0x33C0];
	v61 =	vmul.f32 $2.000000030e-01, v56  }
0x4df: {  	v1 =	vadd.f32 v1, v3;
	v3 =	vld [tilespmem:$0x1FFF0]  }
0x4e0: {  	[tilespmem:s2+$0x3380] =	vst v0;
	v52 =	vld [tilespmem:s23+$0x23D0];
	v56 =	vmax.f32 v56, v61  }
0x4e1: {  	[tilespmem:s2+$0x3390] =	vst v0;
	v49 =	vld [tilespmem:s23+$0x23B0];
	v60 =	vmul.f32 v56, v60  }
0x4e2: {  	[tilespmem:s2+$0x33A0] =	vst v0;
	v59 =	vmul.f32 v59, v8;
	v5 =	vld [tilespmem:s23+$0x33A0]  }
0x4e3: {  	[tilespmem:s2+$0x33B0] =	vst v0;
	v57 =	vadd.f32 v57, v47;
	(xrf2) =	vadd.scan.msk.f32 $0xffff, v2;
	v2 =	vadd.f32 $0.0e+00, v60;
	v60 =	vld [tilespmem:$0x1FFC0]  }
0x4e4: {  	[tilespmem:s2+$0x33C0] =	vst v0;
	v53 =	vld [tilespmem:s23+$0x23E0];
	v59 =	vadd.f32 $0.0e+00, v59;
	v6 =	vmul.f32 v6, v9;
	v3 =	vmul.f32 v51, v3  }
0x4e5: {  	[tilespmem:s2+$0x33D0] =	vst v0;
	v63 =	vld [tilespmem:s23+$0x33D0];
	v61 =	vmul.f32 $2.000000030e-01, v57  }
0x4e6: {  	[tilespmem:s2+$0x33E0] =	vst v0;
	v4 =	vmul.f32 v4, v7;
	v6 =	vadd.f32 v6, v59;
	v59 =	vld [tilespmem:s23+$0x33F0];
	v3 =	vadd.f32 $0.0e+00, v3  }
0x4e7: {  	[tilespmem:s1+$0x2390] =	vst v54;
	v54 =	vmax.f32 v57, v61;
	v57 =	vld [tilespmem:s23+$0x33E0]  }
0x4e8: {  	[tilespmem:s2+$0x33F0] =	vst v0;
	v5 =	vadd.f32 v5, v48;
	v51 =	vld [tilespmem:s23+$0x23C0];
	v60 =	vmul.f32 v54, v60;
	v3 =	vadd.f32 v4, v3  }
0x4e9: {  	[tilespmem:s13+$0x3380] =	vst v0;
	(xrf2) =	vadd.scan.msk.f32 $0xffff, v1;
	v54 =	vld [tilespmem:s23+$0x23F0]  }
0x4ea: {  	v58 =	vadd.f32 v58, v49;
	v1 =	vadd.f32 v60, v2;
	v2 =	vmul.f32 $2.000000030e-01, v5;
	(xrf2) =	vadd.scan.msk.f32 $0xffff, v3;
	v3 =	vld [tilespmem:$0x1FFD0]  }
0x4eb: {  	[tilespmem:s13+$0x3390] =	vst v0  }
0x4ec: {  	[tilespmem:s13+$0x33A0] =	vst v0;
	v56 =	vpop (erf);
	v57 =	vadd.f32 v57, v53;
	v2 =	vmax.f32 v5, v2;
	v5 =	vmul.f32 $2.000000030e-01, v58  }
0x4ed: {  	[tilespmem:s13+$0x33B0] =	vst v0;
	v25 =	vmul.f32 v56, v25;
	v4 =	vmul.f32 v56, v24;
	v60 =	vadd.f32 v62, v51;
	v62 =	vld [tilespmem:$0x1FFF0]  }
0x4ee: {  	v59 =	vadd.f32 v59, v54;
	v5 =	vmax.f32 v58, v5;
	v58 =	vmul.f32 $2.000000030e-01, v57;
	(xrf2) =	vadd.scan.msk.f32 $0xffff, v6;
	v6 =	vld [tilespmem:$0x1FFE0]  }
0x4ef: {  	[tilespmem:s13+$0x33C0] =	vst v0;
	v61 =	vadd.f32 v63, v52;
	v24 =	vpop (erf);
	v2 =	vmul.f32 v2, v3;
	v3 =	vmul.f32 $2.000000030e-01, v60  }
0x4f0: {  	[tilespmem:s13+$0x33D0] =	vst v0;
	v27 =	vmul.f32 v24, v27;
	v63 =	vmul.f32 $2.000000030e-01, v59  }
0x4f1: {  	[tilespmem:s13+$0x33E0] =	vst v0;
	v57 =	vmax.f32 v57, v58;
	v3 =	vmax.f32 v60, v3;
	v60 =	vmul.f32 $2.000000030e-01, v61  }
0x4f2: {  	[tilespmem:s13+$0x33F0] =	vst v0;
	v57 =	vmul.f32 v57, v8;
	v3 =	vmul.f32 v3, v62  }
0x4f3: {  	[tilespmem:s1+$0x23B0] =	vst v25;
	v5 =	vmul.f32 v5, v6;
	v2 =	vadd.f32 $0.0e+00, v2;
	v6 =	vmax.f32 v61, v60  }
0x4f4: {  	v22 =	vmul.f32 v24, v22;
	[tilespmem:s1+$0x23A0] =	vst v4;
	v3 =	vadd.f32 $0.0e+00, v3;
	v4 =	vmul.f32 v6, v7  }
0x4f5: {  	[tilespmem:s1+$0x23C0] =	vst v27;
	v58 =	vpop (erf);
	v2 =	vadd.f32 v5, v2;
	v5 =	vadd.f32 $0.0e+00, v57;
	v6 =	vmax.f32 v59, v63  }
0x4f6: {  	(xrf2) =	vadd.scan.msk.f32 $0xffff, v1;
	v27 =	vpop (erf);
	v6 =	vmul.f32 v6, v9;
	v1 =	vadd.f32 v4, v3;
	v3 =	vmul.f32 v58, v23  }
0x4f7: {  	v50 =	vmov s18;
	[tilespmem:s1+$0x23D0] =	vst v22;
	v62, _, _ =	vpop (xrf2);
	v4 =	vmul.f32 v58, v26  }
0x4f8: {  	(xrf2) =	vadd.scan.msk.f32 $0xffff, v2;
	v23 =	vpop (erf);
	v2 =	vadd.f32 v6, v5;
	v5 =	vmul.f32 v27, v28;
	[tilespmem:s1+$0x23E0] =	vst v3  }
0x4f9: {  	v22 =	vmul.f32 $1.442695020e+00, v62;
	v6 =	vmul.f32 v27, v29;
	v26 =	vpop (erf);
	(xrf2) =	vadd.scan.msk.f32 $0xffff, v1;
	[tilespmem:s1+$0x23F0] =	vst v4  }
0x4fa: {  	v1 =	vmul.f32 v23, v30;
	v3 =	vmul.f32 v23, v31;
	v63 =	vpop (erf);
	(xrf2) =	vadd.scan.msk.f32 $0xffff, v2;
	[tilespmem:s16+$0x2380] =	vst v5  }
0x4fb: {  	v4 =	vmul.f32 v26, v35;
	v2 =	vmul.f32 v26, v32;
	v32, _, _ =	vpop (xrf2);
	[tilespmem:s16+$0x2390] =	vst v6  }
0x4fc: {  	v5 =	vmul.f32 v63, v37;
	v25 =	vmul.f32 $1.442695020e+00, v32;
	[tilespmem:s16+$0x23A0] =	vst v1  }
0x4fd: {  	v62 =	vld [tilespmem:$0x1FFC0];
	v6 =	vmul.f32 v63, v40;
	v37, _, _ =	vpop (xrf2);
	v1 =	vbroadcast v22, $0xF;
	v22 =	vmov s8;
	[tilespmem:s16+$0x23B0] =	vst v3;
	s8 =	sor.u32 $0xE, s28  }
0x4fe: {  	v35 =	vshll.u32 v46, $0x4;
	v30 =	vmul.f32 $1.442695020e+00, v37;
	v40, _, _ =	vpop (xrf2);
	[tilespmem:s16+$0x23E0] =	vst v5;
	v5 =	vld.idx.msk [tilespmem:v50+s15+$0x0], $0xffff;
	s18 =	sshll.u32 s8, $0x7;
	v3 =	vbroadcast v25, $0xF  }
0x4ff: {  	[tilespmem:s16+$0x23C0] =	vst v2;
	v2 =	vnsel vm0, $0x0, v16;
	v46 =	vmul.f32 $1.442695020e+00, v40;
	(erf) = vpow2.f32 v1;
	v16 =	vld [tilespmem:s18+$0x2390]  }
0x500: {  	[tilespmem:s20+$0x3380] =	vst v0;
	v59 =	vshll.u32 v50, $0x7;
	v60 =	vld [tilespmem:s18+$0x33A0];
	v1 =	vbroadcast v30, $0xF  }
0x501: {  	[tilespmem:s16+$0x23D0] =	vst v4;
	v4, _, _ =	vpop (xrf2);
	v2 =	vsel vm1, v2, v17;
	v50 =	vld [tilespmem:s18+$0x33C0];
	(erf) = vpow2.f32 v3;
	v3 =	vbroadcast v46, $0xF  }
0x502: {  	[tilespmem:s20+$0x3390] =	vst v0;
	v2 =	vsel vm2, v2, v18;
	v18 =	vld [tilespmem:s18+$0x23B0];
	(erf) = vpow2.f32 v1;
	v1 =	vmul.f32 $1.442695020e+00, v4;
	v4, _, _ =	vpop (xrf2)  }
0x503: {  	[tilespmem:s16+$0x23F0] =	vst v6;
	v17 =	vsel vm3, v2, v15;
	v15 =	vld [tilespmem:s18+$0x2380];
	(erf) = vpow2.f32 v3;
	v3 =	vmul.f32 $1.442695020e+00, v4;
	v4, _, _ =	vpop (xrf2)  }
0x504: {  	[tilespmem:s20+$0x33A0] =	vst v0;
	v19 =	vsel vm3, v55, v19;
	v40 =	vld.idx.msk [tilespmem:v22+s15+$0x0], $0xffff;
	v1 =	vbroadcast v1, $0xF;
	v4 =	vmul.f32 $1.442695020e+00, v4;
	v6, _, _ =	vpop (xrf2)  }
0x505: {  	[tilespmem:s20+$0x33B0] =	vst v0;
	v2 =	vbroadcast v3, $0xF;
	v3 =	vmul.f32 $1.442695020e+00, v6;
	v6 =	vshll.u32 v39, $0x4;
	v39 =	vld [tilespmem:s18+$0x33B0]  }
0x506: {  	[tilespmem:s20+$0x33C0] =	vst v0;
	v55 =	vnsel vm0, $0x0, v43;
	(erf) = vpow2.f32 v1;
	v1 =	vbroadcast v4, $0xF;
	v4 =	vld [tilespmem:s18+$0x3380]  }
0x507: {  	[tilespmem:s20+$0x33D0] =	vst v0;
	(erf) = vpow2.f32 v2;
	v2 =	vbroadcast v3, $0xF;
	v3 =	vshll.u32 v14, $0x7;
	v14 =	vld [tilespmem:s18+$0x23A0]  }
0x508: {  	[tilespmem:s20+$0x33E0] =	vst v0;
	v57 =	vsel vm1, v55, v56;
	v6 =	vand.u32 $0x70, v6;
	v61 =	vpop (erf);
	(erf) = vpow2.f32 v1;
	v1 =	vld [tilespmem:s18+$0x3390]  }
0x509: {  	[tilespmem:s20+$0x33F0] =	vst v0;
	v5 =	vshll.u32 v5, $0x4;
	v32 =	vor.u32 v3, v6;
	v6 =	vmul.f32 v61, v21;
	v21 =	vld [tilespmem:s18+$0x23C0]  }
0x50a: {  	v29 =	vand.u32 $0x70, v35;
	[tilespmem:s1+$0x3380] =	vst v0;
	v5 =	vand.u32 $0x70, v5;
	v3 =	vnsel vm0, $0x0, v27;
	v27 =	vld [tilespmem:s18+$0x23F0]  }
0x50b: {  	[tilespmem:s1+$0x3390] =	vst v0;
	v35 =	vor.u32 v59, v5;
	v5 =	vmul.f32 v61, v33;
	v3 =	vsel vm1, v3, v23;
	v23 =	vld [tilespmem:s18+$0x23D0]  }
0x50c: {  	[tilespmem:s1+$0x33A0] =	vst v0;
	(erf) = vpow2.f32 v2;
	v2 =	vsel vm2, v57, v24;
	v57 =	vld [tilespmem:s18+$0x33D0]  }
0x50d: {  	[tilespmem:s17+$0x2380] =	vst v5;
	v5 =	vld [tilespmem:$0x1FFB0]  }
0x50e: {  	[tilespmem:s1+$0x33B0] =	vst v0;
	v3 =	vsel vm2, v3, v26;
	v26 =	vld [tilespmem:s18+$0x23E0]  }
0x50f: {  	v20 =	vshll.u32 v20, $0x7;
	[tilespmem:s1+$0x33C0] =	vst v0;
	v24 =	vsel vm3, v2, v58;
	v58 =	vld [tilespmem:s18+$0x33E0]  }
0x510: {  	v20 =	vor.u32 v20, v29;
	[tilespmem:s17+$0x2390] =	vst v6;
	v6 =	vld [tilespmem:$0x1FFD0];
	v4 =	vadd.f32 v4, v15  }
0x511: {  	[tilespmem:s1+$0x33D0] =	vst v0;
	v25 =	vmov s24;
	v56 =	vnsel vm0, $0x0, v61;
	v28 =	vsel vm3, v3, v63;
	v63 =	vld [tilespmem:$0x1FFE0]  }
0x512: {  	s20 =	sor.u32 $0xF, s28;
	[tilespmem:s1+$0x33E0] =	vst v0;
	v39 =	vadd.f32 v39, v18;
	v2 =	vpop (erf);
	v37 =	vadd.f32 v60, v14;
	v60 =	vld [tilespmem:s18+$0x33F0];
	v30 =	vmul.f32 $2.000000030e-01, v4  }
0x513: {  	[tilespmem:s1+$0x33F0] =	vst v0;
	s24 =	sshll.u32 s20, $0x7;
	v46 =	vmul.f32 v2, v34;
	v38 =	vmul.f32 v2, v38;
	v2 =	vsel vm1, v56, v2;
	v56 =	vld [tilespmem:$0x1FFF0]  }
0x514: {  	[tilespmem:s16+$0x3380] =	vst v0;
	v43 =	vpop (erf);
	v1 =	vadd.f32 v1, v16;
	v59 =	vmul.f32 $2.000000030e-01, v37;
	v4 =	vmax.f32 v4, v30;
	v30 =	vld [tilespmem:s24+$0x2380]  }
0x515: {  	v50 =	vadd.f32 v50, v21;
	v41 =	vmul.f32 v43, v41;
	v42 =	vmul.f32 v43, v42;
	v29 =	vpop (erf);
	[tilespmem:s17+$0x23B0] =	vst v38;
	v38 =	vld [tilespmem:s24+$0x23A0]  }
0x516: {  	[tilespmem:s16+$0x3390] =	vst v0;
	v31 =	vpop (erf);
	v61 =	vmul.f32 $2.000000030e-01, v1;
	v4 =	vmul.f32 v4, v5;
	v5 =	vmax.f32 v37, v59;
	v59 =	vld [tilespmem:s24+$0x3380]  }
0x517: {  	v57 =	vadd.f32 v57, v23;
	v55 =	vmul.f32 v29, v36;
	[tilespmem:s17+$0x23A0] =	vst v46;
	v46 =	vmul.f32 $2.000000030e-01, v50;
	v33 =	vpop (erf);
	v37 =	vld [tilespmem:s24+$0x2390]  }
0x518: {  	[tilespmem:s16+$0x33A0] =	vst v0;
	v34 =	vpop (erf);
	v1 =	vmax.f32 v1, v61;
	v5 =	vmul.f32 v5, v6;
	v6 =	vmul.f32 $2.000000030e-01, v39;
	v61 =	vld [tilespmem:s24+$0x3390]  }
0x519: {  	[tilespmem:s16+$0x33B0] =	vst v0;
	v51 =	vmul.f32 v34, v51;
	v1 =	vmul.f32 v1, v62;
	v62 =	vmax.f32 v50, v46;
	v50 =	vld [tilespmem:s24+$0x33A0]  }
0x51a: {  	[tilespmem:s17+$0x23C0] =	vst v41;
	v52 =	vmul.f32 v34, v52;
	v4 =	vadd.f32 $0.0e+00, v4;
	v6 =	vmax.f32 v39, v6;
	v39 =	vld [tilespmem:s24+$0x23B0]  }
0x51b: {  	[tilespmem:s17+$0x23F0] =	vst v55;
	v36 =	vpop (erf);
	v41 =	vmul.f32 v62, v56;
	v56 =	vld [tilespmem:s24+$0x33C0];
	v6 =	vmul.f32 v6, v63;
	v63 =	vadd.f32 v58, v26  }
0x51c: {  	v3 =	vmul.f32 v29, v44;
	v53 =	vmul.f32 v36, v53;
	v5 =	vadd.f32 $0.0e+00, v5;
	[tilespmem:s23+$0x23D0] =	vst v52;
	v52 =	vld [tilespmem:$0x1FFC0]  }
0x51d: {  	v1 =	vadd.f32 v1, v4;
	[tilespmem:s23+$0x23C0] =	vst v51;
	v51 =	vld [tilespmem:$0x1FFE0];
	v55 =	vadd.f32 v59, v30;
	v4 =	vmul.f32 $2.000000030e-01, v63  }
0x51e: {  	v47 =	vmul.f32 v31, v47;
	v62 =	vadd.f32 v60, v27;
	v58 =	vmul.f32 $2.000000030e-01, v57;
	[tilespmem:s23+$0x23E0] =	vst v53;
	v53 =	vld [tilespmem:$0x1FFD0]  }
0x51f: {  	[tilespmem:s17+$0x23E0] =	vst v3;
	v3 =	vadd.f32 v6, v5;
	v5 =	vld [tilespmem:s24+$0x33B0];
	v4 =	vmax.f32 v63, v4;
	v63 =	vmul.f32 $2.000000030e-01, v55  }
0x520: {  	v45 =	vmul.f32 v31, v45;
	[tilespmem:s17+$0x23D0] =	vst v42;
	v48 =	vmul.f32 v33, v48;
	v6 =	vadd.f32 $0.0e+00, v41;
	v41 =	vld [tilespmem:s24+$0x23C0]  }
0x521: {  	[tilespmem:s23+$0x2390] =	vst v47;
	v60 =	vmul.f32 $2.000000030e-01, v62;
	v42 =	vmax.f32 v57, v58;
	v47 =	vmax.f32 v55, v63;
	v55 =	vld [tilespmem:$0x1FFB0]  }
0x522: {  	v49 =	vmul.f32 v33, v49;
	[tilespmem:s23+$0x2380] =	vst v45;
	v57 =	vadd.f32 v61, v37;
	v58 =	vld [tilespmem:s24+$0x33D0];
	v45 =	vmul.f32 v42, v7  }
0x523: {  	[tilespmem:s16+$0x33C0] =	vst v0;
	v54 =	vmul.f32 v36, v54;
	v42 =	vld [tilespmem:s24+$0x23D0];
	v50 =	vadd.f32 v50, v38;
	v46 =	vmax.f32 v62, v60  }
0x524: {  	(xrf2) =	vadd.scan.msk.f32 $0xffff, v1;
	v61 =	vmul.f32 $2.000000030e-01, v57;
	v1 =	vmul.f32 v46, v9;
	v6 =	vadd.f32 v45, v6;
	v45 =	vld [tilespmem:s24+$0x23E0]  }
0x525: {  	[tilespmem:s16+$0x33D0] =	vst v0;
	v4 =	vmul.f32 v4, v8;
	v62 =	vmul.f32 $2.000000030e-01, v50;
	v63 =	vld [tilespmem:s24+$0x33E0]  }
0x526: {  	[tilespmem:s23+$0x23B0] =	vst v49;
	v46 =	vld [tilespmem:s24+$0x23F0];
	v49 =	vmax.f32 v57, v61;
	v5 =	vadd.f32 v5, v39;
	v47 =	vmul.f32 v47, v55  }
0x527: {  	[tilespmem:s23+$0x23A0] =	vst v48;
	v57 =	vld [tilespmem:s24+$0x33F0];
	v4 =	vadd.f32 $0.0e+00, v4;
	v49 =	vmul.f32 v49, v52;
	v48 =	vmax.f32 v50, v62  }
0x528: {  	[tilespmem:s23+$0x23F0] =	vst v54;
	v60 =	vadd.f32 v56, v41;
	v59 =	vmul.f32 $2.000000030e-01, v5;
	v47 =	vadd.f32 $0.0e+00, v47  }
0x529: {  	v54 =	vld [tilespmem:$0x1FFF0];
	(xrf2) =	vadd.scan.msk.f32 $0xffff, v3;
	v62 =	vadd.f32 v58, v42;
	v1 =	vadd.f32 v1, v4;
	v4 =	vmul.f32 v48, v53  }
0x52a: {  	(xrf2) =	vadd.scan.msk.f32 $0xffff, v6;
	v5 =	vmax.f32 v5, v59;
	v6 =	vadd.f32 v63, v45;
	v3 =	vadd.f32 v49, v47  }
0x52b: {  	v4 =	vadd.f32 $0.0e+00, v4;
	(xrf2) =	vadd.scan.msk.f32 $0xffff, v1;
	v1 =	vmul.f32 v5, v51;
	v5 =	vmul.f32 $2.000000030e-01, v60  }
0x52c: {  	[tilespmem:s16+$0x33E0] =	vst v0;
	v50 =	vadd.f32 v57, v46;
	(xrf2) =	vadd.scan.msk.f32 $0xffff, v3;
	v3 =	vmul.f32 $2.000000030e-01, v6  }
0x52d: {  	[tilespmem:s16+$0x33F0] =	vst v0;
	v1 =	vadd.f32 v1, v4;
	v4 =	vmax.f32 v60, v5;
	v5 =	vmul.f32 $2.000000030e-01, v62  }
0x52e: {  	v61 =	vld.idx.msk [tilespmem:v25+s15+$0x0], $0xffff;
	[tilespmem:s17+$0x3380] =	vst v0;
	v4 =	vmul.f32 v4, v54;
	v3 =	vmax.f32 v6, v3;
	v6 =	vmul.f32 $2.000000030e-01, v50  }
0x52f: {  	v44 =	vmov s3;
	[tilespmem:s17+$0x3390] =	vst v0;
	v3 =	vmul.f32 v3, v8  }
0x530: {  	[tilespmem:s17+$0x33A0] =	vst v0;
	v5 =	vmax.f32 v62, v5;
	v4 =	vadd.f32 $0.0e+00, v4;
	v6 =	vmax.f32 v50, v6  }
0x531: {  	[tilespmem:s17+$0x33B0] =	vst v0;
	v5 =	vmul.f32 v5, v7;
	v3 =	vadd.f32 $0.0e+00, v3;
	v6 =	vmul.f32 v6, v9  }
0x532: {  	[tilespmem:s17+$0x33C0] =	vst v0  }
0x533: {  	(xrf2) =	vadd.scan.msk.f32 $0xffff, v1;
	v1 =	vadd.f32 v5, v4;
	v5 =	vshll.u32 v22, $0x7;
	v3 =	vadd.f32 v6, v3  }
0x534: {  	v40 =	vshll.u32 v40, $0x4;
	[tilespmem:s17+$0x33D0] =	vst v0;
	v63, _, _ =	vpop (xrf2)  }
0x535: {  	[tilespmem:s17+$0x33E0] =	vst v0;
	v47 =	vmul.f32 $1.442695020e+00, v63;
	v4 =	vand.u32 $0x70, v40;
	(xrf2) =	vadd.scan.msk.f32 $0xffff, v1  }
0x536: {  	v2 =	vsel vm2, v2, v43;
	[tilespmem:s17+$0x33F0] =	vst v0;
	v4 =	vor.u32 v5, v4;
	v5, _, _ =	vpop (xrf2);
	v6 =	vld.idx.msk [tilespmem:v44+s15+$0x0], $0xffff  }
0x537: {  	v40 =	vbroadcast v47, $0xF;
	v50 =	vlaneseq.u32;
	v5 =	vmul.f32 $1.442695020e+00, v5;
	(xrf2) =	vadd.scan.msk.f32 $0xffff, v3;
	v3, _, _ =	vpop (xrf2)  }
0x538: {  	v48 =	vshll.u32 v25, $0x7;
	v1 =	vor.u32 v50, v12;
	[tilespmem:s23+$0x3380] =	vst v0;
	v3 =	vmul.f32 $1.442695020e+00, v3  }
0x539: {  	v47 =	vshll.u32 v61, $0x4;
	(erf) = vpow2.f32 v40;
	[tilespmem:s23+$0x3390] =	vst v0;
	v5 =	vbroadcast v5, $0xF  }
0x53a: {  	v43 =	vor.u32 v50, v13;
	v13 =	vand.u32 $0x70, v47;
	[tilespmem:s23+$0x33A0] =	vst v0;
	v49, _, _ =	vpop (xrf2);
	v3 =	vbroadcast v3, $0xF  }
0x53b: {  	[tilespmem:s23+$0x33B0] =	vst v0;
	(erf) = vpow2.f32 v5;
	v6 =	vshll.u32 v6, $0x4;
	v5 =	vmul.f32 $1.442695020e+00, v49  }
0x53c: {  	v20 =	vor.u32 v50, v20;
	v56 =	vor.u32 v50, v32;
	[tilespmem:s23+$0x33C0] =	vst v0;
	v58, _, _ =	vpop (xrf2);
	v6 =	vand.u32 $0x70, v6  }
0x53d: {  	v4 =	vor.u32 v50, v4;
	[tilespmem:v1+s31+$0x0] =	vst.idx.msk $0xffff, v10;
	v10 =	vmul.f32 $1.442695020e+00, v58;
	v5 =	vbroadcast v5, $0xF  }
0x53e: {  	v13 =	vor.u32 v48, v13;
	[tilespmem:s23+$0x33D0] =	vst v0;
	v1 =	vshll.u32 v44, $0x7;
	(erf) = vpow2.f32 v3;
	v3, _, _ =	vpop (xrf2)  }
0x53f: {  	[tilespmem:s23+$0x33E0] =	vst v0;
	v1 =	vor.u32 v1, v6;
	(erf) = vpow2.f32 v5;
	v5 =	vbroadcast v10, $0xF;
	v6, _, _ =	vpop (xrf2)  }
0x540: {  	[tilespmem:v43+s31+$0x0] =	vst.idx.msk $0xffff, v11;
	v11 =	vor.u32 v50, v13;
	v3 =	vmul.f32 $1.442695020e+00, v3;
	v6 =	vmul.f32 $1.442695020e+00, v6  }
0x541: {  	[tilespmem:s23+$0x33F0] =	vst v0;
	v1 =	vor.u32 v50, v1  }
0x542: {  	v2 =	vsel vm3, v2, v29;
	[tilespmem:v20+s31+$0x0] =	vst.idx.msk $0xffff, v19;
	v10 =	vnsel vm0, $0x0, v31;
	v3 =	vbroadcast v3, $0xF  }
0x543: {  	v57 =	vor.u32 v50, v35;
	[tilespmem:v56+s31+$0x0] =	vst.idx.msk $0xffff, v17;
	v10 =	vsel vm1, v10, v33;
	(erf) = vpow2.f32 v5;
	v5 =	vpop (erf)  }
0x544: {  	[tilespmem:v4+s31+$0x0] =	vst.idx.msk $0xffff, v28;
	v4 =	vsel vm2, v10, v34;
	(erf) = vpow2.f32 v3;
	v3 =	vbroadcast v6, $0xF;
	v6, _, _ =	vpop (xrf2)  }
0x545: {  	[tilespmem:v11+s31+$0x0] =	vst.idx.msk $0xffff, v2;
	v2 =	vsel vm3, v4, v36;
	v4 =	vmul.f32 v5, v15;
	v6 =	vmul.f32 $1.442695020e+00, v6  }
0x546: {  	[tilespmem:v1+s31+$0x0] =	vst.idx.msk $0xffff, v2  }
0x547: {  	v1 =	vpop (erf);
	v2 =	vmul.f32 v5, v16;
	[tilespmem:s18+$0x2380] =	vst v4;
	v4 =	vbroadcast v6, $0xF  }
0x548: {  	[tilespmem:v57+s31+$0x0] =	vst.idx.msk $0xffff, v24;
	(erf) = vpow2.f32 v3;
	v3 =	vmul.f32 v1, v14  }
0x549: {  	[tilespmem:s18+$0x2390] =	vst v2;
	v2 =	vmul.f32 v1, v18;
	v6 =	vpop (erf)  }
0x54a: {  	[tilespmem:s18+$0x23A0] =	vst v3;
	v3 =	vmul.f32 v6, v21  }
0x54b: {  	v11 =	vmov s8;
	[tilespmem:s18+$0x23B0] =	vst v2;
	(erf) = vpow2.f32 v4;
	v2 =	vmul.f32 v6, v23;
	v4 =	vpop (erf)  }
0x54c: {  	[tilespmem:s18+$0x23C0] =	vst v3;
	v3 =	vmul.f32 v4, v26  }
0x54d: {  	[tilespmem:s18+$0x23D0] =	vst v2;
	v2 =	vmul.f32 v4, v27  }
0x54e: {  	[tilespmem:s18+$0x23E0] =	vst v3  }
0x54f: {  	v10 =	vpop (erf);
	[tilespmem:s18+$0x23F0] =	vst v2  }
0x550: {  	v3 =	vmul.f32 v10, v30;
	v61 =	vld.idx.msk [tilespmem:v11+s15+$0x0], $0xffff;
	[tilespmem:s18+$0x3380] =	vst v0  }
0x551: {  	v59 =	vpop (erf);
	v2 =	vmul.f32 v10, v37;
	[tilespmem:s18+$0x3390] =	vst v0  }
0x552: {  	[tilespmem:s24+$0x2380] =	vst v3;
	v3 =	vmul.f32 v59, v38  }
0x553: {  	v60 =	vpop (erf);
	[tilespmem:s24+$0x2390] =	vst v2;
	v2 =	vmul.f32 v59, v39  }
0x554: {  	[tilespmem:s24+$0x23A0] =	vst v3;
	v3 =	vmul.f32 v60, v41  }
0x555: {  	[tilespmem:s24+$0x23B0] =	vst v2;
	v2 =	vmul.f32 v60, v42  }
0x556: {  	v62 =	vpop (erf);
	[tilespmem:s24+$0x23C0] =	vst v3  }
0x557: {  	v3 =	vmul.f32 v62, v45;
	[tilespmem:s24+$0x23D0] =	vst v2;
	v2 =	vmov s20  }
0x558: {  	[tilespmem:s18+$0x33A0] =	vst v0  }
0x559: {  	v63 =	vmul.f32 v62, v46;
	[tilespmem:s24+$0x23E0] =	vst v3;
	v3 =	vshll.u32 v61, $0x4  }
0x55a: {  	v11 =	vshll.u32 v11, $0x7;
	[tilespmem:s18+$0x33B0] =	vst v0;
	v3 =	vand.u32 $0x70, v3  }
0x55b: {  	[tilespmem:s24+$0x23F0] =	vst v63;
	v3 =	vor.u32 v11, v3  }
0x55c: {  	[tilespmem:s18+$0x33C0] =	vst v0;
	v3 =	vor.u32 v50, v3;
	v11 =	vld.idx.msk [tilespmem:v2+s15+$0x0], $0xffff  }
0x55d: {  	v5 =	vnsel vm0, $0x0, v5;
	[tilespmem:s18+$0x33D0] =	vst v0  }
0x55e: {  	v1 =	vsel vm1, v5, v1;
	[tilespmem:s18+$0x33E0] =	vst v0  }
0x55f: {  	v1 =	vsel vm2, v1, v6;
	[tilespmem:s18+$0x33F0] =	vst v0  }
0x560: {  	v1 =	vsel vm3, v1, v4;
	[tilespmem:s24+$0x3380] =	vst v0  }
0x561: {  	[tilespmem:v3+s31+$0x0] =	vst.idx.msk $0xffff, v1;
	v1 =	vshll.u32 v11, $0x4  }
0x562: {  	[tilespmem:s24+$0x3390] =	vst v0;
	v2 =	vshll.u32 v2, $0x7;
	v1 =	vand.u32 $0x70, v1  }
0x563: {  	[tilespmem:s24+$0x33A0] =	vst v0;
	v1 =	vor.u32 v2, v1  }
0x564: {  	p2 =	por p1, p1;
	[tilespmem:s24+$0x33B0] =	vst v0;
	v1 =	vor.u32 v50, v1  }
.Ltmp4:
0x565: {  	[tilespmem:s24+$0x33C0] =	vst v0;
	v2 =	vnsel vm0, $0x0, v10;
	(pc) =	sbr.rel @p2 .LBB2_7-.Ltmp4, $4  }
0x566: {  	[tilespmem:s24+$0x33D0] =	vst v0;
	v2 =	vsel vm1, v2, v59  }
0x567: {  	[tilespmem:s24+$0x33E0] =	vst v0;
	v2 =	vsel vm2, v2, v60  }
0x568: {  	[tilespmem:s24+$0x33F0] =	vst v0;
	v2 =	vsel vm3, v2, v62  }
0x569: {  	p1 =	por $0x0, $0x0;
	s28 =	simm.s32 $0x10;
	[tilespmem:v1+s31+$0x0] =	vst.idx.msk $0xffff, v2  }
0x56a: {  	s1 =	rddreg [dreg:$0x2];
	s13 =	simm.s32 $0x2380  }
0x56b: {  	[spmem:s1] =	stream.indirect.scatter.add.f32 [tilespmem:s13], [sflag:$0x3], $0x80, s15, s11, $0xb8;
	[tilespmem:$0x1AB80] =	vst v63  }
0x56c: {  	s28 =	rddreg [dreg:$0x3];
	s2 =	simm.s32 $0x300;
	s26 =	sadd.s32 $0x1, s26  }
0x56d: {  	[spmem:s28] =	stream.indirect.scatter.add.f32 [tilespmem:s31], [sflag:$0x3], $0x80, s2, s11, $0xb8;
	[tilespmem:$0x1AB80] =	vst v63  }
0x56e: {  	p1 =	sne.s32 s26, $0xA2;
	_ =	swait.ge [sflag:s21], $0x1000  }
.Ltmp5:
0x56f: {  	[sflag:s21] =	ssyncset.done $0x0;
	(pc) =	sbr.rel @p1 .LBB2_4-.Ltmp5, $4  }
0x570: {  	[sflag:s21] =	ssyncadd.s32 $0xFFFFF000  }
0x571: {  	_ =	swait.ge [sflag:s21], $0x1000  }
0x572: {  	[sflag:s21] =	ssyncset.done $0x0  }
0x573: {  	[sflag:s21] =	ssyncadd.s32 $0xFFFFF000  }
.Ltmp6:
0x574: {  	(pc) =	sbr.rel @!p0 .LBB2_10-.Ltmp6, $2  }
0x575: {  	_ =	sdelay $0x1  }
0x576: {  	[bflag:$0x0] =	sbarrier.arrive $0xFFFF;
	_ =	sdelay $0x1  }
0x577: {  	[tilespmem:s4], [sflag:$0x4] =	stream.linear.gather [spmem:s12], $0x1000, $0x38;
	[tilespmem:$0x1AB80] =	vst v63  }
0x578: {  	_ =	swait.ge [sflag:s0], $0x1000  }
0x579: {  	[sflag:s0] =	ssyncset.done $0x0  }
0x57a: {  	s1 =	sadd.s32 $0x0, s30;
	[sflag:s0] =	ssyncadd.s32 $0xFFFFF000  }
0x57b: {  	[hbm4b:s1+s5] =	stream.linear.scatter [tilespmem:s4], [sflag:$0x4], $0x1000, $0x38;
	[tilespmem:$0x1AB80] =	vst v63  }
0x57c: {  	s2 =	smov.u32 s12;
	_ =	swait.ge [sflag:s0], $0x1000  }
0x57d: {  	s1 =	simm.s32 $0x200;
	[sflag:s0] =	ssyncset.done $0x0;
	s8 =	rddreg [dreg:$0x9]  }
.LBB2_14:
0x57e: {  	p1 =	sne.s32 s1, $0x2600;
	[sflag:s0] =	ssyncadd.s32 $0xFFFFF000;
	s2 =	sadd.s32 $0x1000, s2  }
0x57f: {  	[tilespmem:s4], [sflag:$0x4] =	stream.linear.gather [spmem:s2], $0x1000, $0x38;
	[tilespmem:$0x1AB80] =	vst v63  }
0x580: {  	s3 =	smov.u32 s1;
	s1 =	sadd.s32 $0x200, s1;
	_ =	swait.ge [sflag:s0], $0x1000  }
.Ltmp7:
0x581: {  	[sflag:s0] =	ssyncset.done $0x0;
	(pc) =	sbr.rel @p1 .LBB2_14-.Ltmp7, $4  }
0x582: {  	s3 =	sadd.s32 s3, s30;
	[sflag:s0] =	ssyncadd.s32 $0xFFFFF000  }
0x583: {  	[hbm4b:s3+s5] =	stream.linear.scatter [tilespmem:s4], [sflag:$0x4], $0x1000, $0x38;
	[tilespmem:$0x1AB80] =	vst v63  }
0x584: {  	_ =	swait.ge [sflag:s0], $0x1000  }
0x585: {  	[sflag:s0] =	ssyncset.done $0x0  }
.Ltmp8:
0x586: {  	_ = 	snop;
	(pc) =	sbr.rel .LBB2_15-.Ltmp8, $1  }
0x587: {  	_ =	sdelay $0x3  }
.LBB2_10:
0x588: {  	[tilespmem:s4], [sflag:$0x4] =	stream.linear.gather [spmem:s12], $0x1000, $0x38;
	[tilespmem:$0x1AB80] =	vst v63  }
0x589: {  	_ =	swait.ge [sflag:s0], $0x1000  }
0x58a: {  	[sflag:s0] =	ssyncset.done $0x0  }
0x58b: {  	s1 =	sadd.s32 $0x0, s29;
	[sflag:s0] =	ssyncadd.s32 $0xFFFFF000  }
0x58c: {  	[hbm4b:s1+s5] =	stream.linear.scatter [tilespmem:s4], [sflag:$0x4], $0x1000, $0x38;
	[tilespmem:$0x1AB80] =	vst v63  }
0x58d: {  	s2 =	smov.u32 s12;
	_ =	swait.ge [sflag:s0], $0x1000  }
0x58e: {  	s1 =	simm.s32 $0x200;
	[sflag:s0] =	ssyncset.done $0x0;
	s8 =	rddreg [dreg:$0x9]  }
.LBB2_11:
0x58f: {  	p1 =	seq.s32 s1, $0x2600;
	[sflag:s0] =	ssyncadd.s32 $0xFFFFF000;
	s2 =	sadd.s32 $0x1000, s2  }
0x590: {  	[tilespmem:s4], [sflag:$0x4] =	stream.linear.gather [spmem:s2], $0x1000, $0x38;
	[tilespmem:$0x1AB80] =	vst v63  }
0x591: {  	s3 =	smov.u32 s1;
	s1 =	sadd.s32 $0x200, s1;
	_ =	swait.ge [sflag:s0], $0x1000  }
.Ltmp9:
0x592: {  	[sflag:s0] =	ssyncset.done $0x0;
	(pc) =	sbr.rel @!p1 .LBB2_11-.Ltmp9, $4  }
0x593: {  	s3 =	sadd.s32 s3, s29;
	[sflag:s0] =	ssyncadd.s32 $0xFFFFF000  }
0x594: {  	[hbm4b:s3+s5] =	stream.linear.scatter [tilespmem:s4], [sflag:$0x4], $0x1000, $0x38;
	[tilespmem:$0x1AB80] =	vst v63  }
0x595: {  	_ =	swait.ge [sflag:s0], $0x1000  }
0x596: {  	[sflag:s0] =	ssyncset.done $0x0  }
.Ltmp10:
0x597: {  	(pc) =	sbr.rel .LBB2_16-.Ltmp10, $3  }
0x598: {  	_ =	sdelay $0x1  }
0x599: {  	s1 =	rddreg [dreg:$0x7]  }
0x59a: {  	[sflag:s0] =	ssyncadd.s32 $0xFFFFF000;
	s14 =	sld [smem:$0x7F2]  }
.LBB2_17:
0x59b: {  	_ =	sfence.sel $0x180000  }
0x59c: {  	[bflag:$0x0] =	sbarrier.arrive $0xFFFF  }
0x59d: {  	_ =	strace $0x90000047  }
0x59e: {  	s0 =	stileid.u32;
	[bflag:$0x2] =	sbarrier.arrive $0xFFFF  }
0x59f: {  	p0 =	sne.s32 s0, $0x0;
	s0 =	rddreg [dreg:$0x4]  }
0x5a0: {  	s0 =	sadd.s32 @!p0 $0x100000, s0  }
0x5a1: {  	[sflag:s0] =	ssyncadd.tile.s32 @!p0 $0x1;
	_ =	shalt  }
.Lfunc_end2:
_tile_overlayer_lowered:
.L_overlay_start_2:
0x5a2: {  	(tag) =	ssettag $0x2  }
0x5a3: {  	s0 =	rddreg [dreg:$0x0];
	s2 =	stileid.u32  }
0x5a4: {  	s1 =	rddreg [dreg:$0x1];
	p0 =	sne.s32 s2, $0x0  }
0x5a5: {  	s3 =	rddreg [dreg:$0x2];
	[bflag:$0x3] =	sbarrier.arrive $0xFFFF;
	s2 =	simm.s32 @!p0 $0x1C04  }
0x5a6: {  	[timem:s3], [sflag:s2] =	dma.local @!p0 [hbm:s0], s1  }
0x5a7: {  	s0 =	simm.s32 @!p0 $0x4  }
0x5a8: {  	_ =	swait.ge @!p0 [sflag:s0], s1  }
0x5a9: {  	s1 =	ssub.s32 @!p0 $0x0, s1;
	[sflag:s0] =	ssyncset.done @!p0 $0x0  }
0x5aa: {  	[sflag:s0] =	ssyncadd.s32 @!p0 s1  }
0x5ab: {  	[bflag:$0x3] =	sbarrier.arrive $0xFFFF  }
0x5ac: {  	_ =	shalt  }

</sc_bundles>
